<compile_context>
chip_gen: v7x
topology: tpu7x:2x2x1
jax: 0.10.2.dev20260603
libtpu: 0.0.44.dev20260713+nightly
codegen_flags: <defaults>
</compile_context>

<pallas_src>
import functools

import jax
import jax.numpy as jnp
from jax import lax
from jax.experimental import pallas as pl
from jax.experimental.pallas import tpu as pltpu
from jax.experimental.pallas import tpu_sc as plsc

N = 10000
D = 128
NT = 16
CH = 64
CPT = 320
NCHUNK = CPT * NT
E_PAD = NCHUNK * CH
NPAD = 10240
STRIPE = NPAD // NT
K = 4
GL = 3
GIDX = 40
NGRP = CPT // GIDX


def _sc_agg_body(with_counts, *refs):
    if with_counts:
        (x0, x1, src0, dst0, src1, dst1, z2, z1,
         agg0, agg1, cnt0, cnt1,
         agg_sh, cnt_sh, src_v, dst_v, rows_v, ones_v,
         sem_c, *slot_sems) = refs
    else:
        (x0, x1, src0, dst0, src1, dst1, z2,
         agg0, agg1,
         agg_sh, src_v, dst_v, rows_v, *slot_sems) = refs
    sem_g = slot_sems[:K]
    sem_s = slot_sems[K:2 * K]

    c = lax.axis_index("c")
    s = lax.axis_index("s")
    row0 = s * STRIPE

    pltpu.sync_copy(z2.at[pl.ds(row0, STRIPE)], agg_sh.at[pl.ds(row0, STRIPE)])
    if with_counts:
        pltpu.sync_copy(z1.at[pl.ds(row0, STRIPE)],
                        cnt_sh.at[pl.ds(row0, STRIPE)])
        for i in range(CH // 16):
            ones_v[pl.ds(i * 16, 16)] = jnp.full((16,), 1.0, jnp.float32)
    plsc.subcore_barrier()

    def run_relation(x_hbm, src_hbm, dst_hbm, agg_out, cnt_out):
        def gather(j, k):
            pltpu.async_copy(x_hbm.at[src_v.at[j]], rows_v.at[k], sem_g[k])

        def wait_gather(k):
            pltpu.make_async_copy(
                x_hbm.at[src_v.at[0]], rows_v.at[k], sem_g[k]).wait()

        def scatter(j, k):
            pltpu.async_copy(rows_v.at[k], agg_sh.at[dst_v.at[j]],
                             sem_s[k], add=True)
            if with_counts:
                pltpu.async_copy(ones_v, cnt_sh.at[dst_v.at[j]],
                                 sem_c, add=True)

        def wait_scatter(k):
            pltpu.make_async_copy(
                rows_v.at[k], agg_sh.at[dst_v.at[0]], sem_s[k]).wait()

        def wait_count():
            pltpu.make_async_copy(
                ones_v, cnt_sh.at[dst_v.at[0]], sem_c).wait()

        def group(g, carry):
            base = s * CPT + g * GIDX
            pltpu.sync_copy(src_hbm.at[pl.ds(base, GIDX)], src_v)
            pltpu.sync_copy(dst_hbm.at[pl.ds(base, GIDX)], dst_v)

            for k in range(GL):
                gather(k, k)

            def step(it, carry2):
                jb = it * K
                for k in range(K):
                    j = jb + k
                    jn = j + GL
                    kn = (k + GL) % K

                    @pl.when(jnp.logical_and(jn < GIDX, jn >= K))
                    def _():
                        wait_scatter(kn)

                    @pl.when(jn < GIDX)
                    def _():
                        gather(jn, kn)

                    wait_gather(k)
                    scatter(j, k)
                    if with_counts:
                        @pl.when(j >= K)
                        def _():
                            wait_count()
                return carry2

            lax.fori_loop(0, GIDX // K, step, 0)
            for k in range(K):
                wait_scatter((GIDX - K + k) % K)
                if with_counts:
                    wait_count()
            return carry

        lax.fori_loop(0, NGRP, group, 0)
        plsc.subcore_barrier()
        pltpu.sync_copy(agg_sh.at[pl.ds(row0, STRIPE)],
                        agg_out.at[pl.ds(row0, STRIPE)])
        if with_counts:
            pltpu.sync_copy(cnt_sh.at[pl.ds(row0, STRIPE)],
                            cnt_out.at[pl.ds(row0, STRIPE)])

    @pl.when(c == 0)
    def _():
        run_relation(x0, src0, dst0, agg0, cnt0 if with_counts else None)

    @pl.when(c == 1)
    def _():
        run_relation(x1, src1, dst1, agg1, cnt1 if with_counts else None)


@functools.lru_cache(maxsize=None)
def _make_sc_agg(with_counts):
    n_out = 4 if with_counts else 2
    out_type = tuple(
        [jax.ShapeDtypeStruct((NPAD, D), jnp.float32)] * 2
        + [jax.ShapeDtypeStruct((NPAD,), jnp.float32)] * (n_out - 2))
    scratch = [pltpu.VMEM_SHARED((NPAD, D), jnp.float32)]
    if with_counts:
        scratch.append(pltpu.VMEM_SHARED((NPAD,), jnp.float32))
    scratch += [
        pltpu.VMEM((GIDX, CH), jnp.int32),
        pltpu.VMEM((GIDX, CH), jnp.int32),
        pltpu.VMEM((K, CH, D), jnp.float32),
    ]
    if with_counts:
        scratch.append(pltpu.VMEM((CH,), jnp.float32))
        scratch.append(pltpu.SemaphoreType.DMA)
    scratch += [pltpu.SemaphoreType.DMA] * (2 * K)
    mesh = plsc.VectorSubcoreMesh(core_axis_name="c", subcore_axis_name="s",
                                  num_cores=2, num_subcores=NT)
    return pl.kernel(
        functools.partial(_sc_agg_body, with_counts),
        out_type=out_type, mesh=mesh, scratch_types=scratch,
        name="sc_segsum_counts" if with_counts else "sc_segsum")



_BLK = 1000


def _tc1_body(x_i, agg_i, cnt_i, x_u, agg_u, cnt_u,
              wir, win, bi, wur, wun, bu,
              h_i, h_u, inv_i, inv_u):
    dn = (((1,), (1,)), ((), ()))
    ii = 1.0 / jnp.maximum(cnt_i[...], 1.0)
    iu = 1.0 / jnp.maximum(cnt_u[...], 1.0)
    inv_i[...] = ii
    inv_u[...] = iu
    hi = (lax.dot_general(x_i[...], wir[...], dn,
                          preferred_element_type=jnp.float32)
          + lax.dot_general(agg_i[...].astype(jnp.float32) * ii, win[...], dn,
                            preferred_element_type=jnp.float32)
          + bi[...])
    hu = (lax.dot_general(x_u[...], wur[...], dn,
                          preferred_element_type=jnp.float32)
          + lax.dot_general(agg_u[...].astype(jnp.float32) * iu, wun[...], dn,
                            preferred_element_type=jnp.float32)
          + bu[...])
    h_i[...] = jnp.maximum(hi, 0.0)
    h_u[...] = jnp.maximum(hu, 0.0)


def _tc2_body(x_i, agg_i, inv_i, x_u, agg_u, inv_u,
              wir, win, bi, wur, wun, bu,
              o_i, o_u):
    dn = (((1,), (1,)), ((), ()))
    o_i[...] = (lax.dot_general(x_i[...], wir[...], dn,
                                preferred_element_type=jnp.float32)
                + lax.dot_general(agg_i[...].astype(jnp.float32) * inv_i[...],
                                  win[...], dn,
                                  preferred_element_type=jnp.float32)
                + bi[...])
    o_u[...] = (lax.dot_general(x_u[...], wur[...], dn,
                                preferred_element_type=jnp.float32)
                + lax.dot_general(agg_u[...].astype(jnp.float32) * inv_u[...],
                                  wun[...], dn,
                                  preferred_element_type=jnp.float32)
                + bu[...])


def _feat_spec():
    return pl.BlockSpec((_BLK, D), lambda i: (i, 0))


def _col_spec():
    return pl.BlockSpec((_BLK, 1), lambda i: (i, 0))


def _w_spec():
    return pl.BlockSpec((D, D), lambda i: (0, 0))


def _b_spec():
    return pl.BlockSpec((1, D), lambda i: (0, 0))


_tc1 = pl.pallas_call(
    _tc1_body,
    grid=(N // _BLK,),
    in_specs=[_feat_spec(), _feat_spec(), _col_spec(),
              _feat_spec(), _feat_spec(), _col_spec(),
              _w_spec(), _w_spec(), _b_spec(),
              _w_spec(), _w_spec(), _b_spec()],
    out_specs=[_feat_spec(), _feat_spec(), _col_spec(), _col_spec()],
    out_shape=[jax.ShapeDtypeStruct((N, D), jnp.float32),
               jax.ShapeDtypeStruct((N, D), jnp.float32),
               jax.ShapeDtypeStruct((N, 1), jnp.float32),
               jax.ShapeDtypeStruct((N, 1), jnp.float32)],
)

_tc2 = pl.pallas_call(
    _tc2_body,
    grid=(N // _BLK,),
    in_specs=[_feat_spec(), _feat_spec(), _col_spec(),
              _feat_spec(), _feat_spec(), _col_spec(),
              _w_spec(), _w_spec(), _b_spec(),
              _w_spec(), _w_spec(), _b_spec()],
    out_specs=[_feat_spec(), _feat_spec()],
    out_shape=[jax.ShapeDtypeStruct((N, D), jnp.float32),
               jax.ShapeDtypeStruct((N, D), jnp.float32)],
)


def _prep_edges(ei):
    e = ei.shape[1]
    pad = E_PAD - e
    src = jnp.concatenate([ei[0], jnp.zeros((pad,), jnp.int32)])
    dst = jnp.concatenate([ei[1], jnp.full((pad,), N, jnp.int32)])
    return src.reshape(NCHUNK, CH), dst.reshape(NCHUNK, CH)


def kernel(x_user, x_item, ei_user_item, ei_item_user,
           W1_ui_root, W1_ui_nbr, b1_ui, W1_iu_root, W1_iu_nbr, b1_iu,
           W2_ui_root, W2_ui_nbr, b2_ui, W2_iu_root, W2_iu_nbr, b2_iu):
    src_ui, dst_ui = _prep_edges(ei_user_item)
    src_iu, dst_iu = _prep_edges(ei_item_user)
    z2 = jnp.zeros((NPAD, D), jnp.float32)
    z1 = jnp.zeros((NPAD,), jnp.float32)

    agg1_i, agg1_u, cnt_i, cnt_u = _make_sc_agg(True)(
        x_user, x_item, src_ui, dst_ui, src_iu, dst_iu, z2, z1)

    h_i, h_u, inv_i, inv_u = _tc1(
        x_item, agg1_i[:N], cnt_i[:N].reshape(N, 1),
        x_user, agg1_u[:N], cnt_u[:N].reshape(N, 1),
        W1_ui_root, W1_ui_nbr, b1_ui.reshape(1, D),
        W1_iu_root, W1_iu_nbr, b1_iu.reshape(1, D))

    agg2_i, agg2_u = _make_sc_agg(False)(
        h_u, h_i, src_ui, dst_ui, src_iu, dst_iu, z2)

    out_i, out_u = _tc2(
        h_i, agg2_i[:N], inv_i, h_u, agg2_u[:N], inv_u,
        W2_ui_root, W2_ui_nbr, b2_ui.reshape(1, D),
        W2_iu_root, W2_iu_nbr, b2_iu.reshape(1, D))

    return (out_u, out_i)

# --- scband reference (transcript-rebuilt; emitter-appended) ---
"""Pipeline reference for scband-hetero-base-model-62680752717830 (READ-ONLY COPY).

The authoritative reference and input builder live on the scoring server;
editing this copy changes nothing except your own understanding.
"""

import jax, jax.numpy as jnp
import numpy as np

N = 10000
E = 320000
D = 128
H = 128
O = 128


def setup_inputs(seed: int = 0) -> dict:
    key = jax.random.key(seed)
    ks = jax.random.split(key, 20)
    s = 0.05
    inp = {
        "x_user": jax.random.normal(ks[0], (N, D), jnp.float32),
        "x_item": jax.random.normal(ks[1], (N, D), jnp.float32),
        "ei_user_item": jax.random.randint(ks[2], (2, E), 0, N, dtype=jnp.int32),
        "ei_item_user": jax.random.randint(ks[3], (2, E), 0, N, dtype=jnp.int32),
        # Layer 1 SAGEConv params, one conv per edge type (to_hetero duplication)
        "W1_ui_root": jax.random.normal(ks[4], (H, D), jnp.float32) * s,
        "W1_ui_nbr": jax.random.normal(ks[5], (H, D), jnp.float32) * s,
        "b1_ui": jnp.zeros((H,), jnp.float32),
        "W1_iu_root": jax.random.normal(ks[6], (H, D), jnp.float32) * s,
        "W1_iu_nbr": jax.random.normal(ks[7], (H, D), jnp.float32) * s,
        "b1_iu": jnp.zeros((H,), jnp.float32),
        # Layer 2 SAGEConv params
        "W2_ui_root": jax.random.normal(ks[8], (O, H), jnp.float32) * s,
        "W2_ui_nbr": jax.random.normal(ks[9], (O, H), jnp.float32) * s,
        "b2_ui": jnp.zeros((O,), jnp.float32),
        "W2_iu_root": jax.random.normal(ks[10], (O, H), jnp.float32) * s,
        "W2_iu_nbr": jax.random.normal(ks[11], (O, H), jnp.float32) * s,
        "b2_iu": jnp.zeros((O,), jnp.float32),
    }
    return inp


def _sage_conv(x_src, x_dst, edge_index, W_root, W_nbr, b):
    # SAGEConv with mean aggregation (PyG default): gather src feats, scatter-mean to dst
    src = edge_index[0]
    dst = edge_index[1]
    msgs = jnp.take(x_src, src, axis=0)                      # gather  [E, d]
    agg = jax.ops.segment_sum(msgs, dst, num_segments=x_dst.shape[0])
    cnt = jax.ops.segment_sum(jnp.ones((src.shape[0],), jnp.float32), dst,
                              num_segments=x_dst.shape[0])
    mean = agg / jnp.clip(cnt, 1.0, None)[:, None]
    return x_dst @ W_root.T + mean @ W_nbr.T + b


def reference(x_user, x_item, ei_user_item, ei_item_user,
              W1_ui_root, W1_ui_nbr, b1_ui, W1_iu_root, W1_iu_nbr, b1_iu,
              W2_ui_root, W2_ui_nbr, b2_ui, W2_iu_root, W2_iu_nbr, b2_iu):
    # Layer 1 (hetero: one conv per edge type; each node type receives from one relation)
    h_item = _sage_conv(x_user, x_item, ei_user_item, W1_ui_root, W1_ui_nbr, b1_ui)
    h_user = _sage_conv(x_item, x_user, ei_item_user, W1_iu_root, W1_iu_nbr, b1_iu)
    h_item = jax.nn.relu(h_item)
    h_user = jax.nn.relu(h_user)
    # Layer 2
    out_item = _sage_conv(h_user, h_item, ei_user_item, W2_ui_root, W2_ui_nbr, b2_ui)
    out_user = _sage_conv(h_item, h_user, ei_item_user, W2_iu_root, W2_iu_nbr, b2_iu)
    return (out_user, out_item)

if __name__ == "__main__":
    import jax
    _d = setup_inputs()
    print(jax.jit(kernel)(*tuple(_d.values())))

</pallas_src>

<mosaic_0001>
#map = affine_map<(d0, d1) -> (0, 0)>
module attributes {stable_mosaic.version = 14 : i64} {
  func.func @sc_segsum(%arg0: i32, %arg1: i32, %arg2: memref<10000x128xf32, #tpu.memory_space<hbm>>, %arg3: memref<10000x128xf32, #tpu.memory_space<hbm>>, %arg4: memref<5120x64xi32, #tpu.memory_space<hbm>>, %arg5: memref<5120x64xi32, #tpu.memory_space<hbm>>, %arg6: memref<5120x64xi32, #tpu.memory_space<hbm>>, %arg7: memref<5120x64xi32, #tpu.memory_space<hbm>>, %arg8: memref<10240x128xf32, #tpu.memory_space<hbm>>, %arg9: memref<10240x128xf32, #tpu.memory_space<hbm>>, %arg10: memref<10240x128xf32, #tpu.memory_space<hbm>>, %arg11: memref<10240x128xf32, #tpu.memory_space<vmem_shared>>, %arg12: memref<40x64xi32, #tpu.memory_space<vmem>>, %arg13: memref<40x64xi32, #tpu.memory_space<vmem>>, %arg14: memref<4x64x128xf32, #tpu.memory_space<vmem>>, %arg15: memref<!tpu.dma_semaphore, #tpu.memory_space<semaphore_mem>>, %arg16: memref<!tpu.dma_semaphore, #tpu.memory_space<semaphore_mem>>, %arg17: memref<!tpu.dma_semaphore, #tpu.memory_space<semaphore_mem>>, %arg18: memref<!tpu.dma_semaphore, #tpu.memory_space<semaphore_mem>>, %arg19: memref<!tpu.dma_semaphore, #tpu.memory_space<semaphore_mem>>, %arg20: memref<!tpu.dma_semaphore, #tpu.memory_space<semaphore_mem>>, %arg21: memref<!tpu.dma_semaphore, #tpu.memory_space<semaphore_mem>>, %arg22: memref<!tpu.dma_semaphore, #tpu.memory_space<semaphore_mem>>) attributes {dimension_semantics = [#tpu.dimension_semantics<core_parallel>, #tpu.dimension_semantics<subcore_parallel>], iteration_bounds = array<i64: 2, 16>, scalar_prefetch = 0 : i64, scratch_operands = 12 : i64, tpu.core_type = #tpu.core_type<sc_vector_subcore>, window_params = [{transform_indices = #map}, {transform_indices = #map}, {transform_indices = #map}, {transform_indices = #map}, {transform_indices = #map}, {transform_indices = #map}, {transform_indices = #map}, {transform_indices = #map}, {transform_indices = #map}]} {
    %mul3A = arith.constant 640 : i32
    %mul3A_0 = arith.muli %arg1, %mul3A : i32
    "tpu.region"() ({
      %run_scoped3A = tpu.sem_alloc : memref<!tpu.dma_semaphore, #tpu.memory_space<semaphore_mem>>
      %dma_start3A = arith.constant 0 : i32
      %dma_start3A_8 = tpu.memref_slice %arg11[%mul3A_0, %dma_start3A] : memref<10240x128xf32, #tpu.memory_space<vmem_shared>> -> memref<640x128xf32, #tpu.memory_space<vmem_shared>>
      %dma_start3A_9 = arith.constant 0 : i32
      %dma_start3A_10 = tpu.memref_slice %arg8[%mul3A_0, %dma_start3A_9] : memref<10240x128xf32, #tpu.memory_space<hbm>> -> memref<640x128xf32, #tpu.memory_space<hbm>>
      tpu.enqueue_dma source(%dma_start3A_10 : memref<640x128xf32, #tpu.memory_space<hbm>>) target(%dma_start3A_8 : memref<640x128xf32, #tpu.memory_space<vmem_shared>>) target_semaphore(%run_scoped3A : memref<!tpu.dma_semaphore, #tpu.memory_space<semaphore_mem>>)
      %dma_wait3A = arith.constant 0 : i32
      %dma_wait3A_11 = tpu.memref_slice %arg11[%mul3A_0, %dma_wait3A] : memref<10240x128xf32, #tpu.memory_space<vmem_shared>> -> memref<640x128xf32, #tpu.memory_space<vmem_shared>>
      %dma_wait3A_12 = arith.constant 0 : i32
      %dma_wait3A_13 = tpu.memref_slice %arg8[%mul3A_0, %dma_wait3A_12] : memref<10240x128xf32, #tpu.memory_space<hbm>> -> memref<640x128xf32, #tpu.memory_space<hbm>>
      tpu.wait_dma2 semaphore(%run_scoped3A : memref<!tpu.dma_semaphore, #tpu.memory_space<semaphore_mem>>) src(%dma_wait3A_13 : memref<640x128xf32, #tpu.memory_space<hbm>>) dst(%dma_wait3A_11 : memref<640x128xf32, #tpu.memory_space<vmem_shared>>)
      tpu.yield
    }) : () -> ()
    %barrier3A = arith.constant 0 : index
    tpu.barrier barrier_id(%barrier3A)
    %eq3A = arith.constant 0 : i32
    %eq3A_1 = arith.cmpi eq, %arg0, %eq3A : i32
    %convert_element_type3A = arith.extui %eq3A_1 : i1 to i32
    %cond3A = arith.constant 0 : i32
    %cond3A_2 = arith.cmpi ne, %convert_element_type3A, %cond3A : i32
    scf.if %cond3A_2 {
      %scan3A = arith.constant 0 : i32
      %scan3A_8 = arith.constant 0 : i32
      %scan3A_9 = arith.constant 8 : i32
      %scan3A_10 = arith.addi %scan3A_8, %scan3A_9 : i32
      %scan3A_11 = arith.constant 1 : i32
      scf.for %scan3A_14 = %scan3A_8 to %scan3A_10 step %scan3A_11  : i32 {
        %mul3A_15 = arith.constant 320 : i32
        %mul3A_16 = arith.muli %arg1, %mul3A_15 : i32
        %mul3A_17 = arith.constant 40 : i32
        %mul3A_18 = arith.muli %scan3A_14, %mul3A_17 : i32
        %add3A = arith.addi %mul3A_16, %mul3A_18 : i32
        "tpu.region"() ({
          %run_scoped3A = tpu.sem_alloc : memref<!tpu.dma_semaphore, #tpu.memory_space<semaphore_mem>>
          %dma_start3A_107 = arith.constant 0 : i32
          %dma_start3A_108 = tpu.memref_slice %arg4[%add3A, %dma_start3A_107] : memref<5120x64xi32, #tpu.memory_space<hbm>> -> memref<40x64xi32, #tpu.memory_space<hbm>>
          %dma_start3A_109 = arith.constant 0 : i32
          %dma_start3A_110 = tpu.memref_slice %arg4[%add3A, %dma_start3A_109] : memref<5120x64xi32, #tpu.memory_space<hbm>> -> memref<40x64xi32, #tpu.memory_space<hbm>>
          tpu.enqueue_dma source(%dma_start3A_110 : memref<40x64xi32, #tpu.memory_space<hbm>>) target(%arg12 : memref<40x64xi32, #tpu.memory_space<vmem>>) target_semaphore(%run_scoped3A : memref<!tpu.dma_semaphore, #tpu.memory_space<semaphore_mem>>)
          %dma_wait3A_111 = arith.constant 0 : i32
          %dma_wait3A_112 = tpu.memref_slice %arg4[%add3A, %dma_wait3A_111] : memref<5120x64xi32, #tpu.memory_space<hbm>> -> memref<40x64xi32, #tpu.memory_space<hbm>>
          %dma_wait3A_113 = arith.constant 0 : i32
          %dma_wait3A_114 = tpu.memref_slice %arg4[%add3A, %dma_wait3A_113] : memref<5120x64xi32, #tpu.memory_space<hbm>> -> memref<40x64xi32, #tpu.memory_space<hbm>>
          tpu.wait_dma2 semaphore(%run_scoped3A : memref<!tpu.dma_semaphore, #tpu.memory_space<semaphore_mem>>) src(%dma_wait3A_114 : memref<40x64xi32, #tpu.memory_space<hbm>>) dst(%arg12 : memref<40x64xi32, #tpu.memory_space<vmem>>)
          tpu.yield
        }) : () -> ()
        "tpu.region"() ({
          %run_scoped3A = tpu.sem_alloc : memref<!tpu.dma_semaphore, #tpu.memory_space<semaphore_mem>>
          %dma_start3A_107 = arith.constant 0 : i32
          %dma_start3A_108 = tpu.memref_slice %arg5[%add3A, %dma_start3A_107] : memref<5120x64xi32, #tpu.memory_space<hbm>> -> memref<40x64xi32, #tpu.memory_space<hbm>>
          %dma_start3A_109 = arith.constant 0 : i32
          %dma_start3A_110 = tpu.memref_slice %arg5[%add3A, %dma_start3A_109] : memref<5120x64xi32, #tpu.memory_space<hbm>> -> memref<40x64xi32, #tpu.memory_space<hbm>>
          tpu.enqueue_dma source(%dma_start3A_110 : memref<40x64xi32, #tpu.memory_space<hbm>>) target(%arg13 : memref<40x64xi32, #tpu.memory_space<vmem>>) target_semaphore(%run_scoped3A : memref<!tpu.dma_semaphore, #tpu.memory_space<semaphore_mem>>)
          %dma_wait3A_111 = arith.constant 0 : i32
          %dma_wait3A_112 = tpu.memref_slice %arg5[%add3A, %dma_wait3A_111] : memref<5120x64xi32, #tpu.memory_space<hbm>> -> memref<40x64xi32, #tpu.memory_space<hbm>>
          %dma_wait3A_113 = arith.constant 0 : i32
          %dma_wait3A_114 = tpu.memref_slice %arg5[%add3A, %dma_wait3A_113] : memref<5120x64xi32, #tpu.memory_space<hbm>> -> memref<40x64xi32, #tpu.memory_space<hbm>>
          tpu.wait_dma2 semaphore(%run_scoped3A : memref<!tpu.dma_semaphore, #tpu.memory_space<semaphore_mem>>) src(%dma_wait3A_114 : memref<40x64xi32, #tpu.memory_space<hbm>>) dst(%arg13 : memref<40x64xi32, #tpu.memory_space<vmem>>)
          tpu.yield
        }) : () -> ()
        %dma_start3A = arith.constant 0 : i32
        %dma_start3A_19 = arith.constant 0 : i32
        %dma_start3A_20 = arith.constant 0 : i32
        %dma_start3A_21 = arith.constant 0 : i32
        %dma_start3A_22 = tpu.memref_slice %arg14[%dma_start3A_19, %dma_start3A_20, %dma_start3A_21] : memref<4x64x128xf32, #tpu.memory_space<vmem>> -> memref<1x64x128xf32, #tpu.memory_space<vmem>>
        %dma_start3A_23 = tpu.memref_squeeze %dma_start3A_22 : memref<1x64x128xf32, #tpu.memory_space<vmem>> -> memref<64x128xf32, #tpu.memory_space<vmem>>
        %dma_start3A_24 = arith.constant 0 : i32
        %dma_start3A_25 = tpu.memref_slice %arg12[%dma_start3A, %dma_start3A_24] : memref<40x64xi32, #tpu.memory_space<vmem>> -> memref<1x64xi32, #tpu.memory_space<vmem>>
        %dma_start3A_26 = tpu.memref_squeeze %dma_start3A_25 : memref<1x64xi32, #tpu.memory_space<vmem>> -> memref<64xi32, #tpu.memory_space<vmem>>
        %dma_start3A_27 = arith.constant 0 : i32
        %dma_start3A_28 = arith.constant 0 : i32
        %dma_start3A_29 = tpu.memref_slice %arg2[%dma_start3A_27, %dma_start3A_28] : memref<10000x128xf32, #tpu.memory_space<hbm>> -> memref<10000x128xf32, #tpu.memory_space<hbm>>
        tpu.enqueue_indirect_dma source(%dma_start3A_29 : memref<10000x128xf32, #tpu.memory_space<hbm>>) target(%dma_start3A_23 : memref<64x128xf32, #tpu.memory_space<vmem>>) offsets(%dma_start3A_26 : memref<64xi32, #tpu.memory_space<vmem>>) semaphore(%arg15 : memref<!tpu.dma_semaphore, #tpu.memory_space<semaphore_mem>>)
        %dma_start3A_30 = arith.constant 1 : i32
        %dma_start3A_31 = arith.constant 1 : i32
        %dma_start3A_32 = arith.constant 0 : i32
        %dma_start3A_33 = arith.constant 0 : i32
        %dma_start3A_34 = tpu.memref_slice %arg14[%dma_start3A_31, %dma_start3A_32, %dma_start3A_33] : memref<4x64x128xf32, #tpu.memory_space<vmem>> -> memref<1x64x128xf32, #tpu.memory_space<vmem>>
        %dma_start3A_35 = tpu.memref_squeeze %dma_start3A_34 : memref<1x64x128xf32, #tpu.memory_space<vmem>> -> memref<64x128xf32, #tpu.memory_space<vmem>>
        %dma_start3A_36 = arith.constant 0 : i32
        %dma_start3A_37 = tpu.memref_slice %arg12[%dma_start3A_30, %dma_start3A_36] : memref<40x64xi32, #tpu.memory_space<vmem>> -> memref<1x64xi32, #tpu.memory_space<vmem>>
        %dma_start3A_38 = tpu.memref_squeeze %dma_start3A_37 : memref<1x64xi32, #tpu.memory_space<vmem>> -> memref<64xi32, #tpu.memory_space<vmem>>
        %dma_start3A_39 = arith.constant 0 : i32
        %dma_start3A_40 = arith.constant 0 : i32
        %dma_start3A_41 = tpu.memref_slice %arg2[%dma_start3A_39, %dma_start3A_40] : memref<10000x128xf32, #tpu.memory_space<hbm>> -> memref<10000x128xf32, #tpu.memory_space<hbm>>
        tpu.enqueue_indirect_dma source(%dma_start3A_41 : memref<10000x128xf32, #tpu.memory_space<hbm>>) target(%dma_start3A_35 : memref<64x128xf32, #tpu.memory_space<vmem>>) offsets(%dma_start3A_38 : memref<64xi32, #tpu.memory_space<vmem>>) semaphore(%arg16 : memref<!tpu.dma_semaphore, #tpu.memory_space<semaphore_mem>>)
        %dma_start3A_42 = arith.constant 2 : i32
        %dma_start3A_43 = arith.constant 2 : i32
        %dma_start3A_44 = arith.constant 0 : i32
        %dma_start3A_45 = arith.constant 0 : i32
        %dma_start3A_46 = tpu.memref_slice %arg14[%dma_start3A_43, %dma_start3A_44, %dma_start3A_45] : memref<4x64x128xf32, #tpu.memory_space<vmem>> -> memref<1x64x128xf32, #tpu.memory_space<vmem>>
        %dma_start3A_47 = tpu.memref_squeeze %dma_start3A_46 : memref<1x64x128xf32, #tpu.memory_space<vmem>> -> memref<64x128xf32, #tpu.memory_space<vmem>>
        %dma_start3A_48 = arith.constant 0 : i32
        %dma_start3A_49 = tpu.memref_slice %arg12[%dma_start3A_42, %dma_start3A_48] : memref<40x64xi32, #tpu.memory_space<vmem>> -> memref<1x64xi32, #tpu.memory_space<vmem>>
        %dma_start3A_50 = tpu.memref_squeeze %dma_start3A_49 : memref<1x64xi32, #tpu.memory_space<vmem>> -> memref<64xi32, #tpu.memory_space<vmem>>
        %dma_start3A_51 = arith.constant 0 : i32
        %dma_start3A_52 = arith.constant 0 : i32
        %dma_start3A_53 = tpu.memref_slice %arg2[%dma_start3A_51, %dma_start3A_52] : memref<10000x128xf32, #tpu.memory_space<hbm>> -> memref<10000x128xf32, #tpu.memory_space<hbm>>
        tpu.enqueue_indirect_dma source(%dma_start3A_53 : memref<10000x128xf32, #tpu.memory_space<hbm>>) target(%dma_start3A_47 : memref<64x128xf32, #tpu.memory_space<vmem>>) offsets(%dma_start3A_50 : memref<64xi32, #tpu.memory_space<vmem>>) semaphore(%arg17 : memref<!tpu.dma_semaphore, #tpu.memory_space<semaphore_mem>>)
        %scan3A_54 = arith.constant 0 : i32
        %scan3A_55 = arith.constant 0 : i32
        %scan3A_56 = arith.constant 10 : i32
        %scan3A_57 = arith.addi %scan3A_55, %scan3A_56 : i32
        %scan3A_58 = arith.constant 1 : i32
        scf.for %scan3A_107 = %scan3A_55 to %scan3A_57 step %scan3A_58  : i32 {
          %mul3A_108 = arith.constant 4 : i32
          %mul3A_109 = arith.muli %scan3A_107, %mul3A_108 : i32
          %add3A_110 = arith.constant 0 : i32
          %add3A_111 = arith.addi %mul3A_109, %add3A_110 : i32
          %add3A_112 = arith.constant 3 : i32
          %add3A_113 = arith.addi %add3A_111, %add3A_112 : i32
          %lt3A = arith.constant 40 : i32
          %lt3A_114 = arith.cmpi slt, %add3A_113, %lt3A : i32
          %ge3A = arith.constant 4 : i32
          %ge3A_115 = arith.cmpi sge, %add3A_113, %ge3A : i32
          %and3A = arith.andi %lt3A_114, %ge3A_115 : i1
          %convert_element_type3A_116 = arith.extui %and3A : i1 to i32
          %cond3A_117 = arith.constant 0 : i32
          %cond3A_118 = arith.cmpi ne, %convert_element_type3A_116, %cond3A_117 : i32
          scf.if %cond3A_118 {
            %dma_wait3A_267 = arith.constant 3 : i32
            %dma_wait3A_268 = arith.constant 0 : i32
            %dma_wait3A_269 = arith.constant 0 : i32
            %dma_wait3A_270 = arith.constant 0 : i32
            %dma_wait3A_271 = tpu.memref_slice %arg14[%dma_wait3A_267, %dma_wait3A_269, %dma_wait3A_270] : memref<4x64x128xf32, #tpu.memory_space<vmem>> -> memref<1x64x128xf32, #tpu.memory_space<vmem>>
            %dma_wait3A_272 = tpu.memref_squeeze %dma_wait3A_271 : memref<1x64x128xf32, #tpu.memory_space<vmem>> -> memref<64x128xf32, #tpu.memory_space<vmem>>
            %dma_wait3A_273 = arith.constant 0 : i32
            %dma_wait3A_274 = tpu.memref_slice %arg13[%dma_wait3A_268, %dma_wait3A_273] : memref<40x64xi32, #tpu.memory_space<vmem>> -> memref<1x64xi32, #tpu.memory_space<vmem>>
            %dma_wait3A_275 = tpu.memref_squeeze %dma_wait3A_274 : memref<1x64xi32, #tpu.memory_space<vmem>> -> memref<64xi32, #tpu.memory_space<vmem>>
            %dma_wait3A_276 = arith.constant 0 : i32
            %dma_wait3A_277 = arith.constant 0 : i32
            %dma_wait3A_278 = tpu.memref_slice %arg11[%dma_wait3A_276, %dma_wait3A_277] : memref<10240x128xf32, #tpu.memory_space<vmem_shared>> -> memref<10240x128xf32, #tpu.memory_space<vmem_shared>>
            tpu.wait_indirect_dma semaphore(%arg22 : memref<!tpu.dma_semaphore, #tpu.memory_space<semaphore_mem>>) src(%dma_wait3A_272 : memref<64x128xf32, #tpu.memory_space<vmem>>) dst(%dma_wait3A_278 : memref<10240x128xf32, #tpu.memory_space<vmem_shared>>)
          } else {
          }
          %lt3A_119 = arith.constant 40 : i32
          %lt3A_120 = arith.cmpi slt, %add3A_113, %lt3A_119 : i32
          %convert_element_type3A_121 = arith.extui %lt3A_120 : i1 to i32
          %cond3A_122 = arith.constant 0 : i32
          %cond3A_123 = arith.cmpi ne, %convert_element_type3A_121, %cond3A_122 : i32
          scf.if %cond3A_123 {
            %dma_start3A_267 = arith.constant 3 : i32
            %dma_start3A_268 = arith.constant 0 : i32
            %dma_start3A_269 = arith.constant 0 : i32
            %dma_start3A_270 = tpu.memref_slice %arg14[%dma_start3A_267, %dma_start3A_268, %dma_start3A_269] : memref<4x64x128xf32, #tpu.memory_space<vmem>> -> memref<1x64x128xf32, #tpu.memory_space<vmem>>
            %dma_start3A_271 = tpu.memref_squeeze %dma_start3A_270 : memref<1x64x128xf32, #tpu.memory_space<vmem>> -> memref<64x128xf32, #tpu.memory_space<vmem>>
            %dma_start3A_272 = arith.constant 0 : i32
            %dma_start3A_273 = tpu.memref_slice %arg12[%add3A_113, %dma_start3A_272] : memref<40x64xi32, #tpu.memory_space<vmem>> -> memref<1x64xi32, #tpu.memory_space<vmem>>
            %dma_start3A_274 = tpu.memref_squeeze %dma_start3A_273 : memref<1x64xi32, #tpu.memory_space<vmem>> -> memref<64xi32, #tpu.memory_space<vmem>>
            %dma_start3A_275 = arith.constant 0 : i32
            %dma_start3A_276 = arith.constant 0 : i32
            %dma_start3A_277 = tpu.memref_slice %arg2[%dma_start3A_275, %dma_start3A_276] : memref<10000x128xf32, #tpu.memory_space<hbm>> -> memref<10000x128xf32, #tpu.memory_space<hbm>>
            tpu.enqueue_indirect_dma source(%dma_start3A_277 : memref<10000x128xf32, #tpu.memory_space<hbm>>) target(%dma_start3A_271 : memref<64x128xf32, #tpu.memory_space<vmem>>) offsets(%dma_start3A_274 : memref<64xi32, #tpu.memory_space<vmem>>) semaphore(%arg18 : memref<!tpu.dma_semaphore, #tpu.memory_space<semaphore_mem>>)
          } else {
          }
          %dma_wait3A_124 = arith.constant 0 : i32
          %dma_wait3A_125 = arith.constant 0 : i32
          %dma_wait3A_126 = arith.constant 0 : i32
          %dma_wait3A_127 = arith.constant 0 : i32
          %dma_wait3A_128 = tpu.memref_slice %arg14[%dma_wait3A_125, %dma_wait3A_126, %dma_wait3A_127] : memref<4x64x128xf32, #tpu.memory_space<vmem>> -> memref<1x64x128xf32, #tpu.memory_space<vmem>>
          %dma_wait3A_129 = tpu.memref_squeeze %dma_wait3A_128 : memref<1x64x128xf32, #tpu.memory_space<vmem>> -> memref<64x128xf32, #tpu.memory_space<vmem>>
          %dma_wait3A_130 = arith.constant 0 : i32
          %dma_wait3A_131 = tpu.memref_slice %arg12[%dma_wait3A_124, %dma_wait3A_130] : memref<40x64xi32, #tpu.memory_space<vmem>> -> memref<1x64xi32, #tpu.memory_space<vmem>>
          %dma_wait3A_132 = tpu.memref_squeeze %dma_wait3A_131 : memref<1x64xi32, #tpu.memory_space<vmem>> -> memref<64xi32, #tpu.memory_space<vmem>>
          %dma_wait3A_133 = arith.constant 0 : i32
          %dma_wait3A_134 = arith.constant 0 : i32
          %dma_wait3A_135 = tpu.memref_slice %arg2[%dma_wait3A_133, %dma_wait3A_134] : memref<10000x128xf32, #tpu.memory_space<hbm>> -> memref<10000x128xf32, #tpu.memory_space<hbm>>
          tpu.wait_indirect_dma semaphore(%arg15 : memref<!tpu.dma_semaphore, #tpu.memory_space<semaphore_mem>>) src(%dma_wait3A_135 : memref<10000x128xf32, #tpu.memory_space<hbm>>) dst(%dma_wait3A_129 : memref<64x128xf32, #tpu.memory_space<vmem>>)
          %dma_start3A_136 = arith.constant 0 : i32
          %dma_start3A_137 = arith.constant 0 : i32
          %dma_start3A_138 = arith.constant 0 : i32
          %dma_start3A_139 = tpu.memref_slice %arg14[%dma_start3A_136, %dma_start3A_137, %dma_start3A_138] : memref<4x64x128xf32, #tpu.memory_space<vmem>> -> memref<1x64x128xf32, #tpu.memory_space<vmem>>
          %dma_start3A_140 = tpu.memref_squeeze %dma_start3A_139 : memref<1x64x128xf32, #tpu.memory_space<vmem>> -> memref<64x128xf32, #tpu.memory_space<vmem>>
          %dma_start3A_141 = arith.constant 0 : i32
          %dma_start3A_142 = tpu.memref_slice %arg13[%add3A_111, %dma_start3A_141] : memref<40x64xi32, #tpu.memory_space<vmem>> -> memref<1x64xi32, #tpu.memory_space<vmem>>
          %dma_start3A_143 = tpu.memref_squeeze %dma_start3A_142 : memref<1x64xi32, #tpu.memory_space<vmem>> -> memref<64xi32, #tpu.memory_space<vmem>>
          %dma_start3A_144 = arith.constant 0 : i32
          %dma_start3A_145 = arith.constant 0 : i32
          %dma_start3A_146 = tpu.memref_slice %arg11[%dma_start3A_144, %dma_start3A_145] : memref<10240x128xf32, #tpu.memory_space<vmem_shared>> -> memref<10240x128xf32, #tpu.memory_space<vmem_shared>>
          tpu.enqueue_indirect_dma source(%dma_start3A_140 : memref<64x128xf32, #tpu.memory_space<vmem>>) target(%dma_start3A_146 : memref<10240x128xf32, #tpu.memory_space<vmem_shared>>) offsets(%dma_start3A_143 : memref<64xi32, #tpu.memory_space<vmem>>) semaphore(%arg19 : memref<!tpu.dma_semaphore, #tpu.memory_space<semaphore_mem>>) {add = true}
          %add3A_147 = arith.constant 1 : i32
          %add3A_148 = arith.addi %mul3A_109, %add3A_147 : i32
          %add3A_149 = arith.constant 3 : i32
          %add3A_150 = arith.addi %add3A_148, %add3A_149 : i32
          %lt3A_151 = arith.constant 40 : i32
          %lt3A_152 = arith.cmpi slt, %add3A_150, %lt3A_151 : i32
          %ge3A_153 = arith.constant 4 : i32
          %ge3A_154 = arith.cmpi sge, %add3A_150, %ge3A_153 : i32
          %and3A_155 = arith.andi %lt3A_152, %ge3A_154 : i1
          %convert_element_type3A_156 = arith.extui %and3A_155 : i1 to i32
          %cond3A_157 = arith.constant 0 : i32
          %cond3A_158 = arith.cmpi ne, %convert_element_type3A_156, %cond3A_157 : i32
          scf.if %cond3A_158 {
            %dma_wait3A_267 = arith.constant 0 : i32
            %dma_wait3A_268 = arith.constant 0 : i32
            %dma_wait3A_269 = arith.constant 0 : i32
            %dma_wait3A_270 = arith.constant 0 : i32
            %dma_wait3A_271 = tpu.memref_slice %arg14[%dma_wait3A_267, %dma_wait3A_269, %dma_wait3A_270] : memref<4x64x128xf32, #tpu.memory_space<vmem>> -> memref<1x64x128xf32, #tpu.memory_space<vmem>>
            %dma_wait3A_272 = tpu.memref_squeeze %dma_wait3A_271 : memref<1x64x128xf32, #tpu.memory_space<vmem>> -> memref<64x128xf32, #tpu.memory_space<vmem>>
            %dma_wait3A_273 = arith.constant 0 : i32
            %dma_wait3A_274 = tpu.memref_slice %arg13[%dma_wait3A_268, %dma_wait3A_273] : memref<40x64xi32, #tpu.memory_space<vmem>> -> memref<1x64xi32, #tpu.memory_space<vmem>>
            %dma_wait3A_275 = tpu.memref_squeeze %dma_wait3A_274 : memref<1x64xi32, #tpu.memory_space<vmem>> -> memref<64xi32, #tpu.memory_space<vmem>>
            %dma_wait3A_276 = arith.constant 0 : i32
            %dma_wait3A_277 = arith.constant 0 : i32
            %dma_wait3A_278 = tpu.memref_slice %arg11[%dma_wait3A_276, %dma_wait3A_277] : memref<10240x128xf32, #tpu.memory_space<vmem_shared>> -> memref<10240x128xf32, #tpu.memory_space<vmem_shared>>
            tpu.wait_indirect_dma semaphore(%arg19 : memref<!tpu.dma_semaphore, #tpu.memory_space<semaphore_mem>>) src(%dma_wait3A_272 : memref<64x128xf32, #tpu.memory_space<vmem>>) dst(%dma_wait3A_278 : memref<10240x128xf32, #tpu.memory_space<vmem_shared>>)
          } else {
          }
          %lt3A_159 = arith.constant 40 : i32
          %lt3A_160 = arith.cmpi slt, %add3A_150, %lt3A_159 : i32
          %convert_element_type3A_161 = arith.extui %lt3A_160 : i1 to i32
          %cond3A_162 = arith.constant 0 : i32
          %cond3A_163 = arith.cmpi ne, %convert_element_type3A_161, %cond3A_162 : i32
          scf.if %cond3A_163 {
            %dma_start3A_267 = arith.constant 0 : i32
            %dma_start3A_268 = arith.constant 0 : i32
            %dma_start3A_269 = arith.constant 0 : i32
            %dma_start3A_270 = tpu.memref_slice %arg14[%dma_start3A_267, %dma_start3A_268, %dma_start3A_269] : memref<4x64x128xf32, #tpu.memory_space<vmem>> -> memref<1x64x128xf32, #tpu.memory_space<vmem>>
            %dma_start3A_271 = tpu.memref_squeeze %dma_start3A_270 : memref<1x64x128xf32, #tpu.memory_space<vmem>> -> memref<64x128xf32, #tpu.memory_space<vmem>>
            %dma_start3A_272 = arith.constant 0 : i32
            %dma_start3A_273 = tpu.memref_slice %arg12[%add3A_150, %dma_start3A_272] : memref<40x64xi32, #tpu.memory_space<vmem>> -> memref<1x64xi32, #tpu.memory_space<vmem>>
            %dma_start3A_274 = tpu.memref_squeeze %dma_start3A_273 : memref<1x64xi32, #tpu.memory_space<vmem>> -> memref<64xi32, #tpu.memory_space<vmem>>
            %dma_start3A_275 = arith.constant 0 : i32
            %dma_start3A_276 = arith.constant 0 : i32
            %dma_start3A_277 = tpu.memref_slice %arg2[%dma_start3A_275, %dma_start3A_276] : memref<10000x128xf32, #tpu.memory_space<hbm>> -> memref<10000x128xf32, #tpu.memory_space<hbm>>
            tpu.enqueue_indirect_dma source(%dma_start3A_277 : memref<10000x128xf32, #tpu.memory_space<hbm>>) target(%dma_start3A_271 : memref<64x128xf32, #tpu.memory_space<vmem>>) offsets(%dma_start3A_274 : memref<64xi32, #tpu.memory_space<vmem>>) semaphore(%arg15 : memref<!tpu.dma_semaphore, #tpu.memory_space<semaphore_mem>>)
          } else {
          }
          %dma_wait3A_164 = arith.constant 0 : i32
          %dma_wait3A_165 = arith.constant 1 : i32
          %dma_wait3A_166 = arith.constant 0 : i32
          %dma_wait3A_167 = arith.constant 0 : i32
          %dma_wait3A_168 = tpu.memref_slice %arg14[%dma_wait3A_165, %dma_wait3A_166, %dma_wait3A_167] : memref<4x64x128xf32, #tpu.memory_space<vmem>> -> memref<1x64x128xf32, #tpu.memory_space<vmem>>
          %dma_wait3A_169 = tpu.memref_squeeze %dma_wait3A_168 : memref<1x64x128xf32, #tpu.memory_space<vmem>> -> memref<64x128xf32, #tpu.memory_space<vmem>>
          %dma_wait3A_170 = arith.constant 0 : i32
          %dma_wait3A_171 = tpu.memref_slice %arg12[%dma_wait3A_164, %dma_wait3A_170] : memref<40x64xi32, #tpu.memory_space<vmem>> -> memref<1x64xi32, #tpu.memory_space<vmem>>
          %dma_wait3A_172 = tpu.memref_squeeze %dma_wait3A_171 : memref<1x64xi32, #tpu.memory_space<vmem>> -> memref<64xi32, #tpu.memory_space<vmem>>
          %dma_wait3A_173 = arith.constant 0 : i32
          %dma_wait3A_174 = arith.constant 0 : i32
          %dma_wait3A_175 = tpu.memref_slice %arg2[%dma_wait3A_173, %dma_wait3A_174] : memref<10000x128xf32, #tpu.memory_space<hbm>> -> memref<10000x128xf32, #tpu.memory_space<hbm>>
          tpu.wait_indirect_dma semaphore(%arg16 : memref<!tpu.dma_semaphore, #tpu.memory_space<semaphore_mem>>) src(%dma_wait3A_175 : memref<10000x128xf32, #tpu.memory_space<hbm>>) dst(%dma_wait3A_169 : memref<64x128xf32, #tpu.memory_space<vmem>>)
          %dma_start3A_176 = arith.constant 1 : i32
          %dma_start3A_177 = arith.constant 0 : i32
          %dma_start3A_178 = arith.constant 0 : i32
          %dma_start3A_179 = tpu.memref_slice %arg14[%dma_start3A_176, %dma_start3A_177, %dma_start3A_178] : memref<4x64x128xf32, #tpu.memory_space<vmem>> -> memref<1x64x128xf32, #tpu.memory_space<vmem>>
          %dma_start3A_180 = tpu.memref_squeeze %dma_start3A_179 : memref<1x64x128xf32, #tpu.memory_space<vmem>> -> memref<64x128xf32, #tpu.memory_space<vmem>>
          %dma_start3A_181 = arith.constant 0 : i32
          %dma_start3A_182 = tpu.memref_slice %arg13[%add3A_148, %dma_start3A_181] : memref<40x64xi32, #tpu.memory_space<vmem>> -> memref<1x64xi32, #tpu.memory_space<vmem>>
          %dma_start3A_183 = tpu.memref_squeeze %dma_start3A_182 : memref<1x64xi32, #tpu.memory_space<vmem>> -> memref<64xi32, #tpu.memory_space<vmem>>
          %dma_start3A_184 = arith.constant 0 : i32
          %dma_start3A_185 = arith.constant 0 : i32
          %dma_start3A_186 = tpu.memref_slice %arg11[%dma_start3A_184, %dma_start3A_185] : memref<10240x128xf32, #tpu.memory_space<vmem_shared>> -> memref<10240x128xf32, #tpu.memory_space<vmem_shared>>
          tpu.enqueue_indirect_dma source(%dma_start3A_180 : memref<64x128xf32, #tpu.memory_space<vmem>>) target(%dma_start3A_186 : memref<10240x128xf32, #tpu.memory_space<vmem_shared>>) offsets(%dma_start3A_183 : memref<64xi32, #tpu.memory_space<vmem>>) semaphore(%arg20 : memref<!tpu.dma_semaphore, #tpu.memory_space<semaphore_mem>>) {add = true}
          %add3A_187 = arith.constant 2 : i32
          %add3A_188 = arith.addi %mul3A_109, %add3A_187 : i32
          %add3A_189 = arith.constant 3 : i32
          %add3A_190 = arith.addi %add3A_188, %add3A_189 : i32
          %lt3A_191 = arith.constant 40 : i32
          %lt3A_192 = arith.cmpi slt, %add3A_190, %lt3A_191 : i32
          %ge3A_193 = arith.constant 4 : i32
          %ge3A_194 = arith.cmpi sge, %add3A_190, %ge3A_193 : i32
          %and3A_195 = arith.andi %lt3A_192, %ge3A_194 : i1
          %convert_element_type3A_196 = arith.extui %and3A_195 : i1 to i32
          %cond3A_197 = arith.constant 0 : i32
          %cond3A_198 = arith.cmpi ne, %convert_element_type3A_196, %cond3A_197 : i32
          scf.if %cond3A_198 {
            %dma_wait3A_267 = arith.constant 1 : i32
            %dma_wait3A_268 = arith.constant 0 : i32
            %dma_wait3A_269 = arith.constant 0 : i32
            %dma_wait3A_270 = arith.constant 0 : i32
            %dma_wait3A_271 = tpu.memref_slice %arg14[%dma_wait3A_267, %dma_wait3A_269, %dma_wait3A_270] : memref<4x64x128xf32, #tpu.memory_space<vmem>> -> memref<1x64x128xf32, #tpu.memory_space<vmem>>
            %dma_wait3A_272 = tpu.memref_squeeze %dma_wait3A_271 : memref<1x64x128xf32, #tpu.memory_space<vmem>> -> memref<64x128xf32, #tpu.memory_space<vmem>>
            %dma_wait3A_273 = arith.constant 0 : i32
            %dma_wait3A_274 = tpu.memref_slice %arg13[%dma_wait3A_268, %dma_wait3A_273] : memref<40x64xi32, #tpu.memory_space<vmem>> -> memref<1x64xi32, #tpu.memory_space<vmem>>
            %dma_wait3A_275 = tpu.memref_squeeze %dma_wait3A_274 : memref<1x64xi32, #tpu.memory_space<vmem>> -> memref<64xi32, #tpu.memory_space<vmem>>
            %dma_wait3A_276 = arith.constant 0 : i32
            %dma_wait3A_277 = arith.constant 0 : i32
            %dma_wait3A_278 = tpu.memref_slice %arg11[%dma_wait3A_276, %dma_wait3A_277] : memref<10240x128xf32, #tpu.memory_space<vmem_shared>> -> memref<10240x128xf32, #tpu.memory_space<vmem_shared>>
            tpu.wait_indirect_dma semaphore(%arg20 : memref<!tpu.dma_semaphore, #tpu.memory_space<semaphore_mem>>) src(%dma_wait3A_272 : memref<64x128xf32, #tpu.memory_space<vmem>>) dst(%dma_wait3A_278 : memref<10240x128xf32, #tpu.memory_space<vmem_shared>>)
          } else {
          }
          %lt3A_199 = arith.constant 40 : i32
          %lt3A_200 = arith.cmpi slt, %add3A_190, %lt3A_199 : i32
          %convert_element_type3A_201 = arith.extui %lt3A_200 : i1 to i32
          %cond3A_202 = arith.constant 0 : i32
          %cond3A_203 = arith.cmpi ne, %convert_element_type3A_201, %cond3A_202 : i32
          scf.if %cond3A_203 {
            %dma_start3A_267 = arith.constant 1 : i32
            %dma_start3A_268 = arith.constant 0 : i32
            %dma_start3A_269 = arith.constant 0 : i32
            %dma_start3A_270 = tpu.memref_slice %arg14[%dma_start3A_267, %dma_start3A_268, %dma_start3A_269] : memref<4x64x128xf32, #tpu.memory_space<vmem>> -> memref<1x64x128xf32, #tpu.memory_space<vmem>>
            %dma_start3A_271 = tpu.memref_squeeze %dma_start3A_270 : memref<1x64x128xf32, #tpu.memory_space<vmem>> -> memref<64x128xf32, #tpu.memory_space<vmem>>
            %dma_start3A_272 = arith.constant 0 : i32
            %dma_start3A_273 = tpu.memref_slice %arg12[%add3A_190, %dma_start3A_272] : memref<40x64xi32, #tpu.memory_space<vmem>> -> memref<1x64xi32, #tpu.memory_space<vmem>>
            %dma_start3A_274 = tpu.memref_squeeze %dma_start3A_273 : memref<1x64xi32, #tpu.memory_space<vmem>> -> memref<64xi32, #tpu.memory_space<vmem>>
            %dma_start3A_275 = arith.constant 0 : i32
            %dma_start3A_276 = arith.constant 0 : i32
            %dma_start3A_277 = tpu.memref_slice %arg2[%dma_start3A_275, %dma_start3A_276] : memref<10000x128xf32, #tpu.memory_space<hbm>> -> memref<10000x128xf32, #tpu.memory_space<hbm>>
            tpu.enqueue_indirect_dma source(%dma_start3A_277 : memref<10000x128xf32, #tpu.memory_space<hbm>>) target(%dma_start3A_271 : memref<64x128xf32, #tpu.memory_space<vmem>>) offsets(%dma_start3A_274 : memref<64xi32, #tpu.memory_space<vmem>>) semaphore(%arg16 : memref<!tpu.dma_semaphore, #tpu.memory_space<semaphore_mem>>)
          } else {
          }
          %dma_wait3A_204 = arith.constant 0 : i32
          %dma_wait3A_205 = arith.constant 2 : i32
          %dma_wait3A_206 = arith.constant 0 : i32
          %dma_wait3A_207 = arith.constant 0 : i32
          %dma_wait3A_208 = tpu.memref_slice %arg14[%dma_wait3A_205, %dma_wait3A_206, %dma_wait3A_207] : memref<4x64x128xf32, #tpu.memory_space<vmem>> -> memref<1x64x128xf32, #tpu.memory_space<vmem>>
          %dma_wait3A_209 = tpu.memref_squeeze %dma_wait3A_208 : memref<1x64x128xf32, #tpu.memory_space<vmem>> -> memref<64x128xf32, #tpu.memory_space<vmem>>
          %dma_wait3A_210 = arith.constant 0 : i32
          %dma_wait3A_211 = tpu.memref_slice %arg12[%dma_wait3A_204, %dma_wait3A_210] : memref<40x64xi32, #tpu.memory_space<vmem>> -> memref<1x64xi32, #tpu.memory_space<vmem>>
          %dma_wait3A_212 = tpu.memref_squeeze %dma_wait3A_211 : memref<1x64xi32, #tpu.memory_space<vmem>> -> memref<64xi32, #tpu.memory_space<vmem>>
          %dma_wait3A_213 = arith.constant 0 : i32
          %dma_wait3A_214 = arith.constant 0 : i32
          %dma_wait3A_215 = tpu.memref_slice %arg2[%dma_wait3A_213, %dma_wait3A_214] : memref<10000x128xf32, #tpu.memory_space<hbm>> -> memref<10000x128xf32, #tpu.memory_space<hbm>>
          tpu.wait_indirect_dma semaphore(%arg17 : memref<!tpu.dma_semaphore, #tpu.memory_space<semaphore_mem>>) src(%dma_wait3A_215 : memref<10000x128xf32, #tpu.memory_space<hbm>>) dst(%dma_wait3A_209 : memref<64x128xf32, #tpu.memory_space<vmem>>)
          %dma_start3A_216 = arith.constant 2 : i32
          %dma_start3A_217 = arith.constant 0 : i32
          %dma_start3A_218 = arith.constant 0 : i32
          %dma_start3A_219 = tpu.memref_slice %arg14[%dma_start3A_216, %dma_start3A_217, %dma_start3A_218] : memref<4x64x128xf32, #tpu.memory_space<vmem>> -> memref<1x64x128xf32, #tpu.memory_space<vmem>>
          %dma_start3A_220 = tpu.memref_squeeze %dma_start3A_219 : memref<1x64x128xf32, #tpu.memory_space<vmem>> -> memref<64x128xf32, #tpu.memory_space<vmem>>
          %dma_start3A_221 = arith.constant 0 : i32
          %dma_start3A_222 = tpu.memref_slice %arg13[%add3A_188, %dma_start3A_221] : memref<40x64xi32, #tpu.memory_space<vmem>> -> memref<1x64xi32, #tpu.memory_space<vmem>>
          %dma_start3A_223 = tpu.memref_squeeze %dma_start3A_222 : memref<1x64xi32, #tpu.memory_space<vmem>> -> memref<64xi32, #tpu.memory_space<vmem>>
          %dma_start3A_224 = arith.constant 0 : i32
          %dma_start3A_225 = arith.constant 0 : i32
          %dma_start3A_226 = tpu.memref_slice %arg11[%dma_start3A_224, %dma_start3A_225] : memref<10240x128xf32, #tpu.memory_space<vmem_shared>> -> memref<10240x128xf32, #tpu.memory_space<vmem_shared>>
          tpu.enqueue_indirect_dma source(%dma_start3A_220 : memref<64x128xf32, #tpu.memory_space<vmem>>) target(%dma_start3A_226 : memref<10240x128xf32, #tpu.memory_space<vmem_shared>>) offsets(%dma_start3A_223 : memref<64xi32, #tpu.memory_space<vmem>>) semaphore(%arg21 : memref<!tpu.dma_semaphore, #tpu.memory_space<semaphore_mem>>) {add = true}
          %add3A_227 = arith.constant 3 : i32
          %add3A_228 = arith.addi %mul3A_109, %add3A_227 : i32
          %add3A_229 = arith.constant 3 : i32
          %add3A_230 = arith.addi %add3A_228, %add3A_229 : i32
          %lt3A_231 = arith.constant 40 : i32
          %lt3A_232 = arith.cmpi slt, %add3A_230, %lt3A_231 : i32
          %ge3A_233 = arith.constant 4 : i32
          %ge3A_234 = arith.cmpi sge, %add3A_230, %ge3A_233 : i32
          %and3A_235 = arith.andi %lt3A_232, %ge3A_234 : i1
          %convert_element_type3A_236 = arith.extui %and3A_235 : i1 to i32
          %cond3A_237 = arith.constant 0 : i32
          %cond3A_238 = arith.cmpi ne, %convert_element_type3A_236, %cond3A_237 : i32
          scf.if %cond3A_238 {
            %dma_wait3A_267 = arith.constant 2 : i32
            %dma_wait3A_268 = arith.constant 0 : i32
            %dma_wait3A_269 = arith.constant 0 : i32
            %dma_wait3A_270 = arith.constant 0 : i32
            %dma_wait3A_271 = tpu.memref_slice %arg14[%dma_wait3A_267, %dma_wait3A_269, %dma_wait3A_270] : memref<4x64x128xf32, #tpu.memory_space<vmem>> -> memref<1x64x128xf32, #tpu.memory_space<vmem>>
            %dma_wait3A_272 = tpu.memref_squeeze %dma_wait3A_271 : memref<1x64x128xf32, #tpu.memory_space<vmem>> -> memref<64x128xf32, #tpu.memory_space<vmem>>
            %dma_wait3A_273 = arith.constant 0 : i32
            %dma_wait3A_274 = tpu.memref_slice %arg13[%dma_wait3A_268, %dma_wait3A_273] : memref<40x64xi32, #tpu.memory_space<vmem>> -> memref<1x64xi32, #tpu.memory_space<vmem>>
            %dma_wait3A_275 = tpu.memref_squeeze %dma_wait3A_274 : memref<1x64xi32, #tpu.memory_space<vmem>> -> memref<64xi32, #tpu.memory_space<vmem>>
            %dma_wait3A_276 = arith.constant 0 : i32
            %dma_wait3A_277 = arith.constant 0 : i32
            %dma_wait3A_278 = tpu.memref_slice %arg11[%dma_wait3A_276, %dma_wait3A_277] : memref<10240x128xf32, #tpu.memory_space<vmem_shared>> -> memref<10240x128xf32, #tpu.memory_space<vmem_shared>>
            tpu.wait_indirect_dma semaphore(%arg21 : memref<!tpu.dma_semaphore, #tpu.memory_space<semaphore_mem>>) src(%dma_wait3A_272 : memref<64x128xf32, #tpu.memory_space<vmem>>) dst(%dma_wait3A_278 : memref<10240x128xf32, #tpu.memory_space<vmem_shared>>)
          } else {
          }
          %lt3A_239 = arith.constant 40 : i32
          %lt3A_240 = arith.cmpi slt, %add3A_230, %lt3A_239 : i32
          %convert_element_type3A_241 = arith.extui %lt3A_240 : i1 to i32
          %cond3A_242 = arith.constant 0 : i32
          %cond3A_243 = arith.cmpi ne, %convert_element_type3A_241, %cond3A_242 : i32
          scf.if %cond3A_243 {
            %dma_start3A_267 = arith.constant 2 : i32
            %dma_start3A_268 = arith.constant 0 : i32
            %dma_start3A_269 = arith.constant 0 : i32
            %dma_start3A_270 = tpu.memref_slice %arg14[%dma_start3A_267, %dma_start3A_268, %dma_start3A_269] : memref<4x64x128xf32, #tpu.memory_space<vmem>> -> memref<1x64x128xf32, #tpu.memory_space<vmem>>
            %dma_start3A_271 = tpu.memref_squeeze %dma_start3A_270 : memref<1x64x128xf32, #tpu.memory_space<vmem>> -> memref<64x128xf32, #tpu.memory_space<vmem>>
            %dma_start3A_272 = arith.constant 0 : i32
            %dma_start3A_273 = tpu.memref_slice %arg12[%add3A_230, %dma_start3A_272] : memref<40x64xi32, #tpu.memory_space<vmem>> -> memref<1x64xi32, #tpu.memory_space<vmem>>
            %dma_start3A_274 = tpu.memref_squeeze %dma_start3A_273 : memref<1x64xi32, #tpu.memory_space<vmem>> -> memref<64xi32, #tpu.memory_space<vmem>>
            %dma_start3A_275 = arith.constant 0 : i32
            %dma_start3A_276 = arith.constant 0 : i32
            %dma_start3A_277 = tpu.memref_slice %arg2[%dma_start3A_275, %dma_start3A_276] : memref<10000x128xf32, #tpu.memory_space<hbm>> -> memref<10000x128xf32, #tpu.memory_space<hbm>>
            tpu.enqueue_indirect_dma source(%dma_start3A_277 : memref<10000x128xf32, #tpu.memory_space<hbm>>) target(%dma_start3A_271 : memref<64x128xf32, #tpu.memory_space<vmem>>) offsets(%dma_start3A_274 : memref<64xi32, #tpu.memory_space<vmem>>) semaphore(%arg17 : memref<!tpu.dma_semaphore, #tpu.memory_space<semaphore_mem>>)
          } else {
          }
          %dma_wait3A_244 = arith.constant 0 : i32
          %dma_wait3A_245 = arith.constant 3 : i32
          %dma_wait3A_246 = arith.constant 0 : i32
          %dma_wait3A_247 = arith.constant 0 : i32
          %dma_wait3A_248 = tpu.memref_slice %arg14[%dma_wait3A_245, %dma_wait3A_246, %dma_wait3A_247] : memref<4x64x128xf32, #tpu.memory_space<vmem>> -> memref<1x64x128xf32, #tpu.memory_space<vmem>>
          %dma_wait3A_249 = tpu.memref_squeeze %dma_wait3A_248 : memref<1x64x128xf32, #tpu.memory_space<vmem>> -> memref<64x128xf32, #tpu.memory_space<vmem>>
          %dma_wait3A_250 = arith.constant 0 : i32
          %dma_wait3A_251 = tpu.memref_slice %arg12[%dma_wait3A_244, %dma_wait3A_250] : memref<40x64xi32, #tpu.memory_space<vmem>> -> memref<1x64xi32, #tpu.memory_space<vmem>>
          %dma_wait3A_252 = tpu.memref_squeeze %dma_wait3A_251 : memref<1x64xi32, #tpu.memory_space<vmem>> -> memref<64xi32, #tpu.memory_space<vmem>>
          %dma_wait3A_253 = arith.constant 0 : i32
          %dma_wait3A_254 = arith.constant 0 : i32
          %dma_wait3A_255 = tpu.memref_slice %arg2[%dma_wait3A_253, %dma_wait3A_254] : memref<10000x128xf32, #tpu.memory_space<hbm>> -> memref<10000x128xf32, #tpu.memory_space<hbm>>
          tpu.wait_indirect_dma semaphore(%arg18 : memref<!tpu.dma_semaphore, #tpu.memory_space<semaphore_mem>>) src(%dma_wait3A_255 : memref<10000x128xf32, #tpu.memory_space<hbm>>) dst(%dma_wait3A_249 : memref<64x128xf32, #tpu.memory_space<vmem>>)
          %dma_start3A_256 = arith.constant 3 : i32
          %dma_start3A_257 = arith.constant 0 : i32
          %dma_start3A_258 = arith.constant 0 : i32
          %dma_start3A_259 = tpu.memref_slice %arg14[%dma_start3A_256, %dma_start3A_257, %dma_start3A_258] : memref<4x64x128xf32, #tpu.memory_space<vmem>> -> memref<1x64x128xf32, #tpu.memory_space<vmem>>
          %dma_start3A_260 = tpu.memref_squeeze %dma_start3A_259 : memref<1x64x128xf32, #tpu.memory_space<vmem>> -> memref<64x128xf32, #tpu.memory_space<vmem>>
          %dma_start3A_261 = arith.constant 0 : i32
          %dma_start3A_262 = tpu.memref_slice %arg13[%add3A_228, %dma_start3A_261] : memref<40x64xi32, #tpu.memory_space<vmem>> -> memref<1x64xi32, #tpu.memory_space<vmem>>
          %dma_start3A_263 = tpu.memref_squeeze %dma_start3A_262 : memref<1x64xi32, #tpu.memory_space<vmem>> -> memref<64xi32, #tpu.memory_space<vmem>>
          %dma_start3A_264 = arith.constant 0 : i32
          %dma_start3A_265 = arith.constant 0 : i32
          %dma_start3A_266 = tpu.memref_slice %arg11[%dma_start3A_264, %dma_start3A_265] : memref<10240x128xf32, #tpu.memory_space<vmem_shared>> -> memref<10240x128xf32, #tpu.memory_space<vmem_shared>>
          tpu.enqueue_indirect_dma source(%dma_start3A_260 : memref<64x128xf32, #tpu.memory_space<vmem>>) target(%dma_start3A_266 : memref<10240x128xf32, #tpu.memory_space<vmem_shared>>) offsets(%dma_start3A_263 : memref<64xi32, #tpu.memory_space<vmem>>) semaphore(%arg22 : memref<!tpu.dma_semaphore, #tpu.memory_space<semaphore_mem>>) {add = true}
        }
        %scan3A_59 = arith.constant 10 : i32
        %dma_wait3A = arith.constant 0 : i32
        %dma_wait3A_60 = arith.constant 0 : i32
        %dma_wait3A_61 = arith.constant 0 : i32
        %dma_wait3A_62 = arith.constant 0 : i32
        %dma_wait3A_63 = tpu.memref_slice %arg14[%dma_wait3A, %dma_wait3A_61, %dma_wait3A_62] : memref<4x64x128xf32, #tpu.memory_space<vmem>> -> memref<1x64x128xf32, #tpu.memory_space<vmem>>
        %dma_wait3A_64 = tpu.memref_squeeze %dma_wait3A_63 : memref<1x64x128xf32, #tpu.memory_space<vmem>> -> memref<64x128xf32, #tpu.memory_space<vmem>>
        %dma_wait3A_65 = arith.constant 0 : i32
        %dma_wait3A_66 = tpu.memref_slice %arg13[%dma_wait3A_60, %dma_wait3A_65] : memref<40x64xi32, #tpu.memory_space<vmem>> -> memref<1x64xi32, #tpu.memory_space<vmem>>
        %dma_wait3A_67 = tpu.memref_squeeze %dma_wait3A_66 : memref<1x64xi32, #tpu.memory_space<vmem>> -> memref<64xi32, #tpu.memory_space<vmem>>
        %dma_wait3A_68 = arith.constant 0 : i32
        %dma_wait3A_69 = arith.constant 0 : i32
        %dma_wait3A_70 = tpu.memref_slice %arg11[%dma_wait3A_68, %dma_wait3A_69] : memref<10240x128xf32, #tpu.memory_space<vmem_shared>> -> memref<10240x128xf32, #tpu.memory_space<vmem_shared>>
        tpu.wait_indirect_dma semaphore(%arg19 : memref<!tpu.dma_semaphore, #tpu.memory_space<semaphore_mem>>) src(%dma_wait3A_64 : memref<64x128xf32, #tpu.memory_space<vmem>>) dst(%dma_wait3A_70 : memref<10240x128xf32, #tpu.memory_space<vmem_shared>>)
        %dma_wait3A_71 = arith.constant 1 : i32
        %dma_wait3A_72 = arith.constant 0 : i32
        %dma_wait3A_73 = arith.constant 0 : i32
        %dma_wait3A_74 = arith.constant 0 : i32
        %dma_wait3A_75 = tpu.memref_slice %arg14[%dma_wait3A_71, %dma_wait3A_73, %dma_wait3A_74] : memref<4x64x128xf32, #tpu.memory_space<vmem>> -> memref<1x64x128xf32, #tpu.memory_space<vmem>>
        %dma_wait3A_76 = tpu.memref_squeeze %dma_wait3A_75 : memref<1x64x128xf32, #tpu.memory_space<vmem>> -> memref<64x128xf32, #tpu.memory_space<vmem>>
        %dma_wait3A_77 = arith.constant 0 : i32
        %dma_wait3A_78 = tpu.memref_slice %arg13[%dma_wait3A_72, %dma_wait3A_77] : memref<40x64xi32, #tpu.memory_space<vmem>> -> memref<1x64xi32, #tpu.memory_space<vmem>>
        %dma_wait3A_79 = tpu.memref_squeeze %dma_wait3A_78 : memref<1x64xi32, #tpu.memory_space<vmem>> -> memref<64xi32, #tpu.memory_space<vmem>>
        %dma_wait3A_80 = arith.constant 0 : i32
        %dma_wait3A_81 = arith.constant 0 : i32
        %dma_wait3A_82 = tpu.memref_slice %arg11[%dma_wait3A_80, %dma_wait3A_81] : memref<10240x128xf32, #tpu.memory_space<vmem_shared>> -> memref<10240x128xf32, #tpu.memory_space<vmem_shared>>
        tpu.wait_indirect_dma semaphore(%arg20 : memref<!tpu.dma_semaphore, #tpu.memory_space<semaphore_mem>>) src(%dma_wait3A_76 : memref<64x128xf32, #tpu.memory_space<vmem>>) dst(%dma_wait3A_82 : memref<10240x128xf32, #tpu.memory_space<vmem_shared>>)
        %dma_wait3A_83 = arith.constant 2 : i32
        %dma_wait3A_84 = arith.constant 0 : i32
        %dma_wait3A_85 = arith.constant 0 : i32
        %dma_wait3A_86 = arith.constant 0 : i32
        %dma_wait3A_87 = tpu.memref_slice %arg14[%dma_wait3A_83, %dma_wait3A_85, %dma_wait3A_86] : memref<4x64x128xf32, #tpu.memory_space<vmem>> -> memref<1x64x128xf32, #tpu.memory_space<vmem>>
        %dma_wait3A_88 = tpu.memref_squeeze %dma_wait3A_87 : memref<1x64x128xf32, #tpu.memory_space<vmem>> -> memref<64x128xf32, #tpu.memory_space<vmem>>
        %dma_wait3A_89 = arith.constant 0 : i32
        %dma_wait3A_90 = tpu.memref_slice %arg13[%dma_wait3A_84, %dma_wait3A_89] : memref<40x64xi32, #tpu.memory_space<vmem>> -> memref<1x64xi32, #tpu.memory_space<vmem>>
        %dma_wait3A_91 = tpu.memref_squeeze %dma_wait3A_90 : memref<1x64xi32, #tpu.memory_space<vmem>> -> memref<64xi32, #tpu.memory_space<vmem>>
        %dma_wait3A_92 = arith.constant 0 : i32
        %dma_wait3A_93 = arith.constant 0 : i32
        %dma_wait3A_94 = tpu.memref_slice %arg11[%dma_wait3A_92, %dma_wait3A_93] : memref<10240x128xf32, #tpu.memory_space<vmem_shared>> -> memref<10240x128xf32, #tpu.memory_space<vmem_shared>>
        tpu.wait_indirect_dma semaphore(%arg21 : memref<!tpu.dma_semaphore, #tpu.memory_space<semaphore_mem>>) src(%dma_wait3A_88 : memref<64x128xf32, #tpu.memory_space<vmem>>) dst(%dma_wait3A_94 : memref<10240x128xf32, #tpu.memory_space<vmem_shared>>)
        %dma_wait3A_95 = arith.constant 3 : i32
        %dma_wait3A_96 = arith.constant 0 : i32
        %dma_wait3A_97 = arith.constant 0 : i32
        %dma_wait3A_98 = arith.constant 0 : i32
        %dma_wait3A_99 = tpu.memref_slice %arg14[%dma_wait3A_95, %dma_wait3A_97, %dma_wait3A_98] : memref<4x64x128xf32, #tpu.memory_space<vmem>> -> memref<1x64x128xf32, #tpu.memory_space<vmem>>
        %dma_wait3A_100 = tpu.memref_squeeze %dma_wait3A_99 : memref<1x64x128xf32, #tpu.memory_space<vmem>> -> memref<64x128xf32, #tpu.memory_space<vmem>>
        %dma_wait3A_101 = arith.constant 0 : i32
        %dma_wait3A_102 = tpu.memref_slice %arg13[%dma_wait3A_96, %dma_wait3A_101] : memref<40x64xi32, #tpu.memory_space<vmem>> -> memref<1x64xi32, #tpu.memory_space<vmem>>
        %dma_wait3A_103 = tpu.memref_squeeze %dma_wait3A_102 : memref<1x64xi32, #tpu.memory_space<vmem>> -> memref<64xi32, #tpu.memory_space<vmem>>
        %dma_wait3A_104 = arith.constant 0 : i32
        %dma_wait3A_105 = arith.constant 0 : i32
        %dma_wait3A_106 = tpu.memref_slice %arg11[%dma_wait3A_104, %dma_wait3A_105] : memref<10240x128xf32, #tpu.memory_space<vmem_shared>> -> memref<10240x128xf32, #tpu.memory_space<vmem_shared>>
        tpu.wait_indirect_dma semaphore(%arg22 : memref<!tpu.dma_semaphore, #tpu.memory_space<semaphore_mem>>) src(%dma_wait3A_100 : memref<64x128xf32, #tpu.memory_space<vmem>>) dst(%dma_wait3A_106 : memref<10240x128xf32, #tpu.memory_space<vmem_shared>>)
      }
      %scan3A_12 = arith.constant 8 : i32
      %barrier3A_13 = arith.constant 0 : index
      tpu.barrier barrier_id(%barrier3A_13)
      "tpu.region"() ({
        %run_scoped3A = tpu.sem_alloc : memref<!tpu.dma_semaphore, #tpu.memory_space<semaphore_mem>>
        %dma_start3A = arith.constant 0 : i32
        %dma_start3A_14 = tpu.memref_slice %arg9[%mul3A_0, %dma_start3A] : memref<10240x128xf32, #tpu.memory_space<hbm>> -> memref<640x128xf32, #tpu.memory_space<hbm>>
        %dma_start3A_15 = arith.constant 0 : i32
        %dma_start3A_16 = tpu.memref_slice %arg11[%mul3A_0, %dma_start3A_15] : memref<10240x128xf32, #tpu.memory_space<vmem_shared>> -> memref<640x128xf32, #tpu.memory_space<vmem_shared>>
        tpu.enqueue_dma source(%dma_start3A_16 : memref<640x128xf32, #tpu.memory_space<vmem_shared>>) target(%dma_start3A_14 : memref<640x128xf32, #tpu.memory_space<hbm>>) target_semaphore(%run_scoped3A : memref<!tpu.dma_semaphore, #tpu.memory_space<semaphore_mem>>)
        %dma_wait3A = arith.constant 0 : i32
        %dma_wait3A_17 = tpu.memref_slice %arg9[%mul3A_0, %dma_wait3A] : memref<10240x128xf32, #tpu.memory_space<hbm>> -> memref<640x128xf32, #tpu.memory_space<hbm>>
        %dma_wait3A_18 = arith.constant 0 : i32
        %dma_wait3A_19 = tpu.memref_slice %arg11[%mul3A_0, %dma_wait3A_18] : memref<10240x128xf32, #tpu.memory_space<vmem_shared>> -> memref<640x128xf32, #tpu.memory_space<vmem_shared>>
        tpu.wait_dma2 semaphore(%run_scoped3A : memref<!tpu.dma_semaphore, #tpu.memory_space<semaphore_mem>>) src(%dma_wait3A_19 : memref<640x128xf32, #tpu.memory_space<vmem_shared>>) dst(%dma_wait3A_17 : memref<640x128xf32, #tpu.memory_space<hbm>>)
        tpu.yield
      }) : () -> ()
    } else {
    }
    %eq3A_3 = arith.constant 1 : i32
    %eq3A_4 = arith.cmpi eq, %arg0, %eq3A_3 : i32
    %convert_element_type3A_5 = arith.extui %eq3A_4 : i1 to i32
    %cond3A_6 = arith.constant 0 : i32
    %cond3A_7 = arith.cmpi ne, %convert_element_type3A_5, %cond3A_6 : i32
    scf.if %cond3A_7 {
      %scan3A = arith.constant 0 : i32
      %scan3A_8 = arith.constant 0 : i32
      %scan3A_9 = arith.constant 8 : i32
      %scan3A_10 = arith.addi %scan3A_8, %scan3A_9 : i32
      %scan3A_11 = arith.constant 1 : i32
      scf.for %scan3A_14 = %scan3A_8 to %scan3A_10 step %scan3A_11  : i32 {
        %mul3A_15 = arith.constant 320 : i32
        %mul3A_16 = arith.muli %arg1, %mul3A_15 : i32
        %mul3A_17 = arith.constant 40 : i32
        %mul3A_18 = arith.muli %scan3A_14, %mul3A_17 : i32
        %add3A = arith.addi %mul3A_16, %mul3A_18 : i32
        "tpu.region"() ({
          %run_scoped3A = tpu.sem_alloc : memref<!tpu.dma_semaphore, #tpu.memory_space<semaphore_mem>>
          %dma_start3A_107 = arith.constant 0 : i32
          %dma_start3A_108 = tpu.memref_slice %arg6[%add3A, %dma_start3A_107] : memref<5120x64xi32, #tpu.memory_space<hbm>> -> memref<40x64xi32, #tpu.memory_space<hbm>>
          %dma_start3A_109 = arith.constant 0 : i32
          %dma_start3A_110 = tpu.memref_slice %arg6[%add3A, %dma_start3A_109] : memref<5120x64xi32, #tpu.memory_space<hbm>> -> memref<40x64xi32, #tpu.memory_space<hbm>>
          tpu.enqueue_dma source(%dma_start3A_110 : memref<40x64xi32, #tpu.memory_space<hbm>>) target(%arg12 : memref<40x64xi32, #tpu.memory_space<vmem>>) target_semaphore(%run_scoped3A : memref<!tpu.dma_semaphore, #tpu.memory_space<semaphore_mem>>)
          %dma_wait3A_111 = arith.constant 0 : i32
          %dma_wait3A_112 = tpu.memref_slice %arg6[%add3A, %dma_wait3A_111] : memref<5120x64xi32, #tpu.memory_space<hbm>> -> memref<40x64xi32, #tpu.memory_space<hbm>>
          %dma_wait3A_113 = arith.constant 0 : i32
          %dma_wait3A_114 = tpu.memref_slice %arg6[%add3A, %dma_wait3A_113] : memref<5120x64xi32, #tpu.memory_space<hbm>> -> memref<40x64xi32, #tpu.memory_space<hbm>>
          tpu.wait_dma2 semaphore(%run_scoped3A : memref<!tpu.dma_semaphore, #tpu.memory_space<semaphore_mem>>) src(%dma_wait3A_114 : memref<40x64xi32, #tpu.memory_space<hbm>>) dst(%arg12 : memref<40x64xi32, #tpu.memory_space<vmem>>)
          tpu.yield
        }) : () -> ()
        "tpu.region"() ({
          %run_scoped3A = tpu.sem_alloc : memref<!tpu.dma_semaphore, #tpu.memory_space<semaphore_mem>>
          %dma_start3A_107 = arith.constant 0 : i32
          %dma_start3A_108 = tpu.memref_slice %arg7[%add3A, %dma_start3A_107] : memref<5120x64xi32, #tpu.memory_space<hbm>> -> memref<40x64xi32, #tpu.memory_space<hbm>>
          %dma_start3A_109 = arith.constant 0 : i32
          %dma_start3A_110 = tpu.memref_slice %arg7[%add3A, %dma_start3A_109] : memref<5120x64xi32, #tpu.memory_space<hbm>> -> memref<40x64xi32, #tpu.memory_space<hbm>>
          tpu.enqueue_dma source(%dma_start3A_110 : memref<40x64xi32, #tpu.memory_space<hbm>>) target(%arg13 : memref<40x64xi32, #tpu.memory_space<vmem>>) target_semaphore(%run_scoped3A : memref<!tpu.dma_semaphore, #tpu.memory_space<semaphore_mem>>)
          %dma_wait3A_111 = arith.constant 0 : i32
          %dma_wait3A_112 = tpu.memref_slice %arg7[%add3A, %dma_wait3A_111] : memref<5120x64xi32, #tpu.memory_space<hbm>> -> memref<40x64xi32, #tpu.memory_space<hbm>>
          %dma_wait3A_113 = arith.constant 0 : i32
          %dma_wait3A_114 = tpu.memref_slice %arg7[%add3A, %dma_wait3A_113] : memref<5120x64xi32, #tpu.memory_space<hbm>> -> memref<40x64xi32, #tpu.memory_space<hbm>>
          tpu.wait_dma2 semaphore(%run_scoped3A : memref<!tpu.dma_semaphore, #tpu.memory_space<semaphore_mem>>) src(%dma_wait3A_114 : memref<40x64xi32, #tpu.memory_space<hbm>>) dst(%arg13 : memref<40x64xi32, #tpu.memory_space<vmem>>)
          tpu.yield
        }) : () -> ()
        %dma_start3A = arith.constant 0 : i32
        %dma_start3A_19 = arith.constant 0 : i32
        %dma_start3A_20 = arith.constant 0 : i32
        %dma_start3A_21 = arith.constant 0 : i32
        %dma_start3A_22 = tpu.memref_slice %arg14[%dma_start3A_19, %dma_start3A_20, %dma_start3A_21] : memref<4x64x128xf32, #tpu.memory_space<vmem>> -> memref<1x64x128xf32, #tpu.memory_space<vmem>>
        %dma_start3A_23 = tpu.memref_squeeze %dma_start3A_22 : memref<1x64x128xf32, #tpu.memory_space<vmem>> -> memref<64x128xf32, #tpu.memory_space<vmem>>
        %dma_start3A_24 = arith.constant 0 : i32
        %dma_start3A_25 = tpu.memref_slice %arg12[%dma_start3A, %dma_start3A_24] : memref<40x64xi32, #tpu.memory_space<vmem>> -> memref<1x64xi32, #tpu.memory_space<vmem>>
        %dma_start3A_26 = tpu.memref_squeeze %dma_start3A_25 : memref<1x64xi32, #tpu.memory_space<vmem>> -> memref<64xi32, #tpu.memory_space<vmem>>
        %dma_start3A_27 = arith.constant 0 : i32
        %dma_start3A_28 = arith.constant 0 : i32
        %dma_start3A_29 = tpu.memref_slice %arg3[%dma_start3A_27, %dma_start3A_28] : memref<10000x128xf32, #tpu.memory_space<hbm>> -> memref<10000x128xf32, #tpu.memory_space<hbm>>
        tpu.enqueue_indirect_dma source(%dma_start3A_29 : memref<10000x128xf32, #tpu.memory_space<hbm>>) target(%dma_start3A_23 : memref<64x128xf32, #tpu.memory_space<vmem>>) offsets(%dma_start3A_26 : memref<64xi32, #tpu.memory_space<vmem>>) semaphore(%arg15 : memref<!tpu.dma_semaphore, #tpu.memory_space<semaphore_mem>>)
        %dma_start3A_30 = arith.constant 1 : i32
        %dma_start3A_31 = arith.constant 1 : i32
        %dma_start3A_32 = arith.constant 0 : i32
        %dma_start3A_33 = arith.constant 0 : i32
        %dma_start3A_34 = tpu.memref_slice %arg14[%dma_start3A_31, %dma_start3A_32, %dma_start3A_33] : memref<4x64x128xf32, #tpu.memory_space<vmem>> -> memref<1x64x128xf32, #tpu.memory_space<vmem>>
        %dma_start3A_35 = tpu.memref_squeeze %dma_start3A_34 : memref<1x64x128xf32, #tpu.memory_space<vmem>> -> memref<64x128xf32, #tpu.memory_space<vmem>>
        %dma_start3A_36 = arith.constant 0 : i32
        %dma_start3A_37 = tpu.memref_slice %arg12[%dma_start3A_30, %dma_start3A_36] : memref<40x64xi32, #tpu.memory_space<vmem>> -> memref<1x64xi32, #tpu.memory_space<vmem>>
        %dma_start3A_38 = tpu.memref_squeeze %dma_start3A_37 : memref<1x64xi32, #tpu.memory_space<vmem>> -> memref<64xi32, #tpu.memory_space<vmem>>
        %dma_start3A_39 = arith.constant 0 : i32
        %dma_start3A_40 = arith.constant 0 : i32
        %dma_start3A_41 = tpu.memref_slice %arg3[%dma_start3A_39, %dma_start3A_40] : memref<10000x128xf32, #tpu.memory_space<hbm>> -> memref<10000x128xf32, #tpu.memory_space<hbm>>
        tpu.enqueue_indirect_dma source(%dma_start3A_41 : memref<10000x128xf32, #tpu.memory_space<hbm>>) target(%dma_start3A_35 : memref<64x128xf32, #tpu.memory_space<vmem>>) offsets(%dma_start3A_38 : memref<64xi32, #tpu.memory_space<vmem>>) semaphore(%arg16 : memref<!tpu.dma_semaphore, #tpu.memory_space<semaphore_mem>>)
        %dma_start3A_42 = arith.constant 2 : i32
        %dma_start3A_43 = arith.constant 2 : i32
        %dma_start3A_44 = arith.constant 0 : i32
        %dma_start3A_45 = arith.constant 0 : i32
        %dma_start3A_46 = tpu.memref_slice %arg14[%dma_start3A_43, %dma_start3A_44, %dma_start3A_45] : memref<4x64x128xf32, #tpu.memory_space<vmem>> -> memref<1x64x128xf32, #tpu.memory_space<vmem>>
        %dma_start3A_47 = tpu.memref_squeeze %dma_start3A_46 : memref<1x64x128xf32, #tpu.memory_space<vmem>> -> memref<64x128xf32, #tpu.memory_space<vmem>>
        %dma_start3A_48 = arith.constant 0 : i32
        %dma_start3A_49 = tpu.memref_slice %arg12[%dma_start3A_42, %dma_start3A_48] : memref<40x64xi32, #tpu.memory_space<vmem>> -> memref<1x64xi32, #tpu.memory_space<vmem>>
        %dma_start3A_50 = tpu.memref_squeeze %dma_start3A_49 : memref<1x64xi32, #tpu.memory_space<vmem>> -> memref<64xi32, #tpu.memory_space<vmem>>
        %dma_start3A_51 = arith.constant 0 : i32
        %dma_start3A_52 = arith.constant 0 : i32
        %dma_start3A_53 = tpu.memref_slice %arg3[%dma_start3A_51, %dma_start3A_52] : memref<10000x128xf32, #tpu.memory_space<hbm>> -> memref<10000x128xf32, #tpu.memory_space<hbm>>
        tpu.enqueue_indirect_dma source(%dma_start3A_53 : memref<10000x128xf32, #tpu.memory_space<hbm>>) target(%dma_start3A_47 : memref<64x128xf32, #tpu.memory_space<vmem>>) offsets(%dma_start3A_50 : memref<64xi32, #tpu.memory_space<vmem>>) semaphore(%arg17 : memref<!tpu.dma_semaphore, #tpu.memory_space<semaphore_mem>>)
        %scan3A_54 = arith.constant 0 : i32
        %scan3A_55 = arith.constant 0 : i32
        %scan3A_56 = arith.constant 10 : i32
        %scan3A_57 = arith.addi %scan3A_55, %scan3A_56 : i32
        %scan3A_58 = arith.constant 1 : i32
        scf.for %scan3A_107 = %scan3A_55 to %scan3A_57 step %scan3A_58  : i32 {
          %mul3A_108 = arith.constant 4 : i32
          %mul3A_109 = arith.muli %scan3A_107, %mul3A_108 : i32
          %add3A_110 = arith.constant 0 : i32
          %add3A_111 = arith.addi %mul3A_109, %add3A_110 : i32
          %add3A_112 = arith.constant 3 : i32
          %add3A_113 = arith.addi %add3A_111, %add3A_112 : i32
          %lt3A = arith.constant 40 : i32
          %lt3A_114 = arith.cmpi slt, %add3A_113, %lt3A : i32
          %ge3A = arith.constant 4 : i32
          %ge3A_115 = arith.cmpi sge, %add3A_113, %ge3A : i32
          %and3A = arith.andi %lt3A_114, %ge3A_115 : i1
          %convert_element_type3A_116 = arith.extui %and3A : i1 to i32
          %cond3A_117 = arith.constant 0 : i32
          %cond3A_118 = arith.cmpi ne, %convert_element_type3A_116, %cond3A_117 : i32
          scf.if %cond3A_118 {
            %dma_wait3A_267 = arith.constant 3 : i32
            %dma_wait3A_268 = arith.constant 0 : i32
            %dma_wait3A_269 = arith.constant 0 : i32
            %dma_wait3A_270 = arith.constant 0 : i32
            %dma_wait3A_271 = tpu.memref_slice %arg14[%dma_wait3A_267, %dma_wait3A_269, %dma_wait3A_270] : memref<4x64x128xf32, #tpu.memory_space<vmem>> -> memref<1x64x128xf32, #tpu.memory_space<vmem>>
            %dma_wait3A_272 = tpu.memref_squeeze %dma_wait3A_271 : memref<1x64x128xf32, #tpu.memory_space<vmem>> -> memref<64x128xf32, #tpu.memory_space<vmem>>
            %dma_wait3A_273 = arith.constant 0 : i32
            %dma_wait3A_274 = tpu.memref_slice %arg13[%dma_wait3A_268, %dma_wait3A_273] : memref<40x64xi32, #tpu.memory_space<vmem>> -> memref<1x64xi32, #tpu.memory_space<vmem>>
            %dma_wait3A_275 = tpu.memref_squeeze %dma_wait3A_274 : memref<1x64xi32, #tpu.memory_space<vmem>> -> memref<64xi32, #tpu.memory_space<vmem>>
            %dma_wait3A_276 = arith.constant 0 : i32
            %dma_wait3A_277 = arith.constant 0 : i32
            %dma_wait3A_278 = tpu.memref_slice %arg11[%dma_wait3A_276, %dma_wait3A_277] : memref<10240x128xf32, #tpu.memory_space<vmem_shared>> -> memref<10240x128xf32, #tpu.memory_space<vmem_shared>>
            tpu.wait_indirect_dma semaphore(%arg22 : memref<!tpu.dma_semaphore, #tpu.memory_space<semaphore_mem>>) src(%dma_wait3A_272 : memref<64x128xf32, #tpu.memory_space<vmem>>) dst(%dma_wait3A_278 : memref<10240x128xf32, #tpu.memory_space<vmem_shared>>)
          } else {
          }
          %lt3A_119 = arith.constant 40 : i32
          %lt3A_120 = arith.cmpi slt, %add3A_113, %lt3A_119 : i32
          %convert_element_type3A_121 = arith.extui %lt3A_120 : i1 to i32
          %cond3A_122 = arith.constant 0 : i32
          %cond3A_123 = arith.cmpi ne, %convert_element_type3A_121, %cond3A_122 : i32
          scf.if %cond3A_123 {
            %dma_start3A_267 = arith.constant 3 : i32
            %dma_start3A_268 = arith.constant 0 : i32
            %dma_start3A_269 = arith.constant 0 : i32
            %dma_start3A_270 = tpu.memref_slice %arg14[%dma_start3A_267, %dma_start3A_268, %dma_start3A_269] : memref<4x64x128xf32, #tpu.memory_space<vmem>> -> memref<1x64x128xf32, #tpu.memory_space<vmem>>
            %dma_start3A_271 = tpu.memref_squeeze %dma_start3A_270 : memref<1x64x128xf32, #tpu.memory_space<vmem>> -> memref<64x128xf32, #tpu.memory_space<vmem>>
            %dma_start3A_272 = arith.constant 0 : i32
            %dma_start3A_273 = tpu.memref_slice %arg12[%add3A_113, %dma_start3A_272] : memref<40x64xi32, #tpu.memory_space<vmem>> -> memref<1x64xi32, #tpu.memory_space<vmem>>
            %dma_start3A_274 = tpu.memref_squeeze %dma_start3A_273 : memref<1x64xi32, #tpu.memory_space<vmem>> -> memref<64xi32, #tpu.memory_space<vmem>>
            %dma_start3A_275 = arith.constant 0 : i32
            %dma_start3A_276 = arith.constant 0 : i32
            %dma_start3A_277 = tpu.memref_slice %arg3[%dma_start3A_275, %dma_start3A_276] : memref<10000x128xf32, #tpu.memory_space<hbm>> -> memref<10000x128xf32, #tpu.memory_space<hbm>>
            tpu.enqueue_indirect_dma source(%dma_start3A_277 : memref<10000x128xf32, #tpu.memory_space<hbm>>) target(%dma_start3A_271 : memref<64x128xf32, #tpu.memory_space<vmem>>) offsets(%dma_start3A_274 : memref<64xi32, #tpu.memory_space<vmem>>) semaphore(%arg18 : memref<!tpu.dma_semaphore, #tpu.memory_space<semaphore_mem>>)
          } else {
          }
          %dma_wait3A_124 = arith.constant 0 : i32
          %dma_wait3A_125 = arith.constant 0 : i32
          %dma_wait3A_126 = arith.constant 0 : i32
          %dma_wait3A_127 = arith.constant 0 : i32
          %dma_wait3A_128 = tpu.memref_slice %arg14[%dma_wait3A_125, %dma_wait3A_126, %dma_wait3A_127] : memref<4x64x128xf32, #tpu.memory_space<vmem>> -> memref<1x64x128xf32, #tpu.memory_space<vmem>>
          %dma_wait3A_129 = tpu.memref_squeeze %dma_wait3A_128 : memref<1x64x128xf32, #tpu.memory_space<vmem>> -> memref<64x128xf32, #tpu.memory_space<vmem>>
          %dma_wait3A_130 = arith.constant 0 : i32
          %dma_wait3A_131 = tpu.memref_slice %arg12[%dma_wait3A_124, %dma_wait3A_130] : memref<40x64xi32, #tpu.memory_space<vmem>> -> memref<1x64xi32, #tpu.memory_space<vmem>>
          %dma_wait3A_132 = tpu.memref_squeeze %dma_wait3A_131 : memref<1x64xi32, #tpu.memory_space<vmem>> -> memref<64xi32, #tpu.memory_space<vmem>>
          %dma_wait3A_133 = arith.constant 0 : i32
          %dma_wait3A_134 = arith.constant 0 : i32
          %dma_wait3A_135 = tpu.memref_slice %arg3[%dma_wait3A_133, %dma_wait3A_134] : memref<10000x128xf32, #tpu.memory_space<hbm>> -> memref<10000x128xf32, #tpu.memory_space<hbm>>
          tpu.wait_indirect_dma semaphore(%arg15 : memref<!tpu.dma_semaphore, #tpu.memory_space<semaphore_mem>>) src(%dma_wait3A_135 : memref<10000x128xf32, #tpu.memory_space<hbm>>) dst(%dma_wait3A_129 : memref<64x128xf32, #tpu.memory_space<vmem>>)
          %dma_start3A_136 = arith.constant 0 : i32
          %dma_start3A_137 = arith.constant 0 : i32
          %dma_start3A_138 = arith.constant 0 : i32
          %dma_start3A_139 = tpu.memref_slice %arg14[%dma_start3A_136, %dma_start3A_137, %dma_start3A_138] : memref<4x64x128xf32, #tpu.memory_space<vmem>> -> memref<1x64x128xf32, #tpu.memory_space<vmem>>
          %dma_start3A_140 = tpu.memref_squeeze %dma_start3A_139 : memref<1x64x128xf32, #tpu.memory_space<vmem>> -> memref<64x128xf32, #tpu.memory_space<vmem>>
          %dma_start3A_141 = arith.constant 0 : i32
          %dma_start3A_142 = tpu.memref_slice %arg13[%add3A_111, %dma_start3A_141] : memref<40x64xi32, #tpu.memory_space<vmem>> -> memref<1x64xi32, #tpu.memory_space<vmem>>
          %dma_start3A_143 = tpu.memref_squeeze %dma_start3A_142 : memref<1x64xi32, #tpu.memory_space<vmem>> -> memref<64xi32, #tpu.memory_space<vmem>>
          %dma_start3A_144 = arith.constant 0 : i32
          %dma_start3A_145 = arith.constant 0 : i32
          %dma_start3A_146 = tpu.memref_slice %arg11[%dma_start3A_144, %dma_start3A_145] : memref<10240x128xf32, #tpu.memory_space<vmem_shared>> -> memref<10240x128xf32, #tpu.memory_space<vmem_shared>>
          tpu.enqueue_indirect_dma source(%dma_start3A_140 : memref<64x128xf32, #tpu.memory_space<vmem>>) target(%dma_start3A_146 : memref<10240x128xf32, #tpu.memory_space<vmem_shared>>) offsets(%dma_start3A_143 : memref<64xi32, #tpu.memory_space<vmem>>) semaphore(%arg19 : memref<!tpu.dma_semaphore, #tpu.memory_space<semaphore_mem>>) {add = true}
          %add3A_147 = arith.constant 1 : i32
          %add3A_148 = arith.addi %mul3A_109, %add3A_147 : i32
          %add3A_149 = arith.constant 3 : i32
          %add3A_150 = arith.addi %add3A_148, %add3A_149 : i32
          %lt3A_151 = arith.constant 40 : i32
          %lt3A_152 = arith.cmpi slt, %add3A_150, %lt3A_151 : i32
          %ge3A_153 = arith.constant 4 : i32
          %ge3A_154 = arith.cmpi sge, %add3A_150, %ge3A_153 : i32
          %and3A_155 = arith.andi %lt3A_152, %ge3A_154 : i1
          %convert_element_type3A_156 = arith.extui %and3A_155 : i1 to i32
          %cond3A_157 = arith.constant 0 : i32
          %cond3A_158 = arith.cmpi ne, %convert_element_type3A_156, %cond3A_157 : i32
          scf.if %cond3A_158 {
            %dma_wait3A_267 = arith.constant 0 : i32
            %dma_wait3A_268 = arith.constant 0 : i32
            %dma_wait3A_269 = arith.constant 0 : i32
            %dma_wait3A_270 = arith.constant 0 : i32
            %dma_wait3A_271 = tpu.memref_slice %arg14[%dma_wait3A_267, %dma_wait3A_269, %dma_wait3A_270] : memref<4x64x128xf32, #tpu.memory_space<vmem>> -> memref<1x64x128xf32, #tpu.memory_space<vmem>>
            %dma_wait3A_272 = tpu.memref_squeeze %dma_wait3A_271 : memref<1x64x128xf32, #tpu.memory_space<vmem>> -> memref<64x128xf32, #tpu.memory_space<vmem>>
            %dma_wait3A_273 = arith.constant 0 : i32
            %dma_wait3A_274 = tpu.memref_slice %arg13[%dma_wait3A_268, %dma_wait3A_273] : memref<40x64xi32, #tpu.memory_space<vmem>> -> memref<1x64xi32, #tpu.memory_space<vmem>>
            %dma_wait3A_275 = tpu.memref_squeeze %dma_wait3A_274 : memref<1x64xi32, #tpu.memory_space<vmem>> -> memref<64xi32, #tpu.memory_space<vmem>>
            %dma_wait3A_276 = arith.constant 0 : i32
            %dma_wait3A_277 = arith.constant 0 : i32
            %dma_wait3A_278 = tpu.memref_slice %arg11[%dma_wait3A_276, %dma_wait3A_277] : memref<10240x128xf32, #tpu.memory_space<vmem_shared>> -> memref<10240x128xf32, #tpu.memory_space<vmem_shared>>
            tpu.wait_indirect_dma semaphore(%arg19 : memref<!tpu.dma_semaphore, #tpu.memory_space<semaphore_mem>>) src(%dma_wait3A_272 : memref<64x128xf32, #tpu.memory_space<vmem>>) dst(%dma_wait3A_278 : memref<10240x128xf32, #tpu.memory_space<vmem_shared>>)
          } else {
          }
          %lt3A_159 = arith.constant 40 : i32
          %lt3A_160 = arith.cmpi slt, %add3A_150, %lt3A_159 : i32
          %convert_element_type3A_161 = arith.extui %lt3A_160 : i1 to i32
          %cond3A_162 = arith.constant 0 : i32
          %cond3A_163 = arith.cmpi ne, %convert_element_type3A_161, %cond3A_162 : i32
          scf.if %cond3A_163 {
            %dma_start3A_267 = arith.constant 0 : i32
            %dma_start3A_268 = arith.constant 0 : i32
            %dma_start3A_269 = arith.constant 0 : i32
            %dma_start3A_270 = tpu.memref_slice %arg14[%dma_start3A_267, %dma_start3A_268, %dma_start3A_269] : memref<4x64x128xf32, #tpu.memory_space<vmem>> -> memref<1x64x128xf32, #tpu.memory_space<vmem>>
            %dma_start3A_271 = tpu.memref_squeeze %dma_start3A_270 : memref<1x64x128xf32, #tpu.memory_space<vmem>> -> memref<64x128xf32, #tpu.memory_space<vmem>>
            %dma_start3A_272 = arith.constant 0 : i32
            %dma_start3A_273 = tpu.memref_slice %arg12[%add3A_150, %dma_start3A_272] : memref<40x64xi32, #tpu.memory_space<vmem>> -> memref<1x64xi32, #tpu.memory_space<vmem>>
            %dma_start3A_274 = tpu.memref_squeeze %dma_start3A_273 : memref<1x64xi32, #tpu.memory_space<vmem>> -> memref<64xi32, #tpu.memory_space<vmem>>
            %dma_start3A_275 = arith.constant 0 : i32
            %dma_start3A_276 = arith.constant 0 : i32
            %dma_start3A_277 = tpu.memref_slice %arg3[%dma_start3A_275, %dma_start3A_276] : memref<10000x128xf32, #tpu.memory_space<hbm>> -> memref<10000x128xf32, #tpu.memory_space<hbm>>
            tpu.enqueue_indirect_dma source(%dma_start3A_277 : memref<10000x128xf32, #tpu.memory_space<hbm>>) target(%dma_start3A_271 : memref<64x128xf32, #tpu.memory_space<vmem>>) offsets(%dma_start3A_274 : memref<64xi32, #tpu.memory_space<vmem>>) semaphore(%arg15 : memref<!tpu.dma_semaphore, #tpu.memory_space<semaphore_mem>>)
          } else {
          }
          %dma_wait3A_164 = arith.constant 0 : i32
          %dma_wait3A_165 = arith.constant 1 : i32
          %dma_wait3A_166 = arith.constant 0 : i32
          %dma_wait3A_167 = arith.constant 0 : i32
          %dma_wait3A_168 = tpu.memref_slice %arg14[%dma_wait3A_165, %dma_wait3A_166, %dma_wait3A_167] : memref<4x64x128xf32, #tpu.memory_space<vmem>> -> memref<1x64x128xf32, #tpu.memory_space<vmem>>
          %dma_wait3A_169 = tpu.memref_squeeze %dma_wait3A_168 : memref<1x64x128xf32, #tpu.memory_space<vmem>> -> memref<64x128xf32, #tpu.memory_space<vmem>>
          %dma_wait3A_170 = arith.constant 0 : i32
          %dma_wait3A_171 = tpu.memref_slice %arg12[%dma_wait3A_164, %dma_wait3A_170] : memref<40x64xi32, #tpu.memory_space<vmem>> -> memref<1x64xi32, #tpu.memory_space<vmem>>
          %dma_wait3A_172 = tpu.memref_squeeze %dma_wait3A_171 : memref<1x64xi32, #tpu.memory_space<vmem>> -> memref<64xi32, #tpu.memory_space<vmem>>
          %dma_wait3A_173 = arith.constant 0 : i32
          %dma_wait3A_174 = arith.constant 0 : i32
          %dma_wait3A_175 = tpu.memref_slice %arg3[%dma_wait3A_173, %dma_wait3A_174] : memref<10000x128xf32, #tpu.memory_space<hbm>> -> memref<10000x128xf32, #tpu.memory_space<hbm>>
          tpu.wait_indirect_dma semaphore(%arg16 : memref<!tpu.dma_semaphore, #tpu.memory_space<semaphore_mem>>) src(%dma_wait3A_175 : memref<10000x128xf32, #tpu.memory_space<hbm>>) dst(%dma_wait3A_169 : memref<64x128xf32, #tpu.memory_space<vmem>>)
          %dma_start3A_176 = arith.constant 1 : i32
          %dma_start3A_177 = arith.constant 0 : i32
          %dma_start3A_178 = arith.constant 0 : i32
          %dma_start3A_179 = tpu.memref_slice %arg14[%dma_start3A_176, %dma_start3A_177, %dma_start3A_178] : memref<4x64x128xf32, #tpu.memory_space<vmem>> -> memref<1x64x128xf32, #tpu.memory_space<vmem>>
          %dma_start3A_180 = tpu.memref_squeeze %dma_start3A_179 : memref<1x64x128xf32, #tpu.memory_space<vmem>> -> memref<64x128xf32, #tpu.memory_space<vmem>>
          %dma_start3A_181 = arith.constant 0 : i32
          %dma_start3A_182 = tpu.memref_slice %arg13[%add3A_148, %dma_start3A_181] : memref<40x64xi32, #tpu.memory_space<vmem>> -> memref<1x64xi32, #tpu.memory_space<vmem>>
          %dma_start3A_183 = tpu.memref_squeeze %dma_start3A_182 : memref<1x64xi32, #tpu.memory_space<vmem>> -> memref<64xi32, #tpu.memory_space<vmem>>
          %dma_start3A_184 = arith.constant 0 : i32
          %dma_start3A_185 = arith.constant 0 : i32
          %dma_start3A_186 = tpu.memref_slice %arg11[%dma_start3A_184, %dma_start3A_185] : memref<10240x128xf32, #tpu.memory_space<vmem_shared>> -> memref<10240x128xf32, #tpu.memory_space<vmem_shared>>
          tpu.enqueue_indirect_dma source(%dma_start3A_180 : memref<64x128xf32, #tpu.memory_space<vmem>>) target(%dma_start3A_186 : memref<10240x128xf32, #tpu.memory_space<vmem_shared>>) offsets(%dma_start3A_183 : memref<64xi32, #tpu.memory_space<vmem>>) semaphore(%arg20 : memref<!tpu.dma_semaphore, #tpu.memory_space<semaphore_mem>>) {add = true}
          %add3A_187 = arith.constant 2 : i32
          %add3A_188 = arith.addi %mul3A_109, %add3A_187 : i32
          %add3A_189 = arith.constant 3 : i32
          %add3A_190 = arith.addi %add3A_188, %add3A_189 : i32
          %lt3A_191 = arith.constant 40 : i32
          %lt3A_192 = arith.cmpi slt, %add3A_190, %lt3A_191 : i32
          %ge3A_193 = arith.constant 4 : i32
          %ge3A_194 = arith.cmpi sge, %add3A_190, %ge3A_193 : i32
          %and3A_195 = arith.andi %lt3A_192, %ge3A_194 : i1
          %convert_element_type3A_196 = arith.extui %and3A_195 : i1 to i32
          %cond3A_197 = arith.constant 0 : i32
          %cond3A_198 = arith.cmpi ne, %convert_element_type3A_196, %cond3A_197 : i32
          scf.if %cond3A_198 {
            %dma_wait3A_267 = arith.constant 1 : i32
            %dma_wait3A_268 = arith.constant 0 : i32
            %dma_wait3A_269 = arith.constant 0 : i32
            %dma_wait3A_270 = arith.constant 0 : i32
            %dma_wait3A_271 = tpu.memref_slice %arg14[%dma_wait3A_267, %dma_wait3A_269, %dma_wait3A_270] : memref<4x64x128xf32, #tpu.memory_space<vmem>> -> memref<1x64x128xf32, #tpu.memory_space<vmem>>
            %dma_wait3A_272 = tpu.memref_squeeze %dma_wait3A_271 : memref<1x64x128xf32, #tpu.memory_space<vmem>> -> memref<64x128xf32, #tpu.memory_space<vmem>>
            %dma_wait3A_273 = arith.constant 0 : i32
            %dma_wait3A_274 = tpu.memref_slice %arg13[%dma_wait3A_268, %dma_wait3A_273] : memref<40x64xi32, #tpu.memory_space<vmem>> -> memref<1x64xi32, #tpu.memory_space<vmem>>
            %dma_wait3A_275 = tpu.memref_squeeze %dma_wait3A_274 : memref<1x64xi32, #tpu.memory_space<vmem>> -> memref<64xi32, #tpu.memory_space<vmem>>
            %dma_wait3A_276 = arith.constant 0 : i32
            %dma_wait3A_277 = arith.constant 0 : i32
            %dma_wait3A_278 = tpu.memref_slice %arg11[%dma_wait3A_276, %dma_wait3A_277] : memref<10240x128xf32, #tpu.memory_space<vmem_shared>> -> memref<10240x128xf32, #tpu.memory_space<vmem_shared>>
            tpu.wait_indirect_dma semaphore(%arg20 : memref<!tpu.dma_semaphore, #tpu.memory_space<semaphore_mem>>) src(%dma_wait3A_272 : memref<64x128xf32, #tpu.memory_space<vmem>>) dst(%dma_wait3A_278 : memref<10240x128xf32, #tpu.memory_space<vmem_shared>>)
          } else {
          }
          %lt3A_199 = arith.constant 40 : i32
          %lt3A_200 = arith.cmpi slt, %add3A_190, %lt3A_199 : i32
          %convert_element_type3A_201 = arith.extui %lt3A_200 : i1 to i32
          %cond3A_202 = arith.constant 0 : i32
          %cond3A_203 = arith.cmpi ne, %convert_element_type3A_201, %cond3A_202 : i32
          scf.if %cond3A_203 {
            %dma_start3A_267 = arith.constant 1 : i32
            %dma_start3A_268 = arith.constant 0 : i32
            %dma_start3A_269 = arith.constant 0 : i32
            %dma_start3A_270 = tpu.memref_slice %arg14[%dma_start3A_267, %dma_start3A_268, %dma_start3A_269] : memref<4x64x128xf32, #tpu.memory_space<vmem>> -> memref<1x64x128xf32, #tpu.memory_space<vmem>>
            %dma_start3A_271 = tpu.memref_squeeze %dma_start3A_270 : memref<1x64x128xf32, #tpu.memory_space<vmem>> -> memref<64x128xf32, #tpu.memory_space<vmem>>
            %dma_start3A_272 = arith.constant 0 : i32
            %dma_start3A_273 = tpu.memref_slice %arg12[%add3A_190, %dma_start3A_272] : memref<40x64xi32, #tpu.memory_space<vmem>> -> memref<1x64xi32, #tpu.memory_space<vmem>>
            %dma_start3A_274 = tpu.memref_squeeze %dma_start3A_273 : memref<1x64xi32, #tpu.memory_space<vmem>> -> memref<64xi32, #tpu.memory_space<vmem>>
            %dma_start3A_275 = arith.constant 0 : i32
            %dma_start3A_276 = arith.constant 0 : i32
            %dma_start3A_277 = tpu.memref_slice %arg3[%dma_start3A_275, %dma_start3A_276] : memref<10000x128xf32, #tpu.memory_space<hbm>> -> memref<10000x128xf32, #tpu.memory_space<hbm>>
            tpu.enqueue_indirect_dma source(%dma_start3A_277 : memref<10000x128xf32, #tpu.memory_space<hbm>>) target(%dma_start3A_271 : memref<64x128xf32, #tpu.memory_space<vmem>>) offsets(%dma_start3A_274 : memref<64xi32, #tpu.memory_space<vmem>>) semaphore(%arg16 : memref<!tpu.dma_semaphore, #tpu.memory_space<semaphore_mem>>)
          } else {
          }
          %dma_wait3A_204 = arith.constant 0 : i32
          %dma_wait3A_205 = arith.constant 2 : i32
          %dma_wait3A_206 = arith.constant 0 : i32
          %dma_wait3A_207 = arith.constant 0 : i32
          %dma_wait3A_208 = tpu.memref_slice %arg14[%dma_wait3A_205, %dma_wait3A_206, %dma_wait3A_207] : memref<4x64x128xf32, #tpu.memory_space<vmem>> -> memref<1x64x128xf32, #tpu.memory_space<vmem>>
          %dma_wait3A_209 = tpu.memref_squeeze %dma_wait3A_208 : memref<1x64x128xf32, #tpu.memory_space<vmem>> -> memref<64x128xf32, #tpu.memory_space<vmem>>
          %dma_wait3A_210 = arith.constant 0 : i32
          %dma_wait3A_211 = tpu.memref_slice %arg12[%dma_wait3A_204, %dma_wait3A_210] : memref<40x64xi32, #tpu.memory_space<vmem>> -> memref<1x64xi32, #tpu.memory_space<vmem>>
          %dma_wait3A_212 = tpu.memref_squeeze %dma_wait3A_211 : memref<1x64xi32, #tpu.memory_space<vmem>> -> memref<64xi32, #tpu.memory_space<vmem>>
          %dma_wait3A_213 = arith.constant 0 : i32
          %dma_wait3A_214 = arith.constant 0 : i32
          %dma_wait3A_215 = tpu.memref_slice %arg3[%dma_wait3A_213, %dma_wait3A_214] : memref<10000x128xf32, #tpu.memory_space<hbm>> -> memref<10000x128xf32, #tpu.memory_space<hbm>>
          tpu.wait_indirect_dma semaphore(%arg17 : memref<!tpu.dma_semaphore, #tpu.memory_space<semaphore_mem>>) src(%dma_wait3A_215 : memref<10000x128xf32, #tpu.memory_space<hbm>>) dst(%dma_wait3A_209 : memref<64x128xf32, #tpu.memory_space<vmem>>)
          %dma_start3A_216 = arith.constant 2 : i32
          %dma_start3A_217 = arith.constant 0 : i32
          %dma_start3A_218 = arith.constant 0 : i32
          %dma_start3A_219 = tpu.memref_slice %arg14[%dma_start3A_216, %dma_start3A_217, %dma_start3A_218] : memref<4x64x128xf32, #tpu.memory_space<vmem>> -> memref<1x64x128xf32, #tpu.memory_space<vmem>>
          %dma_start3A_220 = tpu.memref_squeeze %dma_start3A_219 : memref<1x64x128xf32, #tpu.memory_space<vmem>> -> memref<64x128xf32, #tpu.memory_space<vmem>>
          %dma_start3A_221 = arith.constant 0 : i32
          %dma_start3A_222 = tpu.memref_slice %arg13[%add3A_188, %dma_start3A_221] : memref<40x64xi32, #tpu.memory_space<vmem>> -> memref<1x64xi32, #tpu.memory_space<vmem>>
          %dma_start3A_223 = tpu.memref_squeeze %dma_start3A_222 : memref<1x64xi32, #tpu.memory_space<vmem>> -> memref<64xi32, #tpu.memory_space<vmem>>
          %dma_start3A_224 = arith.constant 0 : i32
          %dma_start3A_225 = arith.constant 0 : i32
          %dma_start3A_226 = tpu.memref_slice %arg11[%dma_start3A_224, %dma_start3A_225] : memref<10240x128xf32, #tpu.memory_space<vmem_shared>> -> memref<10240x128xf32, #tpu.memory_space<vmem_shared>>
          tpu.enqueue_indirect_dma source(%dma_start3A_220 : memref<64x128xf32, #tpu.memory_space<vmem>>) target(%dma_start3A_226 : memref<10240x128xf32, #tpu.memory_space<vmem_shared>>) offsets(%dma_start3A_223 : memref<64xi32, #tpu.memory_space<vmem>>) semaphore(%arg21 : memref<!tpu.dma_semaphore, #tpu.memory_space<semaphore_mem>>) {add = true}
          %add3A_227 = arith.constant 3 : i32
          %add3A_228 = arith.addi %mul3A_109, %add3A_227 : i32
          %add3A_229 = arith.constant 3 : i32
          %add3A_230 = arith.addi %add3A_228, %add3A_229 : i32
          %lt3A_231 = arith.constant 40 : i32
          %lt3A_232 = arith.cmpi slt, %add3A_230, %lt3A_231 : i32
          %ge3A_233 = arith.constant 4 : i32
          %ge3A_234 = arith.cmpi sge, %add3A_230, %ge3A_233 : i32
          %and3A_235 = arith.andi %lt3A_232, %ge3A_234 : i1
          %convert_element_type3A_236 = arith.extui %and3A_235 : i1 to i32
          %cond3A_237 = arith.constant 0 : i32
          %cond3A_238 = arith.cmpi ne, %convert_element_type3A_236, %cond3A_237 : i32
          scf.if %cond3A_238 {
            %dma_wait3A_267 = arith.constant 2 : i32
            %dma_wait3A_268 = arith.constant 0 : i32
            %dma_wait3A_269 = arith.constant 0 : i32
            %dma_wait3A_270 = arith.constant 0 : i32
            %dma_wait3A_271 = tpu.memref_slice %arg14[%dma_wait3A_267, %dma_wait3A_269, %dma_wait3A_270] : memref<4x64x128xf32, #tpu.memory_space<vmem>> -> memref<1x64x128xf32, #tpu.memory_space<vmem>>
            %dma_wait3A_272 = tpu.memref_squeeze %dma_wait3A_271 : memref<1x64x128xf32, #tpu.memory_space<vmem>> -> memref<64x128xf32, #tpu.memory_space<vmem>>
            %dma_wait3A_273 = arith.constant 0 : i32
            %dma_wait3A_274 = tpu.memref_slice %arg13[%dma_wait3A_268, %dma_wait3A_273] : memref<40x64xi32, #tpu.memory_space<vmem>> -> memref<1x64xi32, #tpu.memory_space<vmem>>
            %dma_wait3A_275 = tpu.memref_squeeze %dma_wait3A_274 : memref<1x64xi32, #tpu.memory_space<vmem>> -> memref<64xi32, #tpu.memory_space<vmem>>
            %dma_wait3A_276 = arith.constant 0 : i32
            %dma_wait3A_277 = arith.constant 0 : i32
            %dma_wait3A_278 = tpu.memref_slice %arg11[%dma_wait3A_276, %dma_wait3A_277] : memref<10240x128xf32, #tpu.memory_space<vmem_shared>> -> memref<10240x128xf32, #tpu.memory_space<vmem_shared>>
            tpu.wait_indirect_dma semaphore(%arg21 : memref<!tpu.dma_semaphore, #tpu.memory_space<semaphore_mem>>) src(%dma_wait3A_272 : memref<64x128xf32, #tpu.memory_space<vmem>>) dst(%dma_wait3A_278 : memref<10240x128xf32, #tpu.memory_space<vmem_shared>>)
          } else {
          }
          %lt3A_239 = arith.constant 40 : i32
          %lt3A_240 = arith.cmpi slt, %add3A_230, %lt3A_239 : i32
          %convert_element_type3A_241 = arith.extui %lt3A_240 : i1 to i32
          %cond3A_242 = arith.constant 0 : i32
          %cond3A_243 = arith.cmpi ne, %convert_element_type3A_241, %cond3A_242 : i32
          scf.if %cond3A_243 {
            %dma_start3A_267 = arith.constant 2 : i32
            %dma_start3A_268 = arith.constant 0 : i32
            %dma_start3A_269 = arith.constant 0 : i32
            %dma_start3A_270 = tpu.memref_slice %arg14[%dma_start3A_267, %dma_start3A_268, %dma_start3A_269] : memref<4x64x128xf32, #tpu.memory_space<vmem>> -> memref<1x64x128xf32, #tpu.memory_space<vmem>>
            %dma_start3A_271 = tpu.memref_squeeze %dma_start3A_270 : memref<1x64x128xf32, #tpu.memory_space<vmem>> -> memref<64x128xf32, #tpu.memory_space<vmem>>
            %dma_start3A_272 = arith.constant 0 : i32
            %dma_start3A_273 = tpu.memref_slice %arg12[%add3A_230, %dma_start3A_272] : memref<40x64xi32, #tpu.memory_space<vmem>> -> memref<1x64xi32, #tpu.memory_space<vmem>>
            %dma_start3A_274 = tpu.memref_squeeze %dma_start3A_273 : memref<1x64xi32, #tpu.memory_space<vmem>> -> memref<64xi32, #tpu.memory_space<vmem>>
            %dma_start3A_275 = arith.constant 0 : i32
            %dma_start3A_276 = arith.constant 0 : i32
            %dma_start3A_277 = tpu.memref_slice %arg3[%dma_start3A_275, %dma_start3A_276] : memref<10000x128xf32, #tpu.memory_space<hbm>> -> memref<10000x128xf32, #tpu.memory_space<hbm>>
            tpu.enqueue_indirect_dma source(%dma_start3A_277 : memref<10000x128xf32, #tpu.memory_space<hbm>>) target(%dma_start3A_271 : memref<64x128xf32, #tpu.memory_space<vmem>>) offsets(%dma_start3A_274 : memref<64xi32, #tpu.memory_space<vmem>>) semaphore(%arg17 : memref<!tpu.dma_semaphore, #tpu.memory_space<semaphore_mem>>)
          } else {
          }
          %dma_wait3A_244 = arith.constant 0 : i32
          %dma_wait3A_245 = arith.constant 3 : i32
          %dma_wait3A_246 = arith.constant 0 : i32
          %dma_wait3A_247 = arith.constant 0 : i32
          %dma_wait3A_248 = tpu.memref_slice %arg14[%dma_wait3A_245, %dma_wait3A_246, %dma_wait3A_247] : memref<4x64x128xf32, #tpu.memory_space<vmem>> -> memref<1x64x128xf32, #tpu.memory_space<vmem>>
          %dma_wait3A_249 = tpu.memref_squeeze %dma_wait3A_248 : memref<1x64x128xf32, #tpu.memory_space<vmem>> -> memref<64x128xf32, #tpu.memory_space<vmem>>
          %dma_wait3A_250 = arith.constant 0 : i32
          %dma_wait3A_251 = tpu.memref_slice %arg12[%dma_wait3A_244, %dma_wait3A_250] : memref<40x64xi32, #tpu.memory_space<vmem>> -> memref<1x64xi32, #tpu.memory_space<vmem>>
          %dma_wait3A_252 = tpu.memref_squeeze %dma_wait3A_251 : memref<1x64xi32, #tpu.memory_space<vmem>> -> memref<64xi32, #tpu.memory_space<vmem>>
          %dma_wait3A_253 = arith.constant 0 : i32
          %dma_wait3A_254 = arith.constant 0 : i32
          %dma_wait3A_255 = tpu.memref_slice %arg3[%dma_wait3A_253, %dma_wait3A_254] : memref<10000x128xf32, #tpu.memory_space<hbm>> -> memref<10000x128xf32, #tpu.memory_space<hbm>>
          tpu.wait_indirect_dma semaphore(%arg18 : memref<!tpu.dma_semaphore, #tpu.memory_space<semaphore_mem>>) src(%dma_wait3A_255 : memref<10000x128xf32, #tpu.memory_space<hbm>>) dst(%dma_wait3A_249 : memref<64x128xf32, #tpu.memory_space<vmem>>)
          %dma_start3A_256 = arith.constant 3 : i32
          %dma_start3A_257 = arith.constant 0 : i32
          %dma_start3A_258 = arith.constant 0 : i32
          %dma_start3A_259 = tpu.memref_slice %arg14[%dma_start3A_256, %dma_start3A_257, %dma_start3A_258] : memref<4x64x128xf32, #tpu.memory_space<vmem>> -> memref<1x64x128xf32, #tpu.memory_space<vmem>>
          %dma_start3A_260 = tpu.memref_squeeze %dma_start3A_259 : memref<1x64x128xf32, #tpu.memory_space<vmem>> -> memref<64x128xf32, #tpu.memory_space<vmem>>
          %dma_start3A_261 = arith.constant 0 : i32
          %dma_start3A_262 = tpu.memref_slice %arg13[%add3A_228, %dma_start3A_261] : memref<40x64xi32, #tpu.memory_space<vmem>> -> memref<1x64xi32, #tpu.memory_space<vmem>>
          %dma_start3A_263 = tpu.memref_squeeze %dma_start3A_262 : memref<1x64xi32, #tpu.memory_space<vmem>> -> memref<64xi32, #tpu.memory_space<vmem>>
          %dma_start3A_264 = arith.constant 0 : i32
          %dma_start3A_265 = arith.constant 0 : i32
          %dma_start3A_266 = tpu.memref_slice %arg11[%dma_start3A_264, %dma_start3A_265] : memref<10240x128xf32, #tpu.memory_space<vmem_shared>> -> memref<10240x128xf32, #tpu.memory_space<vmem_shared>>
          tpu.enqueue_indirect_dma source(%dma_start3A_260 : memref<64x128xf32, #tpu.memory_space<vmem>>) target(%dma_start3A_266 : memref<10240x128xf32, #tpu.memory_space<vmem_shared>>) offsets(%dma_start3A_263 : memref<64xi32, #tpu.memory_space<vmem>>) semaphore(%arg22 : memref<!tpu.dma_semaphore, #tpu.memory_space<semaphore_mem>>) {add = true}
        }
        %scan3A_59 = arith.constant 10 : i32
        %dma_wait3A = arith.constant 0 : i32
        %dma_wait3A_60 = arith.constant 0 : i32
        %dma_wait3A_61 = arith.constant 0 : i32
        %dma_wait3A_62 = arith.constant 0 : i32
        %dma_wait3A_63 = tpu.memref_slice %arg14[%dma_wait3A, %dma_wait3A_61, %dma_wait3A_62] : memref<4x64x128xf32, #tpu.memory_space<vmem>> -> memref<1x64x128xf32, #tpu.memory_space<vmem>>
        %dma_wait3A_64 = tpu.memref_squeeze %dma_wait3A_63 : memref<1x64x128xf32, #tpu.memory_space<vmem>> -> memref<64x128xf32, #tpu.memory_space<vmem>>
        %dma_wait3A_65 = arith.constant 0 : i32
        %dma_wait3A_66 = tpu.memref_slice %arg13[%dma_wait3A_60, %dma_wait3A_65] : memref<40x64xi32, #tpu.memory_space<vmem>> -> memref<1x64xi32, #tpu.memory_space<vmem>>
        %dma_wait3A_67 = tpu.memref_squeeze %dma_wait3A_66 : memref<1x64xi32, #tpu.memory_space<vmem>> -> memref<64xi32, #tpu.memory_space<vmem>>
        %dma_wait3A_68 = arith.constant 0 : i32
        %dma_wait3A_69 = arith.constant 0 : i32
        %dma_wait3A_70 = tpu.memref_slice %arg11[%dma_wait3A_68, %dma_wait3A_69] : memref<10240x128xf32, #tpu.memory_space<vmem_shared>> -> memref<10240x128xf32, #tpu.memory_space<vmem_shared>>
        tpu.wait_indirect_dma semaphore(%arg19 : memref<!tpu.dma_semaphore, #tpu.memory_space<semaphore_mem>>) src(%dma_wait3A_64 : memref<64x128xf32, #tpu.memory_space<vmem>>) dst(%dma_wait3A_70 : memref<10240x128xf32, #tpu.memory_space<vmem_shared>>)
        %dma_wait3A_71 = arith.constant 1 : i32
        %dma_wait3A_72 = arith.constant 0 : i32
        %dma_wait3A_73 = arith.constant 0 : i32
        %dma_wait3A_74 = arith.constant 0 : i32
        %dma_wait3A_75 = tpu.memref_slice %arg14[%dma_wait3A_71, %dma_wait3A_73, %dma_wait3A_74] : memref<4x64x128xf32, #tpu.memory_space<vmem>> -> memref<1x64x128xf32, #tpu.memory_space<vmem>>
        %dma_wait3A_76 = tpu.memref_squeeze %dma_wait3A_75 : memref<1x64x128xf32, #tpu.memory_space<vmem>> -> memref<64x128xf32, #tpu.memory_space<vmem>>
        %dma_wait3A_77 = arith.constant 0 : i32
        %dma_wait3A_78 = tpu.memref_slice %arg13[%dma_wait3A_72, %dma_wait3A_77] : memref<40x64xi32, #tpu.memory_space<vmem>> -> memref<1x64xi32, #tpu.memory_space<vmem>>
        %dma_wait3A_79 = tpu.memref_squeeze %dma_wait3A_78 : memref<1x64xi32, #tpu.memory_space<vmem>> -> memref<64xi32, #tpu.memory_space<vmem>>
        %dma_wait3A_80 = arith.constant 0 : i32
        %dma_wait3A_81 = arith.constant 0 : i32
        %dma_wait3A_82 = tpu.memref_slice %arg11[%dma_wait3A_80, %dma_wait3A_81] : memref<10240x128xf32, #tpu.memory_space<vmem_shared>> -> memref<10240x128xf32, #tpu.memory_space<vmem_shared>>
        tpu.wait_indirect_dma semaphore(%arg20 : memref<!tpu.dma_semaphore, #tpu.memory_space<semaphore_mem>>) src(%dma_wait3A_76 : memref<64x128xf32, #tpu.memory_space<vmem>>) dst(%dma_wait3A_82 : memref<10240x128xf32, #tpu.memory_space<vmem_shared>>)
        %dma_wait3A_83 = arith.constant 2 : i32
        %dma_wait3A_84 = arith.constant 0 : i32
        %dma_wait3A_85 = arith.constant 0 : i32
        %dma_wait3A_86 = arith.constant 0 : i32
        %dma_wait3A_87 = tpu.memref_slice %arg14[%dma_wait3A_83, %dma_wait3A_85, %dma_wait3A_86] : memref<4x64x128xf32, #tpu.memory_space<vmem>> -> memref<1x64x128xf32, #tpu.memory_space<vmem>>
        %dma_wait3A_88 = tpu.memref_squeeze %dma_wait3A_87 : memref<1x64x128xf32, #tpu.memory_space<vmem>> -> memref<64x128xf32, #tpu.memory_space<vmem>>
        %dma_wait3A_89 = arith.constant 0 : i32
        %dma_wait3A_90 = tpu.memref_slice %arg13[%dma_wait3A_84, %dma_wait3A_89] : memref<40x64xi32, #tpu.memory_space<vmem>> -> memref<1x64xi32, #tpu.memory_space<vmem>>
        %dma_wait3A_91 = tpu.memref_squeeze %dma_wait3A_90 : memref<1x64xi32, #tpu.memory_space<vmem>> -> memref<64xi32, #tpu.memory_space<vmem>>
        %dma_wait3A_92 = arith.constant 0 : i32
        %dma_wait3A_93 = arith.constant 0 : i32
        %dma_wait3A_94 = tpu.memref_slice %arg11[%dma_wait3A_92, %dma_wait3A_93] : memref<10240x128xf32, #tpu.memory_space<vmem_shared>> -> memref<10240x128xf32, #tpu.memory_space<vmem_shared>>
        tpu.wait_indirect_dma semaphore(%arg21 : memref<!tpu.dma_semaphore, #tpu.memory_space<semaphore_mem>>) src(%dma_wait3A_88 : memref<64x128xf32, #tpu.memory_space<vmem>>) dst(%dma_wait3A_94 : memref<10240x128xf32, #tpu.memory_space<vmem_shared>>)
        %dma_wait3A_95 = arith.constant 3 : i32
        %dma_wait3A_96 = arith.constant 0 : i32
        %dma_wait3A_97 = arith.constant 0 : i32
        %dma_wait3A_98 = arith.constant 0 : i32
        %dma_wait3A_99 = tpu.memref_slice %arg14[%dma_wait3A_95, %dma_wait3A_97, %dma_wait3A_98] : memref<4x64x128xf32, #tpu.memory_space<vmem>> -> memref<1x64x128xf32, #tpu.memory_space<vmem>>
        %dma_wait3A_100 = tpu.memref_squeeze %dma_wait3A_99 : memref<1x64x128xf32, #tpu.memory_space<vmem>> -> memref<64x128xf32, #tpu.memory_space<vmem>>
        %dma_wait3A_101 = arith.constant 0 : i32
        %dma_wait3A_102 = tpu.memref_slice %arg13[%dma_wait3A_96, %dma_wait3A_101] : memref<40x64xi32, #tpu.memory_space<vmem>> -> memref<1x64xi32, #tpu.memory_space<vmem>>
        %dma_wait3A_103 = tpu.memref_squeeze %dma_wait3A_102 : memref<1x64xi32, #tpu.memory_space<vmem>> -> memref<64xi32, #tpu.memory_space<vmem>>
        %dma_wait3A_104 = arith.constant 0 : i32
        %dma_wait3A_105 = arith.constant 0 : i32
        %dma_wait3A_106 = tpu.memref_slice %arg11[%dma_wait3A_104, %dma_wait3A_105] : memref<10240x128xf32, #tpu.memory_space<vmem_shared>> -> memref<10240x128xf32, #tpu.memory_space<vmem_shared>>
        tpu.wait_indirect_dma semaphore(%arg22 : memref<!tpu.dma_semaphore, #tpu.memory_space<semaphore_mem>>) src(%dma_wait3A_100 : memref<64x128xf32, #tpu.memory_space<vmem>>) dst(%dma_wait3A_106 : memref<10240x128xf32, #tpu.memory_space<vmem_shared>>)
      }
      %scan3A_12 = arith.constant 8 : i32
      %barrier3A_13 = arith.constant 0 : index
      tpu.barrier barrier_id(%barrier3A_13)
      "tpu.region"() ({
        %run_scoped3A = tpu.sem_alloc : memref<!tpu.dma_semaphore, #tpu.memory_space<semaphore_mem>>
        %dma_start3A = arith.constant 0 : i32
        %dma_start3A_14 = tpu.memref_slice %arg10[%mul3A_0, %dma_start3A] : memref<10240x128xf32, #tpu.memory_space<hbm>> -> memref<640x128xf32, #tpu.memory_space<hbm>>
        %dma_start3A_15 = arith.constant 0 : i32
        %dma_start3A_16 = tpu.memref_slice %arg11[%mul3A_0, %dma_start3A_15] : memref<10240x128xf32, #tpu.memory_space<vmem_shared>> -> memref<640x128xf32, #tpu.memory_space<vmem_shared>>
        tpu.enqueue_dma source(%dma_start3A_16 : memref<640x128xf32, #tpu.memory_space<vmem_shared>>) target(%dma_start3A_14 : memref<640x128xf32, #tpu.memory_space<hbm>>) target_semaphore(%run_scoped3A : memref<!tpu.dma_semaphore, #tpu.memory_space<semaphore_mem>>)
        %dma_wait3A = arith.constant 0 : i32
        %dma_wait3A_17 = tpu.memref_slice %arg10[%mul3A_0, %dma_wait3A] : memref<10240x128xf32, #tpu.memory_space<hbm>> -> memref<640x128xf32, #tpu.memory_space<hbm>>
        %dma_wait3A_18 = arith.constant 0 : i32
        %dma_wait3A_19 = tpu.memref_slice %arg11[%mul3A_0, %dma_wait3A_18] : memref<10240x128xf32, #tpu.memory_space<vmem_shared>> -> memref<640x128xf32, #tpu.memory_space<vmem_shared>>
        tpu.wait_dma2 semaphore(%run_scoped3A : memref<!tpu.dma_semaphore, #tpu.memory_space<semaphore_mem>>) src(%dma_wait3A_19 : memref<640x128xf32, #tpu.memory_space<vmem_shared>>) dst(%dma_wait3A_17 : memref<640x128xf32, #tpu.memory_space<hbm>>)
        tpu.yield
      }) : () -> ()
    } else {
    }
    return
  }
}

#map = affine_map<(d0, d1) -> (0, 0)>
#map1 = affine_map<(d0, d1) -> (0)>
module attributes {stable_mosaic.version = 14 : i64} {
  func.func @sc_segsum_counts(%arg0: i32, %arg1: i32, %arg2: memref<10000x128xf32, #tpu.memory_space<hbm>>, %arg3: memref<10000x128xf32, #tpu.memory_space<hbm>>, %arg4: memref<5120x64xi32, #tpu.memory_space<hbm>>, %arg5: memref<5120x64xi32, #tpu.memory_space<hbm>>, %arg6: memref<5120x64xi32, #tpu.memory_space<hbm>>, %arg7: memref<5120x64xi32, #tpu.memory_space<hbm>>, %arg8: memref<10240x128xf32, #tpu.memory_space<hbm>>, %arg9: memref<10240xf32, #tpu.memory_space<hbm>>, %arg10: memref<10240x128xf32, #tpu.memory_space<hbm>>, %arg11: memref<10240x128xf32, #tpu.memory_space<hbm>>, %arg12: memref<10240xf32, #tpu.memory_space<hbm>>, %arg13: memref<10240xf32, #tpu.memory_space<hbm>>, %arg14: memref<10240x128xf32, #tpu.memory_space<vmem_shared>>, %arg15: memref<10240xf32, #tpu.memory_space<vmem_shared>>, %arg16: memref<40x64xi32, #tpu.memory_space<vmem>>, %arg17: memref<40x64xi32, #tpu.memory_space<vmem>>, %arg18: memref<4x64x128xf32, #tpu.memory_space<vmem>>, %arg19: memref<64xf32, #tpu.memory_space<vmem>>, %arg20: memref<!tpu.dma_semaphore, #tpu.memory_space<semaphore_mem>>, %arg21: memref<!tpu.dma_semaphore, #tpu.memory_space<semaphore_mem>>, %arg22: memref<!tpu.dma_semaphore, #tpu.memory_space<semaphore_mem>>, %arg23: memref<!tpu.dma_semaphore, #tpu.memory_space<semaphore_mem>>, %arg24: memref<!tpu.dma_semaphore, #tpu.memory_space<semaphore_mem>>, %arg25: memref<!tpu.dma_semaphore, #tpu.memory_space<semaphore_mem>>, %arg26: memref<!tpu.dma_semaphore, #tpu.memory_space<semaphore_mem>>, %arg27: memref<!tpu.dma_semaphore, #tpu.memory_space<semaphore_mem>>, %arg28: memref<!tpu.dma_semaphore, #tpu.memory_space<semaphore_mem>>) attributes {dimension_semantics = [#tpu.dimension_semantics<core_parallel>, #tpu.dimension_semantics<subcore_parallel>], iteration_bounds = array<i64: 2, 16>, scalar_prefetch = 0 : i64, scratch_operands = 15 : i64, tpu.core_type = #tpu.core_type<sc_vector_subcore>, window_params = [{transform_indices = #map}, {transform_indices = #map}, {transform_indices = #map}, {transform_indices = #map}, {transform_indices = #map}, {transform_indices = #map}, {transform_indices = #map}, {transform_indices = #map1}, {transform_indices = #map}, {transform_indices = #map}, {transform_indices = #map1}, {transform_indices = #map1}]} {
    %mul3A = arith.constant 640 : i32
    %mul3A_0 = arith.muli %arg1, %mul3A : i32
    "tpu.region"() ({
      %run_scoped3A = tpu.sem_alloc : memref<!tpu.dma_semaphore, #tpu.memory_space<semaphore_mem>>
      %dma_start3A = arith.constant 0 : i32
      %dma_start3A_30 = tpu.memref_slice %arg14[%mul3A_0, %dma_start3A] : memref<10240x128xf32, #tpu.memory_space<vmem_shared>> -> memref<640x128xf32, #tpu.memory_space<vmem_shared>>
      %dma_start3A_31 = arith.constant 0 : i32
      %dma_start3A_32 = tpu.memref_slice %arg8[%mul3A_0, %dma_start3A_31] : memref<10240x128xf32, #tpu.memory_space<hbm>> -> memref<640x128xf32, #tpu.memory_space<hbm>>
      tpu.enqueue_dma source(%dma_start3A_32 : memref<640x128xf32, #tpu.memory_space<hbm>>) target(%dma_start3A_30 : memref<640x128xf32, #tpu.memory_space<vmem_shared>>) target_semaphore(%run_scoped3A : memref<!tpu.dma_semaphore, #tpu.memory_space<semaphore_mem>>)
      %dma_wait3A = arith.constant 0 : i32
      %dma_wait3A_33 = tpu.memref_slice %arg14[%mul3A_0, %dma_wait3A] : memref<10240x128xf32, #tpu.memory_space<vmem_shared>> -> memref<640x128xf32, #tpu.memory_space<vmem_shared>>
      %dma_wait3A_34 = arith.constant 0 : i32
      %dma_wait3A_35 = tpu.memref_slice %arg8[%mul3A_0, %dma_wait3A_34] : memref<10240x128xf32, #tpu.memory_space<hbm>> -> memref<640x128xf32, #tpu.memory_space<hbm>>
      tpu.wait_dma2 semaphore(%run_scoped3A : memref<!tpu.dma_semaphore, #tpu.memory_space<semaphore_mem>>) src(%dma_wait3A_35 : memref<640x128xf32, #tpu.memory_space<hbm>>) dst(%dma_wait3A_33 : memref<640x128xf32, #tpu.memory_space<vmem_shared>>)
      tpu.yield
    }) : () -> ()
    "tpu.region"() ({
      %run_scoped3A = tpu.sem_alloc : memref<!tpu.dma_semaphore, #tpu.memory_space<semaphore_mem>>
      %dma_start3A = tpu.memref_slice %arg15[%mul3A_0] : memref<10240xf32, #tpu.memory_space<vmem_shared>> -> memref<640xf32, #tpu.memory_space<vmem_shared>>
      %dma_start3A_30 = tpu.memref_slice %arg9[%mul3A_0] : memref<10240xf32, #tpu.memory_space<hbm>> -> memref<640xf32, #tpu.memory_space<hbm>>
      tpu.enqueue_dma source(%dma_start3A_30 : memref<640xf32, #tpu.memory_space<hbm>>) target(%dma_start3A : memref<640xf32, #tpu.memory_space<vmem_shared>>) target_semaphore(%run_scoped3A : memref<!tpu.dma_semaphore, #tpu.memory_space<semaphore_mem>>)
      %dma_wait3A = tpu.memref_slice %arg15[%mul3A_0] : memref<10240xf32, #tpu.memory_space<vmem_shared>> -> memref<640xf32, #tpu.memory_space<vmem_shared>>
      %dma_wait3A_31 = tpu.memref_slice %arg9[%mul3A_0] : memref<10240xf32, #tpu.memory_space<hbm>> -> memref<640xf32, #tpu.memory_space<hbm>>
      tpu.wait_dma2 semaphore(%run_scoped3A : memref<!tpu.dma_semaphore, #tpu.memory_space<semaphore_mem>>) src(%dma_wait3A_31 : memref<640xf32, #tpu.memory_space<hbm>>) dst(%dma_wait3A : memref<640xf32, #tpu.memory_space<vmem_shared>>)
      tpu.yield
    }) : () -> ()
    %broadcast_in_dim3A = arith.constant 1.000000e+00 : f32
    %broadcast_in_dim3A_1 = vector.broadcast %broadcast_in_dim3A : f32 to vector<16xf32>
    %swap3A = arith.constant 0 : index
    %swap3A_2 = tpu.vector_load %arg19[%swap3A] {strides = array<i32>} : memref<64xf32, #tpu.memory_space<vmem>>, vector<16xf32>,
    %swap3A_3 = vector.shape_cast %swap3A_2 : vector<16xf32> to vector<16xf32>
    %swap3A_4 = vector.shape_cast %broadcast_in_dim3A_1 : vector<16xf32> to vector<16xf32>
    tpu.vector_store %arg19[%swap3A], %swap3A_4 {strides = array<i32>} : memref<64xf32, #tpu.memory_space<vmem>>, vector<16xf32>,
    %broadcast_in_dim3A_5 = arith.constant 1.000000e+00 : f32
    %broadcast_in_dim3A_6 = vector.broadcast %broadcast_in_dim3A_5 : f32 to vector<16xf32>
    %swap3A_7 = arith.constant 16 : index
    %swap3A_8 = tpu.vector_load %arg19[%swap3A_7] {strides = array<i32>} : memref<64xf32, #tpu.memory_space<vmem>>, vector<16xf32>,
    %swap3A_9 = vector.shape_cast %swap3A_8 : vector<16xf32> to vector<16xf32>
    %swap3A_10 = vector.shape_cast %broadcast_in_dim3A_6 : vector<16xf32> to vector<16xf32>
    tpu.vector_store %arg19[%swap3A_7], %swap3A_10 {strides = array<i32>} : memref<64xf32, #tpu.memory_space<vmem>>, vector<16xf32>,
    %broadcast_in_dim3A_11 = arith.constant 1.000000e+00 : f32
    %broadcast_in_dim3A_12 = vector.broadcast %broadcast_in_dim3A_11 : f32 to vector<16xf32>
    %swap3A_13 = arith.constant 32 : index
    %swap3A_14 = tpu.vector_load %arg19[%swap3A_13] {strides = array<i32>} : memref<64xf32, #tpu.memory_space<vmem>>, vector<16xf32>,
    %swap3A_15 = vector.shape_cast %swap3A_14 : vector<16xf32> to vector<16xf32>
    %swap3A_16 = vector.shape_cast %broadcast_in_dim3A_12 : vector<16xf32> to vector<16xf32>
    tpu.vector_store %arg19[%swap3A_13], %swap3A_16 {strides = array<i32>} : memref<64xf32, #tpu.memory_space<vmem>>, vector<16xf32>,
    %broadcast_in_dim3A_17 = arith.constant 1.000000e+00 : f32
    %broadcast_in_dim3A_18 = vector.broadcast %broadcast_in_dim3A_17 : f32 to vector<16xf32>
    %swap3A_19 = arith.constant 48 : index
    %swap3A_20 = tpu.vector_load %arg19[%swap3A_19] {strides = array<i32>} : memref<64xf32, #tpu.memory_space<vmem>>, vector<16xf32>,
    %swap3A_21 = vector.shape_cast %swap3A_20 : vector<16xf32> to vector<16xf32>
    %swap3A_22 = vector.shape_cast %broadcast_in_dim3A_18 : vector<16xf32> to vector<16xf32>
    tpu.vector_store %arg19[%swap3A_19], %swap3A_22 {strides = array<i32>} : memref<64xf32, #tpu.memory_space<vmem>>, vector<16xf32>,
    %barrier3A = arith.constant 0 : index
    tpu.barrier barrier_id(%barrier3A)
    %eq3A = arith.constant 0 : i32
    %eq3A_23 = arith.cmpi eq, %arg0, %eq3A : i32
    %convert_element_type3A = arith.extui %eq3A_23 : i1 to i32
    %cond3A = arith.constant 0 : i32
    %cond3A_24 = arith.cmpi ne, %convert_element_type3A, %cond3A : i32
    scf.if %cond3A_24 {
      %scan3A = arith.constant 0 : i32
      %scan3A_30 = arith.constant 0 : i32
      %scan3A_31 = arith.constant 8 : i32
      %scan3A_32 = arith.addi %scan3A_30, %scan3A_31 : i32
      %scan3A_33 = arith.constant 1 : i32
      scf.for %scan3A_36 = %scan3A_30 to %scan3A_32 step %scan3A_33  : i32 {
        %mul3A_37 = arith.constant 320 : i32
        %mul3A_38 = arith.muli %arg1, %mul3A_37 : i32
        %mul3A_39 = arith.constant 40 : i32
        %mul3A_40 = arith.muli %scan3A_36, %mul3A_39 : i32
        %add3A = arith.addi %mul3A_38, %mul3A_40 : i32
        "tpu.region"() ({
          %run_scoped3A = tpu.sem_alloc : memref<!tpu.dma_semaphore, #tpu.memory_space<semaphore_mem>>
          %dma_start3A_153 = arith.constant 0 : i32
          %dma_start3A_154 = tpu.memref_slice %arg4[%add3A, %dma_start3A_153] : memref<5120x64xi32, #tpu.memory_space<hbm>> -> memref<40x64xi32, #tpu.memory_space<hbm>>
          %dma_start3A_155 = arith.constant 0 : i32
          %dma_start3A_156 = tpu.memref_slice %arg4[%add3A, %dma_start3A_155] : memref<5120x64xi32, #tpu.memory_space<hbm>> -> memref<40x64xi32, #tpu.memory_space<hbm>>
          tpu.enqueue_dma source(%dma_start3A_156 : memref<40x64xi32, #tpu.memory_space<hbm>>) target(%arg16 : memref<40x64xi32, #tpu.memory_space<vmem>>) target_semaphore(%run_scoped3A : memref<!tpu.dma_semaphore, #tpu.memory_space<semaphore_mem>>)
          %dma_wait3A_157 = arith.constant 0 : i32
          %dma_wait3A_158 = tpu.memref_slice %arg4[%add3A, %dma_wait3A_157] : memref<5120x64xi32, #tpu.memory_space<hbm>> -> memref<40x64xi32, #tpu.memory_space<hbm>>
          %dma_wait3A_159 = arith.constant 0 : i32
          %dma_wait3A_160 = tpu.memref_slice %arg4[%add3A, %dma_wait3A_159] : memref<5120x64xi32, #tpu.memory_space<hbm>> -> memref<40x64xi32, #tpu.memory_space<hbm>>
          tpu.wait_dma2 semaphore(%run_scoped3A : memref<!tpu.dma_semaphore, #tpu.memory_space<semaphore_mem>>) src(%dma_wait3A_160 : memref<40x64xi32, #tpu.memory_space<hbm>>) dst(%arg16 : memref<40x64xi32, #tpu.memory_space<vmem>>)
          tpu.yield
        }) : () -> ()
        "tpu.region"() ({
          %run_scoped3A = tpu.sem_alloc : memref<!tpu.dma_semaphore, #tpu.memory_space<semaphore_mem>>
          %dma_start3A_153 = arith.constant 0 : i32
          %dma_start3A_154 = tpu.memref_slice %arg5[%add3A, %dma_start3A_153] : memref<5120x64xi32, #tpu.memory_space<hbm>> -> memref<40x64xi32, #tpu.memory_space<hbm>>
          %dma_start3A_155 = arith.constant 0 : i32
          %dma_start3A_156 = tpu.memref_slice %arg5[%add3A, %dma_start3A_155] : memref<5120x64xi32, #tpu.memory_space<hbm>> -> memref<40x64xi32, #tpu.memory_space<hbm>>
          tpu.enqueue_dma source(%dma_start3A_156 : memref<40x64xi32, #tpu.memory_space<hbm>>) target(%arg17 : memref<40x64xi32, #tpu.memory_space<vmem>>) target_semaphore(%run_scoped3A : memref<!tpu.dma_semaphore, #tpu.memory_space<semaphore_mem>>)
          %dma_wait3A_157 = arith.constant 0 : i32
          %dma_wait3A_158 = tpu.memref_slice %arg5[%add3A, %dma_wait3A_157] : memref<5120x64xi32, #tpu.memory_space<hbm>> -> memref<40x64xi32, #tpu.memory_space<hbm>>
          %dma_wait3A_159 = arith.constant 0 : i32
          %dma_wait3A_160 = tpu.memref_slice %arg5[%add3A, %dma_wait3A_159] : memref<5120x64xi32, #tpu.memory_space<hbm>> -> memref<40x64xi32, #tpu.memory_space<hbm>>
          tpu.wait_dma2 semaphore(%run_scoped3A : memref<!tpu.dma_semaphore, #tpu.memory_space<semaphore_mem>>) src(%dma_wait3A_160 : memref<40x64xi32, #tpu.memory_space<hbm>>) dst(%arg17 : memref<40x64xi32, #tpu.memory_space<vmem>>)
          tpu.yield
        }) : () -> ()
        %dma_start3A = arith.constant 0 : i32
        %dma_start3A_41 = arith.constant 0 : i32
        %dma_start3A_42 = arith.constant 0 : i32
        %dma_start3A_43 = arith.constant 0 : i32
        %dma_start3A_44 = tpu.memref_slice %arg18[%dma_start3A_41, %dma_start3A_42, %dma_start3A_43] : memref<4x64x128xf32, #tpu.memory_space<vmem>> -> memref<1x64x128xf32, #tpu.memory_space<vmem>>
        %dma_start3A_45 = tpu.memref_squeeze %dma_start3A_44 : memref<1x64x128xf32, #tpu.memory_space<vmem>> -> memref<64x128xf32, #tpu.memory_space<vmem>>
        %dma_start3A_46 = arith.constant 0 : i32
        %dma_start3A_47 = tpu.memref_slice %arg16[%dma_start3A, %dma_start3A_46] : memref<40x64xi32, #tpu.memory_space<vmem>> -> memref<1x64xi32, #tpu.memory_space<vmem>>
        %dma_start3A_48 = tpu.memref_squeeze %dma_start3A_47 : memref<1x64xi32, #tpu.memory_space<vmem>> -> memref<64xi32, #tpu.memory_space<vmem>>
        %dma_start3A_49 = arith.constant 0 : i32
        %dma_start3A_50 = arith.constant 0 : i32
        %dma_start3A_51 = tpu.memref_slice %arg2[%dma_start3A_49, %dma_start3A_50] : memref<10000x128xf32, #tpu.memory_space<hbm>> -> memref<10000x128xf32, #tpu.memory_space<hbm>>
        tpu.enqueue_indirect_dma source(%dma_start3A_51 : memref<10000x128xf32, #tpu.memory_space<hbm>>) target(%dma_start3A_45 : memref<64x128xf32, #tpu.memory_space<vmem>>) offsets(%dma_start3A_48 : memref<64xi32, #tpu.memory_space<vmem>>) semaphore(%arg21 : memref<!tpu.dma_semaphore, #tpu.memory_space<semaphore_mem>>)
        %dma_start3A_52 = arith.constant 1 : i32
        %dma_start3A_53 = arith.constant 1 : i32
        %dma_start3A_54 = arith.constant 0 : i32
        %dma_start3A_55 = arith.constant 0 : i32
        %dma_start3A_56 = tpu.memref_slice %arg18[%dma_start3A_53, %dma_start3A_54, %dma_start3A_55] : memref<4x64x128xf32, #tpu.memory_space<vmem>> -> memref<1x64x128xf32, #tpu.memory_space<vmem>>
        %dma_start3A_57 = tpu.memref_squeeze %dma_start3A_56 : memref<1x64x128xf32, #tpu.memory_space<vmem>> -> memref<64x128xf32, #tpu.memory_space<vmem>>
        %dma_start3A_58 = arith.constant 0 : i32
        %dma_start3A_59 = tpu.memref_slice %arg16[%dma_start3A_52, %dma_start3A_58] : memref<40x64xi32, #tpu.memory_space<vmem>> -> memref<1x64xi32, #tpu.memory_space<vmem>>
        %dma_start3A_60 = tpu.memref_squeeze %dma_start3A_59 : memref<1x64xi32, #tpu.memory_space<vmem>> -> memref<64xi32, #tpu.memory_space<vmem>>
        %dma_start3A_61 = arith.constant 0 : i32
        %dma_start3A_62 = arith.constant 0 : i32
        %dma_start3A_63 = tpu.memref_slice %arg2[%dma_start3A_61, %dma_start3A_62] : memref<10000x128xf32, #tpu.memory_space<hbm>> -> memref<10000x128xf32, #tpu.memory_space<hbm>>
        tpu.enqueue_indirect_dma source(%dma_start3A_63 : memref<10000x128xf32, #tpu.memory_space<hbm>>) target(%dma_start3A_57 : memref<64x128xf32, #tpu.memory_space<vmem>>) offsets(%dma_start3A_60 : memref<64xi32, #tpu.memory_space<vmem>>) semaphore(%arg22 : memref<!tpu.dma_semaphore, #tpu.memory_space<semaphore_mem>>)
        %dma_start3A_64 = arith.constant 2 : i32
        %dma_start3A_65 = arith.constant 2 : i32
        %dma_start3A_66 = arith.constant 0 : i32
        %dma_start3A_67 = arith.constant 0 : i32
        %dma_start3A_68 = tpu.memref_slice %arg18[%dma_start3A_65, %dma_start3A_66, %dma_start3A_67] : memref<4x64x128xf32, #tpu.memory_space<vmem>> -> memref<1x64x128xf32, #tpu.memory_space<vmem>>
        %dma_start3A_69 = tpu.memref_squeeze %dma_start3A_68 : memref<1x64x128xf32, #tpu.memory_space<vmem>> -> memref<64x128xf32, #tpu.memory_space<vmem>>
        %dma_start3A_70 = arith.constant 0 : i32
        %dma_start3A_71 = tpu.memref_slice %arg16[%dma_start3A_64, %dma_start3A_70] : memref<40x64xi32, #tpu.memory_space<vmem>> -> memref<1x64xi32, #tpu.memory_space<vmem>>
        %dma_start3A_72 = tpu.memref_squeeze %dma_start3A_71 : memref<1x64xi32, #tpu.memory_space<vmem>> -> memref<64xi32, #tpu.memory_space<vmem>>
        %dma_start3A_73 = arith.constant 0 : i32
        %dma_start3A_74 = arith.constant 0 : i32
        %dma_start3A_75 = tpu.memref_slice %arg2[%dma_start3A_73, %dma_start3A_74] : memref<10000x128xf32, #tpu.memory_space<hbm>> -> memref<10000x128xf32, #tpu.memory_space<hbm>>
        tpu.enqueue_indirect_dma source(%dma_start3A_75 : memref<10000x128xf32, #tpu.memory_space<hbm>>) target(%dma_start3A_69 : memref<64x128xf32, #tpu.memory_space<vmem>>) offsets(%dma_start3A_72 : memref<64xi32, #tpu.memory_space<vmem>>) semaphore(%arg23 : memref<!tpu.dma_semaphore, #tpu.memory_space<semaphore_mem>>)
        %scan3A_76 = arith.constant 0 : i32
        %scan3A_77 = arith.constant 0 : i32
        %scan3A_78 = arith.constant 10 : i32
        %scan3A_79 = arith.addi %scan3A_77, %scan3A_78 : i32
        %scan3A_80 = arith.constant 1 : i32
        scf.for %scan3A_153 = %scan3A_77 to %scan3A_79 step %scan3A_80  : i32 {
          %mul3A_154 = arith.constant 4 : i32
          %mul3A_155 = arith.muli %scan3A_153, %mul3A_154 : i32
          %add3A_156 = arith.constant 0 : i32
          %add3A_157 = arith.addi %mul3A_155, %add3A_156 : i32
          %add3A_158 = arith.constant 3 : i32
          %add3A_159 = arith.addi %add3A_157, %add3A_158 : i32
          %lt3A = arith.constant 40 : i32
          %lt3A_160 = arith.cmpi slt, %add3A_159, %lt3A : i32
          %ge3A = arith.constant 4 : i32
          %ge3A_161 = arith.cmpi sge, %add3A_159, %ge3A : i32
          %and3A = arith.andi %lt3A_160, %ge3A_161 : i1
          %convert_element_type3A_162 = arith.extui %and3A : i1 to i32
          %cond3A_163 = arith.constant 0 : i32
          %cond3A_164 = arith.cmpi ne, %convert_element_type3A_162, %cond3A_163 : i32
          scf.if %cond3A_164 {
            %dma_wait3A_353 = arith.constant 3 : i32
            %dma_wait3A_354 = arith.constant 0 : i32
            %dma_wait3A_355 = arith.constant 0 : i32
            %dma_wait3A_356 = arith.constant 0 : i32
            %dma_wait3A_357 = tpu.memref_slice %arg18[%dma_wait3A_353, %dma_wait3A_355, %dma_wait3A_356] : memref<4x64x128xf32, #tpu.memory_space<vmem>> -> memref<1x64x128xf32, #tpu.memory_space<vmem>>
            %dma_wait3A_358 = tpu.memref_squeeze %dma_wait3A_357 : memref<1x64x128xf32, #tpu.memory_space<vmem>> -> memref<64x128xf32, #tpu.memory_space<vmem>>
            %dma_wait3A_359 = arith.constant 0 : i32
            %dma_wait3A_360 = tpu.memref_slice %arg17[%dma_wait3A_354, %dma_wait3A_359] : memref<40x64xi32, #tpu.memory_space<vmem>> -> memref<1x64xi32, #tpu.memory_space<vmem>>
            %dma_wait3A_361 = tpu.memref_squeeze %dma_wait3A_360 : memref<1x64xi32, #tpu.memory_space<vmem>> -> memref<64xi32, #tpu.memory_space<vmem>>
            %dma_wait3A_362 = arith.constant 0 : i32
            %dma_wait3A_363 = arith.constant 0 : i32
            %dma_wait3A_364 = tpu.memref_slice %arg14[%dma_wait3A_362, %dma_wait3A_363] : memref<10240x128xf32, #tpu.memory_space<vmem_shared>> -> memref<10240x128xf32, #tpu.memory_space<vmem_shared>>
            tpu.wait_indirect_dma semaphore(%arg28 : memref<!tpu.dma_semaphore, #tpu.memory_space<semaphore_mem>>) src(%dma_wait3A_358 : memref<64x128xf32, #tpu.memory_space<vmem>>) dst(%dma_wait3A_364 : memref<10240x128xf32, #tpu.memory_space<vmem_shared>>)
          } else {
          }
          %lt3A_165 = arith.constant 40 : i32
          %lt3A_166 = arith.cmpi slt, %add3A_159, %lt3A_165 : i32
          %convert_element_type3A_167 = arith.extui %lt3A_166 : i1 to i32
          %cond3A_168 = arith.constant 0 : i32
          %cond3A_169 = arith.cmpi ne, %convert_element_type3A_167, %cond3A_168 : i32
          scf.if %cond3A_169 {
            %dma_start3A_353 = arith.constant 3 : i32
            %dma_start3A_354 = arith.constant 0 : i32
            %dma_start3A_355 = arith.constant 0 : i32
            %dma_start3A_356 = tpu.memref_slice %arg18[%dma_start3A_353, %dma_start3A_354, %dma_start3A_355] : memref<4x64x128xf32, #tpu.memory_space<vmem>> -> memref<1x64x128xf32, #tpu.memory_space<vmem>>
            %dma_start3A_357 = tpu.memref_squeeze %dma_start3A_356 : memref<1x64x128xf32, #tpu.memory_space<vmem>> -> memref<64x128xf32, #tpu.memory_space<vmem>>
            %dma_start3A_358 = arith.constant 0 : i32
            %dma_start3A_359 = tpu.memref_slice %arg16[%add3A_159, %dma_start3A_358] : memref<40x64xi32, #tpu.memory_space<vmem>> -> memref<1x64xi32, #tpu.memory_space<vmem>>
            %dma_start3A_360 = tpu.memref_squeeze %dma_start3A_359 : memref<1x64xi32, #tpu.memory_space<vmem>> -> memref<64xi32, #tpu.memory_space<vmem>>
            %dma_start3A_361 = arith.constant 0 : i32
            %dma_start3A_362 = arith.constant 0 : i32
            %dma_start3A_363 = tpu.memref_slice %arg2[%dma_start3A_361, %dma_start3A_362] : memref<10000x128xf32, #tpu.memory_space<hbm>> -> memref<10000x128xf32, #tpu.memory_space<hbm>>
            tpu.enqueue_indirect_dma source(%dma_start3A_363 : memref<10000x128xf32, #tpu.memory_space<hbm>>) target(%dma_start3A_357 : memref<64x128xf32, #tpu.memory_space<vmem>>) offsets(%dma_start3A_360 : memref<64xi32, #tpu.memory_space<vmem>>) semaphore(%arg24 : memref<!tpu.dma_semaphore, #tpu.memory_space<semaphore_mem>>)
          } else {
          }
          %dma_wait3A_170 = arith.constant 0 : i32
          %dma_wait3A_171 = arith.constant 0 : i32
          %dma_wait3A_172 = arith.constant 0 : i32
          %dma_wait3A_173 = arith.constant 0 : i32
          %dma_wait3A_174 = tpu.memref_slice %arg18[%dma_wait3A_171, %dma_wait3A_172, %dma_wait3A_173] : memref<4x64x128xf32, #tpu.memory_space<vmem>> -> memref<1x64x128xf32, #tpu.memory_space<vmem>>
          %dma_wait3A_175 = tpu.memref_squeeze %dma_wait3A_174 : memref<1x64x128xf32, #tpu.memory_space<vmem>> -> memref<64x128xf32, #tpu.memory_space<vmem>>
          %dma_wait3A_176 = arith.constant 0 : i32
          %dma_wait3A_177 = tpu.memref_slice %arg16[%dma_wait3A_170, %dma_wait3A_176] : memref<40x64xi32, #tpu.memory_space<vmem>> -> memref<1x64xi32, #tpu.memory_space<vmem>>
          %dma_wait3A_178 = tpu.memref_squeeze %dma_wait3A_177 : memref<1x64xi32, #tpu.memory_space<vmem>> -> memref<64xi32, #tpu.memory_space<vmem>>
          %dma_wait3A_179 = arith.constant 0 : i32
          %dma_wait3A_180 = arith.constant 0 : i32
          %dma_wait3A_181 = tpu.memref_slice %arg2[%dma_wait3A_179, %dma_wait3A_180] : memref<10000x128xf32, #tpu.memory_space<hbm>> -> memref<10000x128xf32, #tpu.memory_space<hbm>>
          tpu.wait_indirect_dma semaphore(%arg21 : memref<!tpu.dma_semaphore, #tpu.memory_space<semaphore_mem>>) src(%dma_wait3A_181 : memref<10000x128xf32, #tpu.memory_space<hbm>>) dst(%dma_wait3A_175 : memref<64x128xf32, #tpu.memory_space<vmem>>)
          %dma_start3A_182 = arith.constant 0 : i32
          %dma_start3A_183 = arith.constant 0 : i32
          %dma_start3A_184 = arith.constant 0 : i32
          %dma_start3A_185 = tpu.memref_slice %arg18[%dma_start3A_182, %dma_start3A_183, %dma_start3A_184] : memref<4x64x128xf32, #tpu.memory_space<vmem>> -> memref<1x64x128xf32, #tpu.memory_space<vmem>>
          %dma_start3A_186 = tpu.memref_squeeze %dma_start3A_185 : memref<1x64x128xf32, #tpu.memory_space<vmem>> -> memref<64x128xf32, #tpu.memory_space<vmem>>
          %dma_start3A_187 = arith.constant 0 : i32
          %dma_start3A_188 = tpu.memref_slice %arg17[%add3A_157, %dma_start3A_187] : memref<40x64xi32, #tpu.memory_space<vmem>> -> memref<1x64xi32, #tpu.memory_space<vmem>>
          %dma_start3A_189 = tpu.memref_squeeze %dma_start3A_188 : memref<1x64xi32, #tpu.memory_space<vmem>> -> memref<64xi32, #tpu.memory_space<vmem>>
          %dma_start3A_190 = arith.constant 0 : i32
          %dma_start3A_191 = arith.constant 0 : i32
          %dma_start3A_192 = tpu.memref_slice %arg14[%dma_start3A_190, %dma_start3A_191] : memref<10240x128xf32, #tpu.memory_space<vmem_shared>> -> memref<10240x128xf32, #tpu.memory_space<vmem_shared>>
          tpu.enqueue_indirect_dma source(%dma_start3A_186 : memref<64x128xf32, #tpu.memory_space<vmem>>) target(%dma_start3A_192 : memref<10240x128xf32, #tpu.memory_space<vmem_shared>>) offsets(%dma_start3A_189 : memref<64xi32, #tpu.memory_space<vmem>>) semaphore(%arg25 : memref<!tpu.dma_semaphore, #tpu.memory_space<semaphore_mem>>) {add = true}
          %dma_start3A_193 = arith.constant 0 : i32
          %dma_start3A_194 = tpu.memref_slice %arg17[%add3A_157, %dma_start3A_193] : memref<40x64xi32, #tpu.memory_space<vmem>> -> memref<1x64xi32, #tpu.memory_space<vmem>>
          %dma_start3A_195 = tpu.memref_squeeze %dma_start3A_194 : memref<1x64xi32, #tpu.memory_space<vmem>> -> memref<64xi32, #tpu.memory_space<vmem>>
          %dma_start3A_196 = arith.constant 0 : i32
          %dma_start3A_197 = tpu.memref_slice %arg15[%dma_start3A_196] : memref<10240xf32, #tpu.memory_space<vmem_shared>> -> memref<10240xf32, #tpu.memory_space<vmem_shared>>
          tpu.enqueue_indirect_dma source(%arg19 : memref<64xf32, #tpu.memory_space<vmem>>) target(%dma_start3A_197 : memref<10240xf32, #tpu.memory_space<vmem_shared>>) offsets(%dma_start3A_195 : memref<64xi32, #tpu.memory_space<vmem>>) semaphore(%arg20 : memref<!tpu.dma_semaphore, #tpu.memory_space<semaphore_mem>>) {add = true}
          %ge3A_198 = arith.constant 4 : i32
          %ge3A_199 = arith.cmpi sge, %add3A_157, %ge3A_198 : i32
          %convert_element_type3A_200 = arith.extui %ge3A_199 : i1 to i32
          %cond3A_201 = arith.constant 0 : i32
          %cond3A_202 = arith.cmpi ne, %convert_element_type3A_200, %cond3A_201 : i32
          scf.if %cond3A_202 {
            %dma_wait3A_353 = arith.constant 0 : i32
            %dma_wait3A_354 = arith.constant 0 : i32
            %dma_wait3A_355 = tpu.memref_slice %arg17[%dma_wait3A_353, %dma_wait3A_354] : memref<40x64xi32, #tpu.memory_space<vmem>> -> memref<1x64xi32, #tpu.memory_space<vmem>>
            %dma_wait3A_356 = tpu.memref_squeeze %dma_wait3A_355 : memref<1x64xi32, #tpu.memory_space<vmem>> -> memref<64xi32, #tpu.memory_space<vmem>>
            %dma_wait3A_357 = arith.constant 0 : i32
            %dma_wait3A_358 = tpu.memref_slice %arg15[%dma_wait3A_357] : memref<10240xf32, #tpu.memory_space<vmem_shared>> -> memref<10240xf32, #tpu.memory_space<vmem_shared>>
            tpu.wait_indirect_dma semaphore(%arg20 : memref<!tpu.dma_semaphore, #tpu.memory_space<semaphore_mem>>) src(%arg19 : memref<64xf32, #tpu.memory_space<vmem>>) dst(%dma_wait3A_358 : memref<10240xf32, #tpu.memory_space<vmem_shared>>)
          } else {
          }
          %add3A_203 = arith.constant 1 : i32
          %add3A_204 = arith.addi %mul3A_155, %add3A_203 : i32
          %add3A_205 = arith.constant 3 : i32
          %add3A_206 = arith.addi %add3A_204, %add3A_205 : i32
          %lt3A_207 = arith.constant 40 : i32
          %lt3A_208 = arith.cmpi slt, %add3A_206, %lt3A_207 : i32
          %ge3A_209 = arith.constant 4 : i32
          %ge3A_210 = arith.cmpi sge, %add3A_206, %ge3A_209 : i32
          %and3A_211 = arith.andi %lt3A_208, %ge3A_210 : i1
          %convert_element_type3A_212 = arith.extui %and3A_211 : i1 to i32
          %cond3A_213 = arith.constant 0 : i32
          %cond3A_214 = arith.cmpi ne, %convert_element_type3A_212, %cond3A_213 : i32
          scf.if %cond3A_214 {
            %dma_wait3A_353 = arith.constant 0 : i32
            %dma_wait3A_354 = arith.constant 0 : i32
            %dma_wait3A_355 = arith.constant 0 : i32
            %dma_wait3A_356 = arith.constant 0 : i32
            %dma_wait3A_357 = tpu.memref_slice %arg18[%dma_wait3A_353, %dma_wait3A_355, %dma_wait3A_356] : memref<4x64x128xf32, #tpu.memory_space<vmem>> -> memref<1x64x128xf32, #tpu.memory_space<vmem>>
            %dma_wait3A_358 = tpu.memref_squeeze %dma_wait3A_357 : memref<1x64x128xf32, #tpu.memory_space<vmem>> -> memref<64x128xf32, #tpu.memory_space<vmem>>
            %dma_wait3A_359 = arith.constant 0 : i32
            %dma_wait3A_360 = tpu.memref_slice %arg17[%dma_wait3A_354, %dma_wait3A_359] : memref<40x64xi32, #tpu.memory_space<vmem>> -> memref<1x64xi32, #tpu.memory_space<vmem>>
            %dma_wait3A_361 = tpu.memref_squeeze %dma_wait3A_360 : memref<1x64xi32, #tpu.memory_space<vmem>> -> memref<64xi32, #tpu.memory_space<vmem>>
            %dma_wait3A_362 = arith.constant 0 : i32
            %dma_wait3A_363 = arith.constant 0 : i32
            %dma_wait3A_364 = tpu.memref_slice %arg14[%dma_wait3A_362, %dma_wait3A_363] : memref<10240x128xf32, #tpu.memory_space<vmem_shared>> -> memref<10240x128xf32, #tpu.memory_space<vmem_shared>>
            tpu.wait_indirect_dma semaphore(%arg25 : memref<!tpu.dma_semaphore, #tpu.memory_space<semaphore_mem>>) src(%dma_wait3A_358 : memref<64x128xf32, #tpu.memory_space<vmem>>) dst(%dma_wait3A_364 : memref<10240x128xf32, #tpu.memory_space<vmem_shared>>)
          } else {
          }
          %lt3A_215 = arith.constant 40 : i32
          %lt3A_216 = arith.cmpi slt, %add3A_206, %lt3A_215 : i32
          %convert_element_type3A_217 = arith.extui %lt3A_216 : i1 to i32
          %cond3A_218 = arith.constant 0 : i32
          %cond3A_219 = arith.cmpi ne, %convert_element_type3A_217, %cond3A_218 : i32
          scf.if %cond3A_219 {
            %dma_start3A_353 = arith.constant 0 : i32
            %dma_start3A_354 = arith.constant 0 : i32
            %dma_start3A_355 = arith.constant 0 : i32
            %dma_start3A_356 = tpu.memref_slice %arg18[%dma_start3A_353, %dma_start3A_354, %dma_start3A_355] : memref<4x64x128xf32, #tpu.memory_space<vmem>> -> memref<1x64x128xf32, #tpu.memory_space<vmem>>
            %dma_start3A_357 = tpu.memref_squeeze %dma_start3A_356 : memref<1x64x128xf32, #tpu.memory_space<vmem>> -> memref<64x128xf32, #tpu.memory_space<vmem>>
            %dma_start3A_358 = arith.constant 0 : i32
            %dma_start3A_359 = tpu.memref_slice %arg16[%add3A_206, %dma_start3A_358] : memref<40x64xi32, #tpu.memory_space<vmem>> -> memref<1x64xi32, #tpu.memory_space<vmem>>
            %dma_start3A_360 = tpu.memref_squeeze %dma_start3A_359 : memref<1x64xi32, #tpu.memory_space<vmem>> -> memref<64xi32, #tpu.memory_space<vmem>>
            %dma_start3A_361 = arith.constant 0 : i32
            %dma_start3A_362 = arith.constant 0 : i32
            %dma_start3A_363 = tpu.memref_slice %arg2[%dma_start3A_361, %dma_start3A_362] : memref<10000x128xf32, #tpu.memory_space<hbm>> -> memref<10000x128xf32, #tpu.memory_space<hbm>>
            tpu.enqueue_indirect_dma source(%dma_start3A_363 : memref<10000x128xf32, #tpu.memory_space<hbm>>) target(%dma_start3A_357 : memref<64x128xf32, #tpu.memory_space<vmem>>) offsets(%dma_start3A_360 : memref<64xi32, #tpu.memory_space<vmem>>) semaphore(%arg21 : memref<!tpu.dma_semaphore, #tpu.memory_space<semaphore_mem>>)
          } else {
          }
          %dma_wait3A_220 = arith.constant 0 : i32
          %dma_wait3A_221 = arith.constant 1 : i32
          %dma_wait3A_222 = arith.constant 0 : i32
          %dma_wait3A_223 = arith.constant 0 : i32
          %dma_wait3A_224 = tpu.memref_slice %arg18[%dma_wait3A_221, %dma_wait3A_222, %dma_wait3A_223] : memref<4x64x128xf32, #tpu.memory_space<vmem>> -> memref<1x64x128xf32, #tpu.memory_space<vmem>>
          %dma_wait3A_225 = tpu.memref_squeeze %dma_wait3A_224 : memref<1x64x128xf32, #tpu.memory_space<vmem>> -> memref<64x128xf32, #tpu.memory_space<vmem>>
          %dma_wait3A_226 = arith.constant 0 : i32
          %dma_wait3A_227 = tpu.memref_slice %arg16[%dma_wait3A_220, %dma_wait3A_226] : memref<40x64xi32, #tpu.memory_space<vmem>> -> memref<1x64xi32, #tpu.memory_space<vmem>>
          %dma_wait3A_228 = tpu.memref_squeeze %dma_wait3A_227 : memref<1x64xi32, #tpu.memory_space<vmem>> -> memref<64xi32, #tpu.memory_space<vmem>>
          %dma_wait3A_229 = arith.constant 0 : i32
          %dma_wait3A_230 = arith.constant 0 : i32
          %dma_wait3A_231 = tpu.memref_slice %arg2[%dma_wait3A_229, %dma_wait3A_230] : memref<10000x128xf32, #tpu.memory_space<hbm>> -> memref<10000x128xf32, #tpu.memory_space<hbm>>
          tpu.wait_indirect_dma semaphore(%arg22 : memref<!tpu.dma_semaphore, #tpu.memory_space<semaphore_mem>>) src(%dma_wait3A_231 : memref<10000x128xf32, #tpu.memory_space<hbm>>) dst(%dma_wait3A_225 : memref<64x128xf32, #tpu.memory_space<vmem>>)
          %dma_start3A_232 = arith.constant 1 : i32
          %dma_start3A_233 = arith.constant 0 : i32
          %dma_start3A_234 = arith.constant 0 : i32
          %dma_start3A_235 = tpu.memref_slice %arg18[%dma_start3A_232, %dma_start3A_233, %dma_start3A_234] : memref<4x64x128xf32, #tpu.memory_space<vmem>> -> memref<1x64x128xf32, #tpu.memory_space<vmem>>
          %dma_start3A_236 = tpu.memref_squeeze %dma_start3A_235 : memref<1x64x128xf32, #tpu.memory_space<vmem>> -> memref<64x128xf32, #tpu.memory_space<vmem>>
          %dma_start3A_237 = arith.constant 0 : i32
          %dma_start3A_238 = tpu.memref_slice %arg17[%add3A_204, %dma_start3A_237] : memref<40x64xi32, #tpu.memory_space<vmem>> -> memref<1x64xi32, #tpu.memory_space<vmem>>
          %dma_start3A_239 = tpu.memref_squeeze %dma_start3A_238 : memref<1x64xi32, #tpu.memory_space<vmem>> -> memref<64xi32, #tpu.memory_space<vmem>>
          %dma_start3A_240 = arith.constant 0 : i32
          %dma_start3A_241 = arith.constant 0 : i32
          %dma_start3A_242 = tpu.memref_slice %arg14[%dma_start3A_240, %dma_start3A_241] : memref<10240x128xf32, #tpu.memory_space<vmem_shared>> -> memref<10240x128xf32, #tpu.memory_space<vmem_shared>>
          tpu.enqueue_indirect_dma source(%dma_start3A_236 : memref<64x128xf32, #tpu.memory_space<vmem>>) target(%dma_start3A_242 : memref<10240x128xf32, #tpu.memory_space<vmem_shared>>) offsets(%dma_start3A_239 : memref<64xi32, #tpu.memory_space<vmem>>) semaphore(%arg26 : memref<!tpu.dma_semaphore, #tpu.memory_space<semaphore_mem>>) {add = true}
          %dma_start3A_243 = arith.constant 0 : i32
          %dma_start3A_244 = tpu.memref_slice %arg17[%add3A_204, %dma_start3A_243] : memref<40x64xi32, #tpu.memory_space<vmem>> -> memref<1x64xi32, #tpu.memory_space<vmem>>
          %dma_start3A_245 = tpu.memref_squeeze %dma_start3A_244 : memref<1x64xi32, #tpu.memory_space<vmem>> -> memref<64xi32, #tpu.memory_space<vmem>>
          %dma_start3A_246 = arith.constant 0 : i32
          %dma_start3A_247 = tpu.memref_slice %arg15[%dma_start3A_246] : memref<10240xf32, #tpu.memory_space<vmem_shared>> -> memref<10240xf32, #tpu.memory_space<vmem_shared>>
          tpu.enqueue_indirect_dma source(%arg19 : memref<64xf32, #tpu.memory_space<vmem>>) target(%dma_start3A_247 : memref<10240xf32, #tpu.memory_space<vmem_shared>>) offsets(%dma_start3A_245 : memref<64xi32, #tpu.memory_space<vmem>>) semaphore(%arg20 : memref<!tpu.dma_semaphore, #tpu.memory_space<semaphore_mem>>) {add = true}
          %ge3A_248 = arith.constant 4 : i32
          %ge3A_249 = arith.cmpi sge, %add3A_204, %ge3A_248 : i32
          %convert_element_type3A_250 = arith.extui %ge3A_249 : i1 to i32
          %cond3A_251 = arith.constant 0 : i32
          %cond3A_252 = arith.cmpi ne, %convert_element_type3A_250, %cond3A_251 : i32
          scf.if %cond3A_252 {
            %dma_wait3A_353 = arith.constant 0 : i32
            %dma_wait3A_354 = arith.constant 0 : i32
            %dma_wait3A_355 = tpu.memref_slice %arg17[%dma_wait3A_353, %dma_wait3A_354] : memref<40x64xi32, #tpu.memory_space<vmem>> -> memref<1x64xi32, #tpu.memory_space<vmem>>
            %dma_wait3A_356 = tpu.memref_squeeze %dma_wait3A_355 : memref<1x64xi32, #tpu.memory_space<vmem>> -> memref<64xi32, #tpu.memory_space<vmem>>
            %dma_wait3A_357 = arith.constant 0 : i32
            %dma_wait3A_358 = tpu.memref_slice %arg15[%dma_wait3A_357] : memref<10240xf32, #tpu.memory_space<vmem_shared>> -> memref<10240xf32, #tpu.memory_space<vmem_shared>>
            tpu.wait_indirect_dma semaphore(%arg20 : memref<!tpu.dma_semaphore, #tpu.memory_space<semaphore_mem>>) src(%arg19 : memref<64xf32, #tpu.memory_space<vmem>>) dst(%dma_wait3A_358 : memref<10240xf32, #tpu.memory_space<vmem_shared>>)
          } else {
          }
          %add3A_253 = arith.constant 2 : i32
          %add3A_254 = arith.addi %mul3A_155, %add3A_253 : i32
          %add3A_255 = arith.constant 3 : i32
          %add3A_256 = arith.addi %add3A_254, %add3A_255 : i32
          %lt3A_257 = arith.constant 40 : i32
          %lt3A_258 = arith.cmpi slt, %add3A_256, %lt3A_257 : i32
          %ge3A_259 = arith.constant 4 : i32
          %ge3A_260 = arith.cmpi sge, %add3A_256, %ge3A_259 : i32
          %and3A_261 = arith.andi %lt3A_258, %ge3A_260 : i1
          %convert_element_type3A_262 = arith.extui %and3A_261 : i1 to i32
          %cond3A_263 = arith.constant 0 : i32
          %cond3A_264 = arith.cmpi ne, %convert_element_type3A_262, %cond3A_263 : i32
          scf.if %cond3A_264 {
            %dma_wait3A_353 = arith.constant 1 : i32
            %dma_wait3A_354 = arith.constant 0 : i32
            %dma_wait3A_355 = arith.constant 0 : i32
            %dma_wait3A_356 = arith.constant 0 : i32
            %dma_wait3A_357 = tpu.memref_slice %arg18[%dma_wait3A_353, %dma_wait3A_355, %dma_wait3A_356] : memref<4x64x128xf32, #tpu.memory_space<vmem>> -> memref<1x64x128xf32, #tpu.memory_space<vmem>>
            %dma_wait3A_358 = tpu.memref_squeeze %dma_wait3A_357 : memref<1x64x128xf32, #tpu.memory_space<vmem>> -> memref<64x128xf32, #tpu.memory_space<vmem>>
            %dma_wait3A_359 = arith.constant 0 : i32
            %dma_wait3A_360 = tpu.memref_slice %arg17[%dma_wait3A_354, %dma_wait3A_359] : memref<40x64xi32, #tpu.memory_space<vmem>> -> memref<1x64xi32, #tpu.memory_space<vmem>>
            %dma_wait3A_361 = tpu.memref_squeeze %dma_wait3A_360 : memref<1x64xi32, #tpu.memory_space<vmem>> -> memref<64xi32, #tpu.memory_space<vmem>>
            %dma_wait3A_362 = arith.constant 0 : i32
            %dma_wait3A_363 = arith.constant 0 : i32
            %dma_wait3A_364 = tpu.memref_slice %arg14[%dma_wait3A_362, %dma_wait3A_363] : memref<10240x128xf32, #tpu.memory_space<vmem_shared>> -> memref<10240x128xf32, #tpu.memory_space<vmem_shared>>
            tpu.wait_indirect_dma semaphore(%arg26 : memref<!tpu.dma_semaphore, #tpu.memory_space<semaphore_mem>>) src(%dma_wait3A_358 : memref<64x128xf32, #tpu.memory_space<vmem>>) dst(%dma_wait3A_364 : memref<10240x128xf32, #tpu.memory_space<vmem_shared>>)
          } else {
          }
          %lt3A_265 = arith.constant 40 : i32
          %lt3A_266 = arith.cmpi slt, %add3A_256, %lt3A_265 : i32
          %convert_element_type3A_267 = arith.extui %lt3A_266 : i1 to i32
          %cond3A_268 = arith.constant 0 : i32
          %cond3A_269 = arith.cmpi ne, %convert_element_type3A_267, %cond3A_268 : i32
          scf.if %cond3A_269 {
            %dma_start3A_353 = arith.constant 1 : i32
            %dma_start3A_354 = arith.constant 0 : i32
            %dma_start3A_355 = arith.constant 0 : i32
            %dma_start3A_356 = tpu.memref_slice %arg18[%dma_start3A_353, %dma_start3A_354, %dma_start3A_355] : memref<4x64x128xf32, #tpu.memory_space<vmem>> -> memref<1x64x128xf32, #tpu.memory_space<vmem>>
            %dma_start3A_357 = tpu.memref_squeeze %dma_start3A_356 : memref<1x64x128xf32, #tpu.memory_space<vmem>> -> memref<64x128xf32, #tpu.memory_space<vmem>>
            %dma_start3A_358 = arith.constant 0 : i32
            %dma_start3A_359 = tpu.memref_slice %arg16[%add3A_256, %dma_start3A_358] : memref<40x64xi32, #tpu.memory_space<vmem>> -> memref<1x64xi32, #tpu.memory_space<vmem>>
            %dma_start3A_360 = tpu.memref_squeeze %dma_start3A_359 : memref<1x64xi32, #tpu.memory_space<vmem>> -> memref<64xi32, #tpu.memory_space<vmem>>
            %dma_start3A_361 = arith.constant 0 : i32
            %dma_start3A_362 = arith.constant 0 : i32
            %dma_start3A_363 = tpu.memref_slice %arg2[%dma_start3A_361, %dma_start3A_362] : memref<10000x128xf32, #tpu.memory_space<hbm>> -> memref<10000x128xf32, #tpu.memory_space<hbm>>
            tpu.enqueue_indirect_dma source(%dma_start3A_363 : memref<10000x128xf32, #tpu.memory_space<hbm>>) target(%dma_start3A_357 : memref<64x128xf32, #tpu.memory_space<vmem>>) offsets(%dma_start3A_360 : memref<64xi32, #tpu.memory_space<vmem>>) semaphore(%arg22 : memref<!tpu.dma_semaphore, #tpu.memory_space<semaphore_mem>>)
          } else {
          }
          %dma_wait3A_270 = arith.constant 0 : i32
          %dma_wait3A_271 = arith.constant 2 : i32
          %dma_wait3A_272 = arith.constant 0 : i32
          %dma_wait3A_273 = arith.constant 0 : i32
          %dma_wait3A_274 = tpu.memref_slice %arg18[%dma_wait3A_271, %dma_wait3A_272, %dma_wait3A_273] : memref<4x64x128xf32, #tpu.memory_space<vmem>> -> memref<1x64x128xf32, #tpu.memory_space<vmem>>
          %dma_wait3A_275 = tpu.memref_squeeze %dma_wait3A_274 : memref<1x64x128xf32, #tpu.memory_space<vmem>> -> memref<64x128xf32, #tpu.memory_space<vmem>>
          %dma_wait3A_276 = arith.constant 0 : i32
          %dma_wait3A_277 = tpu.memref_slice %arg16[%dma_wait3A_270, %dma_wait3A_276] : memref<40x64xi32, #tpu.memory_space<vmem>> -> memref<1x64xi32, #tpu.memory_space<vmem>>
          %dma_wait3A_278 = tpu.memref_squeeze %dma_wait3A_277 : memref<1x64xi32, #tpu.memory_space<vmem>> -> memref<64xi32, #tpu.memory_space<vmem>>
          %dma_wait3A_279 = arith.constant 0 : i32
          %dma_wait3A_280 = arith.constant 0 : i32
          %dma_wait3A_281 = tpu.memref_slice %arg2[%dma_wait3A_279, %dma_wait3A_280] : memref<10000x128xf32, #tpu.memory_space<hbm>> -> memref<10000x128xf32, #tpu.memory_space<hbm>>
          tpu.wait_indirect_dma semaphore(%arg23 : memref<!tpu.dma_semaphore, #tpu.memory_space<semaphore_mem>>) src(%dma_wait3A_281 : memref<10000x128xf32, #tpu.memory_space<hbm>>) dst(%dma_wait3A_275 : memref<64x128xf32, #tpu.memory_space<vmem>>)
          %dma_start3A_282 = arith.constant 2 : i32
          %dma_start3A_283 = arith.constant 0 : i32
          %dma_start3A_284 = arith.constant 0 : i32
          %dma_start3A_285 = tpu.memref_slice %arg18[%dma_start3A_282, %dma_start3A_283, %dma_start3A_284] : memref<4x64x128xf32, #tpu.memory_space<vmem>> -> memref<1x64x128xf32, #tpu.memory_space<vmem>>
          %dma_start3A_286 = tpu.memref_squeeze %dma_start3A_285 : memref<1x64x128xf32, #tpu.memory_space<vmem>> -> memref<64x128xf32, #tpu.memory_space<vmem>>
          %dma_start3A_287 = arith.constant 0 : i32
          %dma_start3A_288 = tpu.memref_slice %arg17[%add3A_254, %dma_start3A_287] : memref<40x64xi32, #tpu.memory_space<vmem>> -> memref<1x64xi32, #tpu.memory_space<vmem>>
          %dma_start3A_289 = tpu.memref_squeeze %dma_start3A_288 : memref<1x64xi32, #tpu.memory_space<vmem>> -> memref<64xi32, #tpu.memory_space<vmem>>
          %dma_start3A_290 = arith.constant 0 : i32
          %dma_start3A_291 = arith.constant 0 : i32
          %dma_start3A_292 = tpu.memref_slice %arg14[%dma_start3A_290, %dma_start3A_291] : memref<10240x128xf32, #tpu.memory_space<vmem_shared>> -> memref<10240x128xf32, #tpu.memory_space<vmem_shared>>
          tpu.enqueue_indirect_dma source(%dma_start3A_286 : memref<64x128xf32, #tpu.memory_space<vmem>>) target(%dma_start3A_292 : memref<10240x128xf32, #tpu.memory_space<vmem_shared>>) offsets(%dma_start3A_289 : memref<64xi32, #tpu.memory_space<vmem>>) semaphore(%arg27 : memref<!tpu.dma_semaphore, #tpu.memory_space<semaphore_mem>>) {add = true}
          %dma_start3A_293 = arith.constant 0 : i32
          %dma_start3A_294 = tpu.memref_slice %arg17[%add3A_254, %dma_start3A_293] : memref<40x64xi32, #tpu.memory_space<vmem>> -> memref<1x64xi32, #tpu.memory_space<vmem>>
          %dma_start3A_295 = tpu.memref_squeeze %dma_start3A_294 : memref<1x64xi32, #tpu.memory_space<vmem>> -> memref<64xi32, #tpu.memory_space<vmem>>
          %dma_start3A_296 = arith.constant 0 : i32
          %dma_start3A_297 = tpu.memref_slice %arg15[%dma_start3A_296] : memref<10240xf32, #tpu.memory_space<vmem_shared>> -> memref<10240xf32, #tpu.memory_space<vmem_shared>>
          tpu.enqueue_indirect_dma source(%arg19 : memref<64xf32, #tpu.memory_space<vmem>>) target(%dma_start3A_297 : memref<10240xf32, #tpu.memory_space<vmem_shared>>) offsets(%dma_start3A_295 : memref<64xi32, #tpu.memory_space<vmem>>) semaphore(%arg20 : memref<!tpu.dma_semaphore, #tpu.memory_space<semaphore_mem>>) {add = true}
          %ge3A_298 = arith.constant 4 : i32
          %ge3A_299 = arith.cmpi sge, %add3A_254, %ge3A_298 : i32
          %convert_element_type3A_300 = arith.extui %ge3A_299 : i1 to i32
          %cond3A_301 = arith.constant 0 : i32
          %cond3A_302 = arith.cmpi ne, %convert_element_type3A_300, %cond3A_301 : i32
          scf.if %cond3A_302 {
            %dma_wait3A_353 = arith.constant 0 : i32
            %dma_wait3A_354 = arith.constant 0 : i32
            %dma_wait3A_355 = tpu.memref_slice %arg17[%dma_wait3A_353, %dma_wait3A_354] : memref<40x64xi32, #tpu.memory_space<vmem>> -> memref<1x64xi32, #tpu.memory_space<vmem>>
            %dma_wait3A_356 = tpu.memref_squeeze %dma_wait3A_355 : memref<1x64xi32, #tpu.memory_space<vmem>> -> memref<64xi32, #tpu.memory_space<vmem>>
            %dma_wait3A_357 = arith.constant 0 : i32
            %dma_wait3A_358 = tpu.memref_slice %arg15[%dma_wait3A_357] : memref<10240xf32, #tpu.memory_space<vmem_shared>> -> memref<10240xf32, #tpu.memory_space<vmem_shared>>
            tpu.wait_indirect_dma semaphore(%arg20 : memref<!tpu.dma_semaphore, #tpu.memory_space<semaphore_mem>>) src(%arg19 : memref<64xf32, #tpu.memory_space<vmem>>) dst(%dma_wait3A_358 : memref<10240xf32, #tpu.memory_space<vmem_shared>>)
          } else {
          }
          %add3A_303 = arith.constant 3 : i32
          %add3A_304 = arith.addi %mul3A_155, %add3A_303 : i32
          %add3A_305 = arith.constant 3 : i32
          %add3A_306 = arith.addi %add3A_304, %add3A_305 : i32
          %lt3A_307 = arith.constant 40 : i32
          %lt3A_308 = arith.cmpi slt, %add3A_306, %lt3A_307 : i32
          %ge3A_309 = arith.constant 4 : i32
          %ge3A_310 = arith.cmpi sge, %add3A_306, %ge3A_309 : i32
          %and3A_311 = arith.andi %lt3A_308, %ge3A_310 : i1
          %convert_element_type3A_312 = arith.extui %and3A_311 : i1 to i32
          %cond3A_313 = arith.constant 0 : i32
          %cond3A_314 = arith.cmpi ne, %convert_element_type3A_312, %cond3A_313 : i32
          scf.if %cond3A_314 {
            %dma_wait3A_353 = arith.constant 2 : i32
            %dma_wait3A_354 = arith.constant 0 : i32
            %dma_wait3A_355 = arith.constant 0 : i32
            %dma_wait3A_356 = arith.constant 0 : i32
            %dma_wait3A_357 = tpu.memref_slice %arg18[%dma_wait3A_353, %dma_wait3A_355, %dma_wait3A_356] : memref<4x64x128xf32, #tpu.memory_space<vmem>> -> memref<1x64x128xf32, #tpu.memory_space<vmem>>
            %dma_wait3A_358 = tpu.memref_squeeze %dma_wait3A_357 : memref<1x64x128xf32, #tpu.memory_space<vmem>> -> memref<64x128xf32, #tpu.memory_space<vmem>>
            %dma_wait3A_359 = arith.constant 0 : i32
            %dma_wait3A_360 = tpu.memref_slice %arg17[%dma_wait3A_354, %dma_wait3A_359] : memref<40x64xi32, #tpu.memory_space<vmem>> -> memref<1x64xi32, #tpu.memory_space<vmem>>
            %dma_wait3A_361 = tpu.memref_squeeze %dma_wait3A_360 : memref<1x64xi32, #tpu.memory_space<vmem>> -> memref<64xi32, #tpu.memory_space<vmem>>
            %dma_wait3A_362 = arith.constant 0 : i32
            %dma_wait3A_363 = arith.constant 0 : i32
            %dma_wait3A_364 = tpu.memref_slice %arg14[%dma_wait3A_362, %dma_wait3A_363] : memref<10240x128xf32, #tpu.memory_space<vmem_shared>> -> memref<10240x128xf32, #tpu.memory_space<vmem_shared>>
            tpu.wait_indirect_dma semaphore(%arg27 : memref<!tpu.dma_semaphore, #tpu.memory_space<semaphore_mem>>) src(%dma_wait3A_358 : memref<64x128xf32, #tpu.memory_space<vmem>>) dst(%dma_wait3A_364 : memref<10240x128xf32, #tpu.memory_space<vmem_shared>>)
          } else {
          }
          %lt3A_315 = arith.constant 40 : i32
          %lt3A_316 = arith.cmpi slt, %add3A_306, %lt3A_315 : i32
          %convert_element_type3A_317 = arith.extui %lt3A_316 : i1 to i32
          %cond3A_318 = arith.constant 0 : i32
          %cond3A_319 = arith.cmpi ne, %convert_element_type3A_317, %cond3A_318 : i32
          scf.if %cond3A_319 {
            %dma_start3A_353 = arith.constant 2 : i32
            %dma_start3A_354 = arith.constant 0 : i32
            %dma_start3A_355 = arith.constant 0 : i32
            %dma_start3A_356 = tpu.memref_slice %arg18[%dma_start3A_353, %dma_start3A_354, %dma_start3A_355] : memref<4x64x128xf32, #tpu.memory_space<vmem>> -> memref<1x64x128xf32, #tpu.memory_space<vmem>>
            %dma_start3A_357 = tpu.memref_squeeze %dma_start3A_356 : memref<1x64x128xf32, #tpu.memory_space<vmem>> -> memref<64x128xf32, #tpu.memory_space<vmem>>
            %dma_start3A_358 = arith.constant 0 : i32
            %dma_start3A_359 = tpu.memref_slice %arg16[%add3A_306, %dma_start3A_358] : memref<40x64xi32, #tpu.memory_space<vmem>> -> memref<1x64xi32, #tpu.memory_space<vmem>>
            %dma_start3A_360 = tpu.memref_squeeze %dma_start3A_359 : memref<1x64xi32, #tpu.memory_space<vmem>> -> memref<64xi32, #tpu.memory_space<vmem>>
            %dma_start3A_361 = arith.constant 0 : i32
            %dma_start3A_362 = arith.constant 0 : i32
            %dma_start3A_363 = tpu.memref_slice %arg2[%dma_start3A_361, %dma_start3A_362] : memref<10000x128xf32, #tpu.memory_space<hbm>> -> memref<10000x128xf32, #tpu.memory_space<hbm>>
            tpu.enqueue_indirect_dma source(%dma_start3A_363 : memref<10000x128xf32, #tpu.memory_space<hbm>>) target(%dma_start3A_357 : memref<64x128xf32, #tpu.memory_space<vmem>>) offsets(%dma_start3A_360 : memref<64xi32, #tpu.memory_space<vmem>>) semaphore(%arg23 : memref<!tpu.dma_semaphore, #tpu.memory_space<semaphore_mem>>)
          } else {
          }
          %dma_wait3A_320 = arith.constant 0 : i32
          %dma_wait3A_321 = arith.constant 3 : i32
          %dma_wait3A_322 = arith.constant 0 : i32
          %dma_wait3A_323 = arith.constant 0 : i32
          %dma_wait3A_324 = tpu.memref_slice %arg18[%dma_wait3A_321, %dma_wait3A_322, %dma_wait3A_323] : memref<4x64x128xf32, #tpu.memory_space<vmem>> -> memref<1x64x128xf32, #tpu.memory_space<vmem>>
          %dma_wait3A_325 = tpu.memref_squeeze %dma_wait3A_324 : memref<1x64x128xf32, #tpu.memory_space<vmem>> -> memref<64x128xf32, #tpu.memory_space<vmem>>
          %dma_wait3A_326 = arith.constant 0 : i32
          %dma_wait3A_327 = tpu.memref_slice %arg16[%dma_wait3A_320, %dma_wait3A_326] : memref<40x64xi32, #tpu.memory_space<vmem>> -> memref<1x64xi32, #tpu.memory_space<vmem>>
          %dma_wait3A_328 = tpu.memref_squeeze %dma_wait3A_327 : memref<1x64xi32, #tpu.memory_space<vmem>> -> memref<64xi32, #tpu.memory_space<vmem>>
          %dma_wait3A_329 = arith.constant 0 : i32
          %dma_wait3A_330 = arith.constant 0 : i32
          %dma_wait3A_331 = tpu.memref_slice %arg2[%dma_wait3A_329, %dma_wait3A_330] : memref<10000x128xf32, #tpu.memory_space<hbm>> -> memref<10000x128xf32, #tpu.memory_space<hbm>>
          tpu.wait_indirect_dma semaphore(%arg24 : memref<!tpu.dma_semaphore, #tpu.memory_space<semaphore_mem>>) src(%dma_wait3A_331 : memref<10000x128xf32, #tpu.memory_space<hbm>>) dst(%dma_wait3A_325 : memref<64x128xf32, #tpu.memory_space<vmem>>)
          %dma_start3A_332 = arith.constant 3 : i32
          %dma_start3A_333 = arith.constant 0 : i32
          %dma_start3A_334 = arith.constant 0 : i32
          %dma_start3A_335 = tpu.memref_slice %arg18[%dma_start3A_332, %dma_start3A_333, %dma_start3A_334] : memref<4x64x128xf32, #tpu.memory_space<vmem>> -> memref<1x64x128xf32, #tpu.memory_space<vmem>>
          %dma_start3A_336 = tpu.memref_squeeze %dma_start3A_335 : memref<1x64x128xf32, #tpu.memory_space<vmem>> -> memref<64x128xf32, #tpu.memory_space<vmem>>
          %dma_start3A_337 = arith.constant 0 : i32
          %dma_start3A_338 = tpu.memref_slice %arg17[%add3A_304, %dma_start3A_337] : memref<40x64xi32, #tpu.memory_space<vmem>> -> memref<1x64xi32, #tpu.memory_space<vmem>>
          %dma_start3A_339 = tpu.memref_squeeze %dma_start3A_338 : memref<1x64xi32, #tpu.memory_space<vmem>> -> memref<64xi32, #tpu.memory_space<vmem>>
          %dma_start3A_340 = arith.constant 0 : i32
          %dma_start3A_341 = arith.constant 0 : i32
          %dma_start3A_342 = tpu.memref_slice %arg14[%dma_start3A_340, %dma_start3A_341] : memref<10240x128xf32, #tpu.memory_space<vmem_shared>> -> memref<10240x128xf32, #tpu.memory_space<vmem_shared>>
          tpu.enqueue_indirect_dma source(%dma_start3A_336 : memref<64x128xf32, #tpu.memory_space<vmem>>) target(%dma_start3A_342 : memref<10240x128xf32, #tpu.memory_space<vmem_shared>>) offsets(%dma_start3A_339 : memref<64xi32, #tpu.memory_space<vmem>>) semaphore(%arg28 : memref<!tpu.dma_semaphore, #tpu.memory_space<semaphore_mem>>) {add = true}
          %dma_start3A_343 = arith.constant 0 : i32
          %dma_start3A_344 = tpu.memref_slice %arg17[%add3A_304, %dma_start3A_343] : memref<40x64xi32, #tpu.memory_space<vmem>> -> memref<1x64xi32, #tpu.memory_space<vmem>>
          %dma_start3A_345 = tpu.memref_squeeze %dma_start3A_344 : memref<1x64xi32, #tpu.memory_space<vmem>> -> memref<64xi32, #tpu.memory_space<vmem>>
          %dma_start3A_346 = arith.constant 0 : i32
          %dma_start3A_347 = tpu.memref_slice %arg15[%dma_start3A_346] : memref<10240xf32, #tpu.memory_space<vmem_shared>> -> memref<10240xf32, #tpu.memory_space<vmem_shared>>
          tpu.enqueue_indirect_dma source(%arg19 : memref<64xf32, #tpu.memory_space<vmem>>) target(%dma_start3A_347 : memref<10240xf32, #tpu.memory_space<vmem_shared>>) offsets(%dma_start3A_345 : memref<64xi32, #tpu.memory_space<vmem>>) semaphore(%arg20 : memref<!tpu.dma_semaphore, #tpu.memory_space<semaphore_mem>>) {add = true}
          %ge3A_348 = arith.constant 4 : i32
          %ge3A_349 = arith.cmpi sge, %add3A_304, %ge3A_348 : i32
          %convert_element_type3A_350 = arith.extui %ge3A_349 : i1 to i32
          %cond3A_351 = arith.constant 0 : i32
          %cond3A_352 = arith.cmpi ne, %convert_element_type3A_350, %cond3A_351 : i32
          scf.if %cond3A_352 {
            %dma_wait3A_353 = arith.constant 0 : i32
            %dma_wait3A_354 = arith.constant 0 : i32
            %dma_wait3A_355 = tpu.memref_slice %arg17[%dma_wait3A_353, %dma_wait3A_354] : memref<40x64xi32, #tpu.memory_space<vmem>> -> memref<1x64xi32, #tpu.memory_space<vmem>>
            %dma_wait3A_356 = tpu.memref_squeeze %dma_wait3A_355 : memref<1x64xi32, #tpu.memory_space<vmem>> -> memref<64xi32, #tpu.memory_space<vmem>>
            %dma_wait3A_357 = arith.constant 0 : i32
            %dma_wait3A_358 = tpu.memref_slice %arg15[%dma_wait3A_357] : memref<10240xf32, #tpu.memory_space<vmem_shared>> -> memref<10240xf32, #tpu.memory_space<vmem_shared>>
            tpu.wait_indirect_dma semaphore(%arg20 : memref<!tpu.dma_semaphore, #tpu.memory_space<semaphore_mem>>) src(%arg19 : memref<64xf32, #tpu.memory_space<vmem>>) dst(%dma_wait3A_358 : memref<10240xf32, #tpu.memory_space<vmem_shared>>)
          } else {
          }
        }
        %scan3A_81 = arith.constant 10 : i32
        %dma_wait3A = arith.constant 0 : i32
        %dma_wait3A_82 = arith.constant 0 : i32
        %dma_wait3A_83 = arith.constant 0 : i32
        %dma_wait3A_84 = arith.constant 0 : i32
        %dma_wait3A_85 = tpu.memref_slice %arg18[%dma_wait3A, %dma_wait3A_83, %dma_wait3A_84] : memref<4x64x128xf32, #tpu.memory_space<vmem>> -> memref<1x64x128xf32, #tpu.memory_space<vmem>>
        %dma_wait3A_86 = tpu.memref_squeeze %dma_wait3A_85 : memref<1x64x128xf32, #tpu.memory_space<vmem>> -> memref<64x128xf32, #tpu.memory_space<vmem>>
        %dma_wait3A_87 = arith.constant 0 : i32
        %dma_wait3A_88 = tpu.memref_slice %arg17[%dma_wait3A_82, %dma_wait3A_87] : memref<40x64xi32, #tpu.memory_space<vmem>> -> memref<1x64xi32, #tpu.memory_space<vmem>>
        %dma_wait3A_89 = tpu.memref_squeeze %dma_wait3A_88 : memref<1x64xi32, #tpu.memory_space<vmem>> -> memref<64xi32, #tpu.memory_space<vmem>>
        %dma_wait3A_90 = arith.constant 0 : i32
        %dma_wait3A_91 = arith.constant 0 : i32
        %dma_wait3A_92 = tpu.memref_slice %arg14[%dma_wait3A_90, %dma_wait3A_91] : memref<10240x128xf32, #tpu.memory_space<vmem_shared>> -> memref<10240x128xf32, #tpu.memory_space<vmem_shared>>
        tpu.wait_indirect_dma semaphore(%arg25 : memref<!tpu.dma_semaphore, #tpu.memory_space<semaphore_mem>>) src(%dma_wait3A_86 : memref<64x128xf32, #tpu.memory_space<vmem>>) dst(%dma_wait3A_92 : memref<10240x128xf32, #tpu.memory_space<vmem_shared>>)
        %dma_wait3A_93 = arith.constant 0 : i32
        %dma_wait3A_94 = arith.constant 0 : i32
        %dma_wait3A_95 = tpu.memref_slice %arg17[%dma_wait3A_93, %dma_wait3A_94] : memref<40x64xi32, #tpu.memory_space<vmem>> -> memref<1x64xi32, #tpu.memory_space<vmem>>
        %dma_wait3A_96 = tpu.memref_squeeze %dma_wait3A_95 : memref<1x64xi32, #tpu.memory_space<vmem>> -> memref<64xi32, #tpu.memory_space<vmem>>
        %dma_wait3A_97 = arith.constant 0 : i32
        %dma_wait3A_98 = tpu.memref_slice %arg15[%dma_wait3A_97] : memref<10240xf32, #tpu.memory_space<vmem_shared>> -> memref<10240xf32, #tpu.memory_space<vmem_shared>>
        tpu.wait_indirect_dma semaphore(%arg20 : memref<!tpu.dma_semaphore, #tpu.memory_space<semaphore_mem>>) src(%arg19 : memref<64xf32, #tpu.memory_space<vmem>>) dst(%dma_wait3A_98 : memref<10240xf32, #tpu.memory_space<vmem_shared>>)
        %dma_wait3A_99 = arith.constant 1 : i32
        %dma_wait3A_100 = arith.constant 0 : i32
        %dma_wait3A_101 = arith.constant 0 : i32
        %dma_wait3A_102 = arith.constant 0 : i32
        %dma_wait3A_103 = tpu.memref_slice %arg18[%dma_wait3A_99, %dma_wait3A_101, %dma_wait3A_102] : memref<4x64x128xf32, #tpu.memory_space<vmem>> -> memref<1x64x128xf32, #tpu.memory_space<vmem>>
        %dma_wait3A_104 = tpu.memref_squeeze %dma_wait3A_103 : memref<1x64x128xf32, #tpu.memory_space<vmem>> -> memref<64x128xf32, #tpu.memory_space<vmem>>
        %dma_wait3A_105 = arith.constant 0 : i32
        %dma_wait3A_106 = tpu.memref_slice %arg17[%dma_wait3A_100, %dma_wait3A_105] : memref<40x64xi32, #tpu.memory_space<vmem>> -> memref<1x64xi32, #tpu.memory_space<vmem>>
        %dma_wait3A_107 = tpu.memref_squeeze %dma_wait3A_106 : memref<1x64xi32, #tpu.memory_space<vmem>> -> memref<64xi32, #tpu.memory_space<vmem>>
        %dma_wait3A_108 = arith.constant 0 : i32
        %dma_wait3A_109 = arith.constant 0 : i32
        %dma_wait3A_110 = tpu.memref_slice %arg14[%dma_wait3A_108, %dma_wait3A_109] : memref<10240x128xf32, #tpu.memory_space<vmem_shared>> -> memref<10240x128xf32, #tpu.memory_space<vmem_shared>>
        tpu.wait_indirect_dma semaphore(%arg26 : memref<!tpu.dma_semaphore, #tpu.memory_space<semaphore_mem>>) src(%dma_wait3A_104 : memref<64x128xf32, #tpu.memory_space<vmem>>) dst(%dma_wait3A_110 : memref<10240x128xf32, #tpu.memory_space<vmem_shared>>)
        %dma_wait3A_111 = arith.constant 0 : i32
        %dma_wait3A_112 = arith.constant 0 : i32
        %dma_wait3A_113 = tpu.memref_slice %arg17[%dma_wait3A_111, %dma_wait3A_112] : memref<40x64xi32, #tpu.memory_space<vmem>> -> memref<1x64xi32, #tpu.memory_space<vmem>>
        %dma_wait3A_114 = tpu.memref_squeeze %dma_wait3A_113 : memref<1x64xi32, #tpu.memory_space<vmem>> -> memref<64xi32, #tpu.memory_space<vmem>>
        %dma_wait3A_115 = arith.constant 0 : i32
        %dma_wait3A_116 = tpu.memref_slice %arg15[%dma_wait3A_115] : memref<10240xf32, #tpu.memory_space<vmem_shared>> -> memref<10240xf32, #tpu.memory_space<vmem_shared>>
        tpu.wait_indirect_dma semaphore(%arg20 : memref<!tpu.dma_semaphore, #tpu.memory_space<semaphore_mem>>) src(%arg19 : memref<64xf32, #tpu.memory_space<vmem>>) dst(%dma_wait3A_116 : memref<10240xf32, #tpu.memory_space<vmem_shared>>)
        %dma_wait3A_117 = arith.constant 2 : i32
        %dma_wait3A_118 = arith.constant 0 : i32
        %dma_wait3A_119 = arith.constant 0 : i32
        %dma_wait3A_120 = arith.constant 0 : i32
        %dma_wait3A_121 = tpu.memref_slice %arg18[%dma_wait3A_117, %dma_wait3A_119, %dma_wait3A_120] : memref<4x64x128xf32, #tpu.memory_space<vmem>> -> memref<1x64x128xf32, #tpu.memory_space<vmem>>
        %dma_wait3A_122 = tpu.memref_squeeze %dma_wait3A_121 : memref<1x64x128xf32, #tpu.memory_space<vmem>> -> memref<64x128xf32, #tpu.memory_space<vmem>>
        %dma_wait3A_123 = arith.constant 0 : i32
        %dma_wait3A_124 = tpu.memref_slice %arg17[%dma_wait3A_118, %dma_wait3A_123] : memref<40x64xi32, #tpu.memory_space<vmem>> -> memref<1x64xi32, #tpu.memory_space<vmem>>
        %dma_wait3A_125 = tpu.memref_squeeze %dma_wait3A_124 : memref<1x64xi32, #tpu.memory_space<vmem>> -> memref<64xi32, #tpu.memory_space<vmem>>
        %dma_wait3A_126 = arith.constant 0 : i32
        %dma_wait3A_127 = arith.constant 0 : i32
        %dma_wait3A_128 = tpu.memref_slice %arg14[%dma_wait3A_126, %dma_wait3A_127] : memref<10240x128xf32, #tpu.memory_space<vmem_shared>> -> memref<10240x128xf32, #tpu.memory_space<vmem_shared>>
        tpu.wait_indirect_dma semaphore(%arg27 : memref<!tpu.dma_semaphore, #tpu.memory_space<semaphore_mem>>) src(%dma_wait3A_122 : memref<64x128xf32, #tpu.memory_space<vmem>>) dst(%dma_wait3A_128 : memref<10240x128xf32, #tpu.memory_space<vmem_shared>>)
        %dma_wait3A_129 = arith.constant 0 : i32
        %dma_wait3A_130 = arith.constant 0 : i32
        %dma_wait3A_131 = tpu.memref_slice %arg17[%dma_wait3A_129, %dma_wait3A_130] : memref<40x64xi32, #tpu.memory_space<vmem>> -> memref<1x64xi32, #tpu.memory_space<vmem>>
        %dma_wait3A_132 = tpu.memref_squeeze %dma_wait3A_131 : memref<1x64xi32, #tpu.memory_space<vmem>> -> memref<64xi32, #tpu.memory_space<vmem>>
        %dma_wait3A_133 = arith.constant 0 : i32
        %dma_wait3A_134 = tpu.memref_slice %arg15[%dma_wait3A_133] : memref<10240xf32, #tpu.memory_space<vmem_shared>> -> memref<10240xf32, #tpu.memory_space<vmem_shared>>
        tpu.wait_indirect_dma semaphore(%arg20 : memref<!tpu.dma_semaphore, #tpu.memory_space<semaphore_mem>>) src(%arg19 : memref<64xf32, #tpu.memory_space<vmem>>) dst(%dma_wait3A_134 : memref<10240xf32, #tpu.memory_space<vmem_shared>>)
        %dma_wait3A_135 = arith.constant 3 : i32
        %dma_wait3A_136 = arith.constant 0 : i32
        %dma_wait3A_137 = arith.constant 0 : i32
        %dma_wait3A_138 = arith.constant 0 : i32
        %dma_wait3A_139 = tpu.memref_slice %arg18[%dma_wait3A_135, %dma_wait3A_137, %dma_wait3A_138] : memref<4x64x128xf32, #tpu.memory_space<vmem>> -> memref<1x64x128xf32, #tpu.memory_space<vmem>>
        %dma_wait3A_140 = tpu.memref_squeeze %dma_wait3A_139 : memref<1x64x128xf32, #tpu.memory_space<vmem>> -> memref<64x128xf32, #tpu.memory_space<vmem>>
        %dma_wait3A_141 = arith.constant 0 : i32
        %dma_wait3A_142 = tpu.memref_slice %arg17[%dma_wait3A_136, %dma_wait3A_141] : memref<40x64xi32, #tpu.memory_space<vmem>> -> memref<1x64xi32, #tpu.memory_space<vmem>>
        %dma_wait3A_143 = tpu.memref_squeeze %dma_wait3A_142 : memref<1x64xi32, #tpu.memory_space<vmem>> -> memref<64xi32, #tpu.memory_space<vmem>>
        %dma_wait3A_144 = arith.constant 0 : i32
        %dma_wait3A_145 = arith.constant 0 : i32
        %dma_wait3A_146 = tpu.memref_slice %arg14[%dma_wait3A_144, %dma_wait3A_145] : memref<10240x128xf32, #tpu.memory_space<vmem_shared>> -> memref<10240x128xf32, #tpu.memory_space<vmem_shared>>
        tpu.wait_indirect_dma semaphore(%arg28 : memref<!tpu.dma_semaphore, #tpu.memory_space<semaphore_mem>>) src(%dma_wait3A_140 : memref<64x128xf32, #tpu.memory_space<vmem>>) dst(%dma_wait3A_146 : memref<10240x128xf32, #tpu.memory_space<vmem_shared>>)
        %dma_wait3A_147 = arith.constant 0 : i32
        %dma_wait3A_148 = arith.constant 0 : i32
        %dma_wait3A_149 = tpu.memref_slice %arg17[%dma_wait3A_147, %dma_wait3A_148] : memref<40x64xi32, #tpu.memory_space<vmem>> -> memref<1x64xi32, #tpu.memory_space<vmem>>
        %dma_wait3A_150 = tpu.memref_squeeze %dma_wait3A_149 : memref<1x64xi32, #tpu.memory_space<vmem>> -> memref<64xi32, #tpu.memory_space<vmem>>
        %dma_wait3A_151 = arith.constant 0 : i32
        %dma_wait3A_152 = tpu.memref_slice %arg15[%dma_wait3A_151] : memref<10240xf32, #tpu.memory_space<vmem_shared>> -> memref<10240xf32, #tpu.memory_space<vmem_shared>>
        tpu.wait_indirect_dma semaphore(%arg20 : memref<!tpu.dma_semaphore, #tpu.memory_space<semaphore_mem>>) src(%arg19 : memref<64xf32, #tpu.memory_space<vmem>>) dst(%dma_wait3A_152 : memref<10240xf32, #tpu.memory_space<vmem_shared>>)
      }
      %scan3A_34 = arith.constant 8 : i32
      %barrier3A_35 = arith.constant 0 : index
      tpu.barrier barrier_id(%barrier3A_35)
      "tpu.region"() ({
        %run_scoped3A = tpu.sem_alloc : memref<!tpu.dma_semaphore, #tpu.memory_space<semaphore_mem>>
        %dma_start3A = arith.constant 0 : i32
        %dma_start3A_36 = tpu.memref_slice %arg10[%mul3A_0, %dma_start3A] : memref<10240x128xf32, #tpu.memory_space<hbm>> -> memref<640x128xf32, #tpu.memory_space<hbm>>
        %dma_start3A_37 = arith.constant 0 : i32
        %dma_start3A_38 = tpu.memref_slice %arg14[%mul3A_0, %dma_start3A_37] : memref<10240x128xf32, #tpu.memory_space<vmem_shared>> -> memref<640x128xf32, #tpu.memory_space<vmem_shared>>
        tpu.enqueue_dma source(%dma_start3A_38 : memref<640x128xf32, #tpu.memory_space<vmem_shared>>) target(%dma_start3A_36 : memref<640x128xf32, #tpu.memory_space<hbm>>) target_semaphore(%run_scoped3A : memref<!tpu.dma_semaphore, #tpu.memory_space<semaphore_mem>>)
        %dma_wait3A = arith.constant 0 : i32
        %dma_wait3A_39 = tpu.memref_slice %arg10[%mul3A_0, %dma_wait3A] : memref<10240x128xf32, #tpu.memory_space<hbm>> -> memref<640x128xf32, #tpu.memory_space<hbm>>
        %dma_wait3A_40 = arith.constant 0 : i32
        %dma_wait3A_41 = tpu.memref_slice %arg14[%mul3A_0, %dma_wait3A_40] : memref<10240x128xf32, #tpu.memory_space<vmem_shared>> -> memref<640x128xf32, #tpu.memory_space<vmem_shared>>
        tpu.wait_dma2 semaphore(%run_scoped3A : memref<!tpu.dma_semaphore, #tpu.memory_space<semaphore_mem>>) src(%dma_wait3A_41 : memref<640x128xf32, #tpu.memory_space<vmem_shared>>) dst(%dma_wait3A_39 : memref<640x128xf32, #tpu.memory_space<hbm>>)
        tpu.yield
      }) : () -> ()
      "tpu.region"() ({
        %run_scoped3A = tpu.sem_alloc : memref<!tpu.dma_semaphore, #tpu.memory_space<semaphore_mem>>
        %dma_start3A = tpu.memref_slice %arg12[%mul3A_0] : memref<10240xf32, #tpu.memory_space<hbm>> -> memref<640xf32, #tpu.memory_space<hbm>>
        %dma_start3A_36 = tpu.memref_slice %arg15[%mul3A_0] : memref<10240xf32, #tpu.memory_space<vmem_shared>> -> memref<640xf32, #tpu.memory_space<vmem_shared>>
        tpu.enqueue_dma source(%dma_start3A_36 : memref<640xf32, #tpu.memory_space<vmem_shared>>) target(%dma_start3A : memref<640xf32, #tpu.memory_space<hbm>>) target_semaphore(%run_scoped3A : memref<!tpu.dma_semaphore, #tpu.memory_space<semaphore_mem>>)
        %dma_wait3A = tpu.memref_slice %arg12[%mul3A_0] : memref<10240xf32, #tpu.memory_space<hbm>> -> memref<640xf32, #tpu.memory_space<hbm>>
        %dma_wait3A_37 = tpu.memref_slice %arg15[%mul3A_0] : memref<10240xf32, #tpu.memory_space<vmem_shared>> -> memref<640xf32, #tpu.memory_space<vmem_shared>>
        tpu.wait_dma2 semaphore(%run_scoped3A : memref<!tpu.dma_semaphore, #tpu.memory_space<semaphore_mem>>) src(%dma_wait3A_37 : memref<640xf32, #tpu.memory_space<vmem_shared>>) dst(%dma_wait3A : memref<640xf32, #tpu.memory_space<hbm>>)
        tpu.yield
      }) : () -> ()
    } else {
    }
    %eq3A_25 = arith.constant 1 : i32
    %eq3A_26 = arith.cmpi eq, %arg0, %eq3A_25 : i32
    %convert_element_type3A_27 = arith.extui %eq3A_26 : i1 to i32
    %cond3A_28 = arith.constant 0 : i32
    %cond3A_29 = arith.cmpi ne, %convert_element_type3A_27, %cond3A_28 : i32
    scf.if %cond3A_29 {
      %scan3A = arith.constant 0 : i32
      %scan3A_30 = arith.constant 0 : i32
      %scan3A_31 = arith.constant 8 : i32
      %scan3A_32 = arith.addi %scan3A_30, %scan3A_31 : i32
      %scan3A_33 = arith.constant 1 : i32
      scf.for %scan3A_36 = %scan3A_30 to %scan3A_32 step %scan3A_33  : i32 {
        %mul3A_37 = arith.constant 320 : i32
        %mul3A_38 = arith.muli %arg1, %mul3A_37 : i32
        %mul3A_39 = arith.constant 40 : i32
        %mul3A_40 = arith.muli %scan3A_36, %mul3A_39 : i32
        %add3A = arith.addi %mul3A_38, %mul3A_40 : i32
        "tpu.region"() ({
          %run_scoped3A = tpu.sem_alloc : memref<!tpu.dma_semaphore, #tpu.memory_space<semaphore_mem>>
          %dma_start3A_153 = arith.constant 0 : i32
          %dma_start3A_154 = tpu.memref_slice %arg6[%add3A, %dma_start3A_153] : memref<5120x64xi32, #tpu.memory_space<hbm>> -> memref<40x64xi32, #tpu.memory_space<hbm>>
          %dma_start3A_155 = arith.constant 0 : i32
          %dma_start3A_156 = tpu.memref_slice %arg6[%add3A, %dma_start3A_155] : memref<5120x64xi32, #tpu.memory_space<hbm>> -> memref<40x64xi32, #tpu.memory_space<hbm>>
          tpu.enqueue_dma source(%dma_start3A_156 : memref<40x64xi32, #tpu.memory_space<hbm>>) target(%arg16 : memref<40x64xi32, #tpu.memory_space<vmem>>) target_semaphore(%run_scoped3A : memref<!tpu.dma_semaphore, #tpu.memory_space<semaphore_mem>>)
          %dma_wait3A_157 = arith.constant 0 : i32
          %dma_wait3A_158 = tpu.memref_slice %arg6[%add3A, %dma_wait3A_157] : memref<5120x64xi32, #tpu.memory_space<hbm>> -> memref<40x64xi32, #tpu.memory_space<hbm>>
          %dma_wait3A_159 = arith.constant 0 : i32
          %dma_wait3A_160 = tpu.memref_slice %arg6[%add3A, %dma_wait3A_159] : memref<5120x64xi32, #tpu.memory_space<hbm>> -> memref<40x64xi32, #tpu.memory_space<hbm>>
          tpu.wait_dma2 semaphore(%run_scoped3A : memref<!tpu.dma_semaphore, #tpu.memory_space<semaphore_mem>>) src(%dma_wait3A_160 : memref<40x64xi32, #tpu.memory_space<hbm>>) dst(%arg16 : memref<40x64xi32, #tpu.memory_space<vmem>>)
          tpu.yield
        }) : () -> ()
        "tpu.region"() ({
          %run_scoped3A = tpu.sem_alloc : memref<!tpu.dma_semaphore, #tpu.memory_space<semaphore_mem>>
          %dma_start3A_153 = arith.constant 0 : i32
          %dma_start3A_154 = tpu.memref_slice %arg7[%add3A, %dma_start3A_153] : memref<5120x64xi32, #tpu.memory_space<hbm>> -> memref<40x64xi32, #tpu.memory_space<hbm>>
          %dma_start3A_155 = arith.constant 0 : i32
          %dma_start3A_156 = tpu.memref_slice %arg7[%add3A, %dma_start3A_155] : memref<5120x64xi32, #tpu.memory_space<hbm>> -> memref<40x64xi32, #tpu.memory_space<hbm>>
          tpu.enqueue_dma source(%dma_start3A_156 : memref<40x64xi32, #tpu.memory_space<hbm>>) target(%arg17 : memref<40x64xi32, #tpu.memory_space<vmem>>) target_semaphore(%run_scoped3A : memref<!tpu.dma_semaphore, #tpu.memory_space<semaphore_mem>>)
          %dma_wait3A_157 = arith.constant 0 : i32
          %dma_wait3A_158 = tpu.memref_slice %arg7[%add3A, %dma_wait3A_157] : memref<5120x64xi32, #tpu.memory_space<hbm>> -> memref<40x64xi32, #tpu.memory_space<hbm>>
          %dma_wait3A_159 = arith.constant 0 : i32
          %dma_wait3A_160 = tpu.memref_slice %arg7[%add3A, %dma_wait3A_159] : memref<5120x64xi32, #tpu.memory_space<hbm>> -> memref<40x64xi32, #tpu.memory_space<hbm>>
          tpu.wait_dma2 semaphore(%run_scoped3A : memref<!tpu.dma_semaphore, #tpu.memory_space<semaphore_mem>>) src(%dma_wait3A_160 : memref<40x64xi32, #tpu.memory_space<hbm>>) dst(%arg17 : memref<40x64xi32, #tpu.memory_space<vmem>>)
          tpu.yield
        }) : () -> ()
        %dma_start3A = arith.constant 0 : i32
        %dma_start3A_41 = arith.constant 0 : i32
        %dma_start3A_42 = arith.constant 0 : i32
        %dma_start3A_43 = arith.constant 0 : i32
        %dma_start3A_44 = tpu.memref_slice %arg18[%dma_start3A_41, %dma_start3A_42, %dma_start3A_43] : memref<4x64x128xf32, #tpu.memory_space<vmem>> -> memref<1x64x128xf32, #tpu.memory_space<vmem>>
        %dma_start3A_45 = tpu.memref_squeeze %dma_start3A_44 : memref<1x64x128xf32, #tpu.memory_space<vmem>> -> memref<64x128xf32, #tpu.memory_space<vmem>>
        %dma_start3A_46 = arith.constant 0 : i32
        %dma_start3A_47 = tpu.memref_slice %arg16[%dma_start3A, %dma_start3A_46] : memref<40x64xi32, #tpu.memory_space<vmem>> -> memref<1x64xi32, #tpu.memory_space<vmem>>
        %dma_start3A_48 = tpu.memref_squeeze %dma_start3A_47 : memref<1x64xi32, #tpu.memory_space<vmem>> -> memref<64xi32, #tpu.memory_space<vmem>>
        %dma_start3A_49 = arith.constant 0 : i32
        %dma_start3A_50 = arith.constant 0 : i32
        %dma_start3A_51 = tpu.memref_slice %arg3[%dma_start3A_49, %dma_start3A_50] : memref<10000x128xf32, #tpu.memory_space<hbm>> -> memref<10000x128xf32, #tpu.memory_space<hbm>>
        tpu.enqueue_indirect_dma source(%dma_start3A_51 : memref<10000x128xf32, #tpu.memory_space<hbm>>) target(%dma_start3A_45 : memref<64x128xf32, #tpu.memory_space<vmem>>) offsets(%dma_start3A_48 : memref<64xi32, #tpu.memory_space<vmem>>) semaphore(%arg21 : memref<!tpu.dma_semaphore, #tpu.memory_space<semaphore_mem>>)
        %dma_start3A_52 = arith.constant 1 : i32
        %dma_start3A_53 = arith.constant 1 : i32
        %dma_start3A_54 = arith.constant 0 : i32
        %dma_start3A_55 = arith.constant 0 : i32
        %dma_start3A_56 = tpu.memref_slice %arg18[%dma_start3A_53, %dma_start3A_54, %dma_start3A_55] : memref<4x64x128xf32, #tpu.memory_space<vmem>> -> memref<1x64x128xf32, #tpu.memory_space<vmem>>
        %dma_start3A_57 = tpu.memref_squeeze %dma_start3A_56 : memref<1x64x128xf32, #tpu.memory_space<vmem>> -> memref<64x128xf32, #tpu.memory_space<vmem>>
        %dma_start3A_58 = arith.constant 0 : i32
        %dma_start3A_59 = tpu.memref_slice %arg16[%dma_start3A_52, %dma_start3A_58] : memref<40x64xi32, #tpu.memory_space<vmem>> -> memref<1x64xi32, #tpu.memory_space<vmem>>
        %dma_start3A_60 = tpu.memref_squeeze %dma_start3A_59 : memref<1x64xi32, #tpu.memory_space<vmem>> -> memref<64xi32, #tpu.memory_space<vmem>>
        %dma_start3A_61 = arith.constant 0 : i32
        %dma_start3A_62 = arith.constant 0 : i32
        %dma_start3A_63 = tpu.memref_slice %arg3[%dma_start3A_61, %dma_start3A_62] : memref<10000x128xf32, #tpu.memory_space<hbm>> -> memref<10000x128xf32, #tpu.memory_space<hbm>>
        tpu.enqueue_indirect_dma source(%dma_start3A_63 : memref<10000x128xf32, #tpu.memory_space<hbm>>) target(%dma_start3A_57 : memref<64x128xf32, #tpu.memory_space<vmem>>) offsets(%dma_start3A_60 : memref<64xi32, #tpu.memory_space<vmem>>) semaphore(%arg22 : memref<!tpu.dma_semaphore, #tpu.memory_space<semaphore_mem>>)
        %dma_start3A_64 = arith.constant 2 : i32
        %dma_start3A_65 = arith.constant 2 : i32
        %dma_start3A_66 = arith.constant 0 : i32
        %dma_start3A_67 = arith.constant 0 : i32
        %dma_start3A_68 = tpu.memref_slice %arg18[%dma_start3A_65, %dma_start3A_66, %dma_start3A_67] : memref<4x64x128xf32, #tpu.memory_space<vmem>> -> memref<1x64x128xf32, #tpu.memory_space<vmem>>
        %dma_start3A_69 = tpu.memref_squeeze %dma_start3A_68 : memref<1x64x128xf32, #tpu.memory_space<vmem>> -> memref<64x128xf32, #tpu.memory_space<vmem>>
        %dma_start3A_70 = arith.constant 0 : i32
        %dma_start3A_71 = tpu.memref_slice %arg16[%dma_start3A_64, %dma_start3A_70] : memref<40x64xi32, #tpu.memory_space<vmem>> -> memref<1x64xi32, #tpu.memory_space<vmem>>
        %dma_start3A_72 = tpu.memref_squeeze %dma_start3A_71 : memref<1x64xi32, #tpu.memory_space<vmem>> -> memref<64xi32, #tpu.memory_space<vmem>>
        %dma_start3A_73 = arith.constant 0 : i32
        %dma_start3A_74 = arith.constant 0 : i32
        %dma_start3A_75 = tpu.memref_slice %arg3[%dma_start3A_73, %dma_start3A_74] : memref<10000x128xf32, #tpu.memory_space<hbm>> -> memref<10000x128xf32, #tpu.memory_space<hbm>>
        tpu.enqueue_indirect_dma source(%dma_start3A_75 : memref<10000x128xf32, #tpu.memory_space<hbm>>) target(%dma_start3A_69 : memref<64x128xf32, #tpu.memory_space<vmem>>) offsets(%dma_start3A_72 : memref<64xi32, #tpu.memory_space<vmem>>) semaphore(%arg23 : memref<!tpu.dma_semaphore, #tpu.memory_space<semaphore_mem>>)
        %scan3A_76 = arith.constant 0 : i32
        %scan3A_77 = arith.constant 0 : i32
        %scan3A_78 = arith.constant 10 : i32
        %scan3A_79 = arith.addi %scan3A_77, %scan3A_78 : i32
        %scan3A_80 = arith.constant 1 : i32
        scf.for %scan3A_153 = %scan3A_77 to %scan3A_79 step %scan3A_80  : i32 {
          %mul3A_154 = arith.constant 4 : i32
          %mul3A_155 = arith.muli %scan3A_153, %mul3A_154 : i32
          %add3A_156 = arith.constant 0 : i32
          %add3A_157 = arith.addi %mul3A_155, %add3A_156 : i32
          %add3A_158 = arith.constant 3 : i32
          %add3A_159 = arith.addi %add3A_157, %add3A_158 : i32
          %lt3A = arith.constant 40 : i32
          %lt3A_160 = arith.cmpi slt, %add3A_159, %lt3A : i32
          %ge3A = arith.constant 4 : i32
          %ge3A_161 = arith.cmpi sge, %add3A_159, %ge3A : i32
          %and3A = arith.andi %lt3A_160, %ge3A_161 : i1
          %convert_element_type3A_162 = arith.extui %and3A : i1 to i32
          %cond3A_163 = arith.constant 0 : i32
          %cond3A_164 = arith.cmpi ne, %convert_element_type3A_162, %cond3A_163 : i32
          scf.if %cond3A_164 {
            %dma_wait3A_353 = arith.constant 3 : i32
            %dma_wait3A_354 = arith.constant 0 : i32
            %dma_wait3A_355 = arith.constant 0 : i32
            %dma_wait3A_356 = arith.constant 0 : i32
            %dma_wait3A_357 = tpu.memref_slice %arg18[%dma_wait3A_353, %dma_wait3A_355, %dma_wait3A_356] : memref<4x64x128xf32, #tpu.memory_space<vmem>> -> memref<1x64x128xf32, #tpu.memory_space<vmem>>
            %dma_wait3A_358 = tpu.memref_squeeze %dma_wait3A_357 : memref<1x64x128xf32, #tpu.memory_space<vmem>> -> memref<64x128xf32, #tpu.memory_space<vmem>>
            %dma_wait3A_359 = arith.constant 0 : i32
            %dma_wait3A_360 = tpu.memref_slice %arg17[%dma_wait3A_354, %dma_wait3A_359] : memref<40x64xi32, #tpu.memory_space<vmem>> -> memref<1x64xi32, #tpu.memory_space<vmem>>
            %dma_wait3A_361 = tpu.memref_squeeze %dma_wait3A_360 : memref<1x64xi32, #tpu.memory_space<vmem>> -> memref<64xi32, #tpu.memory_space<vmem>>
            %dma_wait3A_362 = arith.constant 0 : i32
            %dma_wait3A_363 = arith.constant 0 : i32
            %dma_wait3A_364 = tpu.memref_slice %arg14[%dma_wait3A_362, %dma_wait3A_363] : memref<10240x128xf32, #tpu.memory_space<vmem_shared>> -> memref<10240x128xf32, #tpu.memory_space<vmem_shared>>
            tpu.wait_indirect_dma semaphore(%arg28 : memref<!tpu.dma_semaphore, #tpu.memory_space<semaphore_mem>>) src(%dma_wait3A_358 : memref<64x128xf32, #tpu.memory_space<vmem>>) dst(%dma_wait3A_364 : memref<10240x128xf32, #tpu.memory_space<vmem_shared>>)
          } else {
          }
          %lt3A_165 = arith.constant 40 : i32
          %lt3A_166 = arith.cmpi slt, %add3A_159, %lt3A_165 : i32
          %convert_element_type3A_167 = arith.extui %lt3A_166 : i1 to i32
          %cond3A_168 = arith.constant 0 : i32
          %cond3A_169 = arith.cmpi ne, %convert_element_type3A_167, %cond3A_168 : i32
          scf.if %cond3A_169 {
            %dma_start3A_353 = arith.constant 3 : i32
            %dma_start3A_354 = arith.constant 0 : i32
            %dma_start3A_355 = arith.constant 0 : i32
            %dma_start3A_356 = tpu.memref_slice %arg18[%dma_start3A_353, %dma_start3A_354, %dma_start3A_355] : memref<4x64x128xf32, #tpu.memory_space<vmem>> -> memref<1x64x128xf32, #tpu.memory_space<vmem>>
            %dma_start3A_357 = tpu.memref_squeeze %dma_start3A_356 : memref<1x64x128xf32, #tpu.memory_space<vmem>> -> memref<64x128xf32, #tpu.memory_space<vmem>>
            %dma_start3A_358 = arith.constant 0 : i32
            %dma_start3A_359 = tpu.memref_slice %arg16[%add3A_159, %dma_start3A_358] : memref<40x64xi32, #tpu.memory_space<vmem>> -> memref<1x64xi32, #tpu.memory_space<vmem>>
            %dma_start3A_360 = tpu.memref_squeeze %dma_start3A_359 : memref<1x64xi32, #tpu.memory_space<vmem>> -> memref<64xi32, #tpu.memory_space<vmem>>
            %dma_start3A_361 = arith.constant 0 : i32
            %dma_start3A_362 = arith.constant 0 : i32
            %dma_start3A_363 = tpu.memref_slice %arg3[%dma_start3A_361, %dma_start3A_362] : memref<10000x128xf32, #tpu.memory_space<hbm>> -> memref<10000x128xf32, #tpu.memory_space<hbm>>
            tpu.enqueue_indirect_dma source(%dma_start3A_363 : memref<10000x128xf32, #tpu.memory_space<hbm>>) target(%dma_start3A_357 : memref<64x128xf32, #tpu.memory_space<vmem>>) offsets(%dma_start3A_360 : memref<64xi32, #tpu.memory_space<vmem>>) semaphore(%arg24 : memref<!tpu.dma_semaphore, #tpu.memory_space<semaphore_mem>>)
          } else {
          }
          %dma_wait3A_170 = arith.constant 0 : i32
          %dma_wait3A_171 = arith.constant 0 : i32
          %dma_wait3A_172 = arith.constant 0 : i32
          %dma_wait3A_173 = arith.constant 0 : i32
          %dma_wait3A_174 = tpu.memref_slice %arg18[%dma_wait3A_171, %dma_wait3A_172, %dma_wait3A_173] : memref<4x64x128xf32, #tpu.memory_space<vmem>> -> memref<1x64x128xf32, #tpu.memory_space<vmem>>
          %dma_wait3A_175 = tpu.memref_squeeze %dma_wait3A_174 : memref<1x64x128xf32, #tpu.memory_space<vmem>> -> memref<64x128xf32, #tpu.memory_space<vmem>>
          %dma_wait3A_176 = arith.constant 0 : i32
          %dma_wait3A_177 = tpu.memref_slice %arg16[%dma_wait3A_170, %dma_wait3A_176] : memref<40x64xi32, #tpu.memory_space<vmem>> -> memref<1x64xi32, #tpu.memory_space<vmem>>
          %dma_wait3A_178 = tpu.memref_squeeze %dma_wait3A_177 : memref<1x64xi32, #tpu.memory_space<vmem>> -> memref<64xi32, #tpu.memory_space<vmem>>
          %dma_wait3A_179 = arith.constant 0 : i32
          %dma_wait3A_180 = arith.constant 0 : i32
          %dma_wait3A_181 = tpu.memref_slice %arg3[%dma_wait3A_179, %dma_wait3A_180] : memref<10000x128xf32, #tpu.memory_space<hbm>> -> memref<10000x128xf32, #tpu.memory_space<hbm>>
          tpu.wait_indirect_dma semaphore(%arg21 : memref<!tpu.dma_semaphore, #tpu.memory_space<semaphore_mem>>) src(%dma_wait3A_181 : memref<10000x128xf32, #tpu.memory_space<hbm>>) dst(%dma_wait3A_175 : memref<64x128xf32, #tpu.memory_space<vmem>>)
          %dma_start3A_182 = arith.constant 0 : i32
          %dma_start3A_183 = arith.constant 0 : i32
          %dma_start3A_184 = arith.constant 0 : i32
          %dma_start3A_185 = tpu.memref_slice %arg18[%dma_start3A_182, %dma_start3A_183, %dma_start3A_184] : memref<4x64x128xf32, #tpu.memory_space<vmem>> -> memref<1x64x128xf32, #tpu.memory_space<vmem>>
          %dma_start3A_186 = tpu.memref_squeeze %dma_start3A_185 : memref<1x64x128xf32, #tpu.memory_space<vmem>> -> memref<64x128xf32, #tpu.memory_space<vmem>>
          %dma_start3A_187 = arith.constant 0 : i32
          %dma_start3A_188 = tpu.memref_slice %arg17[%add3A_157, %dma_start3A_187] : memref<40x64xi32, #tpu.memory_space<vmem>> -> memref<1x64xi32, #tpu.memory_space<vmem>>
          %dma_start3A_189 = tpu.memref_squeeze %dma_start3A_188 : memref<1x64xi32, #tpu.memory_space<vmem>> -> memref<64xi32, #tpu.memory_space<vmem>>
          %dma_start3A_190 = arith.constant 0 : i32
          %dma_start3A_191 = arith.constant 0 : i32
          %dma_start3A_192 = tpu.memref_slice %arg14[%dma_start3A_190, %dma_start3A_191] : memref<10240x128xf32, #tpu.memory_space<vmem_shared>> -> memref<10240x128xf32, #tpu.memory_space<vmem_shared>>
          tpu.enqueue_indirect_dma source(%dma_start3A_186 : memref<64x128xf32, #tpu.memory_space<vmem>>) target(%dma_start3A_192 : memref<10240x128xf32, #tpu.memory_space<vmem_shared>>) offsets(%dma_start3A_189 : memref<64xi32, #tpu.memory_space<vmem>>) semaphore(%arg25 : memref<!tpu.dma_semaphore, #tpu.memory_space<semaphore_mem>>) {add = true}
          %dma_start3A_193 = arith.constant 0 : i32
          %dma_start3A_194 = tpu.memref_slice %arg17[%add3A_157, %dma_start3A_193] : memref<40x64xi32, #tpu.memory_space<vmem>> -> memref<1x64xi32, #tpu.memory_space<vmem>>
          %dma_start3A_195 = tpu.memref_squeeze %dma_start3A_194 : memref<1x64xi32, #tpu.memory_space<vmem>> -> memref<64xi32, #tpu.memory_space<vmem>>
          %dma_start3A_196 = arith.constant 0 : i32
          %dma_start3A_197 = tpu.memref_slice %arg15[%dma_start3A_196] : memref<10240xf32, #tpu.memory_space<vmem_shared>> -> memref<10240xf32, #tpu.memory_space<vmem_shared>>
          tpu.enqueue_indirect_dma source(%arg19 : memref<64xf32, #tpu.memory_space<vmem>>) target(%dma_start3A_197 : memref<10240xf32, #tpu.memory_space<vmem_shared>>) offsets(%dma_start3A_195 : memref<64xi32, #tpu.memory_space<vmem>>) semaphore(%arg20 : memref<!tpu.dma_semaphore, #tpu.memory_space<semaphore_mem>>) {add = true}
          %ge3A_198 = arith.constant 4 : i32
          %ge3A_199 = arith.cmpi sge, %add3A_157, %ge3A_198 : i32
          %convert_element_type3A_200 = arith.extui %ge3A_199 : i1 to i32
          %cond3A_201 = arith.constant 0 : i32
          %cond3A_202 = arith.cmpi ne, %convert_element_type3A_200, %cond3A_201 : i32
          scf.if %cond3A_202 {
            %dma_wait3A_353 = arith.constant 0 : i32
            %dma_wait3A_354 = arith.constant 0 : i32
            %dma_wait3A_355 = tpu.memref_slice %arg17[%dma_wait3A_353, %dma_wait3A_354] : memref<40x64xi32, #tpu.memory_space<vmem>> -> memref<1x64xi32, #tpu.memory_space<vmem>>
            %dma_wait3A_356 = tpu.memref_squeeze %dma_wait3A_355 : memref<1x64xi32, #tpu.memory_space<vmem>> -> memref<64xi32, #tpu.memory_space<vmem>>
            %dma_wait3A_357 = arith.constant 0 : i32
            %dma_wait3A_358 = tpu.memref_slice %arg15[%dma_wait3A_357] : memref<10240xf32, #tpu.memory_space<vmem_shared>> -> memref<10240xf32, #tpu.memory_space<vmem_shared>>
            tpu.wait_indirect_dma semaphore(%arg20 : memref<!tpu.dma_semaphore, #tpu.memory_space<semaphore_mem>>) src(%arg19 : memref<64xf32, #tpu.memory_space<vmem>>) dst(%dma_wait3A_358 : memref<10240xf32, #tpu.memory_space<vmem_shared>>)
          } else {
          }
          %add3A_203 = arith.constant 1 : i32
          %add3A_204 = arith.addi %mul3A_155, %add3A_203 : i32
          %add3A_205 = arith.constant 3 : i32
          %add3A_206 = arith.addi %add3A_204, %add3A_205 : i32
          %lt3A_207 = arith.constant 40 : i32
          %lt3A_208 = arith.cmpi slt, %add3A_206, %lt3A_207 : i32
          %ge3A_209 = arith.constant 4 : i32
          %ge3A_210 = arith.cmpi sge, %add3A_206, %ge3A_209 : i32
          %and3A_211 = arith.andi %lt3A_208, %ge3A_210 : i1
          %convert_element_type3A_212 = arith.extui %and3A_211 : i1 to i32
          %cond3A_213 = arith.constant 0 : i32
          %cond3A_214 = arith.cmpi ne, %convert_element_type3A_212, %cond3A_213 : i32
          scf.if %cond3A_214 {
            %dma_wait3A_353 = arith.constant 0 : i32
            %dma_wait3A_354 = arith.constant 0 : i32
            %dma_wait3A_355 = arith.constant 0 : i32
            %dma_wait3A_356 = arith.constant 0 : i32
            %dma_wait3A_357 = tpu.memref_slice %arg18[%dma_wait3A_353, %dma_wait3A_355, %dma_wait3A_356] : memref<4x64x128xf32, #tpu.memory_space<vmem>> -> memref<1x64x128xf32, #tpu.memory_space<vmem>>
            %dma_wait3A_358 = tpu.memref_squeeze %dma_wait3A_357 : memref<1x64x128xf32, #tpu.memory_space<vmem>> -> memref<64x128xf32, #tpu.memory_space<vmem>>
            %dma_wait3A_359 = arith.constant 0 : i32
            %dma_wait3A_360 = tpu.memref_slice %arg17[%dma_wait3A_354, %dma_wait3A_359] : memref<40x64xi32, #tpu.memory_space<vmem>> -> memref<1x64xi32, #tpu.memory_space<vmem>>
            %dma_wait3A_361 = tpu.memref_squeeze %dma_wait3A_360 : memref<1x64xi32, #tpu.memory_space<vmem>> -> memref<64xi32, #tpu.memory_space<vmem>>
            %dma_wait3A_362 = arith.constant 0 : i32
            %dma_wait3A_363 = arith.constant 0 : i32
            %dma_wait3A_364 = tpu.memref_slice %arg14[%dma_wait3A_362, %dma_wait3A_363] : memref<10240x128xf32, #tpu.memory_space<vmem_shared>> -> memref<10240x128xf32, #tpu.memory_space<vmem_shared>>
            tpu.wait_indirect_dma semaphore(%arg25 : memref<!tpu.dma_semaphore, #tpu.memory_space<semaphore_mem>>) src(%dma_wait3A_358 : memref<64x128xf32, #tpu.memory_space<vmem>>) dst(%dma_wait3A_364 : memref<10240x128xf32, #tpu.memory_space<vmem_shared>>)
          } else {
          }
          %lt3A_215 = arith.constant 40 : i32
          %lt3A_216 = arith.cmpi slt, %add3A_206, %lt3A_215 : i32
          %convert_element_type3A_217 = arith.extui %lt3A_216 : i1 to i32
          %cond3A_218 = arith.constant 0 : i32
          %cond3A_219 = arith.cmpi ne, %convert_element_type3A_217, %cond3A_218 : i32
          scf.if %cond3A_219 {
            %dma_start3A_353 = arith.constant 0 : i32
            %dma_start3A_354 = arith.constant 0 : i32
            %dma_start3A_355 = arith.constant 0 : i32
            %dma_start3A_356 = tpu.memref_slice %arg18[%dma_start3A_353, %dma_start3A_354, %dma_start3A_355] : memref<4x64x128xf32, #tpu.memory_space<vmem>> -> memref<1x64x128xf32, #tpu.memory_space<vmem>>
            %dma_start3A_357 = tpu.memref_squeeze %dma_start3A_356 : memref<1x64x128xf32, #tpu.memory_space<vmem>> -> memref<64x128xf32, #tpu.memory_space<vmem>>
            %dma_start3A_358 = arith.constant 0 : i32
            %dma_start3A_359 = tpu.memref_slice %arg16[%add3A_206, %dma_start3A_358] : memref<40x64xi32, #tpu.memory_space<vmem>> -> memref<1x64xi32, #tpu.memory_space<vmem>>
            %dma_start3A_360 = tpu.memref_squeeze %dma_start3A_359 : memref<1x64xi32, #tpu.memory_space<vmem>> -> memref<64xi32, #tpu.memory_space<vmem>>
            %dma_start3A_361 = arith.constant 0 : i32
            %dma_start3A_362 = arith.constant 0 : i32
            %dma_start3A_363 = tpu.memref_slice %arg3[%dma_start3A_361, %dma_start3A_362] : memref<10000x128xf32, #tpu.memory_space<hbm>> -> memref<10000x128xf32, #tpu.memory_space<hbm>>
            tpu.enqueue_indirect_dma source(%dma_start3A_363 : memref<10000x128xf32, #tpu.memory_space<hbm>>) target(%dma_start3A_357 : memref<64x128xf32, #tpu.memory_space<vmem>>) offsets(%dma_start3A_360 : memref<64xi32, #tpu.memory_space<vmem>>) semaphore(%arg21 : memref<!tpu.dma_semaphore, #tpu.memory_space<semaphore_mem>>)
          } else {
          }
          %dma_wait3A_220 = arith.constant 0 : i32
          %dma_wait3A_221 = arith.constant 1 : i32
          %dma_wait3A_222 = arith.constant 0 : i32
          %dma_wait3A_223 = arith.constant 0 : i32
          %dma_wait3A_224 = tpu.memref_slice %arg18[%dma_wait3A_221, %dma_wait3A_222, %dma_wait3A_223] : memref<4x64x128xf32, #tpu.memory_space<vmem>> -> memref<1x64x128xf32, #tpu.memory_space<vmem>>
          %dma_wait3A_225 = tpu.memref_squeeze %dma_wait3A_224 : memref<1x64x128xf32, #tpu.memory_space<vmem>> -> memref<64x128xf32, #tpu.memory_space<vmem>>
          %dma_wait3A_226 = arith.constant 0 : i32
          %dma_wait3A_227 = tpu.memref_slice %arg16[%dma_wait3A_220, %dma_wait3A_226] : memref<40x64xi32, #tpu.memory_space<vmem>> -> memref<1x64xi32, #tpu.memory_space<vmem>>
          %dma_wait3A_228 = tpu.memref_squeeze %dma_wait3A_227 : memref<1x64xi32, #tpu.memory_space<vmem>> -> memref<64xi32, #tpu.memory_space<vmem>>
          %dma_wait3A_229 = arith.constant 0 : i32
          %dma_wait3A_230 = arith.constant 0 : i32
          %dma_wait3A_231 = tpu.memref_slice %arg3[%dma_wait3A_229, %dma_wait3A_230] : memref<10000x128xf32, #tpu.memory_space<hbm>> -> memref<10000x128xf32, #tpu.memory_space<hbm>>
          tpu.wait_indirect_dma semaphore(%arg22 : memref<!tpu.dma_semaphore, #tpu.memory_space<semaphore_mem>>) src(%dma_wait3A_231 : memref<10000x128xf32, #tpu.memory_space<hbm>>) dst(%dma_wait3A_225 : memref<64x128xf32, #tpu.memory_space<vmem>>)
          %dma_start3A_232 = arith.constant 1 : i32
          %dma_start3A_233 = arith.constant 0 : i32
          %dma_start3A_234 = arith.constant 0 : i32
          %dma_start3A_235 = tpu.memref_slice %arg18[%dma_start3A_232, %dma_start3A_233, %dma_start3A_234] : memref<4x64x128xf32, #tpu.memory_space<vmem>> -> memref<1x64x128xf32, #tpu.memory_space<vmem>>
          %dma_start3A_236 = tpu.memref_squeeze %dma_start3A_235 : memref<1x64x128xf32, #tpu.memory_space<vmem>> -> memref<64x128xf32, #tpu.memory_space<vmem>>
          %dma_start3A_237 = arith.constant 0 : i32
          %dma_start3A_238 = tpu.memref_slice %arg17[%add3A_204, %dma_start3A_237] : memref<40x64xi32, #tpu.memory_space<vmem>> -> memref<1x64xi32, #tpu.memory_space<vmem>>
          %dma_start3A_239 = tpu.memref_squeeze %dma_start3A_238 : memref<1x64xi32, #tpu.memory_space<vmem>> -> memref<64xi32, #tpu.memory_space<vmem>>
          %dma_start3A_240 = arith.constant 0 : i32
          %dma_start3A_241 = arith.constant 0 : i32
          %dma_start3A_242 = tpu.memref_slice %arg14[%dma_start3A_240, %dma_start3A_241] : memref<10240x128xf32, #tpu.memory_space<vmem_shared>> -> memref<10240x128xf32, #tpu.memory_space<vmem_shared>>
          tpu.enqueue_indirect_dma source(%dma_start3A_236 : memref<64x128xf32, #tpu.memory_space<vmem>>) target(%dma_start3A_242 : memref<10240x128xf32, #tpu.memory_space<vmem_shared>>) offsets(%dma_start3A_239 : memref<64xi32, #tpu.memory_space<vmem>>) semaphore(%arg26 : memref<!tpu.dma_semaphore, #tpu.memory_space<semaphore_mem>>) {add = true}
          %dma_start3A_243 = arith.constant 0 : i32
          %dma_start3A_244 = tpu.memref_slice %arg17[%add3A_204, %dma_start3A_243] : memref<40x64xi32, #tpu.memory_space<vmem>> -> memref<1x64xi32, #tpu.memory_space<vmem>>
          %dma_start3A_245 = tpu.memref_squeeze %dma_start3A_244 : memref<1x64xi32, #tpu.memory_space<vmem>> -> memref<64xi32, #tpu.memory_space<vmem>>
          %dma_start3A_246 = arith.constant 0 : i32
          %dma_start3A_247 = tpu.memref_slice %arg15[%dma_start3A_246] : memref<10240xf32, #tpu.memory_space<vmem_shared>> -> memref<10240xf32, #tpu.memory_space<vmem_shared>>
          tpu.enqueue_indirect_dma source(%arg19 : memref<64xf32, #tpu.memory_space<vmem>>) target(%dma_start3A_247 : memref<10240xf32, #tpu.memory_space<vmem_shared>>) offsets(%dma_start3A_245 : memref<64xi32, #tpu.memory_space<vmem>>) semaphore(%arg20 : memref<!tpu.dma_semaphore, #tpu.memory_space<semaphore_mem>>) {add = true}
          %ge3A_248 = arith.constant 4 : i32
          %ge3A_249 = arith.cmpi sge, %add3A_204, %ge3A_248 : i32
          %convert_element_type3A_250 = arith.extui %ge3A_249 : i1 to i32
          %cond3A_251 = arith.constant 0 : i32
          %cond3A_252 = arith.cmpi ne, %convert_element_type3A_250, %cond3A_251 : i32
          scf.if %cond3A_252 {
            %dma_wait3A_353 = arith.constant 0 : i32
            %dma_wait3A_354 = arith.constant 0 : i32
            %dma_wait3A_355 = tpu.memref_slice %arg17[%dma_wait3A_353, %dma_wait3A_354] : memref<40x64xi32, #tpu.memory_space<vmem>> -> memref<1x64xi32, #tpu.memory_space<vmem>>
            %dma_wait3A_356 = tpu.memref_squeeze %dma_wait3A_355 : memref<1x64xi32, #tpu.memory_space<vmem>> -> memref<64xi32, #tpu.memory_space<vmem>>
            %dma_wait3A_357 = arith.constant 0 : i32
            %dma_wait3A_358 = tpu.memref_slice %arg15[%dma_wait3A_357] : memref<10240xf32, #tpu.memory_space<vmem_shared>> -> memref<10240xf32, #tpu.memory_space<vmem_shared>>
            tpu.wait_indirect_dma semaphore(%arg20 : memref<!tpu.dma_semaphore, #tpu.memory_space<semaphore_mem>>) src(%arg19 : memref<64xf32, #tpu.memory_space<vmem>>) dst(%dma_wait3A_358 : memref<10240xf32, #tpu.memory_space<vmem_shared>>)
          } else {
          }
          %add3A_253 = arith.constant 2 : i32
          %add3A_254 = arith.addi %mul3A_155, %add3A_253 : i32
          %add3A_255 = arith.constant 3 : i32
          %add3A_256 = arith.addi %add3A_254, %add3A_255 : i32
          %lt3A_257 = arith.constant 40 : i32
          %lt3A_258 = arith.cmpi slt, %add3A_256, %lt3A_257 : i32
          %ge3A_259 = arith.constant 4 : i32
          %ge3A_260 = arith.cmpi sge, %add3A_256, %ge3A_259 : i32
          %and3A_261 = arith.andi %lt3A_258, %ge3A_260 : i1
          %convert_element_type3A_262 = arith.extui %and3A_261 : i1 to i32
          %cond3A_263 = arith.constant 0 : i32
          %cond3A_264 = arith.cmpi ne, %convert_element_type3A_262, %cond3A_263 : i32
          scf.if %cond3A_264 {
            %dma_wait3A_353 = arith.constant 1 : i32
            %dma_wait3A_354 = arith.constant 0 : i32
            %dma_wait3A_355 = arith.constant 0 : i32
            %dma_wait3A_356 = arith.constant 0 : i32
            %dma_wait3A_357 = tpu.memref_slice %arg18[%dma_wait3A_353, %dma_wait3A_355, %dma_wait3A_356] : memref<4x64x128xf32, #tpu.memory_space<vmem>> -> memref<1x64x128xf32, #tpu.memory_space<vmem>>
            %dma_wait3A_358 = tpu.memref_squeeze %dma_wait3A_357 : memref<1x64x128xf32, #tpu.memory_space<vmem>> -> memref<64x128xf32, #tpu.memory_space<vmem>>
            %dma_wait3A_359 = arith.constant 0 : i32
            %dma_wait3A_360 = tpu.memref_slice %arg17[%dma_wait3A_354, %dma_wait3A_359] : memref<40x64xi32, #tpu.memory_space<vmem>> -> memref<1x64xi32, #tpu.memory_space<vmem>>
            %dma_wait3A_361 = tpu.memref_squeeze %dma_wait3A_360 : memref<1x64xi32, #tpu.memory_space<vmem>> -> memref<64xi32, #tpu.memory_space<vmem>>
            %dma_wait3A_362 = arith.constant 0 : i32
            %dma_wait3A_363 = arith.constant 0 : i32
            %dma_wait3A_364 = tpu.memref_slice %arg14[%dma_wait3A_362, %dma_wait3A_363] : memref<10240x128xf32, #tpu.memory_space<vmem_shared>> -> memref<10240x128xf32, #tpu.memory_space<vmem_shared>>
            tpu.wait_indirect_dma semaphore(%arg26 : memref<!tpu.dma_semaphore, #tpu.memory_space<semaphore_mem>>) src(%dma_wait3A_358 : memref<64x128xf32, #tpu.memory_space<vmem>>) dst(%dma_wait3A_364 : memref<10240x128xf32, #tpu.memory_space<vmem_shared>>)
          } else {
          }
          %lt3A_265 = arith.constant 40 : i32
          %lt3A_266 = arith.cmpi slt, %add3A_256, %lt3A_265 : i32
          %convert_element_type3A_267 = arith.extui %lt3A_266 : i1 to i32
          %cond3A_268 = arith.constant 0 : i32
          %cond3A_269 = arith.cmpi ne, %convert_element_type3A_267, %cond3A_268 : i32
          scf.if %cond3A_269 {
            %dma_start3A_353 = arith.constant 1 : i32
            %dma_start3A_354 = arith.constant 0 : i32
            %dma_start3A_355 = arith.constant 0 : i32
            %dma_start3A_356 = tpu.memref_slice %arg18[%dma_start3A_353, %dma_start3A_354, %dma_start3A_355] : memref<4x64x128xf32, #tpu.memory_space<vmem>> -> memref<1x64x128xf32, #tpu.memory_space<vmem>>
            %dma_start3A_357 = tpu.memref_squeeze %dma_start3A_356 : memref<1x64x128xf32, #tpu.memory_space<vmem>> -> memref<64x128xf32, #tpu.memory_space<vmem>>
            %dma_start3A_358 = arith.constant 0 : i32
            %dma_start3A_359 = tpu.memref_slice %arg16[%add3A_256, %dma_start3A_358] : memref<40x64xi32, #tpu.memory_space<vmem>> -> memref<1x64xi32, #tpu.memory_space<vmem>>
            %dma_start3A_360 = tpu.memref_squeeze %dma_start3A_359 : memref<1x64xi32, #tpu.memory_space<vmem>> -> memref<64xi32, #tpu.memory_space<vmem>>
            %dma_start3A_361 = arith.constant 0 : i32
            %dma_start3A_362 = arith.constant 0 : i32
            %dma_start3A_363 = tpu.memref_slice %arg3[%dma_start3A_361, %dma_start3A_362] : memref<10000x128xf32, #tpu.memory_space<hbm>> -> memref<10000x128xf32, #tpu.memory_space<hbm>>
            tpu.enqueue_indirect_dma source(%dma_start3A_363 : memref<10000x128xf32, #tpu.memory_space<hbm>>) target(%dma_start3A_357 : memref<64x128xf32, #tpu.memory_space<vmem>>) offsets(%dma_start3A_360 : memref<64xi32, #tpu.memory_space<vmem>>) semaphore(%arg22 : memref<!tpu.dma_semaphore, #tpu.memory_space<semaphore_mem>>)
          } else {
          }
          %dma_wait3A_270 = arith.constant 0 : i32
          %dma_wait3A_271 = arith.constant 2 : i32
          %dma_wait3A_272 = arith.constant 0 : i32
          %dma_wait3A_273 = arith.constant 0 : i32
          %dma_wait3A_274 = tpu.memref_slice %arg18[%dma_wait3A_271, %dma_wait3A_272, %dma_wait3A_273] : memref<4x64x128xf32, #tpu.memory_space<vmem>> -> memref<1x64x128xf32, #tpu.memory_space<vmem>>
          %dma_wait3A_275 = tpu.memref_squeeze %dma_wait3A_274 : memref<1x64x128xf32, #tpu.memory_space<vmem>> -> memref<64x128xf32, #tpu.memory_space<vmem>>
          %dma_wait3A_276 = arith.constant 0 : i32
          %dma_wait3A_277 = tpu.memref_slice %arg16[%dma_wait3A_270, %dma_wait3A_276] : memref<40x64xi32, #tpu.memory_space<vmem>> -> memref<1x64xi32, #tpu.memory_space<vmem>>
          %dma_wait3A_278 = tpu.memref_squeeze %dma_wait3A_277 : memref<1x64xi32, #tpu.memory_space<vmem>> -> memref<64xi32, #tpu.memory_space<vmem>>
          %dma_wait3A_279 = arith.constant 0 : i32
          %dma_wait3A_280 = arith.constant 0 : i32
          %dma_wait3A_281 = tpu.memref_slice %arg3[%dma_wait3A_279, %dma_wait3A_280] : memref<10000x128xf32, #tpu.memory_space<hbm>> -> memref<10000x128xf32, #tpu.memory_space<hbm>>
          tpu.wait_indirect_dma semaphore(%arg23 : memref<!tpu.dma_semaphore, #tpu.memory_space<semaphore_mem>>) src(%dma_wait3A_281 : memref<10000x128xf32, #tpu.memory_space<hbm>>) dst(%dma_wait3A_275 : memref<64x128xf32, #tpu.memory_space<vmem>>)
          %dma_start3A_282 = arith.constant 2 : i32
          %dma_start3A_283 = arith.constant 0 : i32
          %dma_start3A_284 = arith.constant 0 : i32
          %dma_start3A_285 = tpu.memref_slice %arg18[%dma_start3A_282, %dma_start3A_283, %dma_start3A_284] : memref<4x64x128xf32, #tpu.memory_space<vmem>> -> memref<1x64x128xf32, #tpu.memory_space<vmem>>
          %dma_start3A_286 = tpu.memref_squeeze %dma_start3A_285 : memref<1x64x128xf32, #tpu.memory_space<vmem>> -> memref<64x128xf32, #tpu.memory_space<vmem>>
          %dma_start3A_287 = arith.constant 0 : i32
          %dma_start3A_288 = tpu.memref_slice %arg17[%add3A_254, %dma_start3A_287] : memref<40x64xi32, #tpu.memory_space<vmem>> -> memref<1x64xi32, #tpu.memory_space<vmem>>
          %dma_start3A_289 = tpu.memref_squeeze %dma_start3A_288 : memref<1x64xi32, #tpu.memory_space<vmem>> -> memref<64xi32, #tpu.memory_space<vmem>>
          %dma_start3A_290 = arith.constant 0 : i32
          %dma_start3A_291 = arith.constant 0 : i32
          %dma_start3A_292 = tpu.memref_slice %arg14[%dma_start3A_290, %dma_start3A_291] : memref<10240x128xf32, #tpu.memory_space<vmem_shared>> -> memref<10240x128xf32, #tpu.memory_space<vmem_shared>>
          tpu.enqueue_indirect_dma source(%dma_start3A_286 : memref<64x128xf32, #tpu.memory_space<vmem>>) target(%dma_start3A_292 : memref<10240x128xf32, #tpu.memory_space<vmem_shared>>) offsets(%dma_start3A_289 : memref<64xi32, #tpu.memory_space<vmem>>) semaphore(%arg27 : memref<!tpu.dma_semaphore, #tpu.memory_space<semaphore_mem>>) {add = true}
          %dma_start3A_293 = arith.constant 0 : i32
          %dma_start3A_294 = tpu.memref_slice %arg17[%add3A_254, %dma_start3A_293] : memref<40x64xi32, #tpu.memory_space<vmem>> -> memref<1x64xi32, #tpu.memory_space<vmem>>
          %dma_start3A_295 = tpu.memref_squeeze %dma_start3A_294 : memref<1x64xi32, #tpu.memory_space<vmem>> -> memref<64xi32, #tpu.memory_space<vmem>>
          %dma_start3A_296 = arith.constant 0 : i32
          %dma_start3A_297 = tpu.memref_slice %arg15[%dma_start3A_296] : memref<10240xf32, #tpu.memory_space<vmem_shared>> -> memref<10240xf32, #tpu.memory_space<vmem_shared>>
          tpu.enqueue_indirect_dma source(%arg19 : memref<64xf32, #tpu.memory_space<vmem>>) target(%dma_start3A_297 : memref<10240xf32, #tpu.memory_space<vmem_shared>>) offsets(%dma_start3A_295 : memref<64xi32, #tpu.memory_space<vmem>>) semaphore(%arg20 : memref<!tpu.dma_semaphore, #tpu.memory_space<semaphore_mem>>) {add = true}
          %ge3A_298 = arith.constant 4 : i32
          %ge3A_299 = arith.cmpi sge, %add3A_254, %ge3A_298 : i32
          %convert_element_type3A_300 = arith.extui %ge3A_299 : i1 to i32
          %cond3A_301 = arith.constant 0 : i32
          %cond3A_302 = arith.cmpi ne, %convert_element_type3A_300, %cond3A_301 : i32
          scf.if %cond3A_302 {
            %dma_wait3A_353 = arith.constant 0 : i32
            %dma_wait3A_354 = arith.constant 0 : i32
            %dma_wait3A_355 = tpu.memref_slice %arg17[%dma_wait3A_353, %dma_wait3A_354] : memref<40x64xi32, #tpu.memory_space<vmem>> -> memref<1x64xi32, #tpu.memory_space<vmem>>
            %dma_wait3A_356 = tpu.memref_squeeze %dma_wait3A_355 : memref<1x64xi32, #tpu.memory_space<vmem>> -> memref<64xi32, #tpu.memory_space<vmem>>
            %dma_wait3A_357 = arith.constant 0 : i32
            %dma_wait3A_358 = tpu.memref_slice %arg15[%dma_wait3A_357] : memref<10240xf32, #tpu.memory_space<vmem_shared>> -> memref<10240xf32, #tpu.memory_space<vmem_shared>>
            tpu.wait_indirect_dma semaphore(%arg20 : memref<!tpu.dma_semaphore, #tpu.memory_space<semaphore_mem>>) src(%arg19 : memref<64xf32, #tpu.memory_space<vmem>>) dst(%dma_wait3A_358 : memref<10240xf32, #tpu.memory_space<vmem_shared>>)
          } else {
          }
          %add3A_303 = arith.constant 3 : i32
          %add3A_304 = arith.addi %mul3A_155, %add3A_303 : i32
          %add3A_305 = arith.constant 3 : i32
          %add3A_306 = arith.addi %add3A_304, %add3A_305 : i32
          %lt3A_307 = arith.constant 40 : i32
          %lt3A_308 = arith.cmpi slt, %add3A_306, %lt3A_307 : i32
          %ge3A_309 = arith.constant 4 : i32
          %ge3A_310 = arith.cmpi sge, %add3A_306, %ge3A_309 : i32
          %and3A_311 = arith.andi %lt3A_308, %ge3A_310 : i1
          %convert_element_type3A_312 = arith.extui %and3A_311 : i1 to i32
          %cond3A_313 = arith.constant 0 : i32
          %cond3A_314 = arith.cmpi ne, %convert_element_type3A_312, %cond3A_313 : i32
          scf.if %cond3A_314 {
            %dma_wait3A_353 = arith.constant 2 : i32
            %dma_wait3A_354 = arith.constant 0 : i32
            %dma_wait3A_355 = arith.constant 0 : i32
            %dma_wait3A_356 = arith.constant 0 : i32
            %dma_wait3A_357 = tpu.memref_slice %arg18[%dma_wait3A_353, %dma_wait3A_355, %dma_wait3A_356] : memref<4x64x128xf32, #tpu.memory_space<vmem>> -> memref<1x64x128xf32, #tpu.memory_space<vmem>>
            %dma_wait3A_358 = tpu.memref_squeeze %dma_wait3A_357 : memref<1x64x128xf32, #tpu.memory_space<vmem>> -> memref<64x128xf32, #tpu.memory_space<vmem>>
            %dma_wait3A_359 = arith.constant 0 : i32
            %dma_wait3A_360 = tpu.memref_slice %arg17[%dma_wait3A_354, %dma_wait3A_359] : memref<40x64xi32, #tpu.memory_space<vmem>> -> memref<1x64xi32, #tpu.memory_space<vmem>>
            %dma_wait3A_361 = tpu.memref_squeeze %dma_wait3A_360 : memref<1x64xi32, #tpu.memory_space<vmem>> -> memref<64xi32, #tpu.memory_space<vmem>>
            %dma_wait3A_362 = arith.constant 0 : i32
            %dma_wait3A_363 = arith.constant 0 : i32
            %dma_wait3A_364 = tpu.memref_slice %arg14[%dma_wait3A_362, %dma_wait3A_363] : memref<10240x128xf32, #tpu.memory_space<vmem_shared>> -> memref<10240x128xf32, #tpu.memory_space<vmem_shared>>
            tpu.wait_indirect_dma semaphore(%arg27 : memref<!tpu.dma_semaphore, #tpu.memory_space<semaphore_mem>>) src(%dma_wait3A_358 : memref<64x128xf32, #tpu.memory_space<vmem>>) dst(%dma_wait3A_364 : memref<10240x128xf32, #tpu.memory_space<vmem_shared>>)
          } else {
          }
          %lt3A_315 = arith.constant 40 : i32
          %lt3A_316 = arith.cmpi slt, %add3A_306, %lt3A_315 : i32
          %convert_element_type3A_317 = arith.extui %lt3A_316 : i1 to i32
          %cond3A_318 = arith.constant 0 : i32
          %cond3A_319 = arith.cmpi ne, %convert_element_type3A_317, %cond3A_318 : i32
          scf.if %cond3A_319 {
            %dma_start3A_353 = arith.constant 2 : i32
            %dma_start3A_354 = arith.constant 0 : i32
            %dma_start3A_355 = arith.constant 0 : i32
            %dma_start3A_356 = tpu.memref_slice %arg18[%dma_start3A_353, %dma_start3A_354, %dma_start3A_355] : memref<4x64x128xf32, #tpu.memory_space<vmem>> -> memref<1x64x128xf32, #tpu.memory_space<vmem>>
            %dma_start3A_357 = tpu.memref_squeeze %dma_start3A_356 : memref<1x64x128xf32, #tpu.memory_space<vmem>> -> memref<64x128xf32, #tpu.memory_space<vmem>>
            %dma_start3A_358 = arith.constant 0 : i32
            %dma_start3A_359 = tpu.memref_slice %arg16[%add3A_306, %dma_start3A_358] : memref<40x64xi32, #tpu.memory_space<vmem>> -> memref<1x64xi32, #tpu.memory_space<vmem>>
            %dma_start3A_360 = tpu.memref_squeeze %dma_start3A_359 : memref<1x64xi32, #tpu.memory_space<vmem>> -> memref<64xi32, #tpu.memory_space<vmem>>
            %dma_start3A_361 = arith.constant 0 : i32
            %dma_start3A_362 = arith.constant 0 : i32
            %dma_start3A_363 = tpu.memref_slice %arg3[%dma_start3A_361, %dma_start3A_362] : memref<10000x128xf32, #tpu.memory_space<hbm>> -> memref<10000x128xf32, #tpu.memory_space<hbm>>
            tpu.enqueue_indirect_dma source(%dma_start3A_363 : memref<10000x128xf32, #tpu.memory_space<hbm>>) target(%dma_start3A_357 : memref<64x128xf32, #tpu.memory_space<vmem>>) offsets(%dma_start3A_360 : memref<64xi32, #tpu.memory_space<vmem>>) semaphore(%arg23 : memref<!tpu.dma_semaphore, #tpu.memory_space<semaphore_mem>>)
          } else {
          }
          %dma_wait3A_320 = arith.constant 0 : i32
          %dma_wait3A_321 = arith.constant 3 : i32
          %dma_wait3A_322 = arith.constant 0 : i32
          %dma_wait3A_323 = arith.constant 0 : i32
          %dma_wait3A_324 = tpu.memref_slice %arg18[%dma_wait3A_321, %dma_wait3A_322, %dma_wait3A_323] : memref<4x64x128xf32, #tpu.memory_space<vmem>> -> memref<1x64x128xf32, #tpu.memory_space<vmem>>
          %dma_wait3A_325 = tpu.memref_squeeze %dma_wait3A_324 : memref<1x64x128xf32, #tpu.memory_space<vmem>> -> memref<64x128xf32, #tpu.memory_space<vmem>>
          %dma_wait3A_326 = arith.constant 0 : i32
          %dma_wait3A_327 = tpu.memref_slice %arg16[%dma_wait3A_320, %dma_wait3A_326] : memref<40x64xi32, #tpu.memory_space<vmem>> -> memref<1x64xi32, #tpu.memory_space<vmem>>
          %dma_wait3A_328 = tpu.memref_squeeze %dma_wait3A_327 : memref<1x64xi32, #tpu.memory_space<vmem>> -> memref<64xi32, #tpu.memory_space<vmem>>
          %dma_wait3A_329 = arith.constant 0 : i32
          %dma_wait3A_330 = arith.constant 0 : i32
          %dma_wait3A_331 = tpu.memref_slice %arg3[%dma_wait3A_329, %dma_wait3A_330] : memref<10000x128xf32, #tpu.memory_space<hbm>> -> memref<10000x128xf32, #tpu.memory_space<hbm>>
          tpu.wait_indirect_dma semaphore(%arg24 : memref<!tpu.dma_semaphore, #tpu.memory_space<semaphore_mem>>) src(%dma_wait3A_331 : memref<10000x128xf32, #tpu.memory_space<hbm>>) dst(%dma_wait3A_325 : memref<64x128xf32, #tpu.memory_space<vmem>>)
          %dma_start3A_332 = arith.constant 3 : i32
          %dma_start3A_333 = arith.constant 0 : i32
          %dma_start3A_334 = arith.constant 0 : i32
          %dma_start3A_335 = tpu.memref_slice %arg18[%dma_start3A_332, %dma_start3A_333, %dma_start3A_334] : memref<4x64x128xf32, #tpu.memory_space<vmem>> -> memref<1x64x128xf32, #tpu.memory_space<vmem>>
          %dma_start3A_336 = tpu.memref_squeeze %dma_start3A_335 : memref<1x64x128xf32, #tpu.memory_space<vmem>> -> memref<64x128xf32, #tpu.memory_space<vmem>>
          %dma_start3A_337 = arith.constant 0 : i32
          %dma_start3A_338 = tpu.memref_slice %arg17[%add3A_304, %dma_start3A_337] : memref<40x64xi32, #tpu.memory_space<vmem>> -> memref<1x64xi32, #tpu.memory_space<vmem>>
          %dma_start3A_339 = tpu.memref_squeeze %dma_start3A_338 : memref<1x64xi32, #tpu.memory_space<vmem>> -> memref<64xi32, #tpu.memory_space<vmem>>
          %dma_start3A_340 = arith.constant 0 : i32
          %dma_start3A_341 = arith.constant 0 : i32
          %dma_start3A_342 = tpu.memref_slice %arg14[%dma_start3A_340, %dma_start3A_341] : memref<10240x128xf32, #tpu.memory_space<vmem_shared>> -> memref<10240x128xf32, #tpu.memory_space<vmem_shared>>
          tpu.enqueue_indirect_dma source(%dma_start3A_336 : memref<64x128xf32, #tpu.memory_space<vmem>>) target(%dma_start3A_342 : memref<10240x128xf32, #tpu.memory_space<vmem_shared>>) offsets(%dma_start3A_339 : memref<64xi32, #tpu.memory_space<vmem>>) semaphore(%arg28 : memref<!tpu.dma_semaphore, #tpu.memory_space<semaphore_mem>>) {add = true}
          %dma_start3A_343 = arith.constant 0 : i32
          %dma_start3A_344 = tpu.memref_slice %arg17[%add3A_304, %dma_start3A_343] : memref<40x64xi32, #tpu.memory_space<vmem>> -> memref<1x64xi32, #tpu.memory_space<vmem>>
          %dma_start3A_345 = tpu.memref_squeeze %dma_start3A_344 : memref<1x64xi32, #tpu.memory_space<vmem>> -> memref<64xi32, #tpu.memory_space<vmem>>
          %dma_start3A_346 = arith.constant 0 : i32
          %dma_start3A_347 = tpu.memref_slice %arg15[%dma_start3A_346] : memref<10240xf32, #tpu.memory_space<vmem_shared>> -> memref<10240xf32, #tpu.memory_space<vmem_shared>>
          tpu.enqueue_indirect_dma source(%arg19 : memref<64xf32, #tpu.memory_space<vmem>>) target(%dma_start3A_347 : memref<10240xf32, #tpu.memory_space<vmem_shared>>) offsets(%dma_start3A_345 : memref<64xi32, #tpu.memory_space<vmem>>) semaphore(%arg20 : memref<!tpu.dma_semaphore, #tpu.memory_space<semaphore_mem>>) {add = true}
          %ge3A_348 = arith.constant 4 : i32
          %ge3A_349 = arith.cmpi sge, %add3A_304, %ge3A_348 : i32
          %convert_element_type3A_350 = arith.extui %ge3A_349 : i1 to i32
          %cond3A_351 = arith.constant 0 : i32
          %cond3A_352 = arith.cmpi ne, %convert_element_type3A_350, %cond3A_351 : i32
          scf.if %cond3A_352 {
            %dma_wait3A_353 = arith.constant 0 : i32
            %dma_wait3A_354 = arith.constant 0 : i32
            %dma_wait3A_355 = tpu.memref_slice %arg17[%dma_wait3A_353, %dma_wait3A_354] : memref<40x64xi32, #tpu.memory_space<vmem>> -> memref<1x64xi32, #tpu.memory_space<vmem>>
            %dma_wait3A_356 = tpu.memref_squeeze %dma_wait3A_355 : memref<1x64xi32, #tpu.memory_space<vmem>> -> memref<64xi32, #tpu.memory_space<vmem>>
            %dma_wait3A_357 = arith.constant 0 : i32
            %dma_wait3A_358 = tpu.memref_slice %arg15[%dma_wait3A_357] : memref<10240xf32, #tpu.memory_space<vmem_shared>> -> memref<10240xf32, #tpu.memory_space<vmem_shared>>
            tpu.wait_indirect_dma semaphore(%arg20 : memref<!tpu.dma_semaphore, #tpu.memory_space<semaphore_mem>>) src(%arg19 : memref<64xf32, #tpu.memory_space<vmem>>) dst(%dma_wait3A_358 : memref<10240xf32, #tpu.memory_space<vmem_shared>>)
          } else {
          }
        }
        %scan3A_81 = arith.constant 10 : i32
        %dma_wait3A = arith.constant 0 : i32
        %dma_wait3A_82 = arith.constant 0 : i32
        %dma_wait3A_83 = arith.constant 0 : i32
        %dma_wait3A_84 = arith.constant 0 : i32
        %dma_wait3A_85 = tpu.memref_slice %arg18[%dma_wait3A, %dma_wait3A_83, %dma_wait3A_84] : memref<4x64x128xf32, #tpu.memory_space<vmem>> -> memref<1x64x128xf32, #tpu.memory_space<vmem>>
        %dma_wait3A_86 = tpu.memref_squeeze %dma_wait3A_85 : memref<1x64x128xf32, #tpu.memory_space<vmem>> -> memref<64x128xf32, #tpu.memory_space<vmem>>
        %dma_wait3A_87 = arith.constant 0 : i32
        %dma_wait3A_88 = tpu.memref_slice %arg17[%dma_wait3A_82, %dma_wait3A_87] : memref<40x64xi32, #tpu.memory_space<vmem>> -> memref<1x64xi32, #tpu.memory_space<vmem>>
        %dma_wait3A_89 = tpu.memref_squeeze %dma_wait3A_88 : memref<1x64xi32, #tpu.memory_space<vmem>> -> memref<64xi32, #tpu.memory_space<vmem>>
        %dma_wait3A_90 = arith.constant 0 : i32
        %dma_wait3A_91 = arith.constant 0 : i32
        %dma_wait3A_92 = tpu.memref_slice %arg14[%dma_wait3A_90, %dma_wait3A_91] : memref<10240x128xf32, #tpu.memory_space<vmem_shared>> -> memref<10240x128xf32, #tpu.memory_space<vmem_shared>>
        tpu.wait_indirect_dma semaphore(%arg25 : memref<!tpu.dma_semaphore, #tpu.memory_space<semaphore_mem>>) src(%dma_wait3A_86 : memref<64x128xf32, #tpu.memory_space<vmem>>) dst(%dma_wait3A_92 : memref<10240x128xf32, #tpu.memory_space<vmem_shared>>)
        %dma_wait3A_93 = arith.constant 0 : i32
        %dma_wait3A_94 = arith.constant 0 : i32
        %dma_wait3A_95 = tpu.memref_slice %arg17[%dma_wait3A_93, %dma_wait3A_94] : memref<40x64xi32, #tpu.memory_space<vmem>> -> memref<1x64xi32, #tpu.memory_space<vmem>>
        %dma_wait3A_96 = tpu.memref_squeeze %dma_wait3A_95 : memref<1x64xi32, #tpu.memory_space<vmem>> -> memref<64xi32, #tpu.memory_space<vmem>>
        %dma_wait3A_97 = arith.constant 0 : i32
        %dma_wait3A_98 = tpu.memref_slice %arg15[%dma_wait3A_97] : memref<10240xf32, #tpu.memory_space<vmem_shared>> -> memref<10240xf32, #tpu.memory_space<vmem_shared>>
        tpu.wait_indirect_dma semaphore(%arg20 : memref<!tpu.dma_semaphore, #tpu.memory_space<semaphore_mem>>) src(%arg19 : memref<64xf32, #tpu.memory_space<vmem>>) dst(%dma_wait3A_98 : memref<10240xf32, #tpu.memory_space<vmem_shared>>)
        %dma_wait3A_99 = arith.constant 1 : i32
        %dma_wait3A_100 = arith.constant 0 : i32
        %dma_wait3A_101 = arith.constant 0 : i32
        %dma_wait3A_102 = arith.constant 0 : i32
        %dma_wait3A_103 = tpu.memref_slice %arg18[%dma_wait3A_99, %dma_wait3A_101, %dma_wait3A_102] : memref<4x64x128xf32, #tpu.memory_space<vmem>> -> memref<1x64x128xf32, #tpu.memory_space<vmem>>
        %dma_wait3A_104 = tpu.memref_squeeze %dma_wait3A_103 : memref<1x64x128xf32, #tpu.memory_space<vmem>> -> memref<64x128xf32, #tpu.memory_space<vmem>>
        %dma_wait3A_105 = arith.constant 0 : i32
        %dma_wait3A_106 = tpu.memref_slice %arg17[%dma_wait3A_100, %dma_wait3A_105] : memref<40x64xi32, #tpu.memory_space<vmem>> -> memref<1x64xi32, #tpu.memory_space<vmem>>
        %dma_wait3A_107 = tpu.memref_squeeze %dma_wait3A_106 : memref<1x64xi32, #tpu.memory_space<vmem>> -> memref<64xi32, #tpu.memory_space<vmem>>
        %dma_wait3A_108 = arith.constant 0 : i32
        %dma_wait3A_109 = arith.constant 0 : i32
        %dma_wait3A_110 = tpu.memref_slice %arg14[%dma_wait3A_108, %dma_wait3A_109] : memref<10240x128xf32, #tpu.memory_space<vmem_shared>> -> memref<10240x128xf32, #tpu.memory_space<vmem_shared>>
        tpu.wait_indirect_dma semaphore(%arg26 : memref<!tpu.dma_semaphore, #tpu.memory_space<semaphore_mem>>) src(%dma_wait3A_104 : memref<64x128xf32, #tpu.memory_space<vmem>>) dst(%dma_wait3A_110 : memref<10240x128xf32, #tpu.memory_space<vmem_shared>>)
        %dma_wait3A_111 = arith.constant 0 : i32
        %dma_wait3A_112 = arith.constant 0 : i32
        %dma_wait3A_113 = tpu.memref_slice %arg17[%dma_wait3A_111, %dma_wait3A_112] : memref<40x64xi32, #tpu.memory_space<vmem>> -> memref<1x64xi32, #tpu.memory_space<vmem>>
        %dma_wait3A_114 = tpu.memref_squeeze %dma_wait3A_113 : memref<1x64xi32, #tpu.memory_space<vmem>> -> memref<64xi32, #tpu.memory_space<vmem>>
        %dma_wait3A_115 = arith.constant 0 : i32
        %dma_wait3A_116 = tpu.memref_slice %arg15[%dma_wait3A_115] : memref<10240xf32, #tpu.memory_space<vmem_shared>> -> memref<10240xf32, #tpu.memory_space<vmem_shared>>
        tpu.wait_indirect_dma semaphore(%arg20 : memref<!tpu.dma_semaphore, #tpu.memory_space<semaphore_mem>>) src(%arg19 : memref<64xf32, #tpu.memory_space<vmem>>) dst(%dma_wait3A_116 : memref<10240xf32, #tpu.memory_space<vmem_shared>>)
        %dma_wait3A_117 = arith.constant 2 : i32
        %dma_wait3A_118 = arith.constant 0 : i32
        %dma_wait3A_119 = arith.constant 0 : i32
        %dma_wait3A_120 = arith.constant 0 : i32
        %dma_wait3A_121 = tpu.memref_slice %arg18[%dma_wait3A_117, %dma_wait3A_119, %dma_wait3A_120] : memref<4x64x128xf32, #tpu.memory_space<vmem>> -> memref<1x64x128xf32, #tpu.memory_space<vmem>>
        %dma_wait3A_122 = tpu.memref_squeeze %dma_wait3A_121 : memref<1x64x128xf32, #tpu.memory_space<vmem>> -> memref<64x128xf32, #tpu.memory_space<vmem>>
        %dma_wait3A_123 = arith.constant 0 : i32
        %dma_wait3A_124 = tpu.memref_slice %arg17[%dma_wait3A_118, %dma_wait3A_123] : memref<40x64xi32, #tpu.memory_space<vmem>> -> memref<1x64xi32, #tpu.memory_space<vmem>>
        %dma_wait3A_125 = tpu.memref_squeeze %dma_wait3A_124 : memref<1x64xi32, #tpu.memory_space<vmem>> -> memref<64xi32, #tpu.memory_space<vmem>>
        %dma_wait3A_126 = arith.constant 0 : i32
        %dma_wait3A_127 = arith.constant 0 : i32
        %dma_wait3A_128 = tpu.memref_slice %arg14[%dma_wait3A_126, %dma_wait3A_127] : memref<10240x128xf32, #tpu.memory_space<vmem_shared>> -> memref<10240x128xf32, #tpu.memory_space<vmem_shared>>
        tpu.wait_indirect_dma semaphore(%arg27 : memref<!tpu.dma_semaphore, #tpu.memory_space<semaphore_mem>>) src(%dma_wait3A_122 : memref<64x128xf32, #tpu.memory_space<vmem>>) dst(%dma_wait3A_128 : memref<10240x128xf32, #tpu.memory_space<vmem_shared>>)
        %dma_wait3A_129 = arith.constant 0 : i32
        %dma_wait3A_130 = arith.constant 0 : i32
        %dma_wait3A_131 = tpu.memref_slice %arg17[%dma_wait3A_129, %dma_wait3A_130] : memref<40x64xi32, #tpu.memory_space<vmem>> -> memref<1x64xi32, #tpu.memory_space<vmem>>
        %dma_wait3A_132 = tpu.memref_squeeze %dma_wait3A_131 : memref<1x64xi32, #tpu.memory_space<vmem>> -> memref<64xi32, #tpu.memory_space<vmem>>
        %dma_wait3A_133 = arith.constant 0 : i32
        %dma_wait3A_134 = tpu.memref_slice %arg15[%dma_wait3A_133] : memref<10240xf32, #tpu.memory_space<vmem_shared>> -> memref<10240xf32, #tpu.memory_space<vmem_shared>>
        tpu.wait_indirect_dma semaphore(%arg20 : memref<!tpu.dma_semaphore, #tpu.memory_space<semaphore_mem>>) src(%arg19 : memref<64xf32, #tpu.memory_space<vmem>>) dst(%dma_wait3A_134 : memref<10240xf32, #tpu.memory_space<vmem_shared>>)
        %dma_wait3A_135 = arith.constant 3 : i32
        %dma_wait3A_136 = arith.constant 0 : i32
        %dma_wait3A_137 = arith.constant 0 : i32
        %dma_wait3A_138 = arith.constant 0 : i32
        %dma_wait3A_139 = tpu.memref_slice %arg18[%dma_wait3A_135, %dma_wait3A_137, %dma_wait3A_138] : memref<4x64x128xf32, #tpu.memory_space<vmem>> -> memref<1x64x128xf32, #tpu.memory_space<vmem>>
        %dma_wait3A_140 = tpu.memref_squeeze %dma_wait3A_139 : memref<1x64x128xf32, #tpu.memory_space<vmem>> -> memref<64x128xf32, #tpu.memory_space<vmem>>
        %dma_wait3A_141 = arith.constant 0 : i32
        %dma_wait3A_142 = tpu.memref_slice %arg17[%dma_wait3A_136, %dma_wait3A_141] : memref<40x64xi32, #tpu.memory_space<vmem>> -> memref<1x64xi32, #tpu.memory_space<vmem>>
        %dma_wait3A_143 = tpu.memref_squeeze %dma_wait3A_142 : memref<1x64xi32, #tpu.memory_space<vmem>> -> memref<64xi32, #tpu.memory_space<vmem>>
        %dma_wait3A_144 = arith.constant 0 : i32
        %dma_wait3A_145 = arith.constant 0 : i32
        %dma_wait3A_146 = tpu.memref_slice %arg14[%dma_wait3A_144, %dma_wait3A_145] : memref<10240x128xf32, #tpu.memory_space<vmem_shared>> -> memref<10240x128xf32, #tpu.memory_space<vmem_shared>>
        tpu.wait_indirect_dma semaphore(%arg28 : memref<!tpu.dma_semaphore, #tpu.memory_space<semaphore_mem>>) src(%dma_wait3A_140 : memref<64x128xf32, #tpu.memory_space<vmem>>) dst(%dma_wait3A_146 : memref<10240x128xf32, #tpu.memory_space<vmem_shared>>)
        %dma_wait3A_147 = arith.constant 0 : i32
        %dma_wait3A_148 = arith.constant 0 : i32
        %dma_wait3A_149 = tpu.memref_slice %arg17[%dma_wait3A_147, %dma_wait3A_148] : memref<40x64xi32, #tpu.memory_space<vmem>> -> memref<1x64xi32, #tpu.memory_space<vmem>>
        %dma_wait3A_150 = tpu.memref_squeeze %dma_wait3A_149 : memref<1x64xi32, #tpu.memory_space<vmem>> -> memref<64xi32, #tpu.memory_space<vmem>>
        %dma_wait3A_151 = arith.constant 0 : i32
        %dma_wait3A_152 = tpu.memref_slice %arg15[%dma_wait3A_151] : memref<10240xf32, #tpu.memory_space<vmem_shared>> -> memref<10240xf32, #tpu.memory_space<vmem_shared>>
        tpu.wait_indirect_dma semaphore(%arg20 : memref<!tpu.dma_semaphore, #tpu.memory_space<semaphore_mem>>) src(%arg19 : memref<64xf32, #tpu.memory_space<vmem>>) dst(%dma_wait3A_152 : memref<10240xf32, #tpu.memory_space<vmem_shared>>)
      }
      %scan3A_34 = arith.constant 8 : i32
      %barrier3A_35 = arith.constant 0 : index
      tpu.barrier barrier_id(%barrier3A_35)
      "tpu.region"() ({
        %run_scoped3A = tpu.sem_alloc : memref<!tpu.dma_semaphore, #tpu.memory_space<semaphore_mem>>
        %dma_start3A = arith.constant 0 : i32
        %dma_start3A_36 = tpu.memref_slice %arg11[%mul3A_0, %dma_start3A] : memref<10240x128xf32, #tpu.memory_space<hbm>> -> memref<640x128xf32, #tpu.memory_space<hbm>>
        %dma_start3A_37 = arith.constant 0 : i32
        %dma_start3A_38 = tpu.memref_slice %arg14[%mul3A_0, %dma_start3A_37] : memref<10240x128xf32, #tpu.memory_space<vmem_shared>> -> memref<640x128xf32, #tpu.memory_space<vmem_shared>>
        tpu.enqueue_dma source(%dma_start3A_38 : memref<640x128xf32, #tpu.memory_space<vmem_shared>>) target(%dma_start3A_36 : memref<640x128xf32, #tpu.memory_space<hbm>>) target_semaphore(%run_scoped3A : memref<!tpu.dma_semaphore, #tpu.memory_space<semaphore_mem>>)
        %dma_wait3A = arith.constant 0 : i32
        %dma_wait3A_39 = tpu.memref_slice %arg11[%mul3A_0, %dma_wait3A] : memref<10240x128xf32, #tpu.memory_space<hbm>> -> memref<640x128xf32, #tpu.memory_space<hbm>>
        %dma_wait3A_40 = arith.constant 0 : i32
        %dma_wait3A_41 = tpu.memref_slice %arg14[%mul3A_0, %dma_wait3A_40] : memref<10240x128xf32, #tpu.memory_space<vmem_shared>> -> memref<640x128xf32, #tpu.memory_space<vmem_shared>>
        tpu.wait_dma2 semaphore(%run_scoped3A : memref<!tpu.dma_semaphore, #tpu.memory_space<semaphore_mem>>) src(%dma_wait3A_41 : memref<640x128xf32, #tpu.memory_space<vmem_shared>>) dst(%dma_wait3A_39 : memref<640x128xf32, #tpu.memory_space<hbm>>)
        tpu.yield
      }) : () -> ()
      "tpu.region"() ({
        %run_scoped3A = tpu.sem_alloc : memref<!tpu.dma_semaphore, #tpu.memory_space<semaphore_mem>>
        %dma_start3A = tpu.memref_slice %arg13[%mul3A_0] : memref<10240xf32, #tpu.memory_space<hbm>> -> memref<640xf32, #tpu.memory_space<hbm>>
        %dma_start3A_36 = tpu.memref_slice %arg15[%mul3A_0] : memref<10240xf32, #tpu.memory_space<vmem_shared>> -> memref<640xf32, #tpu.memory_space<vmem_shared>>
        tpu.enqueue_dma source(%dma_start3A_36 : memref<640xf32, #tpu.memory_space<vmem_shared>>) target(%dma_start3A : memref<640xf32, #tpu.memory_space<hbm>>) target_semaphore(%run_scoped3A : memref<!tpu.dma_semaphore, #tpu.memory_space<semaphore_mem>>)
        %dma_wait3A = tpu.memref_slice %arg13[%mul3A_0] : memref<10240xf32, #tpu.memory_space<hbm>> -> memref<640xf32, #tpu.memory_space<hbm>>
        %dma_wait3A_37 = tpu.memref_slice %arg15[%mul3A_0] : memref<10240xf32, #tpu.memory_space<vmem_shared>> -> memref<640xf32, #tpu.memory_space<vmem_shared>>
        tpu.wait_dma2 semaphore(%run_scoped3A : memref<!tpu.dma_semaphore, #tpu.memory_space<semaphore_mem>>) src(%dma_wait3A_37 : memref<640xf32, #tpu.memory_space<vmem_shared>>) dst(%dma_wait3A : memref<640xf32, #tpu.memory_space<hbm>>)
        tpu.yield
      }) : () -> ()
    } else {
    }
    return
  }
}

module attributes {stable_mosaic.version = 14 : i64} {
  func.func @_tc1_body(%arg0: i32, %arg1: memref<1000x128xf32, #tpu.memory_space<vmem>>, %arg2: memref<1000x128xf32, #tpu.memory_space<vmem>>, %arg3: memref<1000x1xf32, #tpu.memory_space<vmem>>, %arg4: memref<1000x128xf32, #tpu.memory_space<vmem>>, %arg5: memref<1000x128xf32, #tpu.memory_space<vmem>>, %arg6: memref<1000x1xf32, #tpu.memory_space<vmem>>, %arg7: memref<128x128xf32, #tpu.memory_space<vmem>>, %arg8: memref<128x128xf32, #tpu.memory_space<vmem>>, %arg9: memref<1x128xf32, #tpu.memory_space<vmem>>, %arg10: memref<128x128xf32, #tpu.memory_space<vmem>>, %arg11: memref<128x128xf32, #tpu.memory_space<vmem>>, %arg12: memref<1x128xf32, #tpu.memory_space<vmem>>, %arg13: memref<1000x128xf32, #tpu.memory_space<vmem>>, %arg14: memref<1000x128xf32, #tpu.memory_space<vmem>>, %arg15: memref<1000x1xf32, #tpu.memory_space<vmem>>, %arg16: memref<1000x1xf32, #tpu.memory_space<vmem>>) attributes {dimension_semantics = [#tpu.dimension_semantics<arbitrary>], iteration_bounds = array<i64: 10>, scalar_prefetch = 0 : i64, scratch_operands = 0 : i64, tpu.core_type = #tpu.core_type<tc>, window_params = [{transform_indices = @transform_0, window_bounds = array<i64: 1000, 128>}, {transform_indices = @transform_1, window_bounds = array<i64: 1000, 128>}, {transform_indices = @transform_2, window_bounds = array<i64: 1000, 1>}, {transform_indices = @transform_3, window_bounds = array<i64: 1000, 128>}, {transform_indices = @transform_4, window_bounds = array<i64: 1000, 128>}, {transform_indices = @transform_5, window_bounds = array<i64: 1000, 1>}, {pipeline_mode = #tpu.pipeline_mode<synchronous>, transform_indices = @transform_6, window_bounds = array<i64: 128, 128>}, {pipeline_mode = #tpu.pipeline_mode<synchronous>, transform_indices = @transform_7, window_bounds = array<i64: 128, 128>}, {pipeline_mode = #tpu.pipeline_mode<synchronous>, transform_indices = @transform_8, window_bounds = array<i64: 1, 128>}, {pipeline_mode = #tpu.pipeline_mode<synchronous>, transform_indices = @transform_9, window_bounds = array<i64: 128, 128>}, {pipeline_mode = #tpu.pipeline_mode<synchronous>, transform_indices = @transform_10, window_bounds = array<i64: 128, 128>}, {pipeline_mode = #tpu.pipeline_mode<synchronous>, transform_indices = @transform_11, window_bounds = array<i64: 1, 128>}, {transform_indices = @transform_12, window_bounds = array<i64: 1000, 128>}, {transform_indices = @transform_13, window_bounds = array<i64: 1000, 128>}, {transform_indices = @transform_14, window_bounds = array<i64: 1000, 1>}, {transform_indices = @transform_15, window_bounds = array<i64: 1000, 1>}]} {
    %get3A = arith.constant 0 : index
    %get3A_0 = arith.constant 0 : index
    %get3A_1 = vector.load %arg3[%get3A, %get3A_0] : memref<1000x1xf32, #tpu.memory_space<vmem>>, vector<1000x1xf32>
    %max3A = arith.constant 1.000000e+00 : f32
    %max3A_2 = vector.broadcast %max3A : f32 to vector<1000x1xf32>
    %max3A_3 = arith.maximumf %get3A_1, %max3A_2 : vector<1000x1xf32>
    %div3A = arith.constant 1.000000e+00 : f32
    %div3A_4 = vector.broadcast %div3A : f32 to vector<1000x1xf32>
    %div3A_5 = arith.divf %div3A_4, %max3A_3 : vector<1000x1xf32>
    %get3A_6 = arith.constant 0 : index
    %get3A_7 = arith.constant 0 : index
    %get3A_8 = vector.load %arg6[%get3A_6, %get3A_7] : memref<1000x1xf32, #tpu.memory_space<vmem>>, vector<1000x1xf32>
    %max3A_9 = arith.constant 1.000000e+00 : f32
    %max3A_10 = vector.broadcast %max3A_9 : f32 to vector<1000x1xf32>
    %max3A_11 = arith.maximumf %get3A_8, %max3A_10 : vector<1000x1xf32>
    %div3A_12 = arith.constant 1.000000e+00 : f32
    %div3A_13 = vector.broadcast %div3A_12 : f32 to vector<1000x1xf32>
    %div3A_14 = arith.divf %div3A_13, %max3A_11 : vector<1000x1xf32>
    %swap3A = arith.constant 0 : index
    %swap3A_15 = arith.constant 0 : index
    %swap3A_16 = vector.load %arg15[%swap3A, %swap3A_15] : memref<1000x1xf32, #tpu.memory_space<vmem>>, vector<1000x1xf32>
    tpu.vector_store %arg15[%swap3A, %swap3A_15], %div3A_5 {strides = array<i32>} : memref<1000x1xf32, #tpu.memory_space<vmem>>, vector<1000x1xf32>,
    %swap3A_17 = arith.constant 0 : index
    %swap3A_18 = arith.constant 0 : index
    %swap3A_19 = vector.load %arg16[%swap3A_17, %swap3A_18] : memref<1000x1xf32, #tpu.memory_space<vmem>>, vector<1000x1xf32>
    tpu.vector_store %arg16[%swap3A_17, %swap3A_18], %div3A_14 {strides = array<i32>} : memref<1000x1xf32, #tpu.memory_space<vmem>>, vector<1000x1xf32>,
    %get3A_20 = arith.constant 0 : index
    %get3A_21 = arith.constant 0 : index
    %get3A_22 = vector.load %arg1[%get3A_20, %get3A_21] : memref<1000x128xf32, #tpu.memory_space<vmem>>, vector<1000x128xf32>
    %get3A_23 = arith.constant 0 : index
    %get3A_24 = arith.constant 0 : index
    %get3A_25 = vector.load %arg7[%get3A_23, %get3A_24] : memref<128x128xf32, #tpu.memory_space<vmem>>, vector<128x128xf32>
    %dot_general3A = arith.constant dense<0.000000e+00> : vector<1000x128xf32>
    %dot_general3A_26 = tpu.matmul %get3A_22, %get3A_25, %dot_general3A {dimension_numbers = #tpu.dot_dimension_numbers<[1], [1], [0], [0], [0, 0, 1, 0], [], []>, transpose_lhs_hint = false} : vector<1000x128xf32>, vector<128x128xf32>, vector<1000x128xf32> -> vector<1000x128xf32>
    %get3A_27 = arith.constant 0 : index
    %get3A_28 = arith.constant 0 : index
    %get3A_29 = vector.load %arg2[%get3A_27, %get3A_28] : memref<1000x128xf32, #tpu.memory_space<vmem>>, vector<1000x128xf32>
    %mul3A = vector.broadcast %div3A_5 : vector<1000x1xf32> to vector<1000x128xf32>
    %mul3A_30 = arith.mulf %get3A_29, %mul3A : vector<1000x128xf32>
    %get3A_31 = arith.constant 0 : index
    %get3A_32 = arith.constant 0 : index
    %get3A_33 = vector.load %arg8[%get3A_31, %get3A_32] : memref<128x128xf32, #tpu.memory_space<vmem>>, vector<128x128xf32>
    %dot_general3A_34 = arith.constant dense<0.000000e+00> : vector<1000x128xf32>
    %dot_general3A_35 = tpu.matmul %mul3A_30, %get3A_33, %dot_general3A_34 {dimension_numbers = #tpu.dot_dimension_numbers<[1], [1], [0], [0], [0, 0, 1, 0], [], []>, transpose_lhs_hint = false} : vector<1000x128xf32>, vector<128x128xf32>, vector<1000x128xf32> -> vector<1000x128xf32>
    %add3A = arith.addf %dot_general3A_26, %dot_general3A_35 : vector<1000x128xf32>
    %get3A_36 = arith.constant 0 : index
    %get3A_37 = arith.constant 0 : index
    %get3A_38 = vector.load %arg9[%get3A_36, %get3A_37] : memref<1x128xf32, #tpu.memory_space<vmem>>, vector<1x128xf32>
    %add3A_39 = vector.broadcast %get3A_38 : vector<1x128xf32> to vector<1000x128xf32>
    %add3A_40 = arith.addf %add3A, %add3A_39 : vector<1000x128xf32>
    %get3A_41 = arith.constant 0 : index
    %get3A_42 = arith.constant 0 : index
    %get3A_43 = vector.load %arg4[%get3A_41, %get3A_42] : memref<1000x128xf32, #tpu.memory_space<vmem>>, vector<1000x128xf32>
    %get3A_44 = arith.constant 0 : index
    %get3A_45 = arith.constant 0 : index
    %get3A_46 = vector.load %arg10[%get3A_44, %get3A_45] : memref<128x128xf32, #tpu.memory_space<vmem>>, vector<128x128xf32>
    %dot_general3A_47 = arith.constant dense<0.000000e+00> : vector<1000x128xf32>
    %dot_general3A_48 = tpu.matmul %get3A_43, %get3A_46, %dot_general3A_47 {dimension_numbers = #tpu.dot_dimension_numbers<[1], [1], [0], [0], [0, 0, 1, 0], [], []>, transpose_lhs_hint = false} : vector<1000x128xf32>, vector<128x128xf32>, vector<1000x128xf32> -> vector<1000x128xf32>
    %get3A_49 = arith.constant 0 : index
    %get3A_50 = arith.constant 0 : index
    %get3A_51 = vector.load %arg5[%get3A_49, %get3A_50] : memref<1000x128xf32, #tpu.memory_space<vmem>>, vector<1000x128xf32>
    %mul3A_52 = vector.broadcast %div3A_14 : vector<1000x1xf32> to vector<1000x128xf32>
    %mul3A_53 = arith.mulf %get3A_51, %mul3A_52 : vector<1000x128xf32>
    %get3A_54 = arith.constant 0 : index
    %get3A_55 = arith.constant 0 : index
    %get3A_56 = vector.load %arg11[%get3A_54, %get3A_55] : memref<128x128xf32, #tpu.memory_space<vmem>>, vector<128x128xf32>
    %dot_general3A_57 = arith.constant dense<0.000000e+00> : vector<1000x128xf32>
    %dot_general3A_58 = tpu.matmul %mul3A_53, %get3A_56, %dot_general3A_57 {dimension_numbers = #tpu.dot_dimension_numbers<[1], [1], [0], [0], [0, 0, 1, 0], [], []>, transpose_lhs_hint = false} : vector<1000x128xf32>, vector<128x128xf32>, vector<1000x128xf32> -> vector<1000x128xf32>
    %add3A_59 = arith.addf %dot_general3A_48, %dot_general3A_58 : vector<1000x128xf32>
    %get3A_60 = arith.constant 0 : index
    %get3A_61 = arith.constant 0 : index
    %get3A_62 = vector.load %arg12[%get3A_60, %get3A_61] : memref<1x128xf32, #tpu.memory_space<vmem>>, vector<1x128xf32>
    %add3A_63 = vector.broadcast %get3A_62 : vector<1x128xf32> to vector<1000x128xf32>
    %add3A_64 = arith.addf %add3A_59, %add3A_63 : vector<1000x128xf32>
    %max3A_65 = arith.constant 0.000000e+00 : f32
    %max3A_66 = vector.broadcast %max3A_65 : f32 to vector<1000x128xf32>
    %max3A_67 = arith.maximumf %add3A_40, %max3A_66 : vector<1000x128xf32>
    %swap3A_68 = arith.constant 0 : index
    %swap3A_69 = arith.constant 0 : index
    %swap3A_70 = vector.load %arg13[%swap3A_68, %swap3A_69] : memref<1000x128xf32, #tpu.memory_space<vmem>>, vector<1000x128xf32>
    tpu.vector_store %arg13[%swap3A_68, %swap3A_69], %max3A_67 {strides = array<i32>} : memref<1000x128xf32, #tpu.memory_space<vmem>>, vector<1000x128xf32>,
    %max3A_71 = arith.constant 0.000000e+00 : f32
    %max3A_72 = vector.broadcast %max3A_71 : f32 to vector<1000x128xf32>
    %max3A_73 = arith.maximumf %add3A_64, %max3A_72 : vector<1000x128xf32>
    %swap3A_74 = arith.constant 0 : index
    %swap3A_75 = arith.constant 0 : index
    %swap3A_76 = vector.load %arg14[%swap3A_74, %swap3A_75] : memref<1000x128xf32, #tpu.memory_space<vmem>>, vector<1000x128xf32>
    tpu.vector_store %arg14[%swap3A_74, %swap3A_75], %max3A_73 {strides = array<i32>} : memref<1000x128xf32, #tpu.memory_space<vmem>>, vector<1000x128xf32>,
    return
  }
  func.func @transform_0(%arg0: i32) -> (i32, i32) {
    %c0_i32 = arith.constant 0 : i32
    %c0_i32_0 = arith.constant 0 : i32
    return %arg0, %c0_i32 : i32, i32
  }
  func.func @transform_1(%arg0: i32) -> (i32, i32) {
    %c0_i32 = arith.constant 0 : i32
    %c0_i32_0 = arith.constant 0 : i32
    return %arg0, %c0_i32 : i32, i32
  }
  func.func @transform_2(%arg0: i32) -> (i32, i32) {
    %c0_i32 = arith.constant 0 : i32
    %c0_i32_0 = arith.constant 0 : i32
    return %arg0, %c0_i32 : i32, i32
  }
  func.func @transform_3(%arg0: i32) -> (i32, i32) {
    %c0_i32 = arith.constant 0 : i32
    %c0_i32_0 = arith.constant 0 : i32
    return %arg0, %c0_i32 : i32, i32
  }
  func.func @transform_4(%arg0: i32) -> (i32, i32) {
    %c0_i32 = arith.constant 0 : i32
    %c0_i32_0 = arith.constant 0 : i32
    return %arg0, %c0_i32 : i32, i32
  }
  func.func @transform_5(%arg0: i32) -> (i32, i32) {
    %c0_i32 = arith.constant 0 : i32
    %c0_i32_0 = arith.constant 0 : i32
    return %arg0, %c0_i32 : i32, i32
  }
  func.func @transform_6(%arg0: i32) -> (i32, i32) {
    %c0_i32 = arith.constant 0 : i32
    %c0_i32_0 = arith.constant 0 : i32
    %c0_i32_1 = arith.constant 0 : i32
    return %c0_i32, %c0_i32_0 : i32, i32
  }
  func.func @transform_7(%arg0: i32) -> (i32, i32) {
    %c0_i32 = arith.constant 0 : i32
    %c0_i32_0 = arith.constant 0 : i32
    %c0_i32_1 = arith.constant 0 : i32
    return %c0_i32, %c0_i32_0 : i32, i32
  }
  func.func @transform_8(%arg0: i32) -> (i32, i32) {
    %c0_i32 = arith.constant 0 : i32
    %c0_i32_0 = arith.constant 0 : i32
    %c0_i32_1 = arith.constant 0 : i32
    return %c0_i32, %c0_i32_0 : i32, i32
  }
  func.func @transform_9(%arg0: i32) -> (i32, i32) {
    %c0_i32 = arith.constant 0 : i32
    %c0_i32_0 = arith.constant 0 : i32
    %c0_i32_1 = arith.constant 0 : i32
    return %c0_i32, %c0_i32_0 : i32, i32
  }
  func.func @transform_10(%arg0: i32) -> (i32, i32) {
    %c0_i32 = arith.constant 0 : i32
    %c0_i32_0 = arith.constant 0 : i32
    %c0_i32_1 = arith.constant 0 : i32
    return %c0_i32, %c0_i32_0 : i32, i32
  }
  func.func @transform_11(%arg0: i32) -> (i32, i32) {
    %c0_i32 = arith.constant 0 : i32
    %c0_i32_0 = arith.constant 0 : i32
    %c0_i32_1 = arith.constant 0 : i32
    return %c0_i32, %c0_i32_0 : i32, i32
  }
  func.func @transform_12(%arg0: i32) -> (i32, i32) {
    %c0_i32 = arith.constant 0 : i32
    %c0_i32_0 = arith.constant 0 : i32
    return %arg0, %c0_i32 : i32, i32
  }
  func.func @transform_13(%arg0: i32) -> (i32, i32) {
    %c0_i32 = arith.constant 0 : i32
    %c0_i32_0 = arith.constant 0 : i32
    return %arg0, %c0_i32 : i32, i32
  }
  func.func @transform_14(%arg0: i32) -> (i32, i32) {
    %c0_i32 = arith.constant 0 : i32
    %c0_i32_0 = arith.constant 0 : i32
    return %arg0, %c0_i32 : i32, i32
  }
  func.func @transform_15(%arg0: i32) -> (i32, i32) {
    %c0_i32 = arith.constant 0 : i32
    %c0_i32_0 = arith.constant 0 : i32
    return %arg0, %c0_i32 : i32, i32
  }
}

module attributes {stable_mosaic.version = 14 : i64} {
  func.func @_tc2_body(%arg0: i32, %arg1: memref<1000x128xf32, #tpu.memory_space<vmem>>, %arg2: memref<1000x128xf32, #tpu.memory_space<vmem>>, %arg3: memref<1000x1xf32, #tpu.memory_space<vmem>>, %arg4: memref<1000x128xf32, #tpu.memory_space<vmem>>, %arg5: memref<1000x128xf32, #tpu.memory_space<vmem>>, %arg6: memref<1000x1xf32, #tpu.memory_space<vmem>>, %arg7: memref<128x128xf32, #tpu.memory_space<vmem>>, %arg8: memref<128x128xf32, #tpu.memory_space<vmem>>, %arg9: memref<1x128xf32, #tpu.memory_space<vmem>>, %arg10: memref<128x128xf32, #tpu.memory_space<vmem>>, %arg11: memref<128x128xf32, #tpu.memory_space<vmem>>, %arg12: memref<1x128xf32, #tpu.memory_space<vmem>>, %arg13: memref<1000x128xf32, #tpu.memory_space<vmem>>, %arg14: memref<1000x128xf32, #tpu.memory_space<vmem>>) attributes {dimension_semantics = [#tpu.dimension_semantics<arbitrary>], iteration_bounds = array<i64: 10>, scalar_prefetch = 0 : i64, scratch_operands = 0 : i64, tpu.core_type = #tpu.core_type<tc>, window_params = [{transform_indices = @transform_0, window_bounds = array<i64: 1000, 128>}, {transform_indices = @transform_1, window_bounds = array<i64: 1000, 128>}, {transform_indices = @transform_2, window_bounds = array<i64: 1000, 1>}, {transform_indices = @transform_3, window_bounds = array<i64: 1000, 128>}, {transform_indices = @transform_4, window_bounds = array<i64: 1000, 128>}, {transform_indices = @transform_5, window_bounds = array<i64: 1000, 1>}, {pipeline_mode = #tpu.pipeline_mode<synchronous>, transform_indices = @transform_6, window_bounds = array<i64: 128, 128>}, {pipeline_mode = #tpu.pipeline_mode<synchronous>, transform_indices = @transform_7, window_bounds = array<i64: 128, 128>}, {pipeline_mode = #tpu.pipeline_mode<synchronous>, transform_indices = @transform_8, window_bounds = array<i64: 1, 128>}, {pipeline_mode = #tpu.pipeline_mode<synchronous>, transform_indices = @transform_9, window_bounds = array<i64: 128, 128>}, {pipeline_mode = #tpu.pipeline_mode<synchronous>, transform_indices = @transform_10, window_bounds = array<i64: 128, 128>}, {pipeline_mode = #tpu.pipeline_mode<synchronous>, transform_indices = @transform_11, window_bounds = array<i64: 1, 128>}, {transform_indices = @transform_12, window_bounds = array<i64: 1000, 128>}, {transform_indices = @transform_13, window_bounds = array<i64: 1000, 128>}]} {
    %get3A = arith.constant 0 : index
    %get3A_0 = arith.constant 0 : index
    %get3A_1 = vector.load %arg1[%get3A, %get3A_0] : memref<1000x128xf32, #tpu.memory_space<vmem>>, vector<1000x128xf32>
    %get3A_2 = arith.constant 0 : index
    %get3A_3 = arith.constant 0 : index
    %get3A_4 = vector.load %arg7[%get3A_2, %get3A_3] : memref<128x128xf32, #tpu.memory_space<vmem>>, vector<128x128xf32>
    %dot_general3A = arith.constant dense<0.000000e+00> : vector<1000x128xf32>
    %dot_general3A_5 = tpu.matmul %get3A_1, %get3A_4, %dot_general3A {dimension_numbers = #tpu.dot_dimension_numbers<[1], [1], [0], [0], [0, 0, 1, 0], [], []>, transpose_lhs_hint = false} : vector<1000x128xf32>, vector<128x128xf32>, vector<1000x128xf32> -> vector<1000x128xf32>
    %get3A_6 = arith.constant 0 : index
    %get3A_7 = arith.constant 0 : index
    %get3A_8 = vector.load %arg2[%get3A_6, %get3A_7] : memref<1000x128xf32, #tpu.memory_space<vmem>>, vector<1000x128xf32>
    %get3A_9 = arith.constant 0 : index
    %get3A_10 = arith.constant 0 : index
    %get3A_11 = vector.load %arg3[%get3A_9, %get3A_10] : memref<1000x1xf32, #tpu.memory_space<vmem>>, vector<1000x1xf32>
    %mul3A = vector.broadcast %get3A_11 : vector<1000x1xf32> to vector<1000x128xf32>
    %mul3A_12 = arith.mulf %get3A_8, %mul3A : vector<1000x128xf32>
    %get3A_13 = arith.constant 0 : index
    %get3A_14 = arith.constant 0 : index
    %get3A_15 = vector.load %arg8[%get3A_13, %get3A_14] : memref<128x128xf32, #tpu.memory_space<vmem>>, vector<128x128xf32>
    %dot_general3A_16 = arith.constant dense<0.000000e+00> : vector<1000x128xf32>
    %dot_general3A_17 = tpu.matmul %mul3A_12, %get3A_15, %dot_general3A_16 {dimension_numbers = #tpu.dot_dimension_numbers<[1], [1], [0], [0], [0, 0, 1, 0], [], []>, transpose_lhs_hint = false} : vector<1000x128xf32>, vector<128x128xf32>, vector<1000x128xf32> -> vector<1000x128xf32>
    %add3A = arith.addf %dot_general3A_5, %dot_general3A_17 : vector<1000x128xf32>
    %get3A_18 = arith.constant 0 : index
    %get3A_19 = arith.constant 0 : index
    %get3A_20 = vector.load %arg9[%get3A_18, %get3A_19] : memref<1x128xf32, #tpu.memory_space<vmem>>, vector<1x128xf32>
    %add3A_21 = vector.broadcast %get3A_20 : vector<1x128xf32> to vector<1000x128xf32>
    %add3A_22 = arith.addf %add3A, %add3A_21 : vector<1000x128xf32>
    %swap3A = arith.constant 0 : index
    %swap3A_23 = arith.constant 0 : index
    %swap3A_24 = vector.load %arg13[%swap3A, %swap3A_23] : memref<1000x128xf32, #tpu.memory_space<vmem>>, vector<1000x128xf32>
    tpu.vector_store %arg13[%swap3A, %swap3A_23], %add3A_22 {strides = array<i32>} : memref<1000x128xf32, #tpu.memory_space<vmem>>, vector<1000x128xf32>,
    %get3A_25 = arith.constant 0 : index
    %get3A_26 = arith.constant 0 : index
    %get3A_27 = vector.load %arg4[%get3A_25, %get3A_26] : memref<1000x128xf32, #tpu.memory_space<vmem>>, vector<1000x128xf32>
    %get3A_28 = arith.constant 0 : index
    %get3A_29 = arith.constant 0 : index
    %get3A_30 = vector.load %arg10[%get3A_28, %get3A_29] : memref<128x128xf32, #tpu.memory_space<vmem>>, vector<128x128xf32>
    %dot_general3A_31 = arith.constant dense<0.000000e+00> : vector<1000x128xf32>
    %dot_general3A_32 = tpu.matmul %get3A_27, %get3A_30, %dot_general3A_31 {dimension_numbers = #tpu.dot_dimension_numbers<[1], [1], [0], [0], [0, 0, 1, 0], [], []>, transpose_lhs_hint = false} : vector<1000x128xf32>, vector<128x128xf32>, vector<1000x128xf32> -> vector<1000x128xf32>
    %get3A_33 = arith.constant 0 : index
    %get3A_34 = arith.constant 0 : index
    %get3A_35 = vector.load %arg5[%get3A_33, %get3A_34] : memref<1000x128xf32, #tpu.memory_space<vmem>>, vector<1000x128xf32>
    %get3A_36 = arith.constant 0 : index
    %get3A_37 = arith.constant 0 : index
    %get3A_38 = vector.load %arg6[%get3A_36, %get3A_37] : memref<1000x1xf32, #tpu.memory_space<vmem>>, vector<1000x1xf32>
    %mul3A_39 = vector.broadcast %get3A_38 : vector<1000x1xf32> to vector<1000x128xf32>
    %mul3A_40 = arith.mulf %get3A_35, %mul3A_39 : vector<1000x128xf32>
    %get3A_41 = arith.constant 0 : index
    %get3A_42 = arith.constant 0 : index
    %get3A_43 = vector.load %arg11[%get3A_41, %get3A_42] : memref<128x128xf32, #tpu.memory_space<vmem>>, vector<128x128xf32>
    %dot_general3A_44 = arith.constant dense<0.000000e+00> : vector<1000x128xf32>
    %dot_general3A_45 = tpu.matmul %mul3A_40, %get3A_43, %dot_general3A_44 {dimension_numbers = #tpu.dot_dimension_numbers<[1], [1], [0], [0], [0, 0, 1, 0], [], []>, transpose_lhs_hint = false} : vector<1000x128xf32>, vector<128x128xf32>, vector<1000x128xf32> -> vector<1000x128xf32>
    %add3A_46 = arith.addf %dot_general3A_32, %dot_general3A_45 : vector<1000x128xf32>
    %get3A_47 = arith.constant 0 : index
    %get3A_48 = arith.constant 0 : index
    %get3A_49 = vector.load %arg12[%get3A_47, %get3A_48] : memref<1x128xf32, #tpu.memory_space<vmem>>, vector<1x128xf32>
    %add3A_50 = vector.broadcast %get3A_49 : vector<1x128xf32> to vector<1000x128xf32>
    %add3A_51 = arith.addf %add3A_46, %add3A_50 : vector<1000x128xf32>
    %swap3A_52 = arith.constant 0 : index
    %swap3A_53 = arith.constant 0 : index
    %swap3A_54 = vector.load %arg14[%swap3A_52, %swap3A_53] : memref<1000x128xf32, #tpu.memory_space<vmem>>, vector<1000x128xf32>
    tpu.vector_store %arg14[%swap3A_52, %swap3A_53], %add3A_51 {strides = array<i32>} : memref<1000x128xf32, #tpu.memory_space<vmem>>, vector<1000x128xf32>,
    return
  }
  func.func @transform_0(%arg0: i32) -> (i32, i32) {
    %c0_i32 = arith.constant 0 : i32
    %c0_i32_0 = arith.constant 0 : i32
    return %arg0, %c0_i32 : i32, i32
  }
  func.func @transform_1(%arg0: i32) -> (i32, i32) {
    %c0_i32 = arith.constant 0 : i32
    %c0_i32_0 = arith.constant 0 : i32
    return %arg0, %c0_i32 : i32, i32
  }
  func.func @transform_2(%arg0: i32) -> (i32, i32) {
    %c0_i32 = arith.constant 0 : i32
    %c0_i32_0 = arith.constant 0 : i32
    return %arg0, %c0_i32 : i32, i32
  }
  func.func @transform_3(%arg0: i32) -> (i32, i32) {
    %c0_i32 = arith.constant 0 : i32
    %c0_i32_0 = arith.constant 0 : i32
    return %arg0, %c0_i32 : i32, i32
  }
  func.func @transform_4(%arg0: i32) -> (i32, i32) {
    %c0_i32 = arith.constant 0 : i32
    %c0_i32_0 = arith.constant 0 : i32
    return %arg0, %c0_i32 : i32, i32
  }
  func.func @transform_5(%arg0: i32) -> (i32, i32) {
    %c0_i32 = arith.constant 0 : i32
    %c0_i32_0 = arith.constant 0 : i32
    return %arg0, %c0_i32 : i32, i32
  }
  func.func @transform_6(%arg0: i32) -> (i32, i32) {
    %c0_i32 = arith.constant 0 : i32
    %c0_i32_0 = arith.constant 0 : i32
    %c0_i32_1 = arith.constant 0 : i32
    return %c0_i32, %c0_i32_0 : i32, i32
  }
  func.func @transform_7(%arg0: i32) -> (i32, i32) {
    %c0_i32 = arith.constant 0 : i32
    %c0_i32_0 = arith.constant 0 : i32
    %c0_i32_1 = arith.constant 0 : i32
    return %c0_i32, %c0_i32_0 : i32, i32
  }
  func.func @transform_8(%arg0: i32) -> (i32, i32) {
    %c0_i32 = arith.constant 0 : i32
    %c0_i32_0 = arith.constant 0 : i32
    %c0_i32_1 = arith.constant 0 : i32
    return %c0_i32, %c0_i32_0 : i32, i32
  }
  func.func @transform_9(%arg0: i32) -> (i32, i32) {
    %c0_i32 = arith.constant 0 : i32
    %c0_i32_0 = arith.constant 0 : i32
    %c0_i32_1 = arith.constant 0 : i32
    return %c0_i32, %c0_i32_0 : i32, i32
  }
  func.func @transform_10(%arg0: i32) -> (i32, i32) {
    %c0_i32 = arith.constant 0 : i32
    %c0_i32_0 = arith.constant 0 : i32
    %c0_i32_1 = arith.constant 0 : i32
    return %c0_i32, %c0_i32_0 : i32, i32
  }
  func.func @transform_11(%arg0: i32) -> (i32, i32) {
    %c0_i32 = arith.constant 0 : i32
    %c0_i32_0 = arith.constant 0 : i32
    %c0_i32_1 = arith.constant 0 : i32
    return %c0_i32, %c0_i32_0 : i32, i32
  }
  func.func @transform_12(%arg0: i32) -> (i32, i32) {
    %c0_i32 = arith.constant 0 : i32
    %c0_i32_0 = arith.constant 0 : i32
    return %arg0, %c0_i32 : i32, i32
  }
  func.func @transform_13(%arg0: i32) -> (i32, i32) {
    %c0_i32 = arith.constant 0 : i32
    %c0_i32_0 = arith.constant 0 : i32
    return %arg0, %c0_i32 : i32, i32
  }
}

</mosaic_0001>

<sc_bundles>
// kernel: sc_segsum.3.cloned.1.call-start
scs
__scs_entry_jumppad:
0x0: {  	(pc) =	sbr.rel $0x88, $3  }
0x1: {  	(tag) =	ssettag $0x0;
	lr =	simm.s32 $0x1  }
0x2: {  	[smem:$0x3F91] =	sst lr;
	_ =	strace $0xD0000000  }
0x3: {  	_ = 	snop  }
0x4: {  	_ = 	snop  }
0x5: {  	_ = 	snop  }
0x6: {  	_ = 	snop  }
0x7: {  	_ = 	snop  }
__scs_overlays_trampoline_lowered:
0x8: {  	[smem:$0x3FA0] =	sst s0  }
0x9: {  	[smem:$0x3FA1] =	sst s1  }
0xa: {  	[smem:$0x3FA2] =	sst s2  }
0xb: {  	[smem:$0x3FA3] =	sst s3  }
0xc: {  	[smem:$0x3FA4] =	sst s4  }
0xd: {  	[smem:$0x3FA5] =	sst s5  }
0xe: {  	[smem:$0x3FA6] =	sst s6  }
0xf: {  	[smem:$0x3FA7] =	sst s7  }
0x10: {  	[smem:$0x3FA8] =	sst s8  }
0x11: {  	[smem:$0x3FA9] =	sst s9;
	s0 =	simm.s32 @!p0 $0x0  }
0x12: {  	s1 =	sld [smem:$0x3F8F];
	s0 =	simm.s32 @p0 $0x1  }
0x13: {  	[smem:$0x3FAA] =	sst s0;
	s0 =	simm.s32 @!p1 $0x0  }
0x14: {  	s2 =	sld [smem:$0x3F8E];
	s0 =	simm.s32 @p1 $0x1  }
0x15: {  	[smem:$0x3FAB] =	sst s0;
	s0 =	simm.s32 @!p2 $0x0  }
0x16: {  	s3 =	sld [smem:$0x3FDB];
	s0 =	simm.s32 @p2 $0x1  }
0x17: {  	s4 =	simm.s32 $0x1BF5;
	[smem:$0x3FAD] =	sst s0  }
0x18: {  	s0 =	sld [smem:$0x3F90];
	_ =	swait.ge [sflag:s4], $0x0  }
0x19: {  	s7 =	sld [smem:$0x3F91]  }
0x1a: {  	s8 =	sadd.s32 $0xFFFFE003, lr  }
0x1b: {  	s9 =	sadd.s32 $0xFFFFFEF7, lr;
	s5 =	simm.s32 $0xFFFFFFFF;
	p2 =	slt.u32 s8, $0xFFFFF086  }
0x1c: {  	p1 =	slt.u32 s9, $0xF7A;
	s5 =	simm.s32 @!p2 $0x0  }
0x1d: {  	s5 =	simm.s32 @p1 $0x1;
	p0 =	seq.s32 s7, s2  }
0x1e: {  	s7 =	smul.u32 @!p0 $0xF7A, s2;
	p2 =	seq.s32 @!p0 s5, $0x0  }
0x1f: {  	s9 =	smul.u32 $0xF7A, s1;
	s8 =	simm.s32 @!p0 $0x1BF5;
	p2 =	por !p2, p0  }
0x20: {  	[sflag:s8] =	ssyncset.s32 @!p0 $0xFFFFF086;
	s6 =	sadd.s32 @!p0 s3, s7;
	s7 =	simm.s32 @!p0 $0x108  }
0x21: {  	s3 =	sadd.s32 s3, s9;
	s6 =	sadd.s32 @!p0 $0x88, s6;
	s7 =	simm.s32 @p2 $0x1082  }
0x22: {  	[simem:s7], [sflag:s8] =	dma.local @!p0 [hbm:s6], $0xF7A  }
0x23: {  	s9 =	sor.u32 $0xD0000000, s2;
	s6 =	simm.s32 $0x108;
	_ =	swait.ge @!p0 [sflag:s8], $0x0  }
0x24: {  	s3 =	sadd.s32 $0x88, s3;
	s6 =	simm.s32 @!p1 $0x1082;
	[sflag:s4] =	ssyncset.s32 $0xFFFFF086  }
0x25: {  	[simem:s6], [sflag:s4] =	dma.local [hbm:s3], $0xF7A  }
0x26: {  	[smem:$0x3F91] =	sst s1;
	(tag) =	ssettag s2;
	_ =	strace s9  }
0x27: {  	s1 =	sld [smem:$0x3FA1]  }
0x28: {  	s2 =	sld [smem:$0x3FA2]  }
0x29: {  	s4 =	sld [smem:$0x3FA4]  }
0x2a: {  	p0 =	seq.s32 s5, $0x0;
	s5 =	sld [smem:$0x3FA5]  }
0x2b: {  	s6 =	sld [smem:$0x3FA6]  }
0x2c: {  	s7 =	sld [smem:$0x3FA7]  }
0x2d: {  	s3 =	simm.s32 $0x108;
	s8 =	sld [smem:$0x3FA8]  }
0x2e: {  	s3 =	simm.s32 @!p0 $0x1082;
	s9 =	sld [smem:$0x3FA9]  }
0x2f: {  	lr =	sadd.s32 s0, s3;
	s0 =	sld [smem:$0x3FA0]  }
0x30: {  	s3 =	sld [smem:$0x3FA3]  }
0x31: {  	[smem:$0x3FAC] =	sst s10  }
0x32: {  	s10 =	sld [smem:$0x3FAA];
	_ =	sdelay $0x3  }
0x33: {  	p0 =	seq.s32 s10, $0x1;
	s10 =	sld [smem:$0x3FAC];
	_ =	sdelay $0x3  }
0x34: {  	[smem:$0x3FAC] =	sst s10  }
0x35: {  	s10 =	sld [smem:$0x3FAB];
	_ =	sdelay $0x3  }
0x36: {  	p1 =	seq.s32 s10, $0x1;
	s10 =	sld [smem:$0x3FAC];
	_ =	sdelay $0x3  }
0x37: {  	[smem:$0x3FAC] =	sst s10  }
0x38: {  	s10 =	sld [smem:$0x3FAD]  }
0x39: {  	_ = 	snop;
	(pc) =	sbr.ind lr, $3  }
0x3a: {  	_ = 	snop  }
0x3b: {  	_ = 	snop  }
0x3c: {  	p2 =	seq.s32 s10, $0x1;
	s10 =	sld [smem:$0x3FAC]  }
0x3d: {  	_ =	shalt  }
0x3e: {  	_ =	shalt  }
0x3f: {  	_ =	shalt  }
0x40: {  	_ =	shalt  }
0x41: {  	_ =	shalt  }
0x42: {  	_ =	shalt  }
0x43: {  	_ =	shalt  }
0x44: {  	_ =	shalt  }
0x45: {  	_ =	shalt  }
0x46: {  	_ =	shalt  }
0x47: {  	_ =	shalt  }
0x48: {  	_ =	shalt  }
0x49: {  	_ =	shalt  }
0x4a: {  	_ =	shalt  }
0x4b: {  	_ =	shalt  }
0x4c: {  	_ =	shalt  }
0x4d: {  	_ =	shalt  }
0x4e: {  	_ =	shalt  }
0x4f: {  	_ =	shalt  }
0x50: {  	_ =	shalt  }
0x51: {  	_ =	shalt  }
0x52: {  	_ =	shalt  }
0x53: {  	_ =	shalt  }
0x54: {  	_ =	shalt  }
0x55: {  	_ =	shalt  }
0x56: {  	_ =	shalt  }
0x57: {  	_ =	shalt  }
0x58: {  	_ =	shalt  }
0x59: {  	_ =	shalt  }
0x5a: {  	_ =	shalt  }
0x5b: {  	_ =	shalt  }
0x5c: {  	_ =	shalt  }
0x5d: {  	_ =	shalt  }
0x5e: {  	_ =	shalt  }
0x5f: {  	_ =	shalt  }
0x60: {  	_ =	shalt  }
0x61: {  	_ =	shalt  }
0x62: {  	_ =	shalt  }
0x63: {  	_ =	shalt  }
0x64: {  	_ =	shalt  }
0x65: {  	_ =	shalt  }
0x66: {  	_ =	shalt  }
0x67: {  	_ =	shalt  }
0x68: {  	_ =	shalt  }
0x69: {  	_ =	shalt  }
0x6a: {  	_ =	shalt  }
0x6b: {  	_ =	shalt  }
0x6c: {  	_ =	shalt  }
0x6d: {  	_ =	shalt  }
0x6e: {  	_ =	shalt  }
0x6f: {  	_ =	shalt  }
0x70: {  	_ =	shalt  }
0x71: {  	_ =	shalt  }
0x72: {  	_ =	shalt  }
0x73: {  	_ =	shalt  }
0x74: {  	_ =	shalt  }
0x75: {  	_ =	shalt  }
0x76: {  	_ =	shalt  }
0x77: {  	_ =	shalt  }
0x78: {  	_ =	shalt  }
0x79: {  	_ =	shalt  }
0x7a: {  	_ =	shalt  }
0x7b: {  	_ =	shalt  }
0x7c: {  	_ =	shalt  }
0x7d: {  	_ =	shalt  }
0x7e: {  	_ =	shalt  }
0x7f: {  	_ =	shalt  }
0x80: {  	_ =	shalt  }
0x81: {  	_ =	shalt  }
0x82: {  	_ =	shalt  }
0x83: {  	_ =	shalt  }
0x84: {  	_ =	shalt  }
0x85: {  	_ =	shalt  }
0x86: {  	_ =	shalt  }
0x87: {  	_ =	shalt  }
.Lfunc_end0:
.L_simem_size_0:
called_computation.1_lowered:
.L_overlay_start_0:
0x88: {  	s2 =	sld [smem:$0x3FD9]  }
0x89: {  	s3 =	sld [smem:$0x3FFE];
	_ =	sdelay $0x1  }
0x8a: {  	s1 =	srdreg.scid  }
0x8b: {  	s0 =	sand.u32 $0x1, s1  }
0x8c: {  	s14 =	sshll.u32 s0, $0xA;
	s2 =	sadd.s32 s3, s2  }
0x8d: {  	s2 =	sadd.s32 s2, s14  }
0x8e: {  	[smem:$0x3FB8] =	sst s2  }
0x8f: {  	_ = 	snop  }
0x90: {  	s2 =	sld [smem:$0x3FD0];
	_ =	sdelay $0x2  }
0x91: {  	s15 =	simm.s32 $0xA;
	s4 =	simm.s32 $0x10  }
0x92: {  	[smem:s4], [sflag:s15] =	dma.local [hbm:s2], $0x1  }
0x93: {  	_ =	swait.eq [sflag:s15], $0x1  }
0x94: {  	[sflag:s15] =	ssyncset.done $0x0  }
0x95: {  	s16 =	sld [smem:$0x10];
	[sflag:s15] =	ssyncadd.s32 $0xFFFFFFFF  }
0x96: {  	s17 =	sld [smem:$0x11];
	(tm) =	ssettm $0x1  }
0x97: {  	s18 =	sld [smem:$0x3FFB];
	_ =	sdelay $0x3  }
0x98: {  	_ =	strace s18  }
0x99: {  	s4 =	sld [smem:$0x3FFC];
	_ =	sdelay $0x3  }
0x9a: {  	_ =	strace s4  }
0x9b: {  	s4 =	sld [smem:$0x3FFD];
	_ =	sdelay $0x3  }
0x9c: {  	_ =	strace s4  }
0x9d: {  	_ =	strace $0x8FFFFFFF  }
0x9e: {  	s19 =	sld [smem:$0x3FDB];
	_ =	sdelay $0x1  }
0x9f: {  	s5 =	simm.s32 $_scs_section_size  }
0xa0: {  	s6 =	simm.s32 $_size__tile_overlayer_lowered;
	s7 =	simm.s32 $_tile_overlayer_lowered  }
0xa1: {  	s22 =	simm.s32 $0x1BFF;
	s21 =	sshll.u32 s7, $0x1;
	s4 =	sadd.s32 s5, s19  }
0xa2: {  	s8 =	simm.s32 $0x0;
	s20 =	sshll.u32 s6, $0x1;
	s6 =	sadd.s32 s21, s4  }
0xa3: {  	[timem:s8], [sflag:s22] =	dma.local [hbm:s6], s20  }
0xa4: {  	_ =	swait.ge [sflag:s22], s20  }
0xa5: {  	s5 =	ssub.s32 $0x0, s20;
	[sflag:s22] =	ssyncset.done $0x0  }
0xa6: {  	[sflag:s22] =	ssyncadd.s32 s5;
	_ =	sdelay $0x1  }
0xa7: {  	s23 =	simm.s32 $0x1B8B  }
0xa8: {  	_ =	swait.ge [sflag:s23], $0x1  }
0xa9: {  	[sflag:s23] =	ssyncset.done $0x0  }
0xaa: {  	s25 =	simm.s32 $0x1B8E;
	s24 =	sld [smem:$0x3FFE];
	[sflag:s23] =	ssyncadd.s32 $0xFFFFFFFF  }
0xab: {  	s26 =	simm.s32 $execute0_lowered;
	[smem:$0x3FD2] =	sst s25  }
0xac: {  	s6 =	sshll.u32 s26, $0x1;
	_ =	strace $0x80000049;
	[dreg:$0x1] =	wrdreg $0xFFFFFFFF  }
0xad: {  	s28 =	simm.s32 $_size_execute0_lowered;
	s4 =	sadd.s32 s4, s6;
	[dreg:$0x0] =	wrdreg $0x0  }
0xae: {  	s6 =	sshll.u32 s28, $0x1;
	[dreg:$0x2] =	wrdreg s4  }
0xaf: {  	[dreg:$0x3] =	wrdreg s6  }
0xb0: {  	[dreg:$0x4] =	wrdreg $0xC0  }
0xb1: {  	_ =	task [dreg:s8], $0x5FFFF  }
0xb2: {  	[dreg:$0x1] =	wrdreg $0xFFFFFFFF  }
0xb3: {  	[dreg:$0x0] =	wrdreg $0x60  }
0xb4: {  	[dreg:$0x2] =	wrdreg s17  }
0xb5: {  	[dreg:$0x3] =	wrdreg s16  }
0xb6: {  	[dreg:$0x4] =	wrdreg s24  }
0xb7: {  	[dreg:$0x5] =	wrdreg $0x0  }
0xb8: {  	[dreg:$0x6] =	wrdreg $0x9  }
0xb9: {  	_ =	task.clear_ibuf [dreg:s8], $0x7FFFF;
	_ =	strace $0x90000049  }
0xba: {  	s29 =	simm.s32 $0x9;
	_ =	strace $0x8000004B  }
0xbb: {  	_ =	swait.ge [sflag:s29], $0x1  }
0xbc: {  	[sflag:s29] =	ssyncadd.s32 $0xFFFFFFFF  }
0xbd: {  	_ =	strace $0x9000004B  }
0xbe: {  	_ =	sfence  }
0xbf: {  	s30 =	sld [smem:$0x0];
	_ =	sdelay $0x2  }
0xc0: {  	s31 =	sshll.u32 s1, $0xD;
	s1 =	sshrl.u32 s1, $0x2  }
0xc1: {  	s3 =	sand.u32 $0x4000, s31;
	s1 =	sadd.s32 s1, s30  }
0xc2: {  	s0 =	sor.u32 s3, s0;
	s1 =	sshll.u32 s1, $0x11  }
0xc3: {  	s0 =	sor.u32 s1, s0  }
0xc4: {  	s0 =	sadd.s32 $0x8F2B, s0  }
0xc5: {  	[sflag:s0] =	ssyncadd.remote.s32 $0x1  }
0xc6: {  	_ =	sfence.sel $0xFFFF  }
0xc7: {  	[dreg:$0x0] =	wrdreg $0xFFFFFFFF;
	(pc) =	sbr.abs _section_cstart, $3  }
0xc8: {  	[dreg:$0x1] =	wrdreg $0xFFFFFFFF  }
0xc9: {  	_ =	task.clear_ibuf [dreg:s8], $0x2FFFF;
	_ =	strace $0x9FFFFFFF  }
0xca: {  	(tm) =	ssettm $0x7FFFFFFF  }
0xcb: {  	_ =	shalt  }
tec
execute0_lowered:
.L_overlay_start_1:
0x0: {  	(tag) =	ssettag $0x1  }
0x1: {  	s1 =	rddreg [dreg:$0x0]  }
0x2: {  	s2 =	rddreg [dreg:$0x1]  }
0x3: {  	s0 =	rddreg [dreg:$0x2]  }
0x4: {  	s3 =	rddreg [dreg:$0x3];
	s11 =	simm.s32 $0x0;
	s8 =	stileid.u32  }
0x5: {  	s22 =	srdreg.scid;
	s18 =	simm.s32 $0x9;
	s19 =	simm.s32 $0x14000  }
0x6: {  	s29 =	simm.s32 $0x1C800;
	s30 =	simm.s32 $0x1;
	s31 =	simm.s32 $0x5  }
0x7: {  	s12 =	simm.s32 $0x6;
	s9 =	simm.s32 $0x3;
	s14 =	simm.s32 $0x7  }
0x8: {  	s17 =	simm.s32 $0x14300;
	s10 =	simm.s32 $0x16600;
	s28 =	simm.s32 $0x16780  }
0x9: {  	[smem:$0x7FF] =	sst s11;
	s4 =	sadd.s32 $0x18000, s0;
	s20 =	sadd.s32 $0x4000, s0  }
0xa: {  	s21 =	sadd.s32 $0x40000, s0;
	_ =	strace $0x8000004A;
	[dreg:$0x6] =	wrdreg s4  }
0xb: {  	s6 =	smul.u32 $0x2800, s8;
	s5 =	sadd.s32 $0x2C000, s0;
	[dreg:$0x7] =	wrdreg s20  }
0xc: {  	s23 =	smul.u32 $0x50000, s8;
	s7 =	sadd.s32 $0xA3200, s0;
	[dreg:$0x8] =	wrdreg s21  }
0xd: {  	s26 =	sshll.u32 s8, $0x6;
	s15 =	smul.u32 $0x140, s8;
	[dreg:$0xa] =	wrdreg s5  }
0xe: {  	s8 =	simm.s32 $0x15380;
	s4 =	sand.u32 $0x1, s22;
	[dreg:$0xb] =	wrdreg s7  }
0xf: {  	s13 =	sor.u32 $0x1C09, s26;
	s20 =	simm.s32 $0x15400;
	s21 =	simm.s32 $0x40  }
0x10: {  	s22 =	simm.s32 $0x16800;
	s26 =	simm.s32 $0x1A800;
	s7 =	simm.s32 $0x8  }
0x11: {  	[dreg:$0x9] =	wrdreg s6;
	s6 =	sadd.s32 s6, s0;
	s24 =	ssub.s32 $0x2, s4  }
0x12: {  	s0 =	sadd.s32 $0xCB200, s0;
	s5 =	sshrl.u32 s23, $0x2;
	p0 =	seq.s32 s4, $0x1  }
0x13: {  	s4 =	simm.s32 $0x4;
	s23 =	simm.s32 $0x16680;
	[dreg:$0xe] =	wrdreg s13  }
.Ltmp0:
0x14: {  	[dreg:$0xc] =	wrdreg s0;
	s25 =	sshrl.u32 s24, $0x1;
	(pc) =	sbr.rel .LBB2_1-.Ltmp0, $4  }
0x15: {  	s5 =	sadd.s32 s5, s3;
	s6 =	sadd.s32 $0x54000, s6;
	s0 =	ssub.s32 s24, s25  }
0x16: {  	[dreg:$0xd] =	wrdreg s6;
	s16 =	sshrl.u32 s5, $0x3;
	s24 =	simm.s32 $0x18800  }
0x17: {  	s5 =	simm.s32 $0x2;
	s0 =	smax.u32 s0, $0x1;
	[dreg:$0x10] =	wrdreg s16  }
0x18: {  	s6 =	simm.s32 $0x15580;
	s25 =	simm.s32 $0x16700;
	[dreg:$0xf] =	wrdreg s0  }
.LBB2_10:
0x19: {  	s13 =	rddreg [dreg:$0x9];
	[bflag:$0x0] =	sbarrier.arrive $0xFFFF  }
0x1a: {  	s0 =	sadd.s32 s0, s13;
	s13 =	rddreg [dreg:$0xe]  }
0x1b: {  	s16 =	rddreg [dreg:$0x10]  }
0x1c: {  	[hbm:s0], [sflag:s13] =	dma.local [spmem:s16], $0x2800  }
0x1d: {  	_ =	swait.ge [sflag:s18], $0x2800  }
0x1e: {  	s11 =	sadd.s32 $0x1, s11;
	s0 =	rddreg [dreg:$0xf]  }
0x1f: {  	p1 =	sne.s32 s11, s0  }
.Ltmp1:
0x20: {  	_ = 	snop;
	(pc) =	sbr.rel @!p1 .LBB2_11-.Ltmp1, $3  }
0x21: {  	_ =	sdelay $0x1  }
0x22: {  	[sflag:s18] =	ssyncset.done $0x0  }
0x23: {  	[sflag:s18] =	ssyncadd.s32 $0xFFFFD800  }
.LBB2_1:
0x24: {  	[dreg:$0x5] =	wrdreg s11  }
0x25: {  	s0 =	rddreg [dreg:$0xd]  }
0x26: {  	[spmem:s16], [sflag:s13] =	dma.local [hbm:s0], $0x2800  }
.Ltmp2:
0x27: {  	_ =	swait.ge [sflag:s18], $0x2800;
	(pc) =	sbr.rel @!p0 .LBB2_2-.Ltmp2, $4  }
0x28: {  	[sflag:s18] =	ssyncset.done $0x0  }
0x29: {  	[sflag:s18] =	ssyncadd.s32 $0xFFFFD800  }
0x2a: {  	[bflag:$0x0] =	sbarrier.arrive $0xFFFF  }
0x2b: {  	s11 =	simm.s32 $0x0;
	s0 =	simm.s32 $0x0  }
.LBB2_6:
0x2c: {  	s0 =	smul.u32 $0x28, s11;
	_ =	sdelay $0x1  }
0x2d: {  	s0 =	sadd.s32 s15, s0  }
0x2e: {  	s13 =	rddreg [dreg:$0x8];
	s0 =	sshll.u32 s0, $0x4  }
0x2f: {  	s16 =	simm.s32 $0x0;
	s13 =	sadd.s32 s13, s0  }
0x30: {  	[tilespmem:s19], [sflag:$0x9] =	stream.linear.gather [hbm4b:s13+s16], $0x1400, $0x38;
	[tilespmem:$0x1E800] =	vst v63  }
0x31: {  	_ =	swait.ge [sflag:s18], $0x1400  }
0x32: {  	[sflag:s18] =	ssyncset.done $0x0;
	s13 =	rddreg [dreg:$0xa]  }
0x33: {  	[sflag:s18] =	ssyncadd.s32 $0xFFFFEC00;
	s0 =	sadd.s32 s13, s0  }
0x34: {  	[tilespmem:s20], [sflag:$0x9] =	stream.linear.gather [hbm4b:s0+s16], $0x1400, $0x38;
	[tilespmem:$0x1E800] =	vst v63  }
0x35: {  	_ =	swait.ge [sflag:s18], $0x1400  }
0x36: {  	[sflag:s18] =	ssyncset.done $0x0  }
0x37: {  	[sflag:s18] =	ssyncadd.s32 $0xFFFFEC00  }
0x38: {  	[tilespmem:s22], [sflag:$0x1] =	stream.indirect.gather [hbm4b:s2+s21], $0x80, s19, s21, $0xb8;
	[tilespmem:$0x1E800] =	vst v63  }
0x39: {  	s13 =	simm.s32 $0x14080  }
0x3a: {  	[tilespmem:s24], [sflag:$0x2] =	stream.indirect.gather [hbm4b:s2+s21], $0x80, s13, s21, $0xb8;
	[tilespmem:$0x1E800] =	vst v63  }
0x3b: {  	s16 =	simm.s32 $0x14100  }
0x3c: {  	[tilespmem:s26], [sflag:$0x3] =	stream.indirect.gather [hbm4b:s2+s21], $0x80, s16, s21, $0xb8;
	[tilespmem:$0x1E800] =	vst v63  }
0x3d: {  	s13 =	simm.s32 $0x14180  }
0x3e: {  	[tilespmem:s29], [sflag:$0x4] =	stream.indirect.gather [hbm4b:s2+s21], $0x80, s13, s21, $0xb8;
	[tilespmem:$0x1E800] =	vst v63  }
0x3f: {  	_ =	swait.ge [sflag:s30], $0x2000  }
0x40: {  	[sflag:s30] =	ssyncset.done $0x0  }
0x41: {  	[sflag:s30] =	ssyncadd.s32 $0xFFFFE000  }
0x42: {  	[spmem:s3] =	stream.indirect.scatter.add.f32 [tilespmem:s22], [sflag:$0x5], $0x80, s20, s21, $0xb8;
	[tilespmem:$0x1E800] =	vst v63  }
0x43: {  	_ =	swait.ge [sflag:s31], $0x2000  }
0x44: {  	[sflag:s31] =	ssyncset.done $0x0  }
0x45: {  	s16 =	simm.s32 $0x14200;
	[sflag:s31] =	ssyncadd.s32 $0xFFFFE000  }
0x46: {  	[tilespmem:s22], [sflag:$0x1] =	stream.indirect.gather [hbm4b:s2+s21], $0x80, s16, s21, $0xb8;
	[tilespmem:$0x1E800] =	vst v63  }
0x47: {  	_ =	swait.ge [sflag:s5], $0x2000  }
0x48: {  	[sflag:s5] =	ssyncset.done $0x0  }
0x49: {  	s13 =	simm.s32 $0x15480;
	[sflag:s5] =	ssyncadd.s32 $0xFFFFE000  }
0x4a: {  	[spmem:s3] =	stream.indirect.scatter.add.f32 [tilespmem:s24], [sflag:$0x6], $0x80, s13, s21, $0xb8;
	[tilespmem:$0x1E800] =	vst v63  }
0x4b: {  	_ =	swait.ge [sflag:s12], $0x2000  }
0x4c: {  	[sflag:s12] =	ssyncset.done $0x0  }
0x4d: {  	s16 =	simm.s32 $0x14280;
	[sflag:s12] =	ssyncadd.s32 $0xFFFFE000  }
0x4e: {  	[tilespmem:s24], [sflag:$0x2] =	stream.indirect.gather [hbm4b:s2+s21], $0x80, s16, s21, $0xb8;
	[tilespmem:$0x1E800] =	vst v63  }
0x4f: {  	_ =	swait.ge [sflag:s9], $0x2000  }
0x50: {  	[sflag:s9] =	ssyncset.done $0x0  }
0x51: {  	s13 =	simm.s32 $0x15500;
	[sflag:s9] =	ssyncadd.s32 $0xFFFFE000  }
0x52: {  	[spmem:s3] =	stream.indirect.scatter.add.f32 [tilespmem:s26], [sflag:$0x7], $0x80, s13, s21, $0xb8;
	[tilespmem:$0x1E800] =	vst v63  }
0x53: {  	_ =	swait.ge [sflag:s14], $0x2000  }
0x54: {  	[sflag:s14] =	ssyncset.done $0x0  }
0x55: {  	[sflag:s14] =	ssyncadd.s32 $0xFFFFE000  }
0x56: {  	[tilespmem:s26], [sflag:$0x3] =	stream.indirect.gather [hbm4b:s2+s21], $0x80, s17, s21, $0xb8;
	[tilespmem:$0x1E800] =	vst v63  }
0x57: {  	_ =	swait.ge [sflag:s4], $0x2000  }
0x58: {  	[sflag:s4] =	ssyncset.done $0x0  }
0x59: {  	[sflag:s4] =	ssyncadd.s32 $0xFFFFE000  }
0x5a: {  	[spmem:s3] =	stream.indirect.scatter.add.f32 [tilespmem:s29], [sflag:$0x8], $0x80, s6, s21, $0xb8;
	[tilespmem:$0x1E800] =	vst v63  }
0x5b: {  	_ =	swait.ge [sflag:s7], $0x2000  }
0x5c: {  	[sflag:s7] =	ssyncset.done $0x0  }
0x5d: {  	s16 =	simm.s32 $0x14380;
	[sflag:s7] =	ssyncadd.s32 $0xFFFFE000  }
0x5e: {  	[tilespmem:s29], [sflag:$0x4] =	stream.indirect.gather [hbm4b:s2+s21], $0x80, s16, s21, $0xb8;
	[tilespmem:$0x1E800] =	vst v63  }
0x5f: {  	_ =	swait.ge [sflag:s30], $0x2000  }
0x60: {  	[sflag:s30] =	ssyncset.done $0x0  }
0x61: {  	s13 =	simm.s32 $0x15600;
	[sflag:s30] =	ssyncadd.s32 $0xFFFFE000  }
0x62: {  	[spmem:s3] =	stream.indirect.scatter.add.f32 [tilespmem:s22], [sflag:$0x5], $0x80, s13, s21, $0xb8;
	[tilespmem:$0x1E800] =	vst v63  }
0x63: {  	_ =	swait.ge [sflag:s31], $0x2000  }
0x64: {  	[sflag:s31] =	ssyncset.done $0x0  }
0x65: {  	s16 =	simm.s32 $0x14400;
	[sflag:s31] =	ssyncadd.s32 $0xFFFFE000  }
0x66: {  	[tilespmem:s22], [sflag:$0x1] =	stream.indirect.gather [hbm4b:s2+s21], $0x80, s16, s21, $0xb8;
	[tilespmem:$0x1E800] =	vst v63  }
0x67: {  	_ =	swait.ge [sflag:s5], $0x2000  }
0x68: {  	[sflag:s5] =	ssyncset.done $0x0  }
0x69: {  	s13 =	simm.s32 $0x15680;
	[sflag:s5] =	ssyncadd.s32 $0xFFFFE000  }
0x6a: {  	[spmem:s3] =	stream.indirect.scatter.add.f32 [tilespmem:s24], [sflag:$0x6], $0x80, s13, s21, $0xb8;
	[tilespmem:$0x1E800] =	vst v63  }
0x6b: {  	_ =	swait.ge [sflag:s12], $0x2000  }
0x6c: {  	[sflag:s12] =	ssyncset.done $0x0  }
0x6d: {  	s16 =	simm.s32 $0x14480;
	[sflag:s12] =	ssyncadd.s32 $0xFFFFE000  }
0x6e: {  	[tilespmem:s24], [sflag:$0x2] =	stream.indirect.gather [hbm4b:s2+s21], $0x80, s16, s21, $0xb8;
	[tilespmem:$0x1E800] =	vst v63  }
0x6f: {  	_ =	swait.ge [sflag:s9], $0x2000  }
0x70: {  	[sflag:s9] =	ssyncset.done $0x0  }
0x71: {  	s13 =	simm.s32 $0x15700;
	[sflag:s9] =	ssyncadd.s32 $0xFFFFE000  }
0x72: {  	[spmem:s3] =	stream.indirect.scatter.add.f32 [tilespmem:s26], [sflag:$0x7], $0x80, s13, s21, $0xb8;
	[tilespmem:$0x1E800] =	vst v63  }
0x73: {  	_ =	swait.ge [sflag:s14], $0x2000  }
0x74: {  	[sflag:s14] =	ssyncset.done $0x0  }
0x75: {  	s16 =	simm.s32 $0x14500;
	[sflag:s14] =	ssyncadd.s32 $0xFFFFE000  }
0x76: {  	[tilespmem:s26], [sflag:$0x3] =	stream.indirect.gather [hbm4b:s2+s21], $0x80, s16, s21, $0xb8;
	[tilespmem:$0x1E800] =	vst v63  }
0x77: {  	_ =	swait.ge [sflag:s4], $0x2000  }
0x78: {  	[sflag:s4] =	ssyncset.done $0x0  }
0x79: {  	s0 =	simm.s32 $0x800;
	s13 =	simm.s32 $0x15780;
	[sflag:s4] =	ssyncadd.s32 $0xFFFFE000  }
.LBB2_7:
0x7a: {  	[spmem:s3] =	stream.indirect.scatter.add.f32 [tilespmem:s29], [sflag:$0x8], $0x80, s13, s21, $0xb8;
	[tilespmem:$0x1E800] =	vst v63  }
0x7b: {  	s13 =	smov.u32 s0  }
0x7c: {  	p1 =	sne.s32 s0, $0x3800;
	s0 =	sadd.s32 $0x800, s0;
	_ =	swait.ge [sflag:s7], $0x2000  }
0x7d: {  	s13 =	sshra.s32 s13, $0x2;
	[sflag:s7] =	ssyncset.done $0x0  }
0x7e: {  	s16 =	sadd.s32 $0x14380, s13;
	[sflag:s7] =	ssyncadd.s32 $0xFFFFE000  }
0x7f: {  	[tilespmem:s29], [sflag:$0x4] =	stream.indirect.gather [hbm4b:s2+s21], $0x80, s16, s21, $0xb8;
	[tilespmem:$0x1E800] =	vst v63  }
0x80: {  	_ =	swait.ge [sflag:s30], $0x2000  }
0x81: {  	[sflag:s30] =	ssyncset.done $0x0  }
0x82: {  	s16 =	sadd.s32 $0x15600, s13;
	[sflag:s30] =	ssyncadd.s32 $0xFFFFE000  }
0x83: {  	[spmem:s3] =	stream.indirect.scatter.add.f32 [tilespmem:s22], [sflag:$0x5], $0x80, s16, s21, $0xb8;
	[tilespmem:$0x1E800] =	vst v63  }
0x84: {  	_ =	swait.ge [sflag:s31], $0x2000  }
0x85: {  	[sflag:s31] =	ssyncset.done $0x0  }
0x86: {  	s16 =	sadd.s32 $0x14400, s13;
	[sflag:s31] =	ssyncadd.s32 $0xFFFFE000  }
0x87: {  	[tilespmem:s22], [sflag:$0x1] =	stream.indirect.gather [hbm4b:s2+s21], $0x80, s16, s21, $0xb8;
	[tilespmem:$0x1E800] =	vst v63  }
0x88: {  	_ =	swait.ge [sflag:s5], $0x2000  }
0x89: {  	[sflag:s5] =	ssyncset.done $0x0  }
0x8a: {  	s16 =	sadd.s32 $0x15680, s13;
	[sflag:s5] =	ssyncadd.s32 $0xFFFFE000  }
0x8b: {  	[spmem:s3] =	stream.indirect.scatter.add.f32 [tilespmem:s24], [sflag:$0x6], $0x80, s16, s21, $0xb8;
	[tilespmem:$0x1E800] =	vst v63  }
0x8c: {  	_ =	swait.ge [sflag:s12], $0x2000  }
0x8d: {  	[sflag:s12] =	ssyncset.done $0x0  }
0x8e: {  	s16 =	sadd.s32 $0x14480, s13;
	[sflag:s12] =	ssyncadd.s32 $0xFFFFE000  }
0x8f: {  	[tilespmem:s24], [sflag:$0x2] =	stream.indirect.gather [hbm4b:s2+s21], $0x80, s16, s21, $0xb8;
	[tilespmem:$0x1E800] =	vst v63  }
0x90: {  	_ =	swait.ge [sflag:s9], $0x2000  }
0x91: {  	[sflag:s9] =	ssyncset.done $0x0  }
0x92: {  	s16 =	sadd.s32 $0x15700, s13;
	[sflag:s9] =	ssyncadd.s32 $0xFFFFE000  }
0x93: {  	[spmem:s3] =	stream.indirect.scatter.add.f32 [tilespmem:s26], [sflag:$0x7], $0x80, s16, s21, $0xb8;
	[tilespmem:$0x1E800] =	vst v63  }
0x94: {  	_ =	swait.ge [sflag:s14], $0x2000  }
0x95: {  	[sflag:s14] =	ssyncset.done $0x0  }
.Ltmp3:
0x96: {  	s16 =	sadd.s32 $0x14500, s13;
	[sflag:s14] =	ssyncadd.s32 $0xFFFFE000;
	(pc) =	sbr.rel @p1 .LBB2_7-.Ltmp3, $4  }
0x97: {  	[tilespmem:s26], [sflag:$0x3] =	stream.indirect.gather [hbm4b:s2+s21], $0x80, s16, s21, $0xb8;
	[tilespmem:$0x1E800] =	vst v63  }
0x98: {  	_ =	swait.ge [sflag:s4], $0x2000  }
0x99: {  	[sflag:s4] =	ssyncset.done $0x0  }
0x9a: {  	s13 =	sadd.s32 $0x15780, s13;
	[sflag:s4] =	ssyncadd.s32 $0xFFFFE000  }
0x9b: {  	[spmem:s3] =	stream.indirect.scatter.add.f32 [tilespmem:s29], [sflag:$0x8], $0x80, s13, s21, $0xb8;
	[tilespmem:$0x1E800] =	vst v63  }
0x9c: {  	_ =	swait.ge [sflag:s7], $0x2000  }
0x9d: {  	[sflag:s7] =	ssyncset.done $0x0  }
0x9e: {  	[sflag:s7] =	ssyncadd.s32 $0xFFFFE000  }
0x9f: {  	[tilespmem:s29], [sflag:$0x4] =	stream.indirect.gather [hbm4b:s2+s21], $0x80, s8, s21, $0xb8;
	[tilespmem:$0x1E800] =	vst v63  }
0xa0: {  	_ =	swait.ge [sflag:s30], $0x2000  }
0xa1: {  	[sflag:s30] =	ssyncset.done $0x0  }
0xa2: {  	[sflag:s30] =	ssyncadd.s32 $0xFFFFE000  }
0xa3: {  	[spmem:s3] =	stream.indirect.scatter.add.f32 [tilespmem:s22], [sflag:$0x5], $0x80, s10, s21, $0xb8;
	[tilespmem:$0x1E800] =	vst v63  }
0xa4: {  	_ =	swait.ge [sflag:s5], $0x2000  }
0xa5: {  	[sflag:s5] =	ssyncset.done $0x0  }
0xa6: {  	[sflag:s5] =	ssyncadd.s32 $0xFFFFE000  }
0xa7: {  	[spmem:s3] =	stream.indirect.scatter.add.f32 [tilespmem:s24], [sflag:$0x6], $0x80, s23, s21, $0xb8;
	[tilespmem:$0x1E800] =	vst v63  }
0xa8: {  	_ =	swait.ge [sflag:s9], $0x2000  }
0xa9: {  	[sflag:s9] =	ssyncset.done $0x0  }
0xaa: {  	[sflag:s9] =	ssyncadd.s32 $0xFFFFE000  }
0xab: {  	[spmem:s3] =	stream.indirect.scatter.add.f32 [tilespmem:s26], [sflag:$0x7], $0x80, s25, s21, $0xb8;
	[tilespmem:$0x1E800] =	vst v63  }
0xac: {  	_ =	swait.ge [sflag:s4], $0x2000  }
0xad: {  	[sflag:s4] =	ssyncset.done $0x0  }
0xae: {  	[sflag:s4] =	ssyncadd.s32 $0xFFFFE000  }
0xaf: {  	[spmem:s3] =	stream.indirect.scatter.add.f32 [tilespmem:s29], [sflag:$0x8], $0x80, s28, s21, $0xb8;
	[tilespmem:$0x1E800] =	vst v63  }
0xb0: {  	_ =	swait.ge [sflag:s31], $0x2000  }
0xb1: {  	[sflag:s31] =	ssyncset.done $0x0  }
0xb2: {  	[sflag:s31] =	ssyncadd.s32 $0xFFFFE000  }
0xb3: {  	_ =	swait.ge [sflag:s12], $0x2000  }
0xb4: {  	[sflag:s12] =	ssyncset.done $0x0  }
0xb5: {  	s11 =	sadd.s32 $0x1, s11;
	[sflag:s12] =	ssyncadd.s32 $0xFFFFE000  }
0xb6: {  	p1 =	sne.s32 s11, $0x8;
	_ =	swait.ge [sflag:s14], $0x2000  }
.Ltmp4:
0xb7: {  	[sflag:s14] =	ssyncset.done $0x0;
	(pc) =	sbr.rel @p1 .LBB2_6-.Ltmp4, $4  }
0xb8: {  	[sflag:s14] =	ssyncadd.s32 $0xFFFFE000  }
0xb9: {  	_ =	swait.ge [sflag:s7], $0x2000  }
0xba: {  	[sflag:s7] =	ssyncset.done $0x0  }
0xbb: {  	[sflag:s7] =	ssyncadd.s32 $0xFFFFE000  }
.Ltmp5:
0xbc: {  	(pc) =	sbr.rel .LBB2_10-.Ltmp5, $3  }
0xbd: {  	_ =	sdelay $0x1  }
0xbe: {  	s0 =	rddreg [dreg:$0xc]  }
0xbf: {  	s11 =	rddreg [dreg:$0x5]  }
.LBB2_2:
0xc0: {  	s11 =	smul.u32 $0x28, s0;
	_ =	sdelay $0x1  }
0xc1: {  	s11 =	sadd.s32 s15, s11  }
0xc2: {  	s13 =	rddreg [dreg:$0x6];
	s11 =	sshll.u32 s11, $0x4  }
0xc3: {  	s16 =	simm.s32 $0x0;
	s13 =	sadd.s32 s13, s11  }
0xc4: {  	[tilespmem:s19], [sflag:$0x9] =	stream.linear.gather [hbm4b:s13+s16], $0x1400, $0x38;
	[tilespmem:$0x1E800] =	vst v63  }
0xc5: {  	_ =	swait.ge [sflag:s18], $0x1400  }
0xc6: {  	[sflag:s18] =	ssyncset.done $0x0;
	s13 =	rddreg [dreg:$0x7]  }
0xc7: {  	[sflag:s18] =	ssyncadd.s32 $0xFFFFEC00;
	s11 =	sadd.s32 s13, s11  }
0xc8: {  	[tilespmem:s20], [sflag:$0x9] =	stream.linear.gather [hbm4b:s11+s16], $0x1400, $0x38;
	[tilespmem:$0x1E800] =	vst v63  }
0xc9: {  	_ =	swait.ge [sflag:s18], $0x1400  }
0xca: {  	[sflag:s18] =	ssyncset.done $0x0  }
0xcb: {  	[sflag:s18] =	ssyncadd.s32 $0xFFFFEC00  }
0xcc: {  	[tilespmem:s22], [sflag:$0x1] =	stream.indirect.gather [hbm4b:s1+s21], $0x80, s19, s21, $0xb8;
	[tilespmem:$0x1E800] =	vst v63  }
0xcd: {  	s13 =	simm.s32 $0x14080  }
0xce: {  	[tilespmem:s24], [sflag:$0x2] =	stream.indirect.gather [hbm4b:s1+s21], $0x80, s13, s21, $0xb8;
	[tilespmem:$0x1E800] =	vst v63  }
0xcf: {  	s16 =	simm.s32 $0x14100  }
0xd0: {  	[tilespmem:s26], [sflag:$0x3] =	stream.indirect.gather [hbm4b:s1+s21], $0x80, s16, s21, $0xb8;
	[tilespmem:$0x1E800] =	vst v63  }
0xd1: {  	s13 =	simm.s32 $0x14180  }
0xd2: {  	[tilespmem:s29], [sflag:$0x4] =	stream.indirect.gather [hbm4b:s1+s21], $0x80, s13, s21, $0xb8;
	[tilespmem:$0x1E800] =	vst v63  }
0xd3: {  	_ =	swait.ge [sflag:s30], $0x2000  }
0xd4: {  	[sflag:s30] =	ssyncset.done $0x0  }
0xd5: {  	[sflag:s30] =	ssyncadd.s32 $0xFFFFE000  }
0xd6: {  	[spmem:s3] =	stream.indirect.scatter.add.f32 [tilespmem:s22], [sflag:$0x5], $0x80, s20, s21, $0xb8;
	[tilespmem:$0x1E800] =	vst v63  }
0xd7: {  	_ =	swait.ge [sflag:s31], $0x2000  }
0xd8: {  	[sflag:s31] =	ssyncset.done $0x0  }
0xd9: {  	s16 =	simm.s32 $0x14200;
	[sflag:s31] =	ssyncadd.s32 $0xFFFFE000  }
0xda: {  	[tilespmem:s22], [sflag:$0x1] =	stream.indirect.gather [hbm4b:s1+s21], $0x80, s16, s21, $0xb8;
	[tilespmem:$0x1E800] =	vst v63  }
0xdb: {  	_ =	swait.ge [sflag:s5], $0x2000  }
0xdc: {  	[sflag:s5] =	ssyncset.done $0x0  }
0xdd: {  	s13 =	simm.s32 $0x15480;
	[sflag:s5] =	ssyncadd.s32 $0xFFFFE000  }
0xde: {  	[spmem:s3] =	stream.indirect.scatter.add.f32 [tilespmem:s24], [sflag:$0x6], $0x80, s13, s21, $0xb8;
	[tilespmem:$0x1E800] =	vst v63  }
0xdf: {  	_ =	swait.ge [sflag:s12], $0x2000  }
0xe0: {  	[sflag:s12] =	ssyncset.done $0x0  }
0xe1: {  	s16 =	simm.s32 $0x14280;
	[sflag:s12] =	ssyncadd.s32 $0xFFFFE000  }
0xe2: {  	[tilespmem:s24], [sflag:$0x2] =	stream.indirect.gather [hbm4b:s1+s21], $0x80, s16, s21, $0xb8;
	[tilespmem:$0x1E800] =	vst v63  }
0xe3: {  	_ =	swait.ge [sflag:s9], $0x2000  }
0xe4: {  	[sflag:s9] =	ssyncset.done $0x0  }
0xe5: {  	s13 =	simm.s32 $0x15500;
	[sflag:s9] =	ssyncadd.s32 $0xFFFFE000  }
0xe6: {  	[spmem:s3] =	stream.indirect.scatter.add.f32 [tilespmem:s26], [sflag:$0x7], $0x80, s13, s21, $0xb8;
	[tilespmem:$0x1E800] =	vst v63  }
0xe7: {  	_ =	swait.ge [sflag:s14], $0x2000  }
0xe8: {  	[sflag:s14] =	ssyncset.done $0x0  }
0xe9: {  	[sflag:s14] =	ssyncadd.s32 $0xFFFFE000  }
0xea: {  	[tilespmem:s26], [sflag:$0x3] =	stream.indirect.gather [hbm4b:s1+s21], $0x80, s17, s21, $0xb8;
	[tilespmem:$0x1E800] =	vst v63  }
0xeb: {  	_ =	swait.ge [sflag:s4], $0x2000  }
0xec: {  	[sflag:s4] =	ssyncset.done $0x0  }
0xed: {  	[sflag:s4] =	ssyncadd.s32 $0xFFFFE000  }
0xee: {  	[spmem:s3] =	stream.indirect.scatter.add.f32 [tilespmem:s29], [sflag:$0x8], $0x80, s6, s21, $0xb8;
	[tilespmem:$0x1E800] =	vst v63  }
0xef: {  	_ =	swait.ge [sflag:s7], $0x2000  }
0xf0: {  	[sflag:s7] =	ssyncset.done $0x0  }
0xf1: {  	s16 =	simm.s32 $0x14380;
	[sflag:s7] =	ssyncadd.s32 $0xFFFFE000  }
0xf2: {  	[tilespmem:s29], [sflag:$0x4] =	stream.indirect.gather [hbm4b:s1+s21], $0x80, s16, s21, $0xb8;
	[tilespmem:$0x1E800] =	vst v63  }
0xf3: {  	_ =	swait.ge [sflag:s30], $0x2000  }
0xf4: {  	[sflag:s30] =	ssyncset.done $0x0  }
0xf5: {  	s13 =	simm.s32 $0x15600;
	[sflag:s30] =	ssyncadd.s32 $0xFFFFE000  }
0xf6: {  	[spmem:s3] =	stream.indirect.scatter.add.f32 [tilespmem:s22], [sflag:$0x5], $0x80, s13, s21, $0xb8;
	[tilespmem:$0x1E800] =	vst v63  }
0xf7: {  	_ =	swait.ge [sflag:s31], $0x2000  }
0xf8: {  	[sflag:s31] =	ssyncset.done $0x0  }
0xf9: {  	s16 =	simm.s32 $0x14400;
	[sflag:s31] =	ssyncadd.s32 $0xFFFFE000  }
0xfa: {  	[tilespmem:s22], [sflag:$0x1] =	stream.indirect.gather [hbm4b:s1+s21], $0x80, s16, s21, $0xb8;
	[tilespmem:$0x1E800] =	vst v63  }
0xfb: {  	_ =	swait.ge [sflag:s5], $0x2000  }
0xfc: {  	[sflag:s5] =	ssyncset.done $0x0  }
0xfd: {  	s13 =	simm.s32 $0x15680;
	[sflag:s5] =	ssyncadd.s32 $0xFFFFE000  }
0xfe: {  	[spmem:s3] =	stream.indirect.scatter.add.f32 [tilespmem:s24], [sflag:$0x6], $0x80, s13, s21, $0xb8;
	[tilespmem:$0x1E800] =	vst v63  }
0xff: {  	_ =	swait.ge [sflag:s12], $0x2000  }
0x100: {  	[sflag:s12] =	ssyncset.done $0x0  }
0x101: {  	s16 =	simm.s32 $0x14480;
	[sflag:s12] =	ssyncadd.s32 $0xFFFFE000  }
0x102: {  	[tilespmem:s24], [sflag:$0x2] =	stream.indirect.gather [hbm4b:s1+s21], $0x80, s16, s21, $0xb8;
	[tilespmem:$0x1E800] =	vst v63  }
0x103: {  	_ =	swait.ge [sflag:s9], $0x2000  }
0x104: {  	[sflag:s9] =	ssyncset.done $0x0  }
0x105: {  	s13 =	simm.s32 $0x15700;
	[sflag:s9] =	ssyncadd.s32 $0xFFFFE000  }
0x106: {  	[spmem:s3] =	stream.indirect.scatter.add.f32 [tilespmem:s26], [sflag:$0x7], $0x80, s13, s21, $0xb8;
	[tilespmem:$0x1E800] =	vst v63  }
0x107: {  	_ =	swait.ge [sflag:s14], $0x2000  }
0x108: {  	[sflag:s14] =	ssyncset.done $0x0  }
0x109: {  	s16 =	simm.s32 $0x14500;
	[sflag:s14] =	ssyncadd.s32 $0xFFFFE000  }
0x10a: {  	[tilespmem:s26], [sflag:$0x3] =	stream.indirect.gather [hbm4b:s1+s21], $0x80, s16, s21, $0xb8;
	[tilespmem:$0x1E800] =	vst v63  }
0x10b: {  	_ =	swait.ge [sflag:s4], $0x2000  }
0x10c: {  	[sflag:s4] =	ssyncset.done $0x0  }
0x10d: {  	s11 =	simm.s32 $0x800;
	s13 =	simm.s32 $0x15780;
	[sflag:s4] =	ssyncadd.s32 $0xFFFFE000  }
.LBB2_3:
0x10e: {  	[spmem:s3] =	stream.indirect.scatter.add.f32 [tilespmem:s29], [sflag:$0x8], $0x80, s13, s21, $0xb8;
	[tilespmem:$0x1E800] =	vst v63  }
0x10f: {  	s13 =	smov.u32 s11  }
0x110: {  	p1 =	sne.s32 s11, $0x3800;
	s11 =	sadd.s32 $0x800, s11;
	_ =	swait.ge [sflag:s7], $0x2000  }
0x111: {  	s13 =	sshra.s32 s13, $0x2;
	[sflag:s7] =	ssyncset.done $0x0  }
0x112: {  	s16 =	sadd.s32 $0x14380, s13;
	[sflag:s7] =	ssyncadd.s32 $0xFFFFE000  }
0x113: {  	[tilespmem:s29], [sflag:$0x4] =	stream.indirect.gather [hbm4b:s1+s21], $0x80, s16, s21, $0xb8;
	[tilespmem:$0x1E800] =	vst v63  }
0x114: {  	_ =	swait.ge [sflag:s30], $0x2000  }
0x115: {  	[sflag:s30] =	ssyncset.done $0x0  }
0x116: {  	s16 =	sadd.s32 $0x15600, s13;
	[sflag:s30] =	ssyncadd.s32 $0xFFFFE000  }
0x117: {  	[spmem:s3] =	stream.indirect.scatter.add.f32 [tilespmem:s22], [sflag:$0x5], $0x80, s16, s21, $0xb8;
	[tilespmem:$0x1E800] =	vst v63  }
0x118: {  	_ =	swait.ge [sflag:s31], $0x2000  }
0x119: {  	[sflag:s31] =	ssyncset.done $0x0  }
0x11a: {  	s16 =	sadd.s32 $0x14400, s13;
	[sflag:s31] =	ssyncadd.s32 $0xFFFFE000  }
0x11b: {  	[tilespmem:s22], [sflag:$0x1] =	stream.indirect.gather [hbm4b:s1+s21], $0x80, s16, s21, $0xb8;
	[tilespmem:$0x1E800] =	vst v63  }
0x11c: {  	_ =	swait.ge [sflag:s5], $0x2000  }
0x11d: {  	[sflag:s5] =	ssyncset.done $0x0  }
0x11e: {  	s16 =	sadd.s32 $0x15680, s13;
	[sflag:s5] =	ssyncadd.s32 $0xFFFFE000  }
0x11f: {  	[spmem:s3] =	stream.indirect.scatter.add.f32 [tilespmem:s24], [sflag:$0x6], $0x80, s16, s21, $0xb8;
	[tilespmem:$0x1E800] =	vst v63  }
0x120: {  	_ =	swait.ge [sflag:s12], $0x2000  }
0x121: {  	[sflag:s12] =	ssyncset.done $0x0  }
0x122: {  	s16 =	sadd.s32 $0x14480, s13;
	[sflag:s12] =	ssyncadd.s32 $0xFFFFE000  }
0x123: {  	[tilespmem:s24], [sflag:$0x2] =	stream.indirect.gather [hbm4b:s1+s21], $0x80, s16, s21, $0xb8;
	[tilespmem:$0x1E800] =	vst v63  }
0x124: {  	_ =	swait.ge [sflag:s9], $0x2000  }
0x125: {  	[sflag:s9] =	ssyncset.done $0x0  }
0x126: {  	s16 =	sadd.s32 $0x15700, s13;
	[sflag:s9] =	ssyncadd.s32 $0xFFFFE000  }
0x127: {  	[spmem:s3] =	stream.indirect.scatter.add.f32 [tilespmem:s26], [sflag:$0x7], $0x80, s16, s21, $0xb8;
	[tilespmem:$0x1E800] =	vst v63  }
0x128: {  	_ =	swait.ge [sflag:s14], $0x2000  }
0x129: {  	[sflag:s14] =	ssyncset.done $0x0  }
.Ltmp6:
0x12a: {  	s16 =	sadd.s32 $0x14500, s13;
	[sflag:s14] =	ssyncadd.s32 $0xFFFFE000;
	(pc) =	sbr.rel @p1 .LBB2_3-.Ltmp6, $4  }
0x12b: {  	[tilespmem:s26], [sflag:$0x3] =	stream.indirect.gather [hbm4b:s1+s21], $0x80, s16, s21, $0xb8;
	[tilespmem:$0x1E800] =	vst v63  }
0x12c: {  	_ =	swait.ge [sflag:s4], $0x2000  }
0x12d: {  	[sflag:s4] =	ssyncset.done $0x0  }
0x12e: {  	s13 =	sadd.s32 $0x15780, s13;
	[sflag:s4] =	ssyncadd.s32 $0xFFFFE000  }
0x12f: {  	[spmem:s3] =	stream.indirect.scatter.add.f32 [tilespmem:s29], [sflag:$0x8], $0x80, s13, s21, $0xb8;
	[tilespmem:$0x1E800] =	vst v63  }
0x130: {  	_ =	swait.ge [sflag:s7], $0x2000  }
0x131: {  	[sflag:s7] =	ssyncset.done $0x0  }
0x132: {  	[sflag:s7] =	ssyncadd.s32 $0xFFFFE000  }
0x133: {  	[tilespmem:s29], [sflag:$0x4] =	stream.indirect.gather [hbm4b:s1+s21], $0x80, s8, s21, $0xb8;
	[tilespmem:$0x1E800] =	vst v63  }
0x134: {  	_ =	swait.ge [sflag:s30], $0x2000  }
0x135: {  	[sflag:s30] =	ssyncset.done $0x0  }
0x136: {  	[sflag:s30] =	ssyncadd.s32 $0xFFFFE000  }
0x137: {  	[spmem:s3] =	stream.indirect.scatter.add.f32 [tilespmem:s22], [sflag:$0x5], $0x80, s10, s21, $0xb8;
	[tilespmem:$0x1E800] =	vst v63  }
0x138: {  	_ =	swait.ge [sflag:s5], $0x2000  }
0x139: {  	[sflag:s5] =	ssyncset.done $0x0  }
0x13a: {  	[sflag:s5] =	ssyncadd.s32 $0xFFFFE000  }
0x13b: {  	[spmem:s3] =	stream.indirect.scatter.add.f32 [tilespmem:s24], [sflag:$0x6], $0x80, s23, s21, $0xb8;
	[tilespmem:$0x1E800] =	vst v63  }
0x13c: {  	_ =	swait.ge [sflag:s9], $0x2000  }
0x13d: {  	[sflag:s9] =	ssyncset.done $0x0  }
0x13e: {  	[sflag:s9] =	ssyncadd.s32 $0xFFFFE000  }
0x13f: {  	[spmem:s3] =	stream.indirect.scatter.add.f32 [tilespmem:s26], [sflag:$0x7], $0x80, s25, s21, $0xb8;
	[tilespmem:$0x1E800] =	vst v63  }
0x140: {  	_ =	swait.ge [sflag:s4], $0x2000  }
0x141: {  	[sflag:s4] =	ssyncset.done $0x0  }
0x142: {  	[sflag:s4] =	ssyncadd.s32 $0xFFFFE000  }
0x143: {  	[spmem:s3] =	stream.indirect.scatter.add.f32 [tilespmem:s29], [sflag:$0x8], $0x80, s28, s21, $0xb8;
	[tilespmem:$0x1E800] =	vst v63  }
0x144: {  	_ =	swait.ge [sflag:s31], $0x2000  }
0x145: {  	[sflag:s31] =	ssyncset.done $0x0  }
0x146: {  	[sflag:s31] =	ssyncadd.s32 $0xFFFFE000  }
0x147: {  	_ =	swait.ge [sflag:s12], $0x2000  }
0x148: {  	[sflag:s12] =	ssyncset.done $0x0  }
0x149: {  	s0 =	sadd.s32 $0x1, s0;
	[sflag:s12] =	ssyncadd.s32 $0xFFFFE000  }
0x14a: {  	p1 =	seq.s32 s0, $0x8;
	_ =	swait.ge [sflag:s14], $0x2000  }
.Ltmp7:
0x14b: {  	[sflag:s14] =	ssyncset.done $0x0;
	(pc) =	sbr.rel @!p1 .LBB2_2-.Ltmp7, $4  }
0x14c: {  	[sflag:s14] =	ssyncadd.s32 $0xFFFFE000  }
0x14d: {  	_ =	swait.ge [sflag:s7], $0x2000  }
0x14e: {  	[sflag:s7] =	ssyncset.done $0x0  }
0x14f: {  	[sflag:s7] =	ssyncadd.s32 $0xFFFFE000  }
.Ltmp8:
0x150: {  	(pc) =	sbr.rel .LBB2_10-.Ltmp8, $3  }
0x151: {  	_ =	sdelay $0x1  }
0x152: {  	s0 =	rddreg [dreg:$0xb]  }
0x153: {  	s11 =	rddreg [dreg:$0x5]  }
.LBB2_11:
0x154: {  	_ =	sfence.sel $0x180000  }
0x155: {  	[bflag:$0x0] =	sbarrier.arrive $0xFFFF  }
0x156: {  	_ =	strace $0x9000004A  }
0x157: {  	s0 =	stileid.u32;
	[bflag:$0x2] =	sbarrier.arrive $0xFFFF  }
0x158: {  	p0 =	sne.s32 s0, $0x0;
	s0 =	rddreg [dreg:$0x4]  }
0x159: {  	s0 =	sadd.s32 @!p0 $0x100000, s0  }
0x15a: {  	[sflag:s0] =	ssyncadd.tile.s32 @!p0 $0x1;
	_ =	shalt  }
.Lfunc_end2:
_tile_overlayer_lowered:
.L_overlay_start_2:
0x15b: {  	(tag) =	ssettag $0x2  }
0x15c: {  	s0 =	rddreg [dreg:$0x0];
	s2 =	stileid.u32  }
0x15d: {  	s1 =	rddreg [dreg:$0x1];
	p0 =	sne.s32 s2, $0x0  }
0x15e: {  	s3 =	rddreg [dreg:$0x2];
	[bflag:$0x3] =	sbarrier.arrive $0xFFFF;
	s2 =	simm.s32 @!p0 $0x1C09  }
0x15f: {  	[timem:s3], [sflag:s2] =	dma.local @!p0 [hbm:s0], s1  }
0x160: {  	s0 =	simm.s32 @!p0 $0x9  }
0x161: {  	_ =	swait.ge @!p0 [sflag:s0], s1  }
0x162: {  	s1 =	ssub.s32 @!p0 $0x0, s1;
	[sflag:s0] =	ssyncset.done @!p0 $0x0  }
0x163: {  	[sflag:s0] =	ssyncadd.s32 @!p0 s1  }
0x164: {  	[bflag:$0x3] =	sbarrier.arrive $0xFFFF  }
0x165: {  	_ =	shalt  }

// kernel: sc_segsum_counts.3.cloned.1.call-start
scs
__scs_entry_jumppad:
0x0: {  	(pc) =	sbr.rel $0x88, $3  }
0x1: {  	(tag) =	ssettag $0x0;
	lr =	simm.s32 $0x1  }
0x2: {  	[smem:$0x3F91] =	sst lr;
	_ =	strace $0xD0000000  }
0x3: {  	_ = 	snop  }
0x4: {  	_ = 	snop  }
0x5: {  	_ = 	snop  }
0x6: {  	_ = 	snop  }
0x7: {  	_ = 	snop  }
__scs_overlays_trampoline_lowered:
0x8: {  	[smem:$0x3FA0] =	sst s0  }
0x9: {  	[smem:$0x3FA1] =	sst s1  }
0xa: {  	[smem:$0x3FA2] =	sst s2  }
0xb: {  	[smem:$0x3FA3] =	sst s3  }
0xc: {  	[smem:$0x3FA4] =	sst s4  }
0xd: {  	[smem:$0x3FA5] =	sst s5  }
0xe: {  	[smem:$0x3FA6] =	sst s6  }
0xf: {  	[smem:$0x3FA7] =	sst s7  }
0x10: {  	[smem:$0x3FA8] =	sst s8  }
0x11: {  	[smem:$0x3FA9] =	sst s9;
	s0 =	simm.s32 @!p0 $0x0  }
0x12: {  	s1 =	sld [smem:$0x3F8F];
	s0 =	simm.s32 @p0 $0x1  }
0x13: {  	[smem:$0x3FAA] =	sst s0;
	s0 =	simm.s32 @!p1 $0x0  }
0x14: {  	s2 =	sld [smem:$0x3F8E];
	s0 =	simm.s32 @p1 $0x1  }
0x15: {  	[smem:$0x3FAB] =	sst s0;
	s0 =	simm.s32 @!p2 $0x0  }
0x16: {  	s3 =	sld [smem:$0x3FDB];
	s0 =	simm.s32 @p2 $0x1  }
0x17: {  	s4 =	simm.s32 $0x1BF5;
	[smem:$0x3FAD] =	sst s0  }
0x18: {  	s0 =	sld [smem:$0x3F90];
	_ =	swait.ge [sflag:s4], $0x0  }
0x19: {  	s7 =	sld [smem:$0x3F91]  }
0x1a: {  	s8 =	sadd.s32 $0xFFFFE003, lr  }
0x1b: {  	s9 =	sadd.s32 $0xFFFFFEF7, lr;
	s5 =	simm.s32 $0xFFFFFFFF;
	p2 =	slt.u32 s8, $0xFFFFF086  }
0x1c: {  	p1 =	slt.u32 s9, $0xF7A;
	s5 =	simm.s32 @!p2 $0x0  }
0x1d: {  	s5 =	simm.s32 @p1 $0x1;
	p0 =	seq.s32 s7, s2  }
0x1e: {  	s7 =	smul.u32 @!p0 $0xF7A, s2;
	p2 =	seq.s32 @!p0 s5, $0x0  }
0x1f: {  	s9 =	smul.u32 $0xF7A, s1;
	s8 =	simm.s32 @!p0 $0x1BF5;
	p2 =	por !p2, p0  }
0x20: {  	[sflag:s8] =	ssyncset.s32 @!p0 $0xFFFFF086;
	s6 =	sadd.s32 @!p0 s3, s7;
	s7 =	simm.s32 @!p0 $0x108  }
0x21: {  	s3 =	sadd.s32 s3, s9;
	s6 =	sadd.s32 @!p0 $0x88, s6;
	s7 =	simm.s32 @p2 $0x1082  }
0x22: {  	[simem:s7], [sflag:s8] =	dma.local @!p0 [hbm:s6], $0xF7A  }
0x23: {  	s9 =	sor.u32 $0xD0000000, s2;
	s6 =	simm.s32 $0x108;
	_ =	swait.ge @!p0 [sflag:s8], $0x0  }
0x24: {  	s3 =	sadd.s32 $0x88, s3;
	s6 =	simm.s32 @!p1 $0x1082;
	[sflag:s4] =	ssyncset.s32 $0xFFFFF086  }
0x25: {  	[simem:s6], [sflag:s4] =	dma.local [hbm:s3], $0xF7A  }
0x26: {  	[smem:$0x3F91] =	sst s1;
	(tag) =	ssettag s2;
	_ =	strace s9  }
0x27: {  	s1 =	sld [smem:$0x3FA1]  }
0x28: {  	s2 =	sld [smem:$0x3FA2]  }
0x29: {  	s4 =	sld [smem:$0x3FA4]  }
0x2a: {  	p0 =	seq.s32 s5, $0x0;
	s5 =	sld [smem:$0x3FA5]  }
0x2b: {  	s6 =	sld [smem:$0x3FA6]  }
0x2c: {  	s7 =	sld [smem:$0x3FA7]  }
0x2d: {  	s3 =	simm.s32 $0x108;
	s8 =	sld [smem:$0x3FA8]  }
0x2e: {  	s3 =	simm.s32 @!p0 $0x1082;
	s9 =	sld [smem:$0x3FA9]  }
0x2f: {  	lr =	sadd.s32 s0, s3;
	s0 =	sld [smem:$0x3FA0]  }
0x30: {  	s3 =	sld [smem:$0x3FA3]  }
0x31: {  	[smem:$0x3FAC] =	sst s10  }
0x32: {  	s10 =	sld [smem:$0x3FAA];
	_ =	sdelay $0x3  }
0x33: {  	p0 =	seq.s32 s10, $0x1;
	s10 =	sld [smem:$0x3FAC];
	_ =	sdelay $0x3  }
0x34: {  	[smem:$0x3FAC] =	sst s10  }
0x35: {  	s10 =	sld [smem:$0x3FAB];
	_ =	sdelay $0x3  }
0x36: {  	p1 =	seq.s32 s10, $0x1;
	s10 =	sld [smem:$0x3FAC];
	_ =	sdelay $0x3  }
0x37: {  	[smem:$0x3FAC] =	sst s10  }
0x38: {  	s10 =	sld [smem:$0x3FAD]  }
0x39: {  	_ = 	snop;
	(pc) =	sbr.ind lr, $3  }
0x3a: {  	_ = 	snop  }
0x3b: {  	_ = 	snop  }
0x3c: {  	p2 =	seq.s32 s10, $0x1;
	s10 =	sld [smem:$0x3FAC]  }
0x3d: {  	_ =	shalt  }
0x3e: {  	_ =	shalt  }
0x3f: {  	_ =	shalt  }
0x40: {  	_ =	shalt  }
0x41: {  	_ =	shalt  }
0x42: {  	_ =	shalt  }
0x43: {  	_ =	shalt  }
0x44: {  	_ =	shalt  }
0x45: {  	_ =	shalt  }
0x46: {  	_ =	shalt  }
0x47: {  	_ =	shalt  }
0x48: {  	_ =	shalt  }
0x49: {  	_ =	shalt  }
0x4a: {  	_ =	shalt  }
0x4b: {  	_ =	shalt  }
0x4c: {  	_ =	shalt  }
0x4d: {  	_ =	shalt  }
0x4e: {  	_ =	shalt  }
0x4f: {  	_ =	shalt  }
0x50: {  	_ =	shalt  }
0x51: {  	_ =	shalt  }
0x52: {  	_ =	shalt  }
0x53: {  	_ =	shalt  }
0x54: {  	_ =	shalt  }
0x55: {  	_ =	shalt  }
0x56: {  	_ =	shalt  }
0x57: {  	_ =	shalt  }
0x58: {  	_ =	shalt  }
0x59: {  	_ =	shalt  }
0x5a: {  	_ =	shalt  }
0x5b: {  	_ =	shalt  }
0x5c: {  	_ =	shalt  }
0x5d: {  	_ =	shalt  }
0x5e: {  	_ =	shalt  }
0x5f: {  	_ =	shalt  }
0x60: {  	_ =	shalt  }
0x61: {  	_ =	shalt  }
0x62: {  	_ =	shalt  }
0x63: {  	_ =	shalt  }
0x64: {  	_ =	shalt  }
0x65: {  	_ =	shalt  }
0x66: {  	_ =	shalt  }
0x67: {  	_ =	shalt  }
0x68: {  	_ =	shalt  }
0x69: {  	_ =	shalt  }
0x6a: {  	_ =	shalt  }
0x6b: {  	_ =	shalt  }
0x6c: {  	_ =	shalt  }
0x6d: {  	_ =	shalt  }
0x6e: {  	_ =	shalt  }
0x6f: {  	_ =	shalt  }
0x70: {  	_ =	shalt  }
0x71: {  	_ =	shalt  }
0x72: {  	_ =	shalt  }
0x73: {  	_ =	shalt  }
0x74: {  	_ =	shalt  }
0x75: {  	_ =	shalt  }
0x76: {  	_ =	shalt  }
0x77: {  	_ =	shalt  }
0x78: {  	_ =	shalt  }
0x79: {  	_ =	shalt  }
0x7a: {  	_ =	shalt  }
0x7b: {  	_ =	shalt  }
0x7c: {  	_ =	shalt  }
0x7d: {  	_ =	shalt  }
0x7e: {  	_ =	shalt  }
0x7f: {  	_ =	shalt  }
0x80: {  	_ =	shalt  }
0x81: {  	_ =	shalt  }
0x82: {  	_ =	shalt  }
0x83: {  	_ =	shalt  }
0x84: {  	_ =	shalt  }
0x85: {  	_ =	shalt  }
0x86: {  	_ =	shalt  }
0x87: {  	_ =	shalt  }
.Lfunc_end0:
.L_simem_size_0:
called_computation_lowered:
.L_overlay_start_0:
0x88: {  	s2 =	sld [smem:$0x3FD9]  }
0x89: {  	s3 =	sld [smem:$0x3FFE];
	_ =	sdelay $0x1  }
0x8a: {  	s1 =	srdreg.scid  }
0x8b: {  	s0 =	sand.u32 $0x1, s1  }
0x8c: {  	s14 =	sshll.u32 s0, $0xA;
	s2 =	sadd.s32 s3, s2  }
0x8d: {  	s2 =	sadd.s32 s2, s14  }
0x8e: {  	[smem:$0x3FB8] =	sst s2  }
0x8f: {  	_ = 	snop  }
0x90: {  	s2 =	sld [smem:$0x3FD0];
	_ =	sdelay $0x1  }
0x91: {  	s15 =	sld [smem:$0x3FC9]  }
0x92: {  	s5 =	simm.s32 $0xA;
	s6 =	simm.s32 $0x10;
	s4 =	sld [smem:$0x3FC8]  }
0x93: {  	[smem:s6], [sflag:s5] =	dma.local [hbm:s2], $0x1  }
0x94: {  	_ =	swait.eq [sflag:s5], $0x1  }
0x95: {  	[sflag:s5] =	ssyncset.done $0x0  }
0x96: {  	s16 =	sld [smem:$0x10];
	[sflag:s5] =	ssyncadd.s32 $0xFFFFFFFF  }
0x97: {  	s17 =	sld [smem:$0x11];
	(tm) =	ssettm $0x1  }
0x98: {  	s18 =	sld [smem:$0x3FFB];
	_ =	sdelay $0x3  }
0x99: {  	_ =	strace s18  }
0x9a: {  	s6 =	sld [smem:$0x3FFC];
	_ =	sdelay $0x3  }
0x9b: {  	_ =	strace s6  }
0x9c: {  	s6 =	sld [smem:$0x3FFD];
	_ =	sdelay $0x3  }
0x9d: {  	_ =	strace s6  }
0x9e: {  	_ =	strace $0x8FFFFFFF  }
0x9f: {  	s19 =	sld [smem:$0x3FDB];
	_ =	sdelay $0x1  }
0xa0: {  	s7 =	simm.s32 $_scs_section_size  }
0xa1: {  	s8 =	simm.s32 $_size__tile_overlayer_lowered;
	s9 =	simm.s32 $_tile_overlayer_lowered  }
0xa2: {  	s22 =	simm.s32 $0x1BFF;
	s21 =	sshll.u32 s9, $0x1;
	s6 =	sadd.s32 s7, s19  }
0xa3: {  	s10 =	simm.s32 $0x0;
	s20 =	sshll.u32 s8, $0x1;
	s8 =	sadd.s32 s21, s6  }
0xa4: {  	[timem:s10], [sflag:s22] =	dma.local [hbm:s8], s20  }
0xa5: {  	_ =	swait.ge [sflag:s22], s20  }
0xa6: {  	s7 =	ssub.s32 $0x0, s20;
	[sflag:s22] =	ssyncset.done $0x0  }
0xa7: {  	[sflag:s22] =	ssyncadd.s32 s7;
	_ =	sdelay $0x1  }
0xa8: {  	s23 =	simm.s32 $0x1B8B  }
0xa9: {  	_ =	swait.ge [sflag:s23], $0x1  }
0xaa: {  	[sflag:s23] =	ssyncset.done $0x0  }
0xab: {  	s25 =	simm.s32 $0x1B8E;
	s24 =	sld [smem:$0x3FFE];
	[sflag:s23] =	ssyncadd.s32 $0xFFFFFFFF  }
0xac: {  	s26 =	simm.s32 $execute0_lowered;
	[smem:$0x3FD2] =	sst s25  }
0xad: {  	s8 =	sshll.u32 s26, $0x1;
	_ =	strace $0x80000046;
	[dreg:$0x1] =	wrdreg $0xFFFFFFFF  }
0xae: {  	s28 =	simm.s32 $_size_execute0_lowered;
	s6 =	sadd.s32 s6, s8;
	[dreg:$0x0] =	wrdreg $0x0  }
0xaf: {  	s8 =	sshll.u32 s28, $0x1;
	[dreg:$0x2] =	wrdreg s6  }
0xb0: {  	[dreg:$0x3] =	wrdreg s8  }
0xb1: {  	[dreg:$0x4] =	wrdreg $0xC0  }
0xb2: {  	_ =	task [dreg:s10], $0x5FFFF  }
0xb3: {  	[dreg:$0x1] =	wrdreg $0xFFFFFFFF  }
0xb4: {  	[dreg:$0x0] =	wrdreg $0x60  }
0xb5: {  	[dreg:$0x2] =	wrdreg s15  }
0xb6: {  	[dreg:$0x3] =	wrdreg s4  }
0xb7: {  	[dreg:$0x4] =	wrdreg s24  }
0xb8: {  	[dreg:$0x5] =	wrdreg s16  }
0xb9: {  	[dreg:$0x6] =	wrdreg s17  }
0xba: {  	[dreg:$0x7] =	wrdreg $0x0  }
0xbb: {  	[dreg:$0x8] =	wrdreg $0x140000  }
0xbc: {  	[dreg:$0x9] =	wrdreg $0x9  }
0xbd: {  	_ =	task.clear_ibuf [dreg:s10], $0xAFFFF;
	_ =	strace $0x90000046  }
0xbe: {  	s29 =	simm.s32 $0x9;
	_ =	strace $0x80000048  }
0xbf: {  	_ =	swait.ge [sflag:s29], $0x1  }
0xc0: {  	[sflag:s29] =	ssyncadd.s32 $0xFFFFFFFF  }
0xc1: {  	_ =	strace $0x90000048  }
0xc2: {  	_ =	sfence  }
0xc3: {  	s30 =	sld [smem:$0x0];
	_ =	sdelay $0x2  }
0xc4: {  	s31 =	sshll.u32 s1, $0xD;
	s1 =	sshrl.u32 s1, $0x2  }
0xc5: {  	s3 =	sand.u32 $0x4000, s31;
	s1 =	sadd.s32 s1, s30  }
0xc6: {  	s0 =	sor.u32 s3, s0;
	s1 =	sshll.u32 s1, $0x11  }
0xc7: {  	s0 =	sor.u32 s1, s0  }
0xc8: {  	s0 =	sadd.s32 $0x8F2B, s0  }
0xc9: {  	[sflag:s0] =	ssyncadd.remote.s32 $0x1  }
0xca: {  	_ =	sfence.sel $0xFFFF  }
0xcb: {  	[dreg:$0x0] =	wrdreg $0xFFFFFFFF;
	(pc) =	sbr.abs _section_cstart, $3  }
0xcc: {  	[dreg:$0x1] =	wrdreg $0xFFFFFFFF  }
0xcd: {  	_ =	task.clear_ibuf [dreg:s10], $0x2FFFF;
	_ =	strace $0x9FFFFFFF  }
0xce: {  	(tm) =	ssettm $0x7FFFFFFF  }
0xcf: {  	_ =	shalt  }
tec
execute0_lowered:
.L_overlay_start_1:
0x0: {  	(tag) =	ssettag $0x1  }
0x1: {  	s0 =	rddreg [dreg:$0x0]  }
0x2: {  	s2 =	rddreg [dreg:$0x1]  }
0x3: {  	s1 =	rddreg [dreg:$0x2]  }
0x4: {  	s3 =	rddreg [dreg:$0x3]  }
0x5: {  	s4 =	rddreg [dreg:$0x5]  }
0x6: {  	s6 =	rddreg [dreg:$0x6]  }
0x7: {  	s20 =	simm.s32 $0x0;
	s11 =	stileid.u32;
	s17 =	srdreg.scid  }
0x8: {  	s28 =	simm.s32 $0x40;
	s29 =	simm.s32 $0x16A80;
	s31 =	simm.s32 $0x18A80  }
0x9: {  	s13 =	simm.s32 $0x1CA80;
	s12 =	simm.s32 $0x9;
	s30 =	simm.s32 $0x1  }
0xa: {  	[smem:$0x7FF] =	sst s20;
	s5 =	smul.u32 $0x2800, s11;
	s7 =	sadd.s32 $0x18000, s1  }
0xb: {  	s14 =	sadd.s32 $0x4000, s1;
	_ =	strace $0x80000047;
	[dreg:$0xa] =	wrdreg s7  }
0xc: {  	s15 =	sadd.s32 $0x40000, s1;
	s16 =	sadd.s32 $0x2C000, s1;
	[dreg:$0xb] =	wrdreg s14  }
0xd: {  	s8 =	sadd.s32 $0x7C000, s1;
	s18 =	smul.u32 $0x50000, s11;
	[dreg:$0xc] =	wrdreg s15  }
0xe: {  	s9 =	sadd.s32 $0xA4000, s1;
	s10 =	smul.u32 $0x280, s11;
	[dreg:$0xd] =	wrdreg s16  }
0xf: {  	s22 =	sshll.u32 s11, $0x6;
	s26 =	smul.u32 $0x140, s11;
	[dreg:$0xe] =	wrdreg s8  }
0x10: {  	s11 =	simm.s32 $0x14280;
	s7 =	sand.u32 $0x1, s17;
	[dreg:$0xf] =	wrdreg s9  }
0x11: {  	s25 =	sor.u32 $0x1C0A, s22;
	s14 =	simm.s32 $0x2;
	s15 =	simm.s32 $0x1EA80  }
0x12: {  	s16 =	simm.s32 $0x6;
	s22 =	simm.s32 $0x16980;
	s9 =	simm.s32 $0x16A00  }
0x13: {  	[dreg:$0x9] =	wrdreg s5;
	s5 =	sadd.s32 s5, s1;
	s1 =	sadd.s32 $0xCC000, s1  }
0x14: {  	s19 =	ssub.s32 $0x2, s7;
	s8 =	sshrl.u32 s18, $0x2;
	s23 =	sshrl.u32 s10, $0x3  }
0x15: {  	s24 =	sadd.s32 s10, s6;
	p0 =	seq.s32 s7, $0x1;
	[dreg:$0x15] =	wrdreg s26  }
0x16: {  	s26 =	simm.s32 $0x15680;
	s18 =	simm.s32 $0x7;
	[dreg:$0x12] =	wrdreg s25  }
0x17: {  	s7 =	simm.s32 $0x8;
	s10 =	simm.s32 $0x5;
	[dreg:$0x10] =	wrdreg s1  }
0x18: {  	s21 =	sshrl.u32 s19, $0x1;
	s8 =	sadd.s32 s8, s4;
	s5 =	sadd.s32 $0x54000, s5  }
0x19: {  	[dreg:$0x13] =	wrdreg s23;
	s3 =	sadd.s32 s3, s23;
	s23 =	simm.s32 $0xA  }
.Ltmp0:
0x1a: {  	s17 =	sshrl.u32 s24, $0x3;
	[dreg:$0x11] =	wrdreg s5;
	(pc) =	sbr.rel .LBB2_1-.Ltmp0, $4  }
0x1b: {  	s24 =	simm.s32 $0x4;
	s1 =	ssub.s32 s19, s21;
	[dreg:$0x14] =	wrdreg s3  }
0x1c: {  	s21 =	sshrl.u32 s8, $0x3;
	s5 =	simm.s32 $0x1AA80;
	[dreg:$0x18] =	wrdreg s17  }
0x1d: {  	s19 =	simm.s32 $0x3;
	s1 =	smax.u32 s1, $0x1;
	[dreg:$0x17] =	wrdreg s21  }
0x1e: {  	v0 =	vimm.f32 $1.000000000e+00;
	s3 =	simm.s32 $0x16880;
	s8 =	simm.s32 $0x16900;
	[dreg:$0x16] =	wrdreg s1  }
.LBB2_10:
0x1f: {  	s25 =	rddreg [dreg:$0x9];
	[bflag:$0x0] =	sbarrier.arrive $0xFFFF  }
0x20: {  	s20 =	sadd.s32 s20, s25;
	s25 =	rddreg [dreg:$0x12]  }
0x21: {  	s11 =	rddreg [dreg:$0x17]  }
0x22: {  	[hbm:s20], [sflag:s25] =	dma.local [spmem:s11], $0x2800  }
0x23: {  	_ =	swait.ge [sflag:s23], $0x2800  }
0x24: {  	[sflag:s23] =	ssyncset.done $0x0;
	s17 =	rddreg [dreg:$0x13]  }
0x25: {  	s1 =	sadd.s32 s1, s17;
	[sflag:s23] =	ssyncadd.s32 $0xFFFFD800;
	s17 =	rddreg [dreg:$0x18]  }
0x26: {  	[hbm:s1], [sflag:s25] =	dma.local [spmem:s17], $0x50  }
0x27: {  	_ =	swait.ge [sflag:s23], $0x50  }
0x28: {  	s20 =	sadd.s32 $0x1, s21;
	s21 =	rddreg [dreg:$0x16]  }
0x29: {  	p1 =	sne.s32 s20, s21  }
.Ltmp1:
0x2a: {  	_ = 	snop;
	(pc) =	sbr.rel @!p1 .LBB2_11-.Ltmp1, $3  }
0x2b: {  	_ =	sdelay $0x1  }
0x2c: {  	[sflag:s23] =	ssyncset.done $0x0  }
0x2d: {  	[sflag:s23] =	ssyncadd.s32 $0xFFFFFFB0;
	s21 =	smov.u32 s11;
	s11 =	simm.s32 $0x14280  }
.LBB2_1:
0x2e: {  	[dreg:$0x8] =	wrdreg s20  }
0x2f: {  	s1 =	rddreg [dreg:$0x11]  }
0x30: {  	[spmem:s21], [sflag:s25] =	dma.local [hbm:s1], $0x2800  }
0x31: {  	_ =	swait.ge [sflag:s23], $0x2800  }
0x32: {  	[sflag:s23] =	ssyncset.done $0x0  }
0x33: {  	s21 =	rddreg [dreg:$0x14];
	[sflag:s23] =	ssyncadd.s32 $0xFFFFD800  }
0x34: {  	[spmem:s17], [sflag:s25] =	dma.local [hbm:s21], $0x50  }
0x35: {  	_ =	swait.ge [sflag:s23], $0x50  }
0x36: {  	[sflag:s23] =	ssyncset.done $0x0  }
0x37: {  	[sflag:s23] =	ssyncadd.s32 $0xFFFFFFB0  }
0x38: {  	[tilespmem:$0x1EA80] =	vst v0  }
.Ltmp2:
0x39: {  	[tilespmem:$0x1EA90] =	vst v0;
	(pc) =	sbr.rel @!p0 .LBB2_2-.Ltmp2, $4  }
0x3a: {  	[tilespmem:$0x1EAA0] =	vst v0  }
0x3b: {  	[tilespmem:$0x1EAB0] =	vst v0  }
0x3c: {  	[bflag:$0x0] =	sbarrier.arrive $0xFFFF  }
0x3d: {  	s20 =	simm.s32 $0x0;
	s1 =	simm.s32 $0x0;
	s17 =	simm.s32 $0x14300  }
.LBB2_6:
0x3e: {  	s1 =	smul.u32 $0x28, s20  }
0x3f: {  	s21 =	rddreg [dreg:$0x15]  }
0x40: {  	s1 =	sadd.s32 s21, s1  }
0x41: {  	s25 =	rddreg [dreg:$0xc];
	s1 =	sshll.u32 s1, $0x4  }
0x42: {  	s21 =	sadd.s32 s25, s1;
	s25 =	simm.s32 $0x0  }
0x43: {  	[tilespmem:s11], [sflag:$0xA] =	stream.linear.gather [hbm4b:s21+s25], $0x1400, $0x38;
	[tilespmem:$0x1EB00] =	vst v63  }
0x44: {  	_ =	swait.ge [sflag:s23], $0x1400  }
0x45: {  	[sflag:s23] =	ssyncset.done $0x0;
	s21 =	rddreg [dreg:$0xd]  }
0x46: {  	[sflag:s23] =	ssyncadd.s32 $0xFFFFEC00;
	s1 =	sadd.s32 s21, s1  }
0x47: {  	[tilespmem:s26], [sflag:$0xA] =	stream.linear.gather [hbm4b:s1+s25], $0x1400, $0x38;
	[tilespmem:$0x1EB00] =	vst v63  }
0x48: {  	_ =	swait.ge [sflag:s23], $0x1400  }
0x49: {  	[sflag:s23] =	ssyncset.done $0x0  }
0x4a: {  	[sflag:s23] =	ssyncadd.s32 $0xFFFFEC00  }
0x4b: {  	[tilespmem:s29], [sflag:$0x2] =	stream.indirect.gather [hbm4b:s2+s28], $0x80, s11, s28, $0xb8;
	[tilespmem:$0x1EB00] =	vst v63  }
0x4c: {  	_ = 	snop  }
0x4d: {  	[tilespmem:s31], [sflag:$0x3] =	stream.indirect.gather [hbm4b:s2+s28], $0x80, s17, s28, $0xb8;
	[tilespmem:$0x1EB00] =	vst v63  }
0x4e: {  	s21 =	simm.s32 $0x14380  }
0x4f: {  	[tilespmem:s5], [sflag:$0x4] =	stream.indirect.gather [hbm4b:s2+s28], $0x80, s21, s28, $0xb8;
	[tilespmem:$0x1EB00] =	vst v63  }
0x50: {  	s25 =	simm.s32 $0x14400  }
0x51: {  	[tilespmem:s13], [sflag:$0x5] =	stream.indirect.gather [hbm4b:s2+s28], $0x80, s25, s28, $0xb8;
	[tilespmem:$0x1EB00] =	vst v63  }
0x52: {  	_ =	swait.ge [sflag:s14], $0x2000  }
0x53: {  	[sflag:s14] =	ssyncset.done $0x0  }
0x54: {  	[sflag:s14] =	ssyncadd.s32 $0xFFFFE000  }
0x55: {  	[spmem:s4] =	stream.indirect.scatter.add.f32 [tilespmem:s29], [sflag:$0x6], $0x80, s26, s28, $0xb8;
	[tilespmem:$0x1EB00] =	vst v63  }
0x56: {  	_ = 	snop  }
0x57: {  	[spmem:s6] =	stream.indirect.scatter.add.f32 [tilespmem:s15], [sflag:$0x1], $0x1, s26, s28, $0xb8;
	[tilespmem:$0x1EB00] =	vst v63  }
0x58: {  	_ =	swait.ge [sflag:s16], $0x2000  }
0x59: {  	[sflag:s16] =	ssyncset.done $0x0  }
0x5a: {  	s21 =	simm.s32 $0x14480;
	[sflag:s16] =	ssyncadd.s32 $0xFFFFE000  }
0x5b: {  	[tilespmem:s29], [sflag:$0x2] =	stream.indirect.gather [hbm4b:s2+s28], $0x80, s21, s28, $0xb8;
	[tilespmem:$0x1EB00] =	vst v63  }
0x5c: {  	_ =	swait.ge [sflag:s19], $0x2000  }
0x5d: {  	[sflag:s19] =	ssyncset.done $0x0  }
0x5e: {  	s25 =	simm.s32 $0x15700;
	[sflag:s19] =	ssyncadd.s32 $0xFFFFE000  }
0x5f: {  	[spmem:s4] =	stream.indirect.scatter.add.f32 [tilespmem:s31], [sflag:$0x7], $0x80, s25, s28, $0xb8;
	[tilespmem:$0x1EB00] =	vst v63  }
0x60: {  	_ = 	snop  }
0x61: {  	[spmem:s6] =	stream.indirect.scatter.add.f32 [tilespmem:s15], [sflag:$0x1], $0x1, s25, s28, $0xb8;
	[tilespmem:$0x1EB00] =	vst v63  }
0x62: {  	_ =	swait.ge [sflag:s18], $0x2000  }
0x63: {  	[sflag:s18] =	ssyncset.done $0x0  }
0x64: {  	s21 =	simm.s32 $0x14500;
	[sflag:s18] =	ssyncadd.s32 $0xFFFFE000  }
0x65: {  	[tilespmem:s31], [sflag:$0x3] =	stream.indirect.gather [hbm4b:s2+s28], $0x80, s21, s28, $0xb8;
	[tilespmem:$0x1EB00] =	vst v63  }
0x66: {  	_ =	swait.ge [sflag:s24], $0x2000  }
0x67: {  	[sflag:s24] =	ssyncset.done $0x0  }
0x68: {  	s25 =	simm.s32 $0x15780;
	[sflag:s24] =	ssyncadd.s32 $0xFFFFE000  }
0x69: {  	[spmem:s4] =	stream.indirect.scatter.add.f32 [tilespmem:s5], [sflag:$0x8], $0x80, s25, s28, $0xb8;
	[tilespmem:$0x1EB00] =	vst v63  }
0x6a: {  	_ = 	snop  }
0x6b: {  	[spmem:s6] =	stream.indirect.scatter.add.f32 [tilespmem:s15], [sflag:$0x1], $0x1, s25, s28, $0xb8;
	[tilespmem:$0x1EB00] =	vst v63  }
0x6c: {  	_ =	swait.ge [sflag:s7], $0x2000  }
0x6d: {  	[sflag:s7] =	ssyncset.done $0x0  }
0x6e: {  	s21 =	simm.s32 $0x14580;
	[sflag:s7] =	ssyncadd.s32 $0xFFFFE000  }
0x6f: {  	[tilespmem:s5], [sflag:$0x4] =	stream.indirect.gather [hbm4b:s2+s28], $0x80, s21, s28, $0xb8;
	[tilespmem:$0x1EB00] =	vst v63  }
0x70: {  	_ =	swait.ge [sflag:s10], $0x2000  }
0x71: {  	[sflag:s10] =	ssyncset.done $0x0  }
0x72: {  	s25 =	simm.s32 $0x15800;
	[sflag:s10] =	ssyncadd.s32 $0xFFFFE000  }
0x73: {  	[spmem:s4] =	stream.indirect.scatter.add.f32 [tilespmem:s13], [sflag:$0x9], $0x80, s25, s28, $0xb8;
	[tilespmem:$0x1EB00] =	vst v63  }
0x74: {  	_ = 	snop  }
0x75: {  	[spmem:s6] =	stream.indirect.scatter.add.f32 [tilespmem:s15], [sflag:$0x1], $0x1, s25, s28, $0xb8;
	[tilespmem:$0x1EB00] =	vst v63  }
0x76: {  	_ =	swait.ge [sflag:s12], $0x2000  }
0x77: {  	[sflag:s12] =	ssyncset.done $0x0  }
0x78: {  	s21 =	simm.s32 $0x14600;
	[sflag:s12] =	ssyncadd.s32 $0xFFFFE000  }
0x79: {  	[tilespmem:s13], [sflag:$0x5] =	stream.indirect.gather [hbm4b:s2+s28], $0x80, s21, s28, $0xb8;
	[tilespmem:$0x1EB00] =	vst v63  }
0x7a: {  	_ =	swait.ge [sflag:s14], $0x2000  }
0x7b: {  	[sflag:s14] =	ssyncset.done $0x0  }
0x7c: {  	s25 =	simm.s32 $0x15880;
	[sflag:s14] =	ssyncadd.s32 $0xFFFFE000  }
0x7d: {  	[spmem:s4] =	stream.indirect.scatter.add.f32 [tilespmem:s29], [sflag:$0x6], $0x80, s25, s28, $0xb8;
	[tilespmem:$0x1EB00] =	vst v63  }
0x7e: {  	_ = 	snop  }
0x7f: {  	[spmem:s6] =	stream.indirect.scatter.add.f32 [tilespmem:s15], [sflag:$0x1], $0x1, s25, s28, $0xb8;
	[tilespmem:$0x1EB00] =	vst v63  }
0x80: {  	_ =	swait.ge [sflag:s30], $0x40  }
0x81: {  	[sflag:s30] =	ssyncset.done $0x0  }
0x82: {  	[sflag:s30] =	ssyncadd.s32 $0xFFFFFFC0  }
0x83: {  	_ =	swait.ge [sflag:s16], $0x2000  }
0x84: {  	[sflag:s16] =	ssyncset.done $0x0  }
0x85: {  	s21 =	simm.s32 $0x14680;
	[sflag:s16] =	ssyncadd.s32 $0xFFFFE000  }
0x86: {  	[tilespmem:s29], [sflag:$0x2] =	stream.indirect.gather [hbm4b:s2+s28], $0x80, s21, s28, $0xb8;
	[tilespmem:$0x1EB00] =	vst v63  }
0x87: {  	_ =	swait.ge [sflag:s19], $0x2000  }
0x88: {  	[sflag:s19] =	ssyncset.done $0x0  }
0x89: {  	s25 =	simm.s32 $0x15900;
	[sflag:s19] =	ssyncadd.s32 $0xFFFFE000  }
0x8a: {  	[spmem:s4] =	stream.indirect.scatter.add.f32 [tilespmem:s31], [sflag:$0x7], $0x80, s25, s28, $0xb8;
	[tilespmem:$0x1EB00] =	vst v63  }
0x8b: {  	_ = 	snop  }
0x8c: {  	[spmem:s6] =	stream.indirect.scatter.add.f32 [tilespmem:s15], [sflag:$0x1], $0x1, s25, s28, $0xb8;
	[tilespmem:$0x1EB00] =	vst v63  }
0x8d: {  	_ =	swait.ge [sflag:s30], $0x40  }
0x8e: {  	[sflag:s30] =	ssyncset.done $0x0  }
0x8f: {  	[sflag:s30] =	ssyncadd.s32 $0xFFFFFFC0  }
0x90: {  	_ =	swait.ge [sflag:s18], $0x2000  }
0x91: {  	[sflag:s18] =	ssyncset.done $0x0  }
0x92: {  	s21 =	simm.s32 $0x14700;
	[sflag:s18] =	ssyncadd.s32 $0xFFFFE000  }
0x93: {  	[tilespmem:s31], [sflag:$0x3] =	stream.indirect.gather [hbm4b:s2+s28], $0x80, s21, s28, $0xb8;
	[tilespmem:$0x1EB00] =	vst v63  }
0x94: {  	_ =	swait.ge [sflag:s24], $0x2000  }
0x95: {  	[sflag:s24] =	ssyncset.done $0x0  }
0x96: {  	s25 =	simm.s32 $0x15980;
	[sflag:s24] =	ssyncadd.s32 $0xFFFFE000  }
0x97: {  	[spmem:s4] =	stream.indirect.scatter.add.f32 [tilespmem:s5], [sflag:$0x8], $0x80, s25, s28, $0xb8;
	[tilespmem:$0x1EB00] =	vst v63  }
0x98: {  	_ = 	snop  }
0x99: {  	[spmem:s6] =	stream.indirect.scatter.add.f32 [tilespmem:s15], [sflag:$0x1], $0x1, s25, s28, $0xb8;
	[tilespmem:$0x1EB00] =	vst v63  }
0x9a: {  	_ =	swait.ge [sflag:s30], $0x40  }
0x9b: {  	[sflag:s30] =	ssyncset.done $0x0  }
0x9c: {  	[sflag:s30] =	ssyncadd.s32 $0xFFFFFFC0  }
0x9d: {  	_ =	swait.ge [sflag:s7], $0x2000  }
0x9e: {  	[sflag:s7] =	ssyncset.done $0x0  }
0x9f: {  	s21 =	simm.s32 $0x14780;
	[sflag:s7] =	ssyncadd.s32 $0xFFFFE000  }
0xa0: {  	[tilespmem:s5], [sflag:$0x4] =	stream.indirect.gather [hbm4b:s2+s28], $0x80, s21, s28, $0xb8;
	[tilespmem:$0x1EB00] =	vst v63  }
0xa1: {  	_ =	swait.ge [sflag:s10], $0x2000  }
0xa2: {  	[sflag:s10] =	ssyncset.done $0x0  }
0xa3: {  	s25 =	simm.s32 $0x15A00;
	[sflag:s10] =	ssyncadd.s32 $0xFFFFE000  }
0xa4: {  	[spmem:s4] =	stream.indirect.scatter.add.f32 [tilespmem:s13], [sflag:$0x9], $0x80, s25, s28, $0xb8;
	[tilespmem:$0x1EB00] =	vst v63  }
0xa5: {  	_ = 	snop  }
0xa6: {  	[spmem:s6] =	stream.indirect.scatter.add.f32 [tilespmem:s15], [sflag:$0x1], $0x1, s25, s28, $0xb8;
	[tilespmem:$0x1EB00] =	vst v63  }
0xa7: {  	_ =	swait.ge [sflag:s30], $0x40  }
0xa8: {  	s1 =	simm.s32 $0x800;
	[sflag:s30] =	ssyncset.done $0x0  }
.LBB2_7:
0xa9: {  	p1 =	sne.s32 s1, $0x3800  }
0xaa: {  	[sflag:s30] =	ssyncadd.s32 $0xFFFFFFC0;
	s21 =	smov.u32 s1;
	s1 =	sadd.s32 $0x800, s1  }
0xab: {  	_ = 	snop  }
0xac: {  	_ =	swait.ge [sflag:s12], $0x2000  }
0xad: {  	s25 =	sshra.s32 s21, $0x2;
	[sflag:s12] =	ssyncset.done $0x0  }
0xae: {  	s21 =	sadd.s32 $0x14600, s25;
	[sflag:s12] =	ssyncadd.s32 $0xFFFFE000  }
0xaf: {  	[tilespmem:s13], [sflag:$0x5] =	stream.indirect.gather [hbm4b:s2+s28], $0x80, s21, s28, $0xb8;
	[tilespmem:$0x1EB00] =	vst v63  }
0xb0: {  	_ =	swait.ge [sflag:s14], $0x2000  }
0xb1: {  	[sflag:s14] =	ssyncset.done $0x0  }
0xb2: {  	s21 =	sadd.s32 $0x15880, s25;
	[sflag:s14] =	ssyncadd.s32 $0xFFFFE000  }
0xb3: {  	[spmem:s4] =	stream.indirect.scatter.add.f32 [tilespmem:s29], [sflag:$0x6], $0x80, s21, s28, $0xb8;
	[tilespmem:$0x1EB00] =	vst v63  }
0xb4: {  	_ = 	snop  }
0xb5: {  	[spmem:s6] =	stream.indirect.scatter.add.f32 [tilespmem:s15], [sflag:$0x1], $0x1, s21, s28, $0xb8;
	[tilespmem:$0x1EB00] =	vst v63  }
0xb6: {  	_ =	swait.ge [sflag:s30], $0x40  }
0xb7: {  	[sflag:s30] =	ssyncset.done $0x0  }
0xb8: {  	[sflag:s30] =	ssyncadd.s32 $0xFFFFFFC0  }
0xb9: {  	_ =	swait.ge [sflag:s16], $0x2000  }
0xba: {  	[sflag:s16] =	ssyncset.done $0x0  }
0xbb: {  	s21 =	sadd.s32 $0x14680, s25;
	[sflag:s16] =	ssyncadd.s32 $0xFFFFE000  }
0xbc: {  	[tilespmem:s29], [sflag:$0x2] =	stream.indirect.gather [hbm4b:s2+s28], $0x80, s21, s28, $0xb8;
	[tilespmem:$0x1EB00] =	vst v63  }
0xbd: {  	_ =	swait.ge [sflag:s19], $0x2000  }
0xbe: {  	[sflag:s19] =	ssyncset.done $0x0  }
0xbf: {  	s21 =	sadd.s32 $0x15900, s25;
	[sflag:s19] =	ssyncadd.s32 $0xFFFFE000  }
0xc0: {  	[spmem:s4] =	stream.indirect.scatter.add.f32 [tilespmem:s31], [sflag:$0x7], $0x80, s21, s28, $0xb8;
	[tilespmem:$0x1EB00] =	vst v63  }
0xc1: {  	_ = 	snop  }
0xc2: {  	[spmem:s6] =	stream.indirect.scatter.add.f32 [tilespmem:s15], [sflag:$0x1], $0x1, s21, s28, $0xb8;
	[tilespmem:$0x1EB00] =	vst v63  }
0xc3: {  	_ =	swait.ge [sflag:s30], $0x40  }
0xc4: {  	[sflag:s30] =	ssyncset.done $0x0  }
0xc5: {  	[sflag:s30] =	ssyncadd.s32 $0xFFFFFFC0  }
0xc6: {  	_ =	swait.ge [sflag:s18], $0x2000  }
0xc7: {  	[sflag:s18] =	ssyncset.done $0x0  }
0xc8: {  	s21 =	sadd.s32 $0x14700, s25;
	[sflag:s18] =	ssyncadd.s32 $0xFFFFE000  }
0xc9: {  	[tilespmem:s31], [sflag:$0x3] =	stream.indirect.gather [hbm4b:s2+s28], $0x80, s21, s28, $0xb8;
	[tilespmem:$0x1EB00] =	vst v63  }
0xca: {  	_ =	swait.ge [sflag:s24], $0x2000  }
0xcb: {  	[sflag:s24] =	ssyncset.done $0x0  }
0xcc: {  	s21 =	sadd.s32 $0x15980, s25;
	[sflag:s24] =	ssyncadd.s32 $0xFFFFE000  }
0xcd: {  	[spmem:s4] =	stream.indirect.scatter.add.f32 [tilespmem:s5], [sflag:$0x8], $0x80, s21, s28, $0xb8;
	[tilespmem:$0x1EB00] =	vst v63  }
0xce: {  	_ = 	snop  }
0xcf: {  	[spmem:s6] =	stream.indirect.scatter.add.f32 [tilespmem:s15], [sflag:$0x1], $0x1, s21, s28, $0xb8;
	[tilespmem:$0x1EB00] =	vst v63  }
0xd0: {  	_ =	swait.ge [sflag:s30], $0x40  }
0xd1: {  	[sflag:s30] =	ssyncset.done $0x0  }
0xd2: {  	[sflag:s30] =	ssyncadd.s32 $0xFFFFFFC0  }
0xd3: {  	_ =	swait.ge [sflag:s7], $0x2000  }
0xd4: {  	[sflag:s7] =	ssyncset.done $0x0  }
0xd5: {  	s21 =	sadd.s32 $0x14780, s25;
	[sflag:s7] =	ssyncadd.s32 $0xFFFFE000  }
0xd6: {  	[tilespmem:s5], [sflag:$0x4] =	stream.indirect.gather [hbm4b:s2+s28], $0x80, s21, s28, $0xb8;
	[tilespmem:$0x1EB00] =	vst v63  }
0xd7: {  	_ =	swait.ge [sflag:s10], $0x2000  }
0xd8: {  	[sflag:s10] =	ssyncset.done $0x0  }
0xd9: {  	s21 =	sadd.s32 $0x15A00, s25;
	[sflag:s10] =	ssyncadd.s32 $0xFFFFE000  }
0xda: {  	[spmem:s4] =	stream.indirect.scatter.add.f32 [tilespmem:s13], [sflag:$0x9], $0x80, s21, s28, $0xb8;
	[tilespmem:$0x1EB00] =	vst v63  }
.Ltmp3:
0xdb: {  	_ = 	snop;
	(pc) =	sbr.rel @p1 .LBB2_7-.Ltmp3, $4  }
0xdc: {  	_ = 	snop  }
0xdd: {  	[spmem:s6] =	stream.indirect.scatter.add.f32 [tilespmem:s15], [sflag:$0x1], $0x1, s21, s28, $0xb8;
	[tilespmem:$0x1EB00] =	vst v63  }
0xde: {  	_ =	swait.ge [sflag:s30], $0x40  }
0xdf: {  	[sflag:s30] =	ssyncset.done $0x0  }
0xe0: {  	[sflag:s30] =	ssyncadd.s32 $0xFFFFFFC0  }
0xe1: {  	_ =	swait.ge [sflag:s12], $0x2000  }
0xe2: {  	[sflag:s12] =	ssyncset.done $0x0  }
0xe3: {  	s1 =	simm.s32 $0x15600;
	[sflag:s12] =	ssyncadd.s32 $0xFFFFE000  }
0xe4: {  	[tilespmem:s13], [sflag:$0x5] =	stream.indirect.gather [hbm4b:s2+s28], $0x80, s1, s28, $0xb8;
	[tilespmem:$0x1EB00] =	vst v63  }
0xe5: {  	_ =	swait.ge [sflag:s14], $0x2000  }
0xe6: {  	[sflag:s14] =	ssyncset.done $0x0  }
0xe7: {  	[sflag:s14] =	ssyncadd.s32 $0xFFFFE000  }
0xe8: {  	[spmem:s4] =	stream.indirect.scatter.add.f32 [tilespmem:s29], [sflag:$0x6], $0x80, s3, s28, $0xb8;
	[tilespmem:$0x1EB00] =	vst v63  }
0xe9: {  	_ = 	snop  }
0xea: {  	[spmem:s6] =	stream.indirect.scatter.add.f32 [tilespmem:s15], [sflag:$0x1], $0x1, s3, s28, $0xb8;
	[tilespmem:$0x1EB00] =	vst v63  }
0xeb: {  	_ =	swait.ge [sflag:s30], $0x40  }
0xec: {  	[sflag:s30] =	ssyncset.done $0x0  }
0xed: {  	[sflag:s30] =	ssyncadd.s32 $0xFFFFFFC0  }
0xee: {  	_ =	swait.ge [sflag:s19], $0x2000  }
0xef: {  	[sflag:s19] =	ssyncset.done $0x0  }
0xf0: {  	[sflag:s19] =	ssyncadd.s32 $0xFFFFE000  }
0xf1: {  	[spmem:s4] =	stream.indirect.scatter.add.f32 [tilespmem:s31], [sflag:$0x7], $0x80, s8, s28, $0xb8;
	[tilespmem:$0x1EB00] =	vst v63  }
0xf2: {  	_ = 	snop  }
0xf3: {  	[spmem:s6] =	stream.indirect.scatter.add.f32 [tilespmem:s15], [sflag:$0x1], $0x1, s8, s28, $0xb8;
	[tilespmem:$0x1EB00] =	vst v63  }
0xf4: {  	_ =	swait.ge [sflag:s30], $0x40  }
0xf5: {  	[sflag:s30] =	ssyncset.done $0x0  }
0xf6: {  	[sflag:s30] =	ssyncadd.s32 $0xFFFFFFC0  }
0xf7: {  	_ =	swait.ge [sflag:s24], $0x2000  }
0xf8: {  	[sflag:s24] =	ssyncset.done $0x0  }
0xf9: {  	[sflag:s24] =	ssyncadd.s32 $0xFFFFE000  }
0xfa: {  	[spmem:s4] =	stream.indirect.scatter.add.f32 [tilespmem:s5], [sflag:$0x8], $0x80, s22, s28, $0xb8;
	[tilespmem:$0x1EB00] =	vst v63  }
0xfb: {  	_ = 	snop  }
0xfc: {  	[spmem:s6] =	stream.indirect.scatter.add.f32 [tilespmem:s15], [sflag:$0x1], $0x1, s22, s28, $0xb8;
	[tilespmem:$0x1EB00] =	vst v63  }
0xfd: {  	_ =	swait.ge [sflag:s30], $0x40  }
0xfe: {  	[sflag:s30] =	ssyncset.done $0x0  }
0xff: {  	[sflag:s30] =	ssyncadd.s32 $0xFFFFFFC0  }
0x100: {  	_ =	swait.ge [sflag:s10], $0x2000  }
0x101: {  	[sflag:s10] =	ssyncset.done $0x0  }
0x102: {  	[sflag:s10] =	ssyncadd.s32 $0xFFFFE000  }
0x103: {  	[spmem:s4] =	stream.indirect.scatter.add.f32 [tilespmem:s13], [sflag:$0x9], $0x80, s9, s28, $0xb8;
	[tilespmem:$0x1EB00] =	vst v63  }
0x104: {  	_ = 	snop  }
0x105: {  	[spmem:s6] =	stream.indirect.scatter.add.f32 [tilespmem:s15], [sflag:$0x1], $0x1, s9, s28, $0xb8;
	[tilespmem:$0x1EB00] =	vst v63  }
0x106: {  	_ =	swait.ge [sflag:s30], $0x40  }
0x107: {  	[sflag:s30] =	ssyncset.done $0x0  }
0x108: {  	[sflag:s30] =	ssyncadd.s32 $0xFFFFFFC0  }
0x109: {  	_ =	swait.ge [sflag:s16], $0x2000  }
0x10a: {  	[sflag:s16] =	ssyncset.done $0x0  }
0x10b: {  	[sflag:s16] =	ssyncadd.s32 $0xFFFFE000  }
0x10c: {  	_ =	swait.ge [sflag:s30], $0x40  }
0x10d: {  	[sflag:s30] =	ssyncset.done $0x0  }
0x10e: {  	[sflag:s30] =	ssyncadd.s32 $0xFFFFFFC0  }
0x10f: {  	_ =	swait.ge [sflag:s18], $0x2000  }
0x110: {  	[sflag:s18] =	ssyncset.done $0x0  }
0x111: {  	[sflag:s18] =	ssyncadd.s32 $0xFFFFE000  }
0x112: {  	_ =	swait.ge [sflag:s30], $0x40  }
0x113: {  	[sflag:s30] =	ssyncset.done $0x0  }
0x114: {  	[sflag:s30] =	ssyncadd.s32 $0xFFFFFFC0  }
0x115: {  	_ =	swait.ge [sflag:s7], $0x2000  }
0x116: {  	[sflag:s7] =	ssyncset.done $0x0  }
0x117: {  	[sflag:s7] =	ssyncadd.s32 $0xFFFFE000  }
0x118: {  	_ =	swait.ge [sflag:s30], $0x40  }
0x119: {  	[sflag:s30] =	ssyncset.done $0x0  }
0x11a: {  	s20 =	sadd.s32 $0x1, s20;
	[sflag:s30] =	ssyncadd.s32 $0xFFFFFFC0  }
0x11b: {  	p1 =	sne.s32 s20, $0x8;
	_ =	swait.ge [sflag:s12], $0x2000  }
.Ltmp4:
0x11c: {  	[sflag:s12] =	ssyncset.done $0x0;
	(pc) =	sbr.rel @p1 .LBB2_6-.Ltmp4, $4  }
0x11d: {  	[sflag:s12] =	ssyncadd.s32 $0xFFFFE000  }
0x11e: {  	_ =	swait.ge [sflag:s30], $0x40  }
0x11f: {  	[sflag:s30] =	ssyncset.done $0x0  }
0x120: {  	[sflag:s30] =	ssyncadd.s32 $0xFFFFFFC0  }
.Ltmp5:
0x121: {  	(pc) =	sbr.rel .LBB2_10-.Ltmp5, $4  }
0x122: {  	_ = 	snop  }
0x123: {  	s20 =	rddreg [dreg:$0xf]  }
0x124: {  	s1 =	rddreg [dreg:$0x10]  }
0x125: {  	s21 =	rddreg [dreg:$0x8]  }
.LBB2_2:
0x126: {  	s20 =	smul.u32 $0x28, s1  }
0x127: {  	s21 =	rddreg [dreg:$0x15]  }
0x128: {  	s20 =	sadd.s32 s21, s20  }
0x129: {  	s25 =	rddreg [dreg:$0xa];
	s20 =	sshll.u32 s20, $0x4  }
0x12a: {  	s21 =	simm.s32 $0x0;
	s25 =	sadd.s32 s25, s20  }
0x12b: {  	[tilespmem:s11], [sflag:$0xA] =	stream.linear.gather [hbm4b:s25+s21], $0x1400, $0x38;
	[tilespmem:$0x1EB00] =	vst v63  }
0x12c: {  	_ =	swait.ge [sflag:s23], $0x1400  }
0x12d: {  	[sflag:s23] =	ssyncset.done $0x0;
	s25 =	rddreg [dreg:$0xb]  }
0x12e: {  	[sflag:s23] =	ssyncadd.s32 $0xFFFFEC00;
	s20 =	sadd.s32 s25, s20  }
0x12f: {  	[tilespmem:s26], [sflag:$0xA] =	stream.linear.gather [hbm4b:s20+s21], $0x1400, $0x38;
	[tilespmem:$0x1EB00] =	vst v63  }
0x130: {  	_ =	swait.ge [sflag:s23], $0x1400  }
0x131: {  	[sflag:s23] =	ssyncset.done $0x0  }
0x132: {  	[sflag:s23] =	ssyncadd.s32 $0xFFFFEC00  }
0x133: {  	[tilespmem:s29], [sflag:$0x2] =	stream.indirect.gather [hbm4b:s0+s28], $0x80, s11, s28, $0xb8;
	[tilespmem:$0x1EB00] =	vst v63  }
0x134: {  	_ = 	snop  }
0x135: {  	[tilespmem:s31], [sflag:$0x3] =	stream.indirect.gather [hbm4b:s0+s28], $0x80, s17, s28, $0xb8;
	[tilespmem:$0x1EB00] =	vst v63  }
0x136: {  	s21 =	simm.s32 $0x14380  }
0x137: {  	[tilespmem:s5], [sflag:$0x4] =	stream.indirect.gather [hbm4b:s0+s28], $0x80, s21, s28, $0xb8;
	[tilespmem:$0x1EB00] =	vst v63  }
0x138: {  	s25 =	simm.s32 $0x14400  }
0x139: {  	[tilespmem:s13], [sflag:$0x5] =	stream.indirect.gather [hbm4b:s0+s28], $0x80, s25, s28, $0xb8;
	[tilespmem:$0x1EB00] =	vst v63  }
0x13a: {  	_ =	swait.ge [sflag:s14], $0x2000  }
0x13b: {  	[sflag:s14] =	ssyncset.done $0x0  }
0x13c: {  	[sflag:s14] =	ssyncadd.s32 $0xFFFFE000  }
0x13d: {  	[spmem:s4] =	stream.indirect.scatter.add.f32 [tilespmem:s29], [sflag:$0x6], $0x80, s26, s28, $0xb8;
	[tilespmem:$0x1EB00] =	vst v63  }
0x13e: {  	_ = 	snop  }
0x13f: {  	[spmem:s6] =	stream.indirect.scatter.add.f32 [tilespmem:s15], [sflag:$0x1], $0x1, s26, s28, $0xb8;
	[tilespmem:$0x1EB00] =	vst v63  }
0x140: {  	_ =	swait.ge [sflag:s16], $0x2000  }
0x141: {  	[sflag:s16] =	ssyncset.done $0x0  }
0x142: {  	s21 =	simm.s32 $0x14480;
	[sflag:s16] =	ssyncadd.s32 $0xFFFFE000  }
0x143: {  	[tilespmem:s29], [sflag:$0x2] =	stream.indirect.gather [hbm4b:s0+s28], $0x80, s21, s28, $0xb8;
	[tilespmem:$0x1EB00] =	vst v63  }
0x144: {  	_ =	swait.ge [sflag:s19], $0x2000  }
0x145: {  	[sflag:s19] =	ssyncset.done $0x0  }
0x146: {  	s25 =	simm.s32 $0x15700;
	[sflag:s19] =	ssyncadd.s32 $0xFFFFE000  }
0x147: {  	[spmem:s4] =	stream.indirect.scatter.add.f32 [tilespmem:s31], [sflag:$0x7], $0x80, s25, s28, $0xb8;
	[tilespmem:$0x1EB00] =	vst v63  }
0x148: {  	_ = 	snop  }
0x149: {  	[spmem:s6] =	stream.indirect.scatter.add.f32 [tilespmem:s15], [sflag:$0x1], $0x1, s25, s28, $0xb8;
	[tilespmem:$0x1EB00] =	vst v63  }
0x14a: {  	_ =	swait.ge [sflag:s18], $0x2000  }
0x14b: {  	[sflag:s18] =	ssyncset.done $0x0  }
0x14c: {  	s21 =	simm.s32 $0x14500;
	[sflag:s18] =	ssyncadd.s32 $0xFFFFE000  }
0x14d: {  	[tilespmem:s31], [sflag:$0x3] =	stream.indirect.gather [hbm4b:s0+s28], $0x80, s21, s28, $0xb8;
	[tilespmem:$0x1EB00] =	vst v63  }
0x14e: {  	_ =	swait.ge [sflag:s24], $0x2000  }
0x14f: {  	[sflag:s24] =	ssyncset.done $0x0  }
0x150: {  	s25 =	simm.s32 $0x15780;
	[sflag:s24] =	ssyncadd.s32 $0xFFFFE000  }
0x151: {  	[spmem:s4] =	stream.indirect.scatter.add.f32 [tilespmem:s5], [sflag:$0x8], $0x80, s25, s28, $0xb8;
	[tilespmem:$0x1EB00] =	vst v63  }
0x152: {  	_ = 	snop  }
0x153: {  	[spmem:s6] =	stream.indirect.scatter.add.f32 [tilespmem:s15], [sflag:$0x1], $0x1, s25, s28, $0xb8;
	[tilespmem:$0x1EB00] =	vst v63  }
0x154: {  	_ =	swait.ge [sflag:s7], $0x2000  }
0x155: {  	[sflag:s7] =	ssyncset.done $0x0  }
0x156: {  	s21 =	simm.s32 $0x14580;
	[sflag:s7] =	ssyncadd.s32 $0xFFFFE000  }
0x157: {  	[tilespmem:s5], [sflag:$0x4] =	stream.indirect.gather [hbm4b:s0+s28], $0x80, s21, s28, $0xb8;
	[tilespmem:$0x1EB00] =	vst v63  }
0x158: {  	_ =	swait.ge [sflag:s10], $0x2000  }
0x159: {  	[sflag:s10] =	ssyncset.done $0x0  }
0x15a: {  	s25 =	simm.s32 $0x15800;
	[sflag:s10] =	ssyncadd.s32 $0xFFFFE000  }
0x15b: {  	[spmem:s4] =	stream.indirect.scatter.add.f32 [tilespmem:s13], [sflag:$0x9], $0x80, s25, s28, $0xb8;
	[tilespmem:$0x1EB00] =	vst v63  }
0x15c: {  	_ = 	snop  }
0x15d: {  	[spmem:s6] =	stream.indirect.scatter.add.f32 [tilespmem:s15], [sflag:$0x1], $0x1, s25, s28, $0xb8;
	[tilespmem:$0x1EB00] =	vst v63  }
0x15e: {  	_ =	swait.ge [sflag:s12], $0x2000  }
0x15f: {  	[sflag:s12] =	ssyncset.done $0x0  }
0x160: {  	s21 =	simm.s32 $0x14600;
	[sflag:s12] =	ssyncadd.s32 $0xFFFFE000  }
0x161: {  	[tilespmem:s13], [sflag:$0x5] =	stream.indirect.gather [hbm4b:s0+s28], $0x80, s21, s28, $0xb8;
	[tilespmem:$0x1EB00] =	vst v63  }
0x162: {  	_ =	swait.ge [sflag:s14], $0x2000  }
0x163: {  	[sflag:s14] =	ssyncset.done $0x0  }
0x164: {  	s25 =	simm.s32 $0x15880;
	[sflag:s14] =	ssyncadd.s32 $0xFFFFE000  }
0x165: {  	[spmem:s4] =	stream.indirect.scatter.add.f32 [tilespmem:s29], [sflag:$0x6], $0x80, s25, s28, $0xb8;
	[tilespmem:$0x1EB00] =	vst v63  }
0x166: {  	_ = 	snop  }
0x167: {  	[spmem:s6] =	stream.indirect.scatter.add.f32 [tilespmem:s15], [sflag:$0x1], $0x1, s25, s28, $0xb8;
	[tilespmem:$0x1EB00] =	vst v63  }
0x168: {  	_ =	swait.ge [sflag:s30], $0x40  }
0x169: {  	[sflag:s30] =	ssyncset.done $0x0  }
0x16a: {  	[sflag:s30] =	ssyncadd.s32 $0xFFFFFFC0  }
0x16b: {  	_ =	swait.ge [sflag:s16], $0x2000  }
0x16c: {  	[sflag:s16] =	ssyncset.done $0x0  }
0x16d: {  	s21 =	simm.s32 $0x14680;
	[sflag:s16] =	ssyncadd.s32 $0xFFFFE000  }
0x16e: {  	[tilespmem:s29], [sflag:$0x2] =	stream.indirect.gather [hbm4b:s0+s28], $0x80, s21, s28, $0xb8;
	[tilespmem:$0x1EB00] =	vst v63  }
0x16f: {  	_ =	swait.ge [sflag:s19], $0x2000  }
0x170: {  	[sflag:s19] =	ssyncset.done $0x0  }
0x171: {  	s25 =	simm.s32 $0x15900;
	[sflag:s19] =	ssyncadd.s32 $0xFFFFE000  }
0x172: {  	[spmem:s4] =	stream.indirect.scatter.add.f32 [tilespmem:s31], [sflag:$0x7], $0x80, s25, s28, $0xb8;
	[tilespmem:$0x1EB00] =	vst v63  }
0x173: {  	_ = 	snop  }
0x174: {  	[spmem:s6] =	stream.indirect.scatter.add.f32 [tilespmem:s15], [sflag:$0x1], $0x1, s25, s28, $0xb8;
	[tilespmem:$0x1EB00] =	vst v63  }
0x175: {  	_ =	swait.ge [sflag:s30], $0x40  }
0x176: {  	[sflag:s30] =	ssyncset.done $0x0  }
0x177: {  	[sflag:s30] =	ssyncadd.s32 $0xFFFFFFC0  }
0x178: {  	_ =	swait.ge [sflag:s18], $0x2000  }
0x179: {  	[sflag:s18] =	ssyncset.done $0x0  }
0x17a: {  	s21 =	simm.s32 $0x14700;
	[sflag:s18] =	ssyncadd.s32 $0xFFFFE000  }
0x17b: {  	[tilespmem:s31], [sflag:$0x3] =	stream.indirect.gather [hbm4b:s0+s28], $0x80, s21, s28, $0xb8;
	[tilespmem:$0x1EB00] =	vst v63  }
0x17c: {  	_ =	swait.ge [sflag:s24], $0x2000  }
0x17d: {  	[sflag:s24] =	ssyncset.done $0x0  }
0x17e: {  	s25 =	simm.s32 $0x15980;
	[sflag:s24] =	ssyncadd.s32 $0xFFFFE000  }
0x17f: {  	[spmem:s4] =	stream.indirect.scatter.add.f32 [tilespmem:s5], [sflag:$0x8], $0x80, s25, s28, $0xb8;
	[tilespmem:$0x1EB00] =	vst v63  }
0x180: {  	_ = 	snop  }
0x181: {  	[spmem:s6] =	stream.indirect.scatter.add.f32 [tilespmem:s15], [sflag:$0x1], $0x1, s25, s28, $0xb8;
	[tilespmem:$0x1EB00] =	vst v63  }
0x182: {  	_ =	swait.ge [sflag:s30], $0x40  }
0x183: {  	[sflag:s30] =	ssyncset.done $0x0  }
0x184: {  	[sflag:s30] =	ssyncadd.s32 $0xFFFFFFC0  }
0x185: {  	_ =	swait.ge [sflag:s7], $0x2000  }
0x186: {  	[sflag:s7] =	ssyncset.done $0x0  }
0x187: {  	s21 =	simm.s32 $0x14780;
	[sflag:s7] =	ssyncadd.s32 $0xFFFFE000  }
0x188: {  	[tilespmem:s5], [sflag:$0x4] =	stream.indirect.gather [hbm4b:s0+s28], $0x80, s21, s28, $0xb8;
	[tilespmem:$0x1EB00] =	vst v63  }
0x189: {  	_ =	swait.ge [sflag:s10], $0x2000  }
0x18a: {  	[sflag:s10] =	ssyncset.done $0x0  }
0x18b: {  	s25 =	simm.s32 $0x15A00;
	[sflag:s10] =	ssyncadd.s32 $0xFFFFE000  }
0x18c: {  	[spmem:s4] =	stream.indirect.scatter.add.f32 [tilespmem:s13], [sflag:$0x9], $0x80, s25, s28, $0xb8;
	[tilespmem:$0x1EB00] =	vst v63  }
0x18d: {  	_ = 	snop  }
0x18e: {  	[spmem:s6] =	stream.indirect.scatter.add.f32 [tilespmem:s15], [sflag:$0x1], $0x1, s25, s28, $0xb8;
	[tilespmem:$0x1EB00] =	vst v63  }
0x18f: {  	_ =	swait.ge [sflag:s30], $0x40  }
0x190: {  	s20 =	simm.s32 $0x800;
	[sflag:s30] =	ssyncset.done $0x0  }
.LBB2_3:
0x191: {  	p1 =	sne.s32 s20, $0x3800  }
0x192: {  	[sflag:s30] =	ssyncadd.s32 $0xFFFFFFC0;
	s21 =	smov.u32 s20;
	s20 =	sadd.s32 $0x800, s20  }
0x193: {  	_ = 	snop  }
0x194: {  	_ =	swait.ge [sflag:s12], $0x2000  }
0x195: {  	s25 =	sshra.s32 s21, $0x2;
	[sflag:s12] =	ssyncset.done $0x0  }
0x196: {  	s21 =	sadd.s32 $0x14600, s25;
	[sflag:s12] =	ssyncadd.s32 $0xFFFFE000  }
0x197: {  	[tilespmem:s13], [sflag:$0x5] =	stream.indirect.gather [hbm4b:s0+s28], $0x80, s21, s28, $0xb8;
	[tilespmem:$0x1EB00] =	vst v63  }
0x198: {  	_ =	swait.ge [sflag:s14], $0x2000  }
0x199: {  	[sflag:s14] =	ssyncset.done $0x0  }
0x19a: {  	s21 =	sadd.s32 $0x15880, s25;
	[sflag:s14] =	ssyncadd.s32 $0xFFFFE000  }
0x19b: {  	[spmem:s4] =	stream.indirect.scatter.add.f32 [tilespmem:s29], [sflag:$0x6], $0x80, s21, s28, $0xb8;
	[tilespmem:$0x1EB00] =	vst v63  }
0x19c: {  	_ = 	snop  }
0x19d: {  	[spmem:s6] =	stream.indirect.scatter.add.f32 [tilespmem:s15], [sflag:$0x1], $0x1, s21, s28, $0xb8;
	[tilespmem:$0x1EB00] =	vst v63  }
0x19e: {  	_ =	swait.ge [sflag:s30], $0x40  }
0x19f: {  	[sflag:s30] =	ssyncset.done $0x0  }
0x1a0: {  	[sflag:s30] =	ssyncadd.s32 $0xFFFFFFC0  }
0x1a1: {  	_ =	swait.ge [sflag:s16], $0x2000  }
0x1a2: {  	[sflag:s16] =	ssyncset.done $0x0  }
0x1a3: {  	s21 =	sadd.s32 $0x14680, s25;
	[sflag:s16] =	ssyncadd.s32 $0xFFFFE000  }
0x1a4: {  	[tilespmem:s29], [sflag:$0x2] =	stream.indirect.gather [hbm4b:s0+s28], $0x80, s21, s28, $0xb8;
	[tilespmem:$0x1EB00] =	vst v63  }
0x1a5: {  	_ =	swait.ge [sflag:s19], $0x2000  }
0x1a6: {  	[sflag:s19] =	ssyncset.done $0x0  }
0x1a7: {  	s21 =	sadd.s32 $0x15900, s25;
	[sflag:s19] =	ssyncadd.s32 $0xFFFFE000  }
0x1a8: {  	[spmem:s4] =	stream.indirect.scatter.add.f32 [tilespmem:s31], [sflag:$0x7], $0x80, s21, s28, $0xb8;
	[tilespmem:$0x1EB00] =	vst v63  }
0x1a9: {  	_ = 	snop  }
0x1aa: {  	[spmem:s6] =	stream.indirect.scatter.add.f32 [tilespmem:s15], [sflag:$0x1], $0x1, s21, s28, $0xb8;
	[tilespmem:$0x1EB00] =	vst v63  }
0x1ab: {  	_ =	swait.ge [sflag:s30], $0x40  }
0x1ac: {  	[sflag:s30] =	ssyncset.done $0x0  }
0x1ad: {  	[sflag:s30] =	ssyncadd.s32 $0xFFFFFFC0  }
0x1ae: {  	_ =	swait.ge [sflag:s18], $0x2000  }
0x1af: {  	[sflag:s18] =	ssyncset.done $0x0  }
0x1b0: {  	s21 =	sadd.s32 $0x14700, s25;
	[sflag:s18] =	ssyncadd.s32 $0xFFFFE000  }
0x1b1: {  	[tilespmem:s31], [sflag:$0x3] =	stream.indirect.gather [hbm4b:s0+s28], $0x80, s21, s28, $0xb8;
	[tilespmem:$0x1EB00] =	vst v63  }
0x1b2: {  	_ =	swait.ge [sflag:s24], $0x2000  }
0x1b3: {  	[sflag:s24] =	ssyncset.done $0x0  }
0x1b4: {  	s21 =	sadd.s32 $0x15980, s25;
	[sflag:s24] =	ssyncadd.s32 $0xFFFFE000  }
0x1b5: {  	[spmem:s4] =	stream.indirect.scatter.add.f32 [tilespmem:s5], [sflag:$0x8], $0x80, s21, s28, $0xb8;
	[tilespmem:$0x1EB00] =	vst v63  }
0x1b6: {  	_ = 	snop  }
0x1b7: {  	[spmem:s6] =	stream.indirect.scatter.add.f32 [tilespmem:s15], [sflag:$0x1], $0x1, s21, s28, $0xb8;
	[tilespmem:$0x1EB00] =	vst v63  }
0x1b8: {  	_ =	swait.ge [sflag:s30], $0x40  }
0x1b9: {  	[sflag:s30] =	ssyncset.done $0x0  }
0x1ba: {  	[sflag:s30] =	ssyncadd.s32 $0xFFFFFFC0  }
0x1bb: {  	_ =	swait.ge [sflag:s7], $0x2000  }
0x1bc: {  	[sflag:s7] =	ssyncset.done $0x0  }
0x1bd: {  	s21 =	sadd.s32 $0x14780, s25;
	[sflag:s7] =	ssyncadd.s32 $0xFFFFE000  }
0x1be: {  	[tilespmem:s5], [sflag:$0x4] =	stream.indirect.gather [hbm4b:s0+s28], $0x80, s21, s28, $0xb8;
	[tilespmem:$0x1EB00] =	vst v63  }
0x1bf: {  	_ =	swait.ge [sflag:s10], $0x2000  }
0x1c0: {  	[sflag:s10] =	ssyncset.done $0x0  }
0x1c1: {  	s21 =	sadd.s32 $0x15A00, s25;
	[sflag:s10] =	ssyncadd.s32 $0xFFFFE000  }
0x1c2: {  	[spmem:s4] =	stream.indirect.scatter.add.f32 [tilespmem:s13], [sflag:$0x9], $0x80, s21, s28, $0xb8;
	[tilespmem:$0x1EB00] =	vst v63  }
.Ltmp6:
0x1c3: {  	_ = 	snop;
	(pc) =	sbr.rel @p1 .LBB2_3-.Ltmp6, $4  }
0x1c4: {  	_ = 	snop  }
0x1c5: {  	[spmem:s6] =	stream.indirect.scatter.add.f32 [tilespmem:s15], [sflag:$0x1], $0x1, s21, s28, $0xb8;
	[tilespmem:$0x1EB00] =	vst v63  }
0x1c6: {  	_ =	swait.ge [sflag:s30], $0x40  }
0x1c7: {  	[sflag:s30] =	ssyncset.done $0x0  }
0x1c8: {  	[sflag:s30] =	ssyncadd.s32 $0xFFFFFFC0  }
0x1c9: {  	_ =	swait.ge [sflag:s12], $0x2000  }
0x1ca: {  	[sflag:s12] =	ssyncset.done $0x0  }
0x1cb: {  	s20 =	simm.s32 $0x15600;
	[sflag:s12] =	ssyncadd.s32 $0xFFFFE000  }
0x1cc: {  	[tilespmem:s13], [sflag:$0x5] =	stream.indirect.gather [hbm4b:s0+s28], $0x80, s20, s28, $0xb8;
	[tilespmem:$0x1EB00] =	vst v63  }
0x1cd: {  	_ =	swait.ge [sflag:s14], $0x2000  }
0x1ce: {  	[sflag:s14] =	ssyncset.done $0x0  }
0x1cf: {  	[sflag:s14] =	ssyncadd.s32 $0xFFFFE000  }
0x1d0: {  	[spmem:s4] =	stream.indirect.scatter.add.f32 [tilespmem:s29], [sflag:$0x6], $0x80, s3, s28, $0xb8;
	[tilespmem:$0x1EB00] =	vst v63  }
0x1d1: {  	_ = 	snop  }
0x1d2: {  	[spmem:s6] =	stream.indirect.scatter.add.f32 [tilespmem:s15], [sflag:$0x1], $0x1, s3, s28, $0xb8;
	[tilespmem:$0x1EB00] =	vst v63  }
0x1d3: {  	_ =	swait.ge [sflag:s30], $0x40  }
0x1d4: {  	[sflag:s30] =	ssyncset.done $0x0  }
0x1d5: {  	[sflag:s30] =	ssyncadd.s32 $0xFFFFFFC0  }
0x1d6: {  	_ =	swait.ge [sflag:s19], $0x2000  }
0x1d7: {  	[sflag:s19] =	ssyncset.done $0x0  }
0x1d8: {  	[sflag:s19] =	ssyncadd.s32 $0xFFFFE000  }
0x1d9: {  	[spmem:s4] =	stream.indirect.scatter.add.f32 [tilespmem:s31], [sflag:$0x7], $0x80, s8, s28, $0xb8;
	[tilespmem:$0x1EB00] =	vst v63  }
0x1da: {  	_ = 	snop  }
0x1db: {  	[spmem:s6] =	stream.indirect.scatter.add.f32 [tilespmem:s15], [sflag:$0x1], $0x1, s8, s28, $0xb8;
	[tilespmem:$0x1EB00] =	vst v63  }
0x1dc: {  	_ =	swait.ge [sflag:s30], $0x40  }
0x1dd: {  	[sflag:s30] =	ssyncset.done $0x0  }
0x1de: {  	[sflag:s30] =	ssyncadd.s32 $0xFFFFFFC0  }
0x1df: {  	_ =	swait.ge [sflag:s24], $0x2000  }
0x1e0: {  	[sflag:s24] =	ssyncset.done $0x0  }
0x1e1: {  	[sflag:s24] =	ssyncadd.s32 $0xFFFFE000  }
0x1e2: {  	[spmem:s4] =	stream.indirect.scatter.add.f32 [tilespmem:s5], [sflag:$0x8], $0x80, s22, s28, $0xb8;
	[tilespmem:$0x1EB00] =	vst v63  }
0x1e3: {  	_ = 	snop  }
0x1e4: {  	[spmem:s6] =	stream.indirect.scatter.add.f32 [tilespmem:s15], [sflag:$0x1], $0x1, s22, s28, $0xb8;
	[tilespmem:$0x1EB00] =	vst v63  }
0x1e5: {  	_ =	swait.ge [sflag:s30], $0x40  }
0x1e6: {  	[sflag:s30] =	ssyncset.done $0x0  }
0x1e7: {  	[sflag:s30] =	ssyncadd.s32 $0xFFFFFFC0  }
0x1e8: {  	_ =	swait.ge [sflag:s10], $0x2000  }
0x1e9: {  	[sflag:s10] =	ssyncset.done $0x0  }
0x1ea: {  	[sflag:s10] =	ssyncadd.s32 $0xFFFFE000  }
0x1eb: {  	[spmem:s4] =	stream.indirect.scatter.add.f32 [tilespmem:s13], [sflag:$0x9], $0x80, s9, s28, $0xb8;
	[tilespmem:$0x1EB00] =	vst v63  }
0x1ec: {  	_ = 	snop  }
0x1ed: {  	[spmem:s6] =	stream.indirect.scatter.add.f32 [tilespmem:s15], [sflag:$0x1], $0x1, s9, s28, $0xb8;
	[tilespmem:$0x1EB00] =	vst v63  }
0x1ee: {  	_ =	swait.ge [sflag:s30], $0x40  }
0x1ef: {  	[sflag:s30] =	ssyncset.done $0x0  }
0x1f0: {  	[sflag:s30] =	ssyncadd.s32 $0xFFFFFFC0  }
0x1f1: {  	_ =	swait.ge [sflag:s16], $0x2000  }
0x1f2: {  	[sflag:s16] =	ssyncset.done $0x0  }
0x1f3: {  	[sflag:s16] =	ssyncadd.s32 $0xFFFFE000  }
0x1f4: {  	_ =	swait.ge [sflag:s30], $0x40  }
0x1f5: {  	[sflag:s30] =	ssyncset.done $0x0  }
0x1f6: {  	[sflag:s30] =	ssyncadd.s32 $0xFFFFFFC0  }
0x1f7: {  	_ =	swait.ge [sflag:s18], $0x2000  }
0x1f8: {  	[sflag:s18] =	ssyncset.done $0x0  }
0x1f9: {  	[sflag:s18] =	ssyncadd.s32 $0xFFFFE000  }
0x1fa: {  	_ =	swait.ge [sflag:s30], $0x40  }
0x1fb: {  	[sflag:s30] =	ssyncset.done $0x0  }
0x1fc: {  	[sflag:s30] =	ssyncadd.s32 $0xFFFFFFC0  }
0x1fd: {  	_ =	swait.ge [sflag:s7], $0x2000  }
0x1fe: {  	[sflag:s7] =	ssyncset.done $0x0  }
0x1ff: {  	[sflag:s7] =	ssyncadd.s32 $0xFFFFE000  }
0x200: {  	_ =	swait.ge [sflag:s30], $0x40  }
0x201: {  	[sflag:s30] =	ssyncset.done $0x0  }
0x202: {  	s1 =	sadd.s32 $0x1, s1;
	[sflag:s30] =	ssyncadd.s32 $0xFFFFFFC0  }
0x203: {  	p1 =	seq.s32 s1, $0x8;
	_ =	swait.ge [sflag:s12], $0x2000  }
.Ltmp7:
0x204: {  	[sflag:s12] =	ssyncset.done $0x0;
	(pc) =	sbr.rel @!p1 .LBB2_2-.Ltmp7, $4  }
0x205: {  	[sflag:s12] =	ssyncadd.s32 $0xFFFFE000  }
0x206: {  	_ =	swait.ge [sflag:s30], $0x40  }
0x207: {  	[sflag:s30] =	ssyncset.done $0x0  }
0x208: {  	[sflag:s30] =	ssyncadd.s32 $0xFFFFFFC0  }
.Ltmp8:
0x209: {  	(pc) =	sbr.rel .LBB2_10-.Ltmp8, $4  }
0x20a: {  	_ = 	snop  }
0x20b: {  	s20 =	rddreg [dreg:$0xe]  }
0x20c: {  	s1 =	rddreg [dreg:$0x4]  }
0x20d: {  	s21 =	rddreg [dreg:$0x8]  }
.LBB2_11:
0x20e: {  	_ =	sfence.sel $0x180000  }
0x20f: {  	[bflag:$0x0] =	sbarrier.arrive $0xFFFF  }
0x210: {  	_ =	strace $0x90000047  }
0x211: {  	s0 =	stileid.u32;
	[bflag:$0x2] =	sbarrier.arrive $0xFFFF  }
0x212: {  	p0 =	sne.s32 s0, $0x0;
	s0 =	rddreg [dreg:$0x7]  }
0x213: {  	s0 =	sadd.s32 @!p0 $0x100000, s0  }
0x214: {  	[sflag:s0] =	ssyncadd.tile.s32 @!p0 $0x1;
	_ =	shalt  }
.Lfunc_end2:
_tile_overlayer_lowered:
.L_overlay_start_2:
0x215: {  	(tag) =	ssettag $0x2  }
0x216: {  	s0 =	rddreg [dreg:$0x0];
	s2 =	stileid.u32  }
0x217: {  	s1 =	rddreg [dreg:$0x1];
	p0 =	sne.s32 s2, $0x0  }
0x218: {  	s3 =	rddreg [dreg:$0x2];
	[bflag:$0x3] =	sbarrier.arrive $0xFFFF;
	s2 =	simm.s32 @!p0 $0x1C0A  }
0x219: {  	[timem:s3], [sflag:s2] =	dma.local @!p0 [hbm:s0], s1  }
0x21a: {  	s0 =	simm.s32 @!p0 $0xA  }
0x21b: {  	_ =	swait.ge @!p0 [sflag:s0], s1  }
0x21c: {  	s1 =	ssub.s32 @!p0 $0x0, s1;
	[sflag:s0] =	ssyncset.done @!p0 $0x0  }
0x21d: {  	[sflag:s0] =	ssyncadd.s32 @!p0 s1  }
0x21e: {  	[bflag:$0x3] =	sbarrier.arrive $0xFFFF  }
0x21f: {  	_ =	shalt  }

</sc_bundles>
